<compile_context>
chip_gen: v7x
topology: tpu7x:2x2x1
jax: 0.10.2.dev20260603
libtpu: 0.0.44.dev20260713+nightly
codegen_flags: <defaults>
</compile_context>

<pallas_src>
import functools

import jax
import jax.numpy as jnp
from jax import lax
from jax.experimental import pallas as pl
from jax.experimental.pallas import tpu as pltpu
from jax.experimental.pallas import tpu_sc as plsc

N = 10000
E = 160000
D_IN = 128
L_INST = 3
K = 8
D_HID = 16
NEG_SLOPE = 0.2
F32 = jnp.float32

NC = 2
NS = 16
NW = NC * NS
LANES = 16

CHUNK = 40
NCHUNKS = E // CHUNK
CQ, CR = divmod(NCHUNKS, NW)
NPAD = 10112
ROWS_PER_TILE = NPAD // NS

BE = 3200
BN = 2000
BM = 2000


def _enc_body(x_ref, w_ref, al_ref, ef_ref, el_ref):
    xm = (x_ref[0] + x_ref[1] + x_ref[2]) * (1.0 / 3.0)
    ef = jnp.dot(xm, w_ref[...], preferred_element_type=F32)
    ef_ref[...] = ef
    el_ref[...] = jnp.dot(ef, al_ref[...], preferred_element_type=F32)


def _er_body(nf_ref, ar_ref, er_ref):
    er_ref[...] = jnp.dot(nf_ref[...], ar_ref[...], preferred_element_type=F32)


def _merge_body(num_ref, den_ref, ksel_ref, out_ref):
    num = num_ref[0] + num_ref[1]
    den = den_ref[0] + den_ref[1]
    den128 = jnp.dot(den, ksel_ref[...], preferred_element_type=F32)
    out_ref[...] = num / (den128 + 1e-9)


_SC_MESH = plsc.VectorSubcoreMesh(core_axis_name="c", subcore_axis_name="s")


@functools.partial(
    pl.kernel,
    out_type=(
        jax.ShapeDtypeStruct((NC, NPAD, 128), F32),
        jax.ShapeDtypeStruct((NC, NPAD, 16), F32),
    ),
    mesh=_SC_MESH,
    scratch_types=(
        [pltpu.VMEM((CHUNK, 128), F32) for _ in range(3)]
        + [pltpu.VMEM((CHUNK, 16), F32) for _ in range(3)]
        + [pltpu.VMEM((CHUNK, 16), F32) for _ in range(3)]
        + [pltpu.VMEM((CHUNK, 16), F32) for _ in range(3)]
        + [pltpu.VMEM((CHUNK,), jnp.int32) for _ in range(3)]
        + [pltpu.VMEM_SHARED((NPAD, 128), F32),
           pltpu.VMEM_SHARED((NPAD, 16), F32)]
        + [pltpu.SemaphoreType.DMA for _ in range(9)]
    ),
    compiler_params=pltpu.CompilerParams(use_tc_tiling_on_sc=False),
)
def _sc_agg(ef_hbm, el_hbm, dst_hbm, er_hbm, z128_hbm, z16_hbm,
            num_out, den_out,
            efb0, efb1, efb2, elb0, elb1, elb2, erb0, erb1, erb2,
            exb0, exb1, exb2, idxb0, idxb1, idxb2, numacc, denacc,
            s10, s11, s12, sg0, sg1, sg2, ss0, ss1, ss2):
    efb = (efb0, efb1, efb2)
    elb = (elb0, elb1, elb2)
    erb = (erb0, erb1, erb2)
    exb = (exb0, exb1, exb2)
    idxb = (idxb0, idxb1, idxb2)
    sem1 = (s10, s11, s12)
    semg = (sg0, sg1, sg2)
    sems = (ss0, ss1, ss2)
    cid = lax.axis_index("c")
    sid = lax.axis_index("s")
    wid = sid * NC + cid

    r0 = sid * ROWS_PER_TILE
    rows = pl.ds(r0, ROWS_PER_TILE)
    pltpu.sync_copy(z128_hbm.at[rows], numacc.at[rows])
    pltpu.sync_copy(z16_hbm.at[rows], denacc.at[rows])
    plsc.subcore_barrier()

    base = CQ * wid + jnp.minimum(wid, CR)

    def stage1_copies(t, b):
        eb = (base + t) * CHUNK
        return (
            pltpu.make_async_copy(dst_hbm.at[pl.ds(eb, CHUNK)], idxb[b], sem1[b]),
            pltpu.make_async_copy(ef_hbm.at[pl.ds(eb, CHUNK)], efb[b], sem1[b]),
            pltpu.make_async_copy(el_hbm.at[pl.ds(eb, CHUNK)], elb[b], sem1[b]),
        )

    def issue_stage1(t, b):
        for c in stage1_copies(t, b):
            c.start()

    def wait_stage1(t, b):
        for c in stage1_copies(t, b):
            c.wait()

    def issue_gather(b):
        pltpu.make_async_copy(er_hbm.at[idxb[b]], erb[b], semg[b]).start()

    def wait_gather(b):
        pltpu.make_async_copy(er_hbm.at[idxb[b]], erb[b], semg[b]).wait()

    def scatter_copies(b):
        return (
            pltpu.make_async_copy(efb[b], numacc.at[idxb[b]], sems[b]),
            pltpu.make_async_copy(exb[b], denacc.at[idxb[b]], sems[b]),
        )

    def issue_scatter(b):
        for c in scatter_copies(b):
            c.start(add=True)

    def wait_scatter(b):
        for c in scatter_copies(b):
            c.wait()

    def compute(b):
        efr, elr, err, exr = efb[b], elb[b], erb[b], exb[b]

        def edge4(i4, carry):
            for j in range(4):
                i = i4 * 4 + j
                s = elr[i, :] + err[i, :]
                s = jnp.maximum(s, s * NEG_SLOPE)
                ex = jnp.exp(s)
                exr[i, :] = ex
                for k in range(K):
                    col_idx = jnp.full((LANES,), k, jnp.int32)
                    scale = lax.gather(
                        ex, col_idx[:, None],
                        dimension_numbers=lax.GatherDimensionNumbers(
                            offset_dims=(), collapsed_slice_dims=(0,),
                            start_index_map=(0,)),
                        slice_sizes=(1,),
                        mode=lax.GatherScatterMode.PROMISE_IN_BOUNDS)
                    sl = pl.ds(k * LANES, LANES)
                    efr[i, sl] = efr[i, sl] * scale
            return carry
        lax.fori_loop(0, CHUNK // 4, edge4, 0)

    issue_stage1(0, 0)
    issue_stage1(1, 1)
    wait_stage1(0, 0)
    issue_gather(0)

    def ring_step(t3, carry):
        t = t3 * 3
        for b in range(3):
            tc = t + b
            b1 = (b + 1) % 3
            b2 = (b + 2) % 3

            @pl.when(tc < CQ)
            def _():
                @pl.when(tc + 1 < CQ)
                def _():
                    wait_stage1(tc + 1, b1)
                    issue_gather(b1)

                wait_gather(b)
                compute(b)
                issue_scatter(b)

                @pl.when(jnp.logical_and(tc >= 1, tc + 2 < CQ))
                def _():
                    wait_scatter(b2)

                @pl.when(tc + 2 < CQ)
                def _():
                    issue_stage1(tc + 2, b2)
        return carry
    lax.fori_loop(0, (CQ + 2) // 3, ring_step, 0)

    for b in range(3):
        wait_scatter(b)

    @pl.when(wid < CR)
    def _extra():
        eb = (base + CQ) * CHUNK
        pltpu.sync_copy(dst_hbm.at[pl.ds(eb, CHUNK)], idxb[0])
        pltpu.sync_copy(ef_hbm.at[pl.ds(eb, CHUNK)], efb[0])
        pltpu.sync_copy(el_hbm.at[pl.ds(eb, CHUNK)], elb[0])
        pltpu.async_copy(er_hbm.at[idxb[0]], erb[0], semg[0]).wait()
        compute(0)
        pltpu.sync_copy(efb[0], numacc.at[idxb[0]], add=True)
        pltpu.sync_copy(exb[0], denacc.at[idxb[0]], add=True)

    plsc.subcore_barrier()
    pltpu.sync_copy(numacc.at[rows], num_out.at[cid, rows])
    pltpu.sync_copy(denacc.at[rows], den_out.at[cid, rows])


def kernel(node_feat, edge_feat, edge_index, W_enc, attn_l, attn_r_W):
    dst = edge_index[1]
    xt = edge_feat.transpose(1, 0, 2)

    af = attn_l[0].reshape(K * D_HID)
    r = jnp.arange(K * D_HID)
    cols = jnp.arange(16)
    al_sel = jnp.where(cols[None, :] == (r[:, None] // D_HID), af[:, None], 0.0)
    al_sel = al_sel.astype(F32)

    ar = jnp.pad(attn_r_W.T.astype(F32), ((0, 0), (0, 16 - K)))

    rk = jnp.arange(16)[:, None]
    cc = jnp.arange(128)[None, :]
    ksel = ((cc // D_HID == rk) & (rk < K)).astype(F32)

    ef, el = pl.pallas_call(
        _enc_body,
        grid=(E // BE,),
        in_specs=[
            pl.BlockSpec((L_INST, BE, D_IN), lambda i: (0, i, 0)),
            pl.BlockSpec((D_IN, D_IN), lambda i: (0, 0)),
            pl.BlockSpec((D_IN, 16), lambda i: (0, 0)),
        ],
        out_specs=[
            pl.BlockSpec((BE, 128), lambda i: (i, 0)),
            pl.BlockSpec((BE, 16), lambda i: (i, 0)),
        ],
        out_shape=[
            jax.ShapeDtypeStruct((E, 128), F32),
            jax.ShapeDtypeStruct((E, 16), F32),
        ],
    )(xt, W_enc, al_sel)

    er = pl.pallas_call(
        _er_body,
        grid=(N // BN,),
        in_specs=[
            pl.BlockSpec((BN, D_IN), lambda i: (i, 0)),
            pl.BlockSpec((D_IN, 16), lambda i: (0, 0)),
        ],
        out_specs=pl.BlockSpec((BN, 16), lambda i: (i, 0)),
        out_shape=jax.ShapeDtypeStruct((N, 16), F32),
    )(node_feat, ar)

    z128 = jnp.zeros((NPAD, 128), F32)
    z16 = jnp.zeros((NPAD, 16), F32)
    num_p, den_p = _sc_agg(ef, el, dst, er, z128, z16)

    out = pl.pallas_call(
        _merge_body,
        grid=(N // BM,),
        in_specs=[
            pl.BlockSpec((NC, BM, 128), lambda i: (0, i, 0)),
            pl.BlockSpec((NC, BM, 16), lambda i: (0, i, 0)),
            pl.BlockSpec((16, 128), lambda i: (0, 0)),
        ],
        out_specs=pl.BlockSpec((BM, 128), lambda i: (i, 0)),
        out_shape=jax.ShapeDtypeStruct((N, 128), F32),
    )(num_p, den_p, ksel)

    return out.reshape(N, K, D_HID)

# --- scband reference (transcript-rebuilt; emitter-appended) ---
"""Pipeline reference for scband-intra-metapath-aggregation-67362267071041 (READ-ONLY COPY).

The authoritative reference and input builder live on the scoring server;
editing this copy changes nothing except your own understanding.
"""

import jax, jax.numpy as jnp
import numpy as np

N = 10000
E = 160000
D_IN = 128
L = 3
K = 8
D_HID = 16
NEG_SLOPE = 0.2

def setup_inputs(seed: int = 0) -> dict:
    key = jax.random.key(seed)
    k1, k2, k3, k4, k5, k6 = jax.random.split(key, 6)
    node_feat = jax.random.normal(k1, (N, D_IN), dtype=jnp.float32)
    edge_feat = jax.random.normal(k2, (E, L, D_IN), dtype=jnp.float32)
    edge_index = jax.random.randint(k3, (2, E), 0, N, dtype=jnp.int32)
    # learned params: mean metapath-instance encoder Linear(in_dim -> K*D_HID),
    # attn_l (1,K,D_HID), attn_r = Linear(in_dim -> K, no bias)
    W_enc = jax.random.normal(k4, (D_IN, K * D_HID), dtype=jnp.float32) * 0.05
    attn_l = jax.random.normal(k5, (1, K, D_HID), dtype=jnp.float32) * 0.05
    attn_r_W = jax.random.normal(k6, (K, D_IN), dtype=jnp.float32) * 0.05
    return {"node_feat": node_feat, "edge_feat": edge_feat, "edge_index": edge_index,
            "W_enc": W_enc, "attn_l": attn_l, "attn_r_W": attn_r_W}

def reference(node_feat, edge_feat, edge_index, W_enc, attn_l, attn_r_W):
    dst = edge_index[1]
    # metapath instance encoder: mean over instance nodes then linear projection
    ef = jnp.mean(edge_feat, axis=1) @ W_enc            # (E, K*D_HID)
    ef = ef.reshape(-1, K, D_HID)                        # (E, K, D_HID)
    el = jnp.sum(ef * attn_l, axis=-1)                   # (E, K)
    er = node_feat @ attn_r_W.T                          # (N, K)
    e = jax.nn.leaky_relu(el + er[dst], negative_slope=NEG_SLOPE)  # (E, K)
    # edge softmax over incoming edges of each destination node
    e_max = jax.ops.segment_max(e, dst, num_segments=N)
    e_max = jnp.where(jnp.isfinite(e_max), e_max, 0.0)
    ex = jnp.exp(e - e_max[dst])
    denom = jax.ops.segment_sum(ex, dst, num_segments=N)
    a = ex / (denom[dst] + 1e-9)                         # (E, K)
    # attn_drop = 0.0 (eval): identity
    m = ef * a[:, :, None]                               # (E, K, D_HID)
    out = jax.ops.segment_sum(m, dst, num_segments=N)    # (N, K, D_HID)
    # activation = None
    return out

if __name__ == "__main__":
    import jax
    _d = setup_inputs()
    print(jax.jit(kernel)(*tuple(_d.values())))

</pallas_src>

<mosaic_0001>
#map = affine_map<(d0, d1) -> (0, 0)>
#map1 = affine_map<(d0, d1) -> (0)>
#map2 = affine_map<(d0, d1) -> (0, 0, 0)>
module attributes {stable_mosaic.version = 14 : i64} {
  func.func @_sc_agg(%arg0: i32, %arg1: i32, %arg2: memref<160000x128xf32, #tpu.memory_space<hbm>>, %arg3: memref<160000x16xf32, #tpu.memory_space<hbm>>, %arg4: memref<160000xi32, #tpu.memory_space<hbm>>, %arg5: memref<10000x16xf32, #tpu.memory_space<hbm>>, %arg6: memref<10112x128xf32, #tpu.memory_space<hbm>>, %arg7: memref<10112x16xf32, #tpu.memory_space<hbm>>, %arg8: memref<2x10112x128xf32, #tpu.memory_space<hbm>>, %arg9: memref<2x10112x16xf32, #tpu.memory_space<hbm>>, %arg10: memref<40x128xf32, #tpu.memory_space<vmem>>, %arg11: memref<40x128xf32, #tpu.memory_space<vmem>>, %arg12: memref<40x128xf32, #tpu.memory_space<vmem>>, %arg13: memref<40x16xf32, #tpu.memory_space<vmem>>, %arg14: memref<40x16xf32, #tpu.memory_space<vmem>>, %arg15: memref<40x16xf32, #tpu.memory_space<vmem>>, %arg16: memref<40x16xf32, #tpu.memory_space<vmem>>, %arg17: memref<40x16xf32, #tpu.memory_space<vmem>>, %arg18: memref<40x16xf32, #tpu.memory_space<vmem>>, %arg19: memref<40x16xf32, #tpu.memory_space<vmem>>, %arg20: memref<40x16xf32, #tpu.memory_space<vmem>>, %arg21: memref<40x16xf32, #tpu.memory_space<vmem>>, %arg22: memref<40xi32, #tpu.memory_space<vmem>>, %arg23: memref<40xi32, #tpu.memory_space<vmem>>, %arg24: memref<40xi32, #tpu.memory_space<vmem>>, %arg25: memref<10112x128xf32, #tpu.memory_space<vmem_shared>>, %arg26: memref<10112x16xf32, #tpu.memory_space<vmem_shared>>, %arg27: memref<!tpu.dma_semaphore, #tpu.memory_space<semaphore_mem>>, %arg28: memref<!tpu.dma_semaphore, #tpu.memory_space<semaphore_mem>>, %arg29: memref<!tpu.dma_semaphore, #tpu.memory_space<semaphore_mem>>, %arg30: memref<!tpu.dma_semaphore, #tpu.memory_space<semaphore_mem>>, %arg31: memref<!tpu.dma_semaphore, #tpu.memory_space<semaphore_mem>>, %arg32: memref<!tpu.dma_semaphore, #tpu.memory_space<semaphore_mem>>, %arg33: memref<!tpu.dma_semaphore, #tpu.memory_space<semaphore_mem>>, %arg34: memref<!tpu.dma_semaphore, #tpu.memory_space<semaphore_mem>>, %arg35: memref<!tpu.dma_semaphore, #tpu.memory_space<semaphore_mem>>) attributes {dimension_semantics = [#tpu.dimension_semantics<core_parallel>, #tpu.dimension_semantics<subcore_parallel>], iteration_bounds = array<i64: 2, 16>, scalar_prefetch = 0 : i64, scratch_operands = 26 : i64, tpu.core_type = #tpu.core_type<sc_vector_subcore>, window_params = [{transform_indices = #map}, {transform_indices = #map}, {transform_indices = #map1}, {transform_indices = #map}, {transform_indices = #map}, {transform_indices = #map}, {transform_indices = #map2}, {transform_indices = #map2}]} {
    %mul3A = arith.constant 2 : i32
    %mul3A_0 = arith.muli %arg1, %mul3A : i32
    %add3A = arith.addi %mul3A_0, %arg0 : i32
    %mul3A_1 = arith.constant 632 : i32
    %mul3A_2 = arith.muli %arg1, %mul3A_1 : i32
    "tpu.region"() ({
      %run_scoped3A = tpu.sem_alloc : memref<!tpu.dma_semaphore, #tpu.memory_space<semaphore_mem>>
      %dma_start3A_76 = arith.constant 0 : i32
      %dma_start3A_77 = tpu.memref_slice %arg25[%mul3A_2, %dma_start3A_76] : memref<10112x128xf32, #tpu.memory_space<vmem_shared>> -> memref<632x128xf32, #tpu.memory_space<vmem_shared>>
      %dma_start3A_78 = arith.constant 0 : i32
      %dma_start3A_79 = tpu.memref_slice %arg6[%mul3A_2, %dma_start3A_78] : memref<10112x128xf32, #tpu.memory_space<hbm>> -> memref<632x128xf32, #tpu.memory_space<hbm>>
      tpu.enqueue_dma source(%dma_start3A_79 : memref<632x128xf32, #tpu.memory_space<hbm>>) target(%dma_start3A_77 : memref<632x128xf32, #tpu.memory_space<vmem_shared>>) target_semaphore(%run_scoped3A : memref<!tpu.dma_semaphore, #tpu.memory_space<semaphore_mem>>)
      %dma_wait3A_80 = arith.constant 0 : i32
      %dma_wait3A_81 = tpu.memref_slice %arg25[%mul3A_2, %dma_wait3A_80] : memref<10112x128xf32, #tpu.memory_space<vmem_shared>> -> memref<632x128xf32, #tpu.memory_space<vmem_shared>>
      %dma_wait3A_82 = arith.constant 0 : i32
      %dma_wait3A_83 = tpu.memref_slice %arg6[%mul3A_2, %dma_wait3A_82] : memref<10112x128xf32, #tpu.memory_space<hbm>> -> memref<632x128xf32, #tpu.memory_space<hbm>>
      tpu.wait_dma2 semaphore(%run_scoped3A : memref<!tpu.dma_semaphore, #tpu.memory_space<semaphore_mem>>) src(%dma_wait3A_83 : memref<632x128xf32, #tpu.memory_space<hbm>>) dst(%dma_wait3A_81 : memref<632x128xf32, #tpu.memory_space<vmem_shared>>)
      tpu.yield
    }) : () -> ()
    "tpu.region"() ({
      %run_scoped3A = tpu.sem_alloc : memref<!tpu.dma_semaphore, #tpu.memory_space<semaphore_mem>>
      %dma_start3A_76 = arith.constant 0 : i32
      %dma_start3A_77 = tpu.memref_slice %arg26[%mul3A_2, %dma_start3A_76] : memref<10112x16xf32, #tpu.memory_space<vmem_shared>> -> memref<632x16xf32, #tpu.memory_space<vmem_shared>>
      %dma_start3A_78 = arith.constant 0 : i32
      %dma_start3A_79 = tpu.memref_slice %arg7[%mul3A_2, %dma_start3A_78] : memref<10112x16xf32, #tpu.memory_space<hbm>> -> memref<632x16xf32, #tpu.memory_space<hbm>>
      tpu.enqueue_dma source(%dma_start3A_79 : memref<632x16xf32, #tpu.memory_space<hbm>>) target(%dma_start3A_77 : memref<632x16xf32, #tpu.memory_space<vmem_shared>>) target_semaphore(%run_scoped3A : memref<!tpu.dma_semaphore, #tpu.memory_space<semaphore_mem>>)
      %dma_wait3A_80 = arith.constant 0 : i32
      %dma_wait3A_81 = tpu.memref_slice %arg26[%mul3A_2, %dma_wait3A_80] : memref<10112x16xf32, #tpu.memory_space<vmem_shared>> -> memref<632x16xf32, #tpu.memory_space<vmem_shared>>
      %dma_wait3A_82 = arith.constant 0 : i32
      %dma_wait3A_83 = tpu.memref_slice %arg7[%mul3A_2, %dma_wait3A_82] : memref<10112x16xf32, #tpu.memory_space<hbm>> -> memref<632x16xf32, #tpu.memory_space<hbm>>
      tpu.wait_dma2 semaphore(%run_scoped3A : memref<!tpu.dma_semaphore, #tpu.memory_space<semaphore_mem>>) src(%dma_wait3A_83 : memref<632x16xf32, #tpu.memory_space<hbm>>) dst(%dma_wait3A_81 : memref<632x16xf32, #tpu.memory_space<vmem_shared>>)
      tpu.yield
    }) : () -> ()
    %barrier3A = arith.constant 0 : index
    tpu.barrier barrier_id(%barrier3A)
    %mul3A_3 = arith.constant 125 : i32
    %mul3A_4 = arith.muli %mul3A_3, %add3A : i32
    %min3A = arith.constant 0 : i32
    %min3A_5 = arith.minsi %add3A, %min3A : i32
    %add3A_6 = arith.addi %mul3A_4, %min3A_5 : i32
    %add3A_7 = arith.constant 0 : i32
    %add3A_8 = arith.addi %add3A_6, %add3A_7 : i32
    %mul3A_9 = arith.constant 40 : i32
    %mul3A_10 = arith.muli %add3A_8, %mul3A_9 : i32
    %dma_start3A = tpu.memref_slice %arg4[%mul3A_10] : memref<160000xi32, #tpu.memory_space<hbm>> -> memref<40xi32, #tpu.memory_space<hbm>>
    %dma_start3A_11 = tpu.memref_slice %arg4[%mul3A_10] : memref<160000xi32, #tpu.memory_space<hbm>> -> memref<40xi32, #tpu.memory_space<hbm>>
    tpu.enqueue_dma source(%dma_start3A_11 : memref<40xi32, #tpu.memory_space<hbm>>) target(%arg22 : memref<40xi32, #tpu.memory_space<vmem>>) target_semaphore(%arg27 : memref<!tpu.dma_semaphore, #tpu.memory_space<semaphore_mem>>)
    %dma_start3A_12 = arith.constant 0 : i32
    %dma_start3A_13 = tpu.memref_slice %arg2[%mul3A_10, %dma_start3A_12] : memref<160000x128xf32, #tpu.memory_space<hbm>> -> memref<40x128xf32, #tpu.memory_space<hbm>>
    %dma_start3A_14 = arith.constant 0 : i32
    %dma_start3A_15 = tpu.memref_slice %arg2[%mul3A_10, %dma_start3A_14] : memref<160000x128xf32, #tpu.memory_space<hbm>> -> memref<40x128xf32, #tpu.memory_space<hbm>>
    tpu.enqueue_dma source(%dma_start3A_15 : memref<40x128xf32, #tpu.memory_space<hbm>>) target(%arg10 : memref<40x128xf32, #tpu.memory_space<vmem>>) target_semaphore(%arg27 : memref<!tpu.dma_semaphore, #tpu.memory_space<semaphore_mem>>)
    %dma_start3A_16 = arith.constant 0 : i32
    %dma_start3A_17 = tpu.memref_slice %arg3[%mul3A_10, %dma_start3A_16] : memref<160000x16xf32, #tpu.memory_space<hbm>> -> memref<40x16xf32, #tpu.memory_space<hbm>>
    %dma_start3A_18 = arith.constant 0 : i32
    %dma_start3A_19 = tpu.memref_slice %arg3[%mul3A_10, %dma_start3A_18] : memref<160000x16xf32, #tpu.memory_space<hbm>> -> memref<40x16xf32, #tpu.memory_space<hbm>>
    tpu.enqueue_dma source(%dma_start3A_19 : memref<40x16xf32, #tpu.memory_space<hbm>>) target(%arg13 : memref<40x16xf32, #tpu.memory_space<vmem>>) target_semaphore(%arg27 : memref<!tpu.dma_semaphore, #tpu.memory_space<semaphore_mem>>)
    %add3A_20 = arith.constant 1 : i32
    %add3A_21 = arith.addi %add3A_6, %add3A_20 : i32
    %mul3A_22 = arith.constant 40 : i32
    %mul3A_23 = arith.muli %add3A_21, %mul3A_22 : i32
    %dma_start3A_24 = tpu.memref_slice %arg4[%mul3A_23] : memref<160000xi32, #tpu.memory_space<hbm>> -> memref<40xi32, #tpu.memory_space<hbm>>
    %dma_start3A_25 = tpu.memref_slice %arg4[%mul3A_23] : memref<160000xi32, #tpu.memory_space<hbm>> -> memref<40xi32, #tpu.memory_space<hbm>>
    tpu.enqueue_dma source(%dma_start3A_25 : memref<40xi32, #tpu.memory_space<hbm>>) target(%arg23 : memref<40xi32, #tpu.memory_space<vmem>>) target_semaphore(%arg28 : memref<!tpu.dma_semaphore, #tpu.memory_space<semaphore_mem>>)
    %dma_start3A_26 = arith.constant 0 : i32
    %dma_start3A_27 = tpu.memref_slice %arg2[%mul3A_23, %dma_start3A_26] : memref<160000x128xf32, #tpu.memory_space<hbm>> -> memref<40x128xf32, #tpu.memory_space<hbm>>
    %dma_start3A_28 = arith.constant 0 : i32
    %dma_start3A_29 = tpu.memref_slice %arg2[%mul3A_23, %dma_start3A_28] : memref<160000x128xf32, #tpu.memory_space<hbm>> -> memref<40x128xf32, #tpu.memory_space<hbm>>
    tpu.enqueue_dma source(%dma_start3A_29 : memref<40x128xf32, #tpu.memory_space<hbm>>) target(%arg11 : memref<40x128xf32, #tpu.memory_space<vmem>>) target_semaphore(%arg28 : memref<!tpu.dma_semaphore, #tpu.memory_space<semaphore_mem>>)
    %dma_start3A_30 = arith.constant 0 : i32
    %dma_start3A_31 = tpu.memref_slice %arg3[%mul3A_23, %dma_start3A_30] : memref<160000x16xf32, #tpu.memory_space<hbm>> -> memref<40x16xf32, #tpu.memory_space<hbm>>
    %dma_start3A_32 = arith.constant 0 : i32
    %dma_start3A_33 = tpu.memref_slice %arg3[%mul3A_23, %dma_start3A_32] : memref<160000x16xf32, #tpu.memory_space<hbm>> -> memref<40x16xf32, #tpu.memory_space<hbm>>
    tpu.enqueue_dma source(%dma_start3A_33 : memref<40x16xf32, #tpu.memory_space<hbm>>) target(%arg14 : memref<40x16xf32, #tpu.memory_space<vmem>>) target_semaphore(%arg28 : memref<!tpu.dma_semaphore, #tpu.memory_space<semaphore_mem>>)
    %add3A_34 = arith.constant 0 : i32
    %add3A_35 = arith.addi %add3A_6, %add3A_34 : i32
    %mul3A_36 = arith.constant 40 : i32
    %mul3A_37 = arith.muli %add3A_35, %mul3A_36 : i32
    %dma_wait3A = tpu.memref_slice %arg4[%mul3A_37] : memref<160000xi32, #tpu.memory_space<hbm>> -> memref<40xi32, #tpu.memory_space<hbm>>
    %dma_wait3A_38 = tpu.memref_slice %arg4[%mul3A_37] : memref<160000xi32, #tpu.memory_space<hbm>> -> memref<40xi32, #tpu.memory_space<hbm>>
    tpu.wait_dma2 semaphore(%arg27 : memref<!tpu.dma_semaphore, #tpu.memory_space<semaphore_mem>>) src(%dma_wait3A_38 : memref<40xi32, #tpu.memory_space<hbm>>) dst(%arg22 : memref<40xi32, #tpu.memory_space<vmem>>)
    %dma_wait3A_39 = arith.constant 0 : i32
    %dma_wait3A_40 = tpu.memref_slice %arg2[%mul3A_37, %dma_wait3A_39] : memref<160000x128xf32, #tpu.memory_space<hbm>> -> memref<40x128xf32, #tpu.memory_space<hbm>>
    %dma_wait3A_41 = arith.constant 0 : i32
    %dma_wait3A_42 = tpu.memref_slice %arg2[%mul3A_37, %dma_wait3A_41] : memref<160000x128xf32, #tpu.memory_space<hbm>> -> memref<40x128xf32, #tpu.memory_space<hbm>>
    tpu.wait_dma2 semaphore(%arg27 : memref<!tpu.dma_semaphore, #tpu.memory_space<semaphore_mem>>) src(%dma_wait3A_42 : memref<40x128xf32, #tpu.memory_space<hbm>>) dst(%arg10 : memref<40x128xf32, #tpu.memory_space<vmem>>)
    %dma_wait3A_43 = arith.constant 0 : i32
    %dma_wait3A_44 = tpu.memref_slice %arg3[%mul3A_37, %dma_wait3A_43] : memref<160000x16xf32, #tpu.memory_space<hbm>> -> memref<40x16xf32, #tpu.memory_space<hbm>>
    %dma_wait3A_45 = arith.constant 0 : i32
    %dma_wait3A_46 = tpu.memref_slice %arg3[%mul3A_37, %dma_wait3A_45] : memref<160000x16xf32, #tpu.memory_space<hbm>> -> memref<40x16xf32, #tpu.memory_space<hbm>>
    tpu.wait_dma2 semaphore(%arg27 : memref<!tpu.dma_semaphore, #tpu.memory_space<semaphore_mem>>) src(%dma_wait3A_46 : memref<40x16xf32, #tpu.memory_space<hbm>>) dst(%arg13 : memref<40x16xf32, #tpu.memory_space<vmem>>)
    %dma_start3A_47 = arith.constant 0 : i32
    %dma_start3A_48 = arith.constant 0 : i32
    %dma_start3A_49 = tpu.memref_slice %arg5[%dma_start3A_47, %dma_start3A_48] : memref<10000x16xf32, #tpu.memory_space<hbm>> -> memref<10000x16xf32, #tpu.memory_space<hbm>>
    tpu.enqueue_indirect_dma source(%dma_start3A_49 : memref<10000x16xf32, #tpu.memory_space<hbm>>) target(%arg16 : memref<40x16xf32, #tpu.memory_space<vmem>>) offsets(%arg22 : memref<40xi32, #tpu.memory_space<vmem>>) semaphore(%arg30 : memref<!tpu.dma_semaphore, #tpu.memory_space<semaphore_mem>>)
    %scan3A = arith.constant 0 : i32
    %scan3A_50 = arith.constant 0 : i32
    %scan3A_51 = arith.constant 42 : i32
    %scan3A_52 = arith.addi %scan3A_50, %scan3A_51 : i32
    %scan3A_53 = arith.constant 1 : i32
    scf.for %scan3A_76 = %scan3A_50 to %scan3A_52 step %scan3A_53  : i32 {
      %mul3A_77 = arith.constant 3 : i32
      %mul3A_78 = arith.muli %scan3A_76, %mul3A_77 : i32
      %add3A_79 = arith.constant 0 : i32
      %add3A_80 = arith.addi %mul3A_78, %add3A_79 : i32
      %lt3A_81 = arith.constant 125 : i32
      %lt3A_82 = arith.cmpi slt, %add3A_80, %lt3A_81 : i32
      %convert_element_type3A_83 = arith.extui %lt3A_82 : i1 to i32
      %cond3A_84 = arith.constant 0 : i32
      %cond3A_85 = arith.cmpi ne, %convert_element_type3A_83, %cond3A_84 : i32
      scf.if %cond3A_85 {
        %add3A_100 = arith.constant 1 : i32
        %add3A_101 = arith.addi %add3A_80, %add3A_100 : i32
        %lt3A_102 = arith.constant 125 : i32
        %lt3A_103 = arith.cmpi slt, %add3A_101, %lt3A_102 : i32
        %convert_element_type3A_104 = arith.extui %lt3A_103 : i1 to i32
        %cond3A_105 = arith.constant 0 : i32
        %cond3A_106 = arith.cmpi ne, %convert_element_type3A_104, %cond3A_105 : i32
        scf.if %cond3A_106 {
          %add3A_137 = arith.constant 1 : i32
          %add3A_138 = arith.addi %add3A_80, %add3A_137 : i32
          %add3A_139 = arith.addi %add3A_6, %add3A_138 : i32
          %mul3A_140 = arith.constant 40 : i32
          %mul3A_141 = arith.muli %add3A_139, %mul3A_140 : i32
          %dma_wait3A_142 = tpu.memref_slice %arg4[%mul3A_141] : memref<160000xi32, #tpu.memory_space<hbm>> -> memref<40xi32, #tpu.memory_space<hbm>>
          %dma_wait3A_143 = tpu.memref_slice %arg4[%mul3A_141] : memref<160000xi32, #tpu.memory_space<hbm>> -> memref<40xi32, #tpu.memory_space<hbm>>
          tpu.wait_dma2 semaphore(%arg28 : memref<!tpu.dma_semaphore, #tpu.memory_space<semaphore_mem>>) src(%dma_wait3A_143 : memref<40xi32, #tpu.memory_space<hbm>>) dst(%arg23 : memref<40xi32, #tpu.memory_space<vmem>>)
          %dma_wait3A_144 = arith.constant 0 : i32
          %dma_wait3A_145 = tpu.memref_slice %arg2[%mul3A_141, %dma_wait3A_144] : memref<160000x128xf32, #tpu.memory_space<hbm>> -> memref<40x128xf32, #tpu.memory_space<hbm>>
          %dma_wait3A_146 = arith.constant 0 : i32
          %dma_wait3A_147 = tpu.memref_slice %arg2[%mul3A_141, %dma_wait3A_146] : memref<160000x128xf32, #tpu.memory_space<hbm>> -> memref<40x128xf32, #tpu.memory_space<hbm>>
          tpu.wait_dma2 semaphore(%arg28 : memref<!tpu.dma_semaphore, #tpu.memory_space<semaphore_mem>>) src(%dma_wait3A_147 : memref<40x128xf32, #tpu.memory_space<hbm>>) dst(%arg11 : memref<40x128xf32, #tpu.memory_space<vmem>>)
          %dma_wait3A_148 = arith.constant 0 : i32
          %dma_wait3A_149 = tpu.memref_slice %arg3[%mul3A_141, %dma_wait3A_148] : memref<160000x16xf32, #tpu.memory_space<hbm>> -> memref<40x16xf32, #tpu.memory_space<hbm>>
          %dma_wait3A_150 = arith.constant 0 : i32
          %dma_wait3A_151 = tpu.memref_slice %arg3[%mul3A_141, %dma_wait3A_150] : memref<160000x16xf32, #tpu.memory_space<hbm>> -> memref<40x16xf32, #tpu.memory_space<hbm>>
          tpu.wait_dma2 semaphore(%arg28 : memref<!tpu.dma_semaphore, #tpu.memory_space<semaphore_mem>>) src(%dma_wait3A_151 : memref<40x16xf32, #tpu.memory_space<hbm>>) dst(%arg14 : memref<40x16xf32, #tpu.memory_space<vmem>>)
          %dma_start3A_152 = arith.constant 0 : i32
          %dma_start3A_153 = arith.constant 0 : i32
          %dma_start3A_154 = tpu.memref_slice %arg5[%dma_start3A_152, %dma_start3A_153] : memref<10000x16xf32, #tpu.memory_space<hbm>> -> memref<10000x16xf32, #tpu.memory_space<hbm>>
          tpu.enqueue_indirect_dma source(%dma_start3A_154 : memref<10000x16xf32, #tpu.memory_space<hbm>>) target(%arg17 : memref<40x16xf32, #tpu.memory_space<vmem>>) offsets(%arg23 : memref<40xi32, #tpu.memory_space<vmem>>) semaphore(%arg31 : memref<!tpu.dma_semaphore, #tpu.memory_space<semaphore_mem>>)
        } else {
        }
        %dma_wait3A_107 = arith.constant 0 : i32
        %dma_wait3A_108 = arith.constant 0 : i32
        %dma_wait3A_109 = tpu.memref_slice %arg5[%dma_wait3A_107, %dma_wait3A_108] : memref<10000x16xf32, #tpu.memory_space<hbm>> -> memref<10000x16xf32, #tpu.memory_space<hbm>>
        tpu.wait_indirect_dma semaphore(%arg30 : memref<!tpu.dma_semaphore, #tpu.memory_space<semaphore_mem>>) src(%dma_wait3A_109 : memref<10000x16xf32, #tpu.memory_space<hbm>>) dst(%arg16 : memref<40x16xf32, #tpu.memory_space<vmem>>)
        %scan3A_110 = arith.constant 0 : i32
        %scan3A_111 = arith.constant 0 : i32
        %scan3A_112 = arith.constant 10 : i32
        %scan3A_113 = arith.addi %scan3A_111, %scan3A_112 : i32
        %scan3A_114 = arith.constant 1 : i32
        scf.for %scan3A_137 = %scan3A_111 to %scan3A_113 step %scan3A_114  : i32 {
          %mul3A_138 = arith.constant 4 : i32
          %mul3A_139 = arith.muli %scan3A_137, %mul3A_138 : i32
          %add3A_140 = arith.constant 0 : i32
          %add3A_141 = arith.addi %mul3A_139, %add3A_140 : i32
          %get3A = arith.index_cast %add3A_141 : i32 to index
          %get3A_142 = arith.constant 0 : index
          %get3A_143 = tpu.vector_load %arg13[%get3A, %get3A_142] {strides = array<i32>} : memref<40x16xf32, #tpu.memory_space<vmem>>, vector<1x16xf32>,
          %get3A_144 = vector.shape_cast %get3A_143 : vector<1x16xf32> to vector<16xf32>
          %get3A_145 = arith.index_cast %add3A_141 : i32 to index
          %get3A_146 = arith.constant 0 : index
          %get3A_147 = tpu.vector_load %arg16[%get3A_145, %get3A_146] {strides = array<i32>} : memref<40x16xf32, #tpu.memory_space<vmem>>, vector<1x16xf32>,
          %get3A_148 = vector.shape_cast %get3A_147 : vector<1x16xf32> to vector<16xf32>
          %add3A_149 = arith.addf %get3A_144, %get3A_148 : vector<16xf32>
          %mul3A_150 = arith.constant 2.000000e-01 : f32
          %mul3A_151 = vector.broadcast %mul3A_150 : f32 to vector<16xf32>
          %mul3A_152 = arith.mulf %add3A_149, %mul3A_151 : vector<16xf32>
          %max3A = arith.maximumf %add3A_149, %mul3A_152 : vector<16xf32>
          %exp3A = math.exp %max3A : vector<16xf32>
          %swap3A = arith.index_cast %add3A_141 : i32 to index
          %swap3A_153 = arith.constant 0 : index
          %swap3A_154 = tpu.vector_load %arg19[%swap3A, %swap3A_153] {strides = array<i32>} : memref<40x16xf32, #tpu.memory_space<vmem>>, vector<1x16xf32>,
          %swap3A_155 = vector.shape_cast %swap3A_154 : vector<1x16xf32> to vector<16xf32>
          %swap3A_156 = vector.shape_cast %exp3A : vector<16xf32> to vector<1x16xf32>
          tpu.vector_store %arg19[%swap3A, %swap3A_153], %swap3A_156 {strides = array<i32>} : memref<40x16xf32, #tpu.memory_space<vmem>>, vector<1x16xf32>,
          %broadcast_in_dim3A = arith.constant 0 : i32
          %broadcast_in_dim3A_157 = vector.broadcast %broadcast_in_dim3A : i32 to vector<16xi32>
          %broadcast_in_dim3A_158 = vector.shape_cast %broadcast_in_dim3A_157 : vector<16xi32> to vector<16x1xi32>
          %gather3A = vector.shape_cast %broadcast_in_dim3A_158 : vector<16x1xi32> to vector<16xi32>
          %gather3A_159 = tpu.dynamic_gather %exp3A[%gather3A] in [0] : vector<16xf32>, vector<16xi32> -> vector<16xf32>
          %get3A_160 = arith.index_cast %add3A_141 : i32 to index
          %get3A_161 = arith.constant 0 : index
          %get3A_162 = tpu.vector_load %arg10[%get3A_160, %get3A_161] {strides = array<i32>} : memref<40x128xf32, #tpu.memory_space<vmem>>, vector<1x16xf32>,
          %get3A_163 = vector.shape_cast %get3A_162 : vector<1x16xf32> to vector<16xf32>
          %mul3A_164 = arith.mulf %get3A_163, %gather3A_159 : vector<16xf32>
          %swap3A_165 = arith.index_cast %add3A_141 : i32 to index
          %swap3A_166 = arith.constant 0 : index
          %swap3A_167 = tpu.vector_load %arg10[%swap3A_165, %swap3A_166] {strides = array<i32>} : memref<40x128xf32, #tpu.memory_space<vmem>>, vector<1x16xf32>,
          %swap3A_168 = vector.shape_cast %swap3A_167 : vector<1x16xf32> to vector<16xf32>
          %swap3A_169 = vector.shape_cast %mul3A_164 : vector<16xf32> to vector<1x16xf32>
          tpu.vector_store %arg10[%swap3A_165, %swap3A_166], %swap3A_169 {strides = array<i32>} : memref<40x128xf32, #tpu.memory_space<vmem>>, vector<1x16xf32>,
          %broadcast_in_dim3A_170 = arith.constant 1 : i32
          %broadcast_in_dim3A_171 = vector.broadcast %broadcast_in_dim3A_170 : i32 to vector<16xi32>
          %broadcast_in_dim3A_172 = vector.shape_cast %broadcast_in_dim3A_171 : vector<16xi32> to vector<16x1xi32>
          %gather3A_173 = vector.shape_cast %broadcast_in_dim3A_172 : vector<16x1xi32> to vector<16xi32>
          %gather3A_174 = tpu.dynamic_gather %exp3A[%gather3A_173] in [0] : vector<16xf32>, vector<16xi32> -> vector<16xf32>
          %get3A_175 = arith.index_cast %add3A_141 : i32 to index
          %get3A_176 = arith.constant 16 : index
          %get3A_177 = tpu.vector_load %arg10[%get3A_175, %get3A_176] {strides = array<i32>} : memref<40x128xf32, #tpu.memory_space<vmem>>, vector<1x16xf32>,
          %get3A_178 = vector.shape_cast %get3A_177 : vector<1x16xf32> to vector<16xf32>
          %mul3A_179 = arith.mulf %get3A_178, %gather3A_174 : vector<16xf32>
          %swap3A_180 = arith.index_cast %add3A_141 : i32 to index
          %swap3A_181 = arith.constant 16 : index
          %swap3A_182 = tpu.vector_load %arg10[%swap3A_180, %swap3A_181] {strides = array<i32>} : memref<40x128xf32, #tpu.memory_space<vmem>>, vector<1x16xf32>,
          %swap3A_183 = vector.shape_cast %swap3A_182 : vector<1x16xf32> to vector<16xf32>
          %swap3A_184 = vector.shape_cast %mul3A_179 : vector<16xf32> to vector<1x16xf32>
          tpu.vector_store %arg10[%swap3A_180, %swap3A_181], %swap3A_184 {strides = array<i32>} : memref<40x128xf32, #tpu.memory_space<vmem>>, vector<1x16xf32>,
          %broadcast_in_dim3A_185 = arith.constant 2 : i32
          %broadcast_in_dim3A_186 = vector.broadcast %broadcast_in_dim3A_185 : i32 to vector<16xi32>
          %broadcast_in_dim3A_187 = vector.shape_cast %broadcast_in_dim3A_186 : vector<16xi32> to vector<16x1xi32>
          %gather3A_188 = vector.shape_cast %broadcast_in_dim3A_187 : vector<16x1xi32> to vector<16xi32>
          %gather3A_189 = tpu.dynamic_gather %exp3A[%gather3A_188] in [0] : vector<16xf32>, vector<16xi32> -> vector<16xf32>
          %get3A_190 = arith.index_cast %add3A_141 : i32 to index
          %get3A_191 = arith.constant 32 : index
          %get3A_192 = tpu.vector_load %arg10[%get3A_190, %get3A_191] {strides = array<i32>} : memref<40x128xf32, #tpu.memory_space<vmem>>, vector<1x16xf32>,
          %get3A_193 = vector.shape_cast %get3A_192 : vector<1x16xf32> to vector<16xf32>
          %mul3A_194 = arith.mulf %get3A_193, %gather3A_189 : vector<16xf32>
          %swap3A_195 = arith.index_cast %add3A_141 : i32 to index
          %swap3A_196 = arith.constant 32 : index
          %swap3A_197 = tpu.vector_load %arg10[%swap3A_195, %swap3A_196] {strides = array<i32>} : memref<40x128xf32, #tpu.memory_space<vmem>>, vector<1x16xf32>,
          %swap3A_198 = vector.shape_cast %swap3A_197 : vector<1x16xf32> to vector<16xf32>
          %swap3A_199 = vector.shape_cast %mul3A_194 : vector<16xf32> to vector<1x16xf32>
          tpu.vector_store %arg10[%swap3A_195, %swap3A_196], %swap3A_199 {strides = array<i32>} : memref<40x128xf32, #tpu.memory_space<vmem>>, vector<1x16xf32>,
          %broadcast_in_dim3A_200 = arith.constant 3 : i32
          %broadcast_in_dim3A_201 = vector.broadcast %broadcast_in_dim3A_200 : i32 to vector<16xi32>
          %broadcast_in_dim3A_202 = vector.shape_cast %broadcast_in_dim3A_201 : vector<16xi32> to vector<16x1xi32>
          %gather3A_203 = vector.shape_cast %broadcast_in_dim3A_202 : vector<16x1xi32> to vector<16xi32>
          %gather3A_204 = tpu.dynamic_gather %exp3A[%gather3A_203] in [0] : vector<16xf32>, vector<16xi32> -> vector<16xf32>
          %get3A_205 = arith.index_cast %add3A_141 : i32 to index
          %get3A_206 = arith.constant 48 : index
          %get3A_207 = tpu.vector_load %arg10[%get3A_205, %get3A_206] {strides = array<i32>} : memref<40x128xf32, #tpu.memory_space<vmem>>, vector<1x16xf32>,
          %get3A_208 = vector.shape_cast %get3A_207 : vector<1x16xf32> to vector<16xf32>
          %mul3A_209 = arith.mulf %get3A_208, %gather3A_204 : vector<16xf32>
          %swap3A_210 = arith.index_cast %add3A_141 : i32 to index
          %swap3A_211 = arith.constant 48 : index
          %swap3A_212 = tpu.vector_load %arg10[%swap3A_210, %swap3A_211] {strides = array<i32>} : memref<40x128xf32, #tpu.memory_space<vmem>>, vector<1x16xf32>,
          %swap3A_213 = vector.shape_cast %swap3A_212 : vector<1x16xf32> to vector<16xf32>
          %swap3A_214 = vector.shape_cast %mul3A_209 : vector<16xf32> to vector<1x16xf32>
          tpu.vector_store %arg10[%swap3A_210, %swap3A_211], %swap3A_214 {strides = array<i32>} : memref<40x128xf32, #tpu.memory_space<vmem>>, vector<1x16xf32>,
          %broadcast_in_dim3A_215 = arith.constant 4 : i32
          %broadcast_in_dim3A_216 = vector.broadcast %broadcast_in_dim3A_215 : i32 to vector<16xi32>
          %broadcast_in_dim3A_217 = vector.shape_cast %broadcast_in_dim3A_216 : vector<16xi32> to vector<16x1xi32>
          %gather3A_218 = vector.shape_cast %broadcast_in_dim3A_217 : vector<16x1xi32> to vector<16xi32>
          %gather3A_219 = tpu.dynamic_gather %exp3A[%gather3A_218] in [0] : vector<16xf32>, vector<16xi32> -> vector<16xf32>
          %get3A_220 = arith.index_cast %add3A_141 : i32 to index
          %get3A_221 = arith.constant 64 : index
          %get3A_222 = tpu.vector_load %arg10[%get3A_220, %get3A_221] {strides = array<i32>} : memref<40x128xf32, #tpu.memory_space<vmem>>, vector<1x16xf32>,
          %get3A_223 = vector.shape_cast %get3A_222 : vector<1x16xf32> to vector<16xf32>
          %mul3A_224 = arith.mulf %get3A_223, %gather3A_219 : vector<16xf32>
          %swap3A_225 = arith.index_cast %add3A_141 : i32 to index
          %swap3A_226 = arith.constant 64 : index
          %swap3A_227 = tpu.vector_load %arg10[%swap3A_225, %swap3A_226] {strides = array<i32>} : memref<40x128xf32, #tpu.memory_space<vmem>>, vector<1x16xf32>,
          %swap3A_228 = vector.shape_cast %swap3A_227 : vector<1x16xf32> to vector<16xf32>
          %swap3A_229 = vector.shape_cast %mul3A_224 : vector<16xf32> to vector<1x16xf32>
          tpu.vector_store %arg10[%swap3A_225, %swap3A_226], %swap3A_229 {strides = array<i32>} : memref<40x128xf32, #tpu.memory_space<vmem>>, vector<1x16xf32>,
          %broadcast_in_dim3A_230 = arith.constant 5 : i32
          %broadcast_in_dim3A_231 = vector.broadcast %broadcast_in_dim3A_230 : i32 to vector<16xi32>
          %broadcast_in_dim3A_232 = vector.shape_cast %broadcast_in_dim3A_231 : vector<16xi32> to vector<16x1xi32>
          %gather3A_233 = vector.shape_cast %broadcast_in_dim3A_232 : vector<16x1xi32> to vector<16xi32>
          %gather3A_234 = tpu.dynamic_gather %exp3A[%gather3A_233] in [0] : vector<16xf32>, vector<16xi32> -> vector<16xf32>
          %get3A_235 = arith.index_cast %add3A_141 : i32 to index
          %get3A_236 = arith.constant 80 : index
          %get3A_237 = tpu.vector_load %arg10[%get3A_235, %get3A_236] {strides = array<i32>} : memref<40x128xf32, #tpu.memory_space<vmem>>, vector<1x16xf32>,
          %get3A_238 = vector.shape_cast %get3A_237 : vector<1x16xf32> to vector<16xf32>
          %mul3A_239 = arith.mulf %get3A_238, %gather3A_234 : vector<16xf32>
          %swap3A_240 = arith.index_cast %add3A_141 : i32 to index
          %swap3A_241 = arith.constant 80 : index
          %swap3A_242 = tpu.vector_load %arg10[%swap3A_240, %swap3A_241] {strides = array<i32>} : memref<40x128xf32, #tpu.memory_space<vmem>>, vector<1x16xf32>,
          %swap3A_243 = vector.shape_cast %swap3A_242 : vector<1x16xf32> to vector<16xf32>
          %swap3A_244 = vector.shape_cast %mul3A_239 : vector<16xf32> to vector<1x16xf32>
          tpu.vector_store %arg10[%swap3A_240, %swap3A_241], %swap3A_244 {strides = array<i32>} : memref<40x128xf32, #tpu.memory_space<vmem>>, vector<1x16xf32>,
          %broadcast_in_dim3A_245 = arith.constant 6 : i32
          %broadcast_in_dim3A_246 = vector.broadcast %broadcast_in_dim3A_245 : i32 to vector<16xi32>
          %broadcast_in_dim3A_247 = vector.shape_cast %broadcast_in_dim3A_246 : vector<16xi32> to vector<16x1xi32>
          %gather3A_248 = vector.shape_cast %broadcast_in_dim3A_247 : vector<16x1xi32> to vector<16xi32>
          %gather3A_249 = tpu.dynamic_gather %exp3A[%gather3A_248] in [0] : vector<16xf32>, vector<16xi32> -> vector<16xf32>
          %get3A_250 = arith.index_cast %add3A_141 : i32 to index
          %get3A_251 = arith.constant 96 : index
          %get3A_252 = tpu.vector_load %arg10[%get3A_250, %get3A_251] {strides = array<i32>} : memref<40x128xf32, #tpu.memory_space<vmem>>, vector<1x16xf32>,
          %get3A_253 = vector.shape_cast %get3A_252 : vector<1x16xf32> to vector<16xf32>
          %mul3A_254 = arith.mulf %get3A_253, %gather3A_249 : vector<16xf32>
          %swap3A_255 = arith.index_cast %add3A_141 : i32 to index
          %swap3A_256 = arith.constant 96 : index
          %swap3A_257 = tpu.vector_load %arg10[%swap3A_255, %swap3A_256] {strides = array<i32>} : memref<40x128xf32, #tpu.memory_space<vmem>>, vector<1x16xf32>,
          %swap3A_258 = vector.shape_cast %swap3A_257 : vector<1x16xf32> to vector<16xf32>
          %swap3A_259 = vector.shape_cast %mul3A_254 : vector<16xf32> to vector<1x16xf32>
          tpu.vector_store %arg10[%swap3A_255, %swap3A_256], %swap3A_259 {strides = array<i32>} : memref<40x128xf32, #tpu.memory_space<vmem>>, vector<1x16xf32>,
          %broadcast_in_dim3A_260 = arith.constant 7 : i32
          %broadcast_in_dim3A_261 = vector.broadcast %broadcast_in_dim3A_260 : i32 to vector<16xi32>
          %broadcast_in_dim3A_262 = vector.shape_cast %broadcast_in_dim3A_261 : vector<16xi32> to vector<16x1xi32>
          %gather3A_263 = vector.shape_cast %broadcast_in_dim3A_262 : vector<16x1xi32> to vector<16xi32>
          %gather3A_264 = tpu.dynamic_gather %exp3A[%gather3A_263] in [0] : vector<16xf32>, vector<16xi32> -> vector<16xf32>
          %get3A_265 = arith.index_cast %add3A_141 : i32 to index
          %get3A_266 = arith.constant 112 : index
          %get3A_267 = tpu.vector_load %arg10[%get3A_265, %get3A_266] {strides = array<i32>} : memref<40x128xf32, #tpu.memory_space<vmem>>, vector<1x16xf32>,
          %get3A_268 = vector.shape_cast %get3A_267 : vector<1x16xf32> to vector<16xf32>
          %mul3A_269 = arith.mulf %get3A_268, %gather3A_264 : vector<16xf32>
          %swap3A_270 = arith.index_cast %add3A_141 : i32 to index
          %swap3A_271 = arith.constant 112 : index
          %swap3A_272 = tpu.vector_load %arg10[%swap3A_270, %swap3A_271] {strides = array<i32>} : memref<40x128xf32, #tpu.memory_space<vmem>>, vector<1x16xf32>,
          %swap3A_273 = vector.shape_cast %swap3A_272 : vector<1x16xf32> to vector<16xf32>
          %swap3A_274 = vector.shape_cast %mul3A_269 : vector<16xf32> to vector<1x16xf32>
          tpu.vector_store %arg10[%swap3A_270, %swap3A_271], %swap3A_274 {strides = array<i32>} : memref<40x128xf32, #tpu.memory_space<vmem>>, vector<1x16xf32>,
          %mul3A_275 = arith.constant 4 : i32
          %mul3A_276 = arith.muli %scan3A_137, %mul3A_275 : i32
          %add3A_277 = arith.constant 1 : i32
          %add3A_278 = arith.addi %mul3A_276, %add3A_277 : i32
          %get3A_279 = arith.index_cast %add3A_278 : i32 to index
          %get3A_280 = arith.constant 0 : index
          %get3A_281 = tpu.vector_load %arg13[%get3A_279, %get3A_280] {strides = array<i32>} : memref<40x16xf32, #tpu.memory_space<vmem>>, vector<1x16xf32>,
          %get3A_282 = vector.shape_cast %get3A_281 : vector<1x16xf32> to vector<16xf32>
          %get3A_283 = arith.index_cast %add3A_278 : i32 to index
          %get3A_284 = arith.constant 0 : index
          %get3A_285 = tpu.vector_load %arg16[%get3A_283, %get3A_284] {strides = array<i32>} : memref<40x16xf32, #tpu.memory_space<vmem>>, vector<1x16xf32>,
          %get3A_286 = vector.shape_cast %get3A_285 : vector<1x16xf32> to vector<16xf32>
          %add3A_287 = arith.addf %get3A_282, %get3A_286 : vector<16xf32>
          %mul3A_288 = arith.constant 2.000000e-01 : f32
          %mul3A_289 = vector.broadcast %mul3A_288 : f32 to vector<16xf32>
          %mul3A_290 = arith.mulf %add3A_287, %mul3A_289 : vector<16xf32>
          %max3A_291 = arith.maximumf %add3A_287, %mul3A_290 : vector<16xf32>
          %exp3A_292 = math.exp %max3A_291 : vector<16xf32>
          %swap3A_293 = arith.index_cast %add3A_278 : i32 to index
          %swap3A_294 = arith.constant 0 : index
          %swap3A_295 = tpu.vector_load %arg19[%swap3A_293, %swap3A_294] {strides = array<i32>} : memref<40x16xf32, #tpu.memory_space<vmem>>, vector<1x16xf32>,
          %swap3A_296 = vector.shape_cast %swap3A_295 : vector<1x16xf32> to vector<16xf32>
          %swap3A_297 = vector.shape_cast %exp3A_292 : vector<16xf32> to vector<1x16xf32>
          tpu.vector_store %arg19[%swap3A_293, %swap3A_294], %swap3A_297 {strides = array<i32>} : memref<40x16xf32, #tpu.memory_space<vmem>>, vector<1x16xf32>,
          %broadcast_in_dim3A_298 = arith.constant 0 : i32
          %broadcast_in_dim3A_299 = vector.broadcast %broadcast_in_dim3A_298 : i32 to vector<16xi32>
          %broadcast_in_dim3A_300 = vector.shape_cast %broadcast_in_dim3A_299 : vector<16xi32> to vector<16x1xi32>
          %gather3A_301 = vector.shape_cast %broadcast_in_dim3A_300 : vector<16x1xi32> to vector<16xi32>
          %gather3A_302 = tpu.dynamic_gather %exp3A_292[%gather3A_301] in [0] : vector<16xf32>, vector<16xi32> -> vector<16xf32>
          %get3A_303 = arith.index_cast %add3A_278 : i32 to index
          %get3A_304 = arith.constant 0 : index
          %get3A_305 = tpu.vector_load %arg10[%get3A_303, %get3A_304] {strides = array<i32>} : memref<40x128xf32, #tpu.memory_space<vmem>>, vector<1x16xf32>,
          %get3A_306 = vector.shape_cast %get3A_305 : vector<1x16xf32> to vector<16xf32>
          %mul3A_307 = arith.mulf %get3A_306, %gather3A_302 : vector<16xf32>
          %swap3A_308 = arith.index_cast %add3A_278 : i32 to index
          %swap3A_309 = arith.constant 0 : index
          %swap3A_310 = tpu.vector_load %arg10[%swap3A_308, %swap3A_309] {strides = array<i32>} : memref<40x128xf32, #tpu.memory_space<vmem>>, vector<1x16xf32>,
          %swap3A_311 = vector.shape_cast %swap3A_310 : vector<1x16xf32> to vector<16xf32>
          %swap3A_312 = vector.shape_cast %mul3A_307 : vector<16xf32> to vector<1x16xf32>
          tpu.vector_store %arg10[%swap3A_308, %swap3A_309], %swap3A_312 {strides = array<i32>} : memref<40x128xf32, #tpu.memory_space<vmem>>, vector<1x16xf32>,
          %broadcast_in_dim3A_313 = arith.constant 1 : i32
          %broadcast_in_dim3A_314 = vector.broadcast %broadcast_in_dim3A_313 : i32 to vector<16xi32>
          %broadcast_in_dim3A_315 = vector.shape_cast %broadcast_in_dim3A_314 : vector<16xi32> to vector<16x1xi32>
          %gather3A_316 = vector.shape_cast %broadcast_in_dim3A_315 : vector<16x1xi32> to vector<16xi32>
          %gather3A_317 = tpu.dynamic_gather %exp3A_292[%gather3A_316] in [0] : vector<16xf32>, vector<16xi32> -> vector<16xf32>
          %get3A_318 = arith.index_cast %add3A_278 : i32 to index
          %get3A_319 = arith.constant 16 : index
          %get3A_320 = tpu.vector_load %arg10[%get3A_318, %get3A_319] {strides = array<i32>} : memref<40x128xf32, #tpu.memory_space<vmem>>, vector<1x16xf32>,
          %get3A_321 = vector.shape_cast %get3A_320 : vector<1x16xf32> to vector<16xf32>
          %mul3A_322 = arith.mulf %get3A_321, %gather3A_317 : vector<16xf32>
          %swap3A_323 = arith.index_cast %add3A_278 : i32 to index
          %swap3A_324 = arith.constant 16 : index
          %swap3A_325 = tpu.vector_load %arg10[%swap3A_323, %swap3A_324] {strides = array<i32>} : memref<40x128xf32, #tpu.memory_space<vmem>>, vector<1x16xf32>,
          %swap3A_326 = vector.shape_cast %swap3A_325 : vector<1x16xf32> to vector<16xf32>
          %swap3A_327 = vector.shape_cast %mul3A_322 : vector<16xf32> to vector<1x16xf32>
          tpu.vector_store %arg10[%swap3A_323, %swap3A_324], %swap3A_327 {strides = array<i32>} : memref<40x128xf32, #tpu.memory_space<vmem>>, vector<1x16xf32>,
          %broadcast_in_dim3A_328 = arith.constant 2 : i32
          %broadcast_in_dim3A_329 = vector.broadcast %broadcast_in_dim3A_328 : i32 to vector<16xi32>
          %broadcast_in_dim3A_330 = vector.shape_cast %broadcast_in_dim3A_329 : vector<16xi32> to vector<16x1xi32>
          %gather3A_331 = vector.shape_cast %broadcast_in_dim3A_330 : vector<16x1xi32> to vector<16xi32>
          %gather3A_332 = tpu.dynamic_gather %exp3A_292[%gather3A_331] in [0] : vector<16xf32>, vector<16xi32> -> vector<16xf32>
          %get3A_333 = arith.index_cast %add3A_278 : i32 to index
          %get3A_334 = arith.constant 32 : index
          %get3A_335 = tpu.vector_load %arg10[%get3A_333, %get3A_334] {strides = array<i32>} : memref<40x128xf32, #tpu.memory_space<vmem>>, vector<1x16xf32>,
          %get3A_336 = vector.shape_cast %get3A_335 : vector<1x16xf32> to vector<16xf32>
          %mul3A_337 = arith.mulf %get3A_336, %gather3A_332 : vector<16xf32>
          %swap3A_338 = arith.index_cast %add3A_278 : i32 to index
          %swap3A_339 = arith.constant 32 : index
          %swap3A_340 = tpu.vector_load %arg10[%swap3A_338, %swap3A_339] {strides = array<i32>} : memref<40x128xf32, #tpu.memory_space<vmem>>, vector<1x16xf32>,
          %swap3A_341 = vector.shape_cast %swap3A_340 : vector<1x16xf32> to vector<16xf32>
          %swap3A_342 = vector.shape_cast %mul3A_337 : vector<16xf32> to vector<1x16xf32>
          tpu.vector_store %arg10[%swap3A_338, %swap3A_339], %swap3A_342 {strides = array<i32>} : memref<40x128xf32, #tpu.memory_space<vmem>>, vector<1x16xf32>,
          %broadcast_in_dim3A_343 = arith.constant 3 : i32
          %broadcast_in_dim3A_344 = vector.broadcast %broadcast_in_dim3A_343 : i32 to vector<16xi32>
          %broadcast_in_dim3A_345 = vector.shape_cast %broadcast_in_dim3A_344 : vector<16xi32> to vector<16x1xi32>
          %gather3A_346 = vector.shape_cast %broadcast_in_dim3A_345 : vector<16x1xi32> to vector<16xi32>
          %gather3A_347 = tpu.dynamic_gather %exp3A_292[%gather3A_346] in [0] : vector<16xf32>, vector<16xi32> -> vector<16xf32>
          %get3A_348 = arith.index_cast %add3A_278 : i32 to index
          %get3A_349 = arith.constant 48 : index
          %get3A_350 = tpu.vector_load %arg10[%get3A_348, %get3A_349] {strides = array<i32>} : memref<40x128xf32, #tpu.memory_space<vmem>>, vector<1x16xf32>,
          %get3A_351 = vector.shape_cast %get3A_350 : vector<1x16xf32> to vector<16xf32>
          %mul3A_352 = arith.mulf %get3A_351, %gather3A_347 : vector<16xf32>
          %swap3A_353 = arith.index_cast %add3A_278 : i32 to index
          %swap3A_354 = arith.constant 48 : index
          %swap3A_355 = tpu.vector_load %arg10[%swap3A_353, %swap3A_354] {strides = array<i32>} : memref<40x128xf32, #tpu.memory_space<vmem>>, vector<1x16xf32>,
          %swap3A_356 = vector.shape_cast %swap3A_355 : vector<1x16xf32> to vector<16xf32>
          %swap3A_357 = vector.shape_cast %mul3A_352 : vector<16xf32> to vector<1x16xf32>
          tpu.vector_store %arg10[%swap3A_353, %swap3A_354], %swap3A_357 {strides = array<i32>} : memref<40x128xf32, #tpu.memory_space<vmem>>, vector<1x16xf32>,
          %broadcast_in_dim3A_358 = arith.constant 4 : i32
          %broadcast_in_dim3A_359 = vector.broadcast %broadcast_in_dim3A_358 : i32 to vector<16xi32>
          %broadcast_in_dim3A_360 = vector.shape_cast %broadcast_in_dim3A_359 : vector<16xi32> to vector<16x1xi32>
          %gather3A_361 = vector.shape_cast %broadcast_in_dim3A_360 : vector<16x1xi32> to vector<16xi32>
          %gather3A_362 = tpu.dynamic_gather %exp3A_292[%gather3A_361] in [0] : vector<16xf32>, vector<16xi32> -> vector<16xf32>
          %get3A_363 = arith.index_cast %add3A_278 : i32 to index
          %get3A_364 = arith.constant 64 : index
          %get3A_365 = tpu.vector_load %arg10[%get3A_363, %get3A_364] {strides = array<i32>} : memref<40x128xf32, #tpu.memory_space<vmem>>, vector<1x16xf32>,
          %get3A_366 = vector.shape_cast %get3A_365 : vector<1x16xf32> to vector<16xf32>
          %mul3A_367 = arith.mulf %get3A_366, %gather3A_362 : vector<16xf32>
          %swap3A_368 = arith.index_cast %add3A_278 : i32 to index
          %swap3A_369 = arith.constant 64 : index
          %swap3A_370 = tpu.vector_load %arg10[%swap3A_368, %swap3A_369] {strides = array<i32>} : memref<40x128xf32, #tpu.memory_space<vmem>>, vector<1x16xf32>,
          %swap3A_371 = vector.shape_cast %swap3A_370 : vector<1x16xf32> to vector<16xf32>
          %swap3A_372 = vector.shape_cast %mul3A_367 : vector<16xf32> to vector<1x16xf32>
          tpu.vector_store %arg10[%swap3A_368, %swap3A_369], %swap3A_372 {strides = array<i32>} : memref<40x128xf32, #tpu.memory_space<vmem>>, vector<1x16xf32>,
          %broadcast_in_dim3A_373 = arith.constant 5 : i32
          %broadcast_in_dim3A_374 = vector.broadcast %broadcast_in_dim3A_373 : i32 to vector<16xi32>
          %broadcast_in_dim3A_375 = vector.shape_cast %broadcast_in_dim3A_374 : vector<16xi32> to vector<16x1xi32>
          %gather3A_376 = vector.shape_cast %broadcast_in_dim3A_375 : vector<16x1xi32> to vector<16xi32>
          %gather3A_377 = tpu.dynamic_gather %exp3A_292[%gather3A_376] in [0] : vector<16xf32>, vector<16xi32> -> vector<16xf32>
          %get3A_378 = arith.index_cast %add3A_278 : i32 to index
          %get3A_379 = arith.constant 80 : index
          %get3A_380 = tpu.vector_load %arg10[%get3A_378, %get3A_379] {strides = array<i32>} : memref<40x128xf32, #tpu.memory_space<vmem>>, vector<1x16xf32>,
          %get3A_381 = vector.shape_cast %get3A_380 : vector<1x16xf32> to vector<16xf32>
          %mul3A_382 = arith.mulf %get3A_381, %gather3A_377 : vector<16xf32>
          %swap3A_383 = arith.index_cast %add3A_278 : i32 to index
          %swap3A_384 = arith.constant 80 : index
          %swap3A_385 = tpu.vector_load %arg10[%swap3A_383, %swap3A_384] {strides = array<i32>} : memref<40x128xf32, #tpu.memory_space<vmem>>, vector<1x16xf32>,
          %swap3A_386 = vector.shape_cast %swap3A_385 : vector<1x16xf32> to vector<16xf32>
          %swap3A_387 = vector.shape_cast %mul3A_382 : vector<16xf32> to vector<1x16xf32>
          tpu.vector_store %arg10[%swap3A_383, %swap3A_384], %swap3A_387 {strides = array<i32>} : memref<40x128xf32, #tpu.memory_space<vmem>>, vector<1x16xf32>,
          %broadcast_in_dim3A_388 = arith.constant 6 : i32
          %broadcast_in_dim3A_389 = vector.broadcast %broadcast_in_dim3A_388 : i32 to vector<16xi32>
          %broadcast_in_dim3A_390 = vector.shape_cast %broadcast_in_dim3A_389 : vector<16xi32> to vector<16x1xi32>
          %gather3A_391 = vector.shape_cast %broadcast_in_dim3A_390 : vector<16x1xi32> to vector<16xi32>
          %gather3A_392 = tpu.dynamic_gather %exp3A_292[%gather3A_391] in [0] : vector<16xf32>, vector<16xi32> -> vector<16xf32>
          %get3A_393 = arith.index_cast %add3A_278 : i32 to index
          %get3A_394 = arith.constant 96 : index
          %get3A_395 = tpu.vector_load %arg10[%get3A_393, %get3A_394] {strides = array<i32>} : memref<40x128xf32, #tpu.memory_space<vmem>>, vector<1x16xf32>,
          %get3A_396 = vector.shape_cast %get3A_395 : vector<1x16xf32> to vector<16xf32>
          %mul3A_397 = arith.mulf %get3A_396, %gather3A_392 : vector<16xf32>
          %swap3A_398 = arith.index_cast %add3A_278 : i32 to index
          %swap3A_399 = arith.constant 96 : index
          %swap3A_400 = tpu.vector_load %arg10[%swap3A_398, %swap3A_399] {strides = array<i32>} : memref<40x128xf32, #tpu.memory_space<vmem>>, vector<1x16xf32>,
          %swap3A_401 = vector.shape_cast %swap3A_400 : vector<1x16xf32> to vector<16xf32>
          %swap3A_402 = vector.shape_cast %mul3A_397 : vector<16xf32> to vector<1x16xf32>
          tpu.vector_store %arg10[%swap3A_398, %swap3A_399], %swap3A_402 {strides = array<i32>} : memref<40x128xf32, #tpu.memory_space<vmem>>, vector<1x16xf32>,
          %broadcast_in_dim3A_403 = arith.constant 7 : i32
          %broadcast_in_dim3A_404 = vector.broadcast %broadcast_in_dim3A_403 : i32 to vector<16xi32>
          %broadcast_in_dim3A_405 = vector.shape_cast %broadcast_in_dim3A_404 : vector<16xi32> to vector<16x1xi32>
          %gather3A_406 = vector.shape_cast %broadcast_in_dim3A_405 : vector<16x1xi32> to vector<16xi32>
          %gather3A_407 = tpu.dynamic_gather %exp3A_292[%gather3A_406] in [0] : vector<16xf32>, vector<16xi32> -> vector<16xf32>
          %get3A_408 = arith.index_cast %add3A_278 : i32 to index
          %get3A_409 = arith.constant 112 : index
          %get3A_410 = tpu.vector_load %arg10[%get3A_408, %get3A_409] {strides = array<i32>} : memref<40x128xf32, #tpu.memory_space<vmem>>, vector<1x16xf32>,
          %get3A_411 = vector.shape_cast %get3A_410 : vector<1x16xf32> to vector<16xf32>
          %mul3A_412 = arith.mulf %get3A_411, %gather3A_407 : vector<16xf32>
          %swap3A_413 = arith.index_cast %add3A_278 : i32 to index
          %swap3A_414 = arith.constant 112 : index
          %swap3A_415 = tpu.vector_load %arg10[%swap3A_413, %swap3A_414] {strides = array<i32>} : memref<40x128xf32, #tpu.memory_space<vmem>>, vector<1x16xf32>,
          %swap3A_416 = vector.shape_cast %swap3A_415 : vector<1x16xf32> to vector<16xf32>
          %swap3A_417 = vector.shape_cast %mul3A_412 : vector<16xf32> to vector<1x16xf32>
          tpu.vector_store %arg10[%swap3A_413, %swap3A_414], %swap3A_417 {strides = array<i32>} : memref<40x128xf32, #tpu.memory_space<vmem>>, vector<1x16xf32>,
          %mul3A_418 = arith.constant 4 : i32
          %mul3A_419 = arith.muli %scan3A_137, %mul3A_418 : i32
          %add3A_420 = arith.constant 2 : i32
          %add3A_421 = arith.addi %mul3A_419, %add3A_420 : i32
          %get3A_422 = arith.index_cast %add3A_421 : i32 to index
          %get3A_423 = arith.constant 0 : index
          %get3A_424 = tpu.vector_load %arg13[%get3A_422, %get3A_423] {strides = array<i32>} : memref<40x16xf32, #tpu.memory_space<vmem>>, vector<1x16xf32>,
          %get3A_425 = vector.shape_cast %get3A_424 : vector<1x16xf32> to vector<16xf32>
          %get3A_426 = arith.index_cast %add3A_421 : i32 to index
          %get3A_427 = arith.constant 0 : index
          %get3A_428 = tpu.vector_load %arg16[%get3A_426, %get3A_427] {strides = array<i32>} : memref<40x16xf32, #tpu.memory_space<vmem>>, vector<1x16xf32>,
          %get3A_429 = vector.shape_cast %get3A_428 : vector<1x16xf32> to vector<16xf32>
          %add3A_430 = arith.addf %get3A_425, %get3A_429 : vector<16xf32>
          %mul3A_431 = arith.constant 2.000000e-01 : f32
          %mul3A_432 = vector.broadcast %mul3A_431 : f32 to vector<16xf32>
          %mul3A_433 = arith.mulf %add3A_430, %mul3A_432 : vector<16xf32>
          %max3A_434 = arith.maximumf %add3A_430, %mul3A_433 : vector<16xf32>
          %exp3A_435 = math.exp %max3A_434 : vector<16xf32>
          %swap3A_436 = arith.index_cast %add3A_421 : i32 to index
          %swap3A_437 = arith.constant 0 : index
          %swap3A_438 = tpu.vector_load %arg19[%swap3A_436, %swap3A_437] {strides = array<i32>} : memref<40x16xf32, #tpu.memory_space<vmem>>, vector<1x16xf32>,
          %swap3A_439 = vector.shape_cast %swap3A_438 : vector<1x16xf32> to vector<16xf32>
          %swap3A_440 = vector.shape_cast %exp3A_435 : vector<16xf32> to vector<1x16xf32>
          tpu.vector_store %arg19[%swap3A_436, %swap3A_437], %swap3A_440 {strides = array<i32>} : memref<40x16xf32, #tpu.memory_space<vmem>>, vector<1x16xf32>,
          %broadcast_in_dim3A_441 = arith.constant 0 : i32
          %broadcast_in_dim3A_442 = vector.broadcast %broadcast_in_dim3A_441 : i32 to vector<16xi32>
          %broadcast_in_dim3A_443 = vector.shape_cast %broadcast_in_dim3A_442 : vector<16xi32> to vector<16x1xi32>
          %gather3A_444 = vector.shape_cast %broadcast_in_dim3A_443 : vector<16x1xi32> to vector<16xi32>
          %gather3A_445 = tpu.dynamic_gather %exp3A_435[%gather3A_444] in [0] : vector<16xf32>, vector<16xi32> -> vector<16xf32>
          %get3A_446 = arith.index_cast %add3A_421 : i32 to index
          %get3A_447 = arith.constant 0 : index
          %get3A_448 = tpu.vector_load %arg10[%get3A_446, %get3A_447] {strides = array<i32>} : memref<40x128xf32, #tpu.memory_space<vmem>>, vector<1x16xf32>,
          %get3A_449 = vector.shape_cast %get3A_448 : vector<1x16xf32> to vector<16xf32>
          %mul3A_450 = arith.mulf %get3A_449, %gather3A_445 : vector<16xf32>
          %swap3A_451 = arith.index_cast %add3A_421 : i32 to index
          %swap3A_452 = arith.constant 0 : index
          %swap3A_453 = tpu.vector_load %arg10[%swap3A_451, %swap3A_452] {strides = array<i32>} : memref<40x128xf32, #tpu.memory_space<vmem>>, vector<1x16xf32>,
          %swap3A_454 = vector.shape_cast %swap3A_453 : vector<1x16xf32> to vector<16xf32>
          %swap3A_455 = vector.shape_cast %mul3A_450 : vector<16xf32> to vector<1x16xf32>
          tpu.vector_store %arg10[%swap3A_451, %swap3A_452], %swap3A_455 {strides = array<i32>} : memref<40x128xf32, #tpu.memory_space<vmem>>, vector<1x16xf32>,
          %broadcast_in_dim3A_456 = arith.constant 1 : i32
          %broadcast_in_dim3A_457 = vector.broadcast %broadcast_in_dim3A_456 : i32 to vector<16xi32>
          %broadcast_in_dim3A_458 = vector.shape_cast %broadcast_in_dim3A_457 : vector<16xi32> to vector<16x1xi32>
          %gather3A_459 = vector.shape_cast %broadcast_in_dim3A_458 : vector<16x1xi32> to vector<16xi32>
          %gather3A_460 = tpu.dynamic_gather %exp3A_435[%gather3A_459] in [0] : vector<16xf32>, vector<16xi32> -> vector<16xf32>
          %get3A_461 = arith.index_cast %add3A_421 : i32 to index
          %get3A_462 = arith.constant 16 : index
          %get3A_463 = tpu.vector_load %arg10[%get3A_461, %get3A_462] {strides = array<i32>} : memref<40x128xf32, #tpu.memory_space<vmem>>, vector<1x16xf32>,
          %get3A_464 = vector.shape_cast %get3A_463 : vector<1x16xf32> to vector<16xf32>
          %mul3A_465 = arith.mulf %get3A_464, %gather3A_460 : vector<16xf32>
          %swap3A_466 = arith.index_cast %add3A_421 : i32 to index
          %swap3A_467 = arith.constant 16 : index
          %swap3A_468 = tpu.vector_load %arg10[%swap3A_466, %swap3A_467] {strides = array<i32>} : memref<40x128xf32, #tpu.memory_space<vmem>>, vector<1x16xf32>,
          %swap3A_469 = vector.shape_cast %swap3A_468 : vector<1x16xf32> to vector<16xf32>
          %swap3A_470 = vector.shape_cast %mul3A_465 : vector<16xf32> to vector<1x16xf32>
          tpu.vector_store %arg10[%swap3A_466, %swap3A_467], %swap3A_470 {strides = array<i32>} : memref<40x128xf32, #tpu.memory_space<vmem>>, vector<1x16xf32>,
          %broadcast_in_dim3A_471 = arith.constant 2 : i32
          %broadcast_in_dim3A_472 = vector.broadcast %broadcast_in_dim3A_471 : i32 to vector<16xi32>
          %broadcast_in_dim3A_473 = vector.shape_cast %broadcast_in_dim3A_472 : vector<16xi32> to vector<16x1xi32>
          %gather3A_474 = vector.shape_cast %broadcast_in_dim3A_473 : vector<16x1xi32> to vector<16xi32>
          %gather3A_475 = tpu.dynamic_gather %exp3A_435[%gather3A_474] in [0] : vector<16xf32>, vector<16xi32> -> vector<16xf32>
          %get3A_476 = arith.index_cast %add3A_421 : i32 to index
          %get3A_477 = arith.constant 32 : index
          %get3A_478 = tpu.vector_load %arg10[%get3A_476, %get3A_477] {strides = array<i32>} : memref<40x128xf32, #tpu.memory_space<vmem>>, vector<1x16xf32>,
          %get3A_479 = vector.shape_cast %get3A_478 : vector<1x16xf32> to vector<16xf32>
          %mul3A_480 = arith.mulf %get3A_479, %gather3A_475 : vector<16xf32>
          %swap3A_481 = arith.index_cast %add3A_421 : i32 to index
          %swap3A_482 = arith.constant 32 : index
          %swap3A_483 = tpu.vector_load %arg10[%swap3A_481, %swap3A_482] {strides = array<i32>} : memref<40x128xf32, #tpu.memory_space<vmem>>, vector<1x16xf32>,
          %swap3A_484 = vector.shape_cast %swap3A_483 : vector<1x16xf32> to vector<16xf32>
          %swap3A_485 = vector.shape_cast %mul3A_480 : vector<16xf32> to vector<1x16xf32>
          tpu.vector_store %arg10[%swap3A_481, %swap3A_482], %swap3A_485 {strides = array<i32>} : memref<40x128xf32, #tpu.memory_space<vmem>>, vector<1x16xf32>,
          %broadcast_in_dim3A_486 = arith.constant 3 : i32
          %broadcast_in_dim3A_487 = vector.broadcast %broadcast_in_dim3A_486 : i32 to vector<16xi32>
          %broadcast_in_dim3A_488 = vector.shape_cast %broadcast_in_dim3A_487 : vector<16xi32> to vector<16x1xi32>
          %gather3A_489 = vector.shape_cast %broadcast_in_dim3A_488 : vector<16x1xi32> to vector<16xi32>
          %gather3A_490 = tpu.dynamic_gather %exp3A_435[%gather3A_489] in [0] : vector<16xf32>, vector<16xi32> -> vector<16xf32>
          %get3A_491 = arith.index_cast %add3A_421 : i32 to index
          %get3A_492 = arith.constant 48 : index
          %get3A_493 = tpu.vector_load %arg10[%get3A_491, %get3A_492] {strides = array<i32>} : memref<40x128xf32, #tpu.memory_space<vmem>>, vector<1x16xf32>,
          %get3A_494 = vector.shape_cast %get3A_493 : vector<1x16xf32> to vector<16xf32>
          %mul3A_495 = arith.mulf %get3A_494, %gather3A_490 : vector<16xf32>
          %swap3A_496 = arith.index_cast %add3A_421 : i32 to index
          %swap3A_497 = arith.constant 48 : index
          %swap3A_498 = tpu.vector_load %arg10[%swap3A_496, %swap3A_497] {strides = array<i32>} : memref<40x128xf32, #tpu.memory_space<vmem>>, vector<1x16xf32>,
          %swap3A_499 = vector.shape_cast %swap3A_498 : vector<1x16xf32> to vector<16xf32>
          %swap3A_500 = vector.shape_cast %mul3A_495 : vector<16xf32> to vector<1x16xf32>
          tpu.vector_store %arg10[%swap3A_496, %swap3A_497], %swap3A_500 {strides = array<i32>} : memref<40x128xf32, #tpu.memory_space<vmem>>, vector<1x16xf32>,
          %broadcast_in_dim3A_501 = arith.constant 4 : i32
          %broadcast_in_dim3A_502 = vector.broadcast %broadcast_in_dim3A_501 : i32 to vector<16xi32>
          %broadcast_in_dim3A_503 = vector.shape_cast %broadcast_in_dim3A_502 : vector<16xi32> to vector<16x1xi32>
          %gather3A_504 = vector.shape_cast %broadcast_in_dim3A_503 : vector<16x1xi32> to vector<16xi32>
          %gather3A_505 = tpu.dynamic_gather %exp3A_435[%gather3A_504] in [0] : vector<16xf32>, vector<16xi32> -> vector<16xf32>
          %get3A_506 = arith.index_cast %add3A_421 : i32 to index
          %get3A_507 = arith.constant 64 : index
          %get3A_508 = tpu.vector_load %arg10[%get3A_506, %get3A_507] {strides = array<i32>} : memref<40x128xf32, #tpu.memory_space<vmem>>, vector<1x16xf32>,
          %get3A_509 = vector.shape_cast %get3A_508 : vector<1x16xf32> to vector<16xf32>
          %mul3A_510 = arith.mulf %get3A_509, %gather3A_505 : vector<16xf32>
          %swap3A_511 = arith.index_cast %add3A_421 : i32 to index
          %swap3A_512 = arith.constant 64 : index
          %swap3A_513 = tpu.vector_load %arg10[%swap3A_511, %swap3A_512] {strides = array<i32>} : memref<40x128xf32, #tpu.memory_space<vmem>>, vector<1x16xf32>,
          %swap3A_514 = vector.shape_cast %swap3A_513 : vector<1x16xf32> to vector<16xf32>
          %swap3A_515 = vector.shape_cast %mul3A_510 : vector<16xf32> to vector<1x16xf32>
          tpu.vector_store %arg10[%swap3A_511, %swap3A_512], %swap3A_515 {strides = array<i32>} : memref<40x128xf32, #tpu.memory_space<vmem>>, vector<1x16xf32>,
          %broadcast_in_dim3A_516 = arith.constant 5 : i32
          %broadcast_in_dim3A_517 = vector.broadcast %broadcast_in_dim3A_516 : i32 to vector<16xi32>
          %broadcast_in_dim3A_518 = vector.shape_cast %broadcast_in_dim3A_517 : vector<16xi32> to vector<16x1xi32>
          %gather3A_519 = vector.shape_cast %broadcast_in_dim3A_518 : vector<16x1xi32> to vector<16xi32>
          %gather3A_520 = tpu.dynamic_gather %exp3A_435[%gather3A_519] in [0] : vector<16xf32>, vector<16xi32> -> vector<16xf32>
          %get3A_521 = arith.index_cast %add3A_421 : i32 to index
          %get3A_522 = arith.constant 80 : index
          %get3A_523 = tpu.vector_load %arg10[%get3A_521, %get3A_522] {strides = array<i32>} : memref<40x128xf32, #tpu.memory_space<vmem>>, vector<1x16xf32>,
          %get3A_524 = vector.shape_cast %get3A_523 : vector<1x16xf32> to vector<16xf32>
          %mul3A_525 = arith.mulf %get3A_524, %gather3A_520 : vector<16xf32>
          %swap3A_526 = arith.index_cast %add3A_421 : i32 to index
          %swap3A_527 = arith.constant 80 : index
          %swap3A_528 = tpu.vector_load %arg10[%swap3A_526, %swap3A_527] {strides = array<i32>} : memref<40x128xf32, #tpu.memory_space<vmem>>, vector<1x16xf32>,
          %swap3A_529 = vector.shape_cast %swap3A_528 : vector<1x16xf32> to vector<16xf32>
          %swap3A_530 = vector.shape_cast %mul3A_525 : vector<16xf32> to vector<1x16xf32>
          tpu.vector_store %arg10[%swap3A_526, %swap3A_527], %swap3A_530 {strides = array<i32>} : memref<40x128xf32, #tpu.memory_space<vmem>>, vector<1x16xf32>,
          %broadcast_in_dim3A_531 = arith.constant 6 : i32
          %broadcast_in_dim3A_532 = vector.broadcast %broadcast_in_dim3A_531 : i32 to vector<16xi32>
          %broadcast_in_dim3A_533 = vector.shape_cast %broadcast_in_dim3A_532 : vector<16xi32> to vector<16x1xi32>
          %gather3A_534 = vector.shape_cast %broadcast_in_dim3A_533 : vector<16x1xi32> to vector<16xi32>
          %gather3A_535 = tpu.dynamic_gather %exp3A_435[%gather3A_534] in [0] : vector<16xf32>, vector<16xi32> -> vector<16xf32>
          %get3A_536 = arith.index_cast %add3A_421 : i32 to index
          %get3A_537 = arith.constant 96 : index
          %get3A_538 = tpu.vector_load %arg10[%get3A_536, %get3A_537] {strides = array<i32>} : memref<40x128xf32, #tpu.memory_space<vmem>>, vector<1x16xf32>,
          %get3A_539 = vector.shape_cast %get3A_538 : vector<1x16xf32> to vector<16xf32>
          %mul3A_540 = arith.mulf %get3A_539, %gather3A_535 : vector<16xf32>
          %swap3A_541 = arith.index_cast %add3A_421 : i32 to index
          %swap3A_542 = arith.constant 96 : index
          %swap3A_543 = tpu.vector_load %arg10[%swap3A_541, %swap3A_542] {strides = array<i32>} : memref<40x128xf32, #tpu.memory_space<vmem>>, vector<1x16xf32>,
          %swap3A_544 = vector.shape_cast %swap3A_543 : vector<1x16xf32> to vector<16xf32>
          %swap3A_545 = vector.shape_cast %mul3A_540 : vector<16xf32> to vector<1x16xf32>
          tpu.vector_store %arg10[%swap3A_541, %swap3A_542], %swap3A_545 {strides = array<i32>} : memref<40x128xf32, #tpu.memory_space<vmem>>, vector<1x16xf32>,
          %broadcast_in_dim3A_546 = arith.constant 7 : i32
          %broadcast_in_dim3A_547 = vector.broadcast %broadcast_in_dim3A_546 : i32 to vector<16xi32>
          %broadcast_in_dim3A_548 = vector.shape_cast %broadcast_in_dim3A_547 : vector<16xi32> to vector<16x1xi32>
          %gather3A_549 = vector.shape_cast %broadcast_in_dim3A_548 : vector<16x1xi32> to vector<16xi32>
          %gather3A_550 = tpu.dynamic_gather %exp3A_435[%gather3A_549] in [0] : vector<16xf32>, vector<16xi32> -> vector<16xf32>
          %get3A_551 = arith.index_cast %add3A_421 : i32 to index
          %get3A_552 = arith.constant 112 : index
          %get3A_553 = tpu.vector_load %arg10[%get3A_551, %get3A_552] {strides = array<i32>} : memref<40x128xf32, #tpu.memory_space<vmem>>, vector<1x16xf32>,
          %get3A_554 = vector.shape_cast %get3A_553 : vector<1x16xf32> to vector<16xf32>
          %mul3A_555 = arith.mulf %get3A_554, %gather3A_550 : vector<16xf32>
          %swap3A_556 = arith.index_cast %add3A_421 : i32 to index
          %swap3A_557 = arith.constant 112 : index
          %swap3A_558 = tpu.vector_load %arg10[%swap3A_556, %swap3A_557] {strides = array<i32>} : memref<40x128xf32, #tpu.memory_space<vmem>>, vector<1x16xf32>,
          %swap3A_559 = vector.shape_cast %swap3A_558 : vector<1x16xf32> to vector<16xf32>
          %swap3A_560 = vector.shape_cast %mul3A_555 : vector<16xf32> to vector<1x16xf32>
          tpu.vector_store %arg10[%swap3A_556, %swap3A_557], %swap3A_560 {strides = array<i32>} : memref<40x128xf32, #tpu.memory_space<vmem>>, vector<1x16xf32>,
          %mul3A_561 = arith.constant 4 : i32
          %mul3A_562 = arith.muli %scan3A_137, %mul3A_561 : i32
          %add3A_563 = arith.constant 3 : i32
          %add3A_564 = arith.addi %mul3A_562, %add3A_563 : i32
          %get3A_565 = arith.index_cast %add3A_564 : i32 to index
          %get3A_566 = arith.constant 0 : index
          %get3A_567 = tpu.vector_load %arg13[%get3A_565, %get3A_566] {strides = array<i32>} : memref<40x16xf32, #tpu.memory_space<vmem>>, vector<1x16xf32>,
          %get3A_568 = vector.shape_cast %get3A_567 : vector<1x16xf32> to vector<16xf32>
          %get3A_569 = arith.index_cast %add3A_564 : i32 to index
          %get3A_570 = arith.constant 0 : index
          %get3A_571 = tpu.vector_load %arg16[%get3A_569, %get3A_570] {strides = array<i32>} : memref<40x16xf32, #tpu.memory_space<vmem>>, vector<1x16xf32>,
          %get3A_572 = vector.shape_cast %get3A_571 : vector<1x16xf32> to vector<16xf32>
          %add3A_573 = arith.addf %get3A_568, %get3A_572 : vector<16xf32>
          %mul3A_574 = arith.constant 2.000000e-01 : f32
          %mul3A_575 = vector.broadcast %mul3A_574 : f32 to vector<16xf32>
          %mul3A_576 = arith.mulf %add3A_573, %mul3A_575 : vector<16xf32>
          %max3A_577 = arith.maximumf %add3A_573, %mul3A_576 : vector<16xf32>
          %exp3A_578 = math.exp %max3A_577 : vector<16xf32>
          %swap3A_579 = arith.index_cast %add3A_564 : i32 to index
          %swap3A_580 = arith.constant 0 : index
          %swap3A_581 = tpu.vector_load %arg19[%swap3A_579, %swap3A_580] {strides = array<i32>} : memref<40x16xf32, #tpu.memory_space<vmem>>, vector<1x16xf32>,
          %swap3A_582 = vector.shape_cast %swap3A_581 : vector<1x16xf32> to vector<16xf32>
          %swap3A_583 = vector.shape_cast %exp3A_578 : vector<16xf32> to vector<1x16xf32>
          tpu.vector_store %arg19[%swap3A_579, %swap3A_580], %swap3A_583 {strides = array<i32>} : memref<40x16xf32, #tpu.memory_space<vmem>>, vector<1x16xf32>,
          %broadcast_in_dim3A_584 = arith.constant 0 : i32
          %broadcast_in_dim3A_585 = vector.broadcast %broadcast_in_dim3A_584 : i32 to vector<16xi32>
          %broadcast_in_dim3A_586 = vector.shape_cast %broadcast_in_dim3A_585 : vector<16xi32> to vector<16x1xi32>
          %gather3A_587 = vector.shape_cast %broadcast_in_dim3A_586 : vector<16x1xi32> to vector<16xi32>
          %gather3A_588 = tpu.dynamic_gather %exp3A_578[%gather3A_587] in [0] : vector<16xf32>, vector<16xi32> -> vector<16xf32>
          %get3A_589 = arith.index_cast %add3A_564 : i32 to index
          %get3A_590 = arith.constant 0 : index
          %get3A_591 = tpu.vector_load %arg10[%get3A_589, %get3A_590] {strides = array<i32>} : memref<40x128xf32, #tpu.memory_space<vmem>>, vector<1x16xf32>,
          %get3A_592 = vector.shape_cast %get3A_591 : vector<1x16xf32> to vector<16xf32>
          %mul3A_593 = arith.mulf %get3A_592, %gather3A_588 : vector<16xf32>
          %swap3A_594 = arith.index_cast %add3A_564 : i32 to index
          %swap3A_595 = arith.constant 0 : index
          %swap3A_596 = tpu.vector_load %arg10[%swap3A_594, %swap3A_595] {strides = array<i32>} : memref<40x128xf32, #tpu.memory_space<vmem>>, vector<1x16xf32>,
          %swap3A_597 = vector.shape_cast %swap3A_596 : vector<1x16xf32> to vector<16xf32>
          %swap3A_598 = vector.shape_cast %mul3A_593 : vector<16xf32> to vector<1x16xf32>
          tpu.vector_store %arg10[%swap3A_594, %swap3A_595], %swap3A_598 {strides = array<i32>} : memref<40x128xf32, #tpu.memory_space<vmem>>, vector<1x16xf32>,
          %broadcast_in_dim3A_599 = arith.constant 1 : i32
          %broadcast_in_dim3A_600 = vector.broadcast %broadcast_in_dim3A_599 : i32 to vector<16xi32>
          %broadcast_in_dim3A_601 = vector.shape_cast %broadcast_in_dim3A_600 : vector<16xi32> to vector<16x1xi32>
          %gather3A_602 = vector.shape_cast %broadcast_in_dim3A_601 : vector<16x1xi32> to vector<16xi32>
          %gather3A_603 = tpu.dynamic_gather %exp3A_578[%gather3A_602] in [0] : vector<16xf32>, vector<16xi32> -> vector<16xf32>
          %get3A_604 = arith.index_cast %add3A_564 : i32 to index
          %get3A_605 = arith.constant 16 : index
          %get3A_606 = tpu.vector_load %arg10[%get3A_604, %get3A_605] {strides = array<i32>} : memref<40x128xf32, #tpu.memory_space<vmem>>, vector<1x16xf32>,
          %get3A_607 = vector.shape_cast %get3A_606 : vector<1x16xf32> to vector<16xf32>
          %mul3A_608 = arith.mulf %get3A_607, %gather3A_603 : vector<16xf32>
          %swap3A_609 = arith.index_cast %add3A_564 : i32 to index
          %swap3A_610 = arith.constant 16 : index
          %swap3A_611 = tpu.vector_load %arg10[%swap3A_609, %swap3A_610] {strides = array<i32>} : memref<40x128xf32, #tpu.memory_space<vmem>>, vector<1x16xf32>,
          %swap3A_612 = vector.shape_cast %swap3A_611 : vector<1x16xf32> to vector<16xf32>
          %swap3A_613 = vector.shape_cast %mul3A_608 : vector<16xf32> to vector<1x16xf32>
          tpu.vector_store %arg10[%swap3A_609, %swap3A_610], %swap3A_613 {strides = array<i32>} : memref<40x128xf32, #tpu.memory_space<vmem>>, vector<1x16xf32>,
          %broadcast_in_dim3A_614 = arith.constant 2 : i32
          %broadcast_in_dim3A_615 = vector.broadcast %broadcast_in_dim3A_614 : i32 to vector<16xi32>
          %broadcast_in_dim3A_616 = vector.shape_cast %broadcast_in_dim3A_615 : vector<16xi32> to vector<16x1xi32>
          %gather3A_617 = vector.shape_cast %broadcast_in_dim3A_616 : vector<16x1xi32> to vector<16xi32>
          %gather3A_618 = tpu.dynamic_gather %exp3A_578[%gather3A_617] in [0] : vector<16xf32>, vector<16xi32> -> vector<16xf32>
          %get3A_619 = arith.index_cast %add3A_564 : i32 to index
          %get3A_620 = arith.constant 32 : index
          %get3A_621 = tpu.vector_load %arg10[%get3A_619, %get3A_620] {strides = array<i32>} : memref<40x128xf32, #tpu.memory_space<vmem>>, vector<1x16xf32>,
          %get3A_622 = vector.shape_cast %get3A_621 : vector<1x16xf32> to vector<16xf32>
          %mul3A_623 = arith.mulf %get3A_622, %gather3A_618 : vector<16xf32>
          %swap3A_624 = arith.index_cast %add3A_564 : i32 to index
          %swap3A_625 = arith.constant 32 : index
          %swap3A_626 = tpu.vector_load %arg10[%swap3A_624, %swap3A_625] {strides = array<i32>} : memref<40x128xf32, #tpu.memory_space<vmem>>, vector<1x16xf32>,
          %swap3A_627 = vector.shape_cast %swap3A_626 : vector<1x16xf32> to vector<16xf32>
          %swap3A_628 = vector.shape_cast %mul3A_623 : vector<16xf32> to vector<1x16xf32>
          tpu.vector_store %arg10[%swap3A_624, %swap3A_625], %swap3A_628 {strides = array<i32>} : memref<40x128xf32, #tpu.memory_space<vmem>>, vector<1x16xf32>,
          %broadcast_in_dim3A_629 = arith.constant 3 : i32
          %broadcast_in_dim3A_630 = vector.broadcast %broadcast_in_dim3A_629 : i32 to vector<16xi32>
          %broadcast_in_dim3A_631 = vector.shape_cast %broadcast_in_dim3A_630 : vector<16xi32> to vector<16x1xi32>
          %gather3A_632 = vector.shape_cast %broadcast_in_dim3A_631 : vector<16x1xi32> to vector<16xi32>
          %gather3A_633 = tpu.dynamic_gather %exp3A_578[%gather3A_632] in [0] : vector<16xf32>, vector<16xi32> -> vector<16xf32>
          %get3A_634 = arith.index_cast %add3A_564 : i32 to index
          %get3A_635 = arith.constant 48 : index
          %get3A_636 = tpu.vector_load %arg10[%get3A_634, %get3A_635] {strides = array<i32>} : memref<40x128xf32, #tpu.memory_space<vmem>>, vector<1x16xf32>,
          %get3A_637 = vector.shape_cast %get3A_636 : vector<1x16xf32> to vector<16xf32>
          %mul3A_638 = arith.mulf %get3A_637, %gather3A_633 : vector<16xf32>
          %swap3A_639 = arith.index_cast %add3A_564 : i32 to index
          %swap3A_640 = arith.constant 48 : index
          %swap3A_641 = tpu.vector_load %arg10[%swap3A_639, %swap3A_640] {strides = array<i32>} : memref<40x128xf32, #tpu.memory_space<vmem>>, vector<1x16xf32>,
          %swap3A_642 = vector.shape_cast %swap3A_641 : vector<1x16xf32> to vector<16xf32>
          %swap3A_643 = vector.shape_cast %mul3A_638 : vector<16xf32> to vector<1x16xf32>
          tpu.vector_store %arg10[%swap3A_639, %swap3A_640], %swap3A_643 {strides = array<i32>} : memref<40x128xf32, #tpu.memory_space<vmem>>, vector<1x16xf32>,
          %broadcast_in_dim3A_644 = arith.constant 4 : i32
          %broadcast_in_dim3A_645 = vector.broadcast %broadcast_in_dim3A_644 : i32 to vector<16xi32>
          %broadcast_in_dim3A_646 = vector.shape_cast %broadcast_in_dim3A_645 : vector<16xi32> to vector<16x1xi32>
          %gather3A_647 = vector.shape_cast %broadcast_in_dim3A_646 : vector<16x1xi32> to vector<16xi32>
          %gather3A_648 = tpu.dynamic_gather %exp3A_578[%gather3A_647] in [0] : vector<16xf32>, vector<16xi32> -> vector<16xf32>
          %get3A_649 = arith.index_cast %add3A_564 : i32 to index
          %get3A_650 = arith.constant 64 : index
          %get3A_651 = tpu.vector_load %arg10[%get3A_649, %get3A_650] {strides = array<i32>} : memref<40x128xf32, #tpu.memory_space<vmem>>, vector<1x16xf32>,
          %get3A_652 = vector.shape_cast %get3A_651 : vector<1x16xf32> to vector<16xf32>
          %mul3A_653 = arith.mulf %get3A_652, %gather3A_648 : vector<16xf32>
          %swap3A_654 = arith.index_cast %add3A_564 : i32 to index
          %swap3A_655 = arith.constant 64 : index
          %swap3A_656 = tpu.vector_load %arg10[%swap3A_654, %swap3A_655] {strides = array<i32>} : memref<40x128xf32, #tpu.memory_space<vmem>>, vector<1x16xf32>,
          %swap3A_657 = vector.shape_cast %swap3A_656 : vector<1x16xf32> to vector<16xf32>
          %swap3A_658 = vector.shape_cast %mul3A_653 : vector<16xf32> to vector<1x16xf32>
          tpu.vector_store %arg10[%swap3A_654, %swap3A_655], %swap3A_658 {strides = array<i32>} : memref<40x128xf32, #tpu.memory_space<vmem>>, vector<1x16xf32>,
          %broadcast_in_dim3A_659 = arith.constant 5 : i32
          %broadcast_in_dim3A_660 = vector.broadcast %broadcast_in_dim3A_659 : i32 to vector<16xi32>
          %broadcast_in_dim3A_661 = vector.shape_cast %broadcast_in_dim3A_660 : vector<16xi32> to vector<16x1xi32>
          %gather3A_662 = vector.shape_cast %broadcast_in_dim3A_661 : vector<16x1xi32> to vector<16xi32>
          %gather3A_663 = tpu.dynamic_gather %exp3A_578[%gather3A_662] in [0] : vector<16xf32>, vector<16xi32> -> vector<16xf32>
          %get3A_664 = arith.index_cast %add3A_564 : i32 to index
          %get3A_665 = arith.constant 80 : index
          %get3A_666 = tpu.vector_load %arg10[%get3A_664, %get3A_665] {strides = array<i32>} : memref<40x128xf32, #tpu.memory_space<vmem>>, vector<1x16xf32>,
          %get3A_667 = vector.shape_cast %get3A_666 : vector<1x16xf32> to vector<16xf32>
          %mul3A_668 = arith.mulf %get3A_667, %gather3A_663 : vector<16xf32>
          %swap3A_669 = arith.index_cast %add3A_564 : i32 to index
          %swap3A_670 = arith.constant 80 : index
          %swap3A_671 = tpu.vector_load %arg10[%swap3A_669, %swap3A_670] {strides = array<i32>} : memref<40x128xf32, #tpu.memory_space<vmem>>, vector<1x16xf32>,
          %swap3A_672 = vector.shape_cast %swap3A_671 : vector<1x16xf32> to vector<16xf32>
          %swap3A_673 = vector.shape_cast %mul3A_668 : vector<16xf32> to vector<1x16xf32>
          tpu.vector_store %arg10[%swap3A_669, %swap3A_670], %swap3A_673 {strides = array<i32>} : memref<40x128xf32, #tpu.memory_space<vmem>>, vector<1x16xf32>,
          %broadcast_in_dim3A_674 = arith.constant 6 : i32
          %broadcast_in_dim3A_675 = vector.broadcast %broadcast_in_dim3A_674 : i32 to vector<16xi32>
          %broadcast_in_dim3A_676 = vector.shape_cast %broadcast_in_dim3A_675 : vector<16xi32> to vector<16x1xi32>
          %gather3A_677 = vector.shape_cast %broadcast_in_dim3A_676 : vector<16x1xi32> to vector<16xi32>
          %gather3A_678 = tpu.dynamic_gather %exp3A_578[%gather3A_677] in [0] : vector<16xf32>, vector<16xi32> -> vector<16xf32>
          %get3A_679 = arith.index_cast %add3A_564 : i32 to index
          %get3A_680 = arith.constant 96 : index
          %get3A_681 = tpu.vector_load %arg10[%get3A_679, %get3A_680] {strides = array<i32>} : memref<40x128xf32, #tpu.memory_space<vmem>>, vector<1x16xf32>,
          %get3A_682 = vector.shape_cast %get3A_681 : vector<1x16xf32> to vector<16xf32>
          %mul3A_683 = arith.mulf %get3A_682, %gather3A_678 : vector<16xf32>
          %swap3A_684 = arith.index_cast %add3A_564 : i32 to index
          %swap3A_685 = arith.constant 96 : index
          %swap3A_686 = tpu.vector_load %arg10[%swap3A_684, %swap3A_685] {strides = array<i32>} : memref<40x128xf32, #tpu.memory_space<vmem>>, vector<1x16xf32>,
          %swap3A_687 = vector.shape_cast %swap3A_686 : vector<1x16xf32> to vector<16xf32>
          %swap3A_688 = vector.shape_cast %mul3A_683 : vector<16xf32> to vector<1x16xf32>
          tpu.vector_store %arg10[%swap3A_684, %swap3A_685], %swap3A_688 {strides = array<i32>} : memref<40x128xf32, #tpu.memory_space<vmem>>, vector<1x16xf32>,
          %broadcast_in_dim3A_689 = arith.constant 7 : i32
          %broadcast_in_dim3A_690 = vector.broadcast %broadcast_in_dim3A_689 : i32 to vector<16xi32>
          %broadcast_in_dim3A_691 = vector.shape_cast %broadcast_in_dim3A_690 : vector<16xi32> to vector<16x1xi32>
          %gather3A_692 = vector.shape_cast %broadcast_in_dim3A_691 : vector<16x1xi32> to vector<16xi32>
          %gather3A_693 = tpu.dynamic_gather %exp3A_578[%gather3A_692] in [0] : vector<16xf32>, vector<16xi32> -> vector<16xf32>
          %get3A_694 = arith.index_cast %add3A_564 : i32 to index
          %get3A_695 = arith.constant 112 : index
          %get3A_696 = tpu.vector_load %arg10[%get3A_694, %get3A_695] {strides = array<i32>} : memref<40x128xf32, #tpu.memory_space<vmem>>, vector<1x16xf32>,
          %get3A_697 = vector.shape_cast %get3A_696 : vector<1x16xf32> to vector<16xf32>
          %mul3A_698 = arith.mulf %get3A_697, %gather3A_693 : vector<16xf32>
          %swap3A_699 = arith.index_cast %add3A_564 : i32 to index
          %swap3A_700 = arith.constant 112 : index
          %swap3A_701 = tpu.vector_load %arg10[%swap3A_699, %swap3A_700] {strides = array<i32>} : memref<40x128xf32, #tpu.memory_space<vmem>>, vector<1x16xf32>,
          %swap3A_702 = vector.shape_cast %swap3A_701 : vector<1x16xf32> to vector<16xf32>
          %swap3A_703 = vector.shape_cast %mul3A_698 : vector<16xf32> to vector<1x16xf32>
          tpu.vector_store %arg10[%swap3A_699, %swap3A_700], %swap3A_703 {strides = array<i32>} : memref<40x128xf32, #tpu.memory_space<vmem>>, vector<1x16xf32>,
        }
        %scan3A_115 = arith.constant 10 : i32
        %dma_start3A_116 = arith.constant 0 : i32
        %dma_start3A_117 = arith.constant 0 : i32
        %dma_start3A_118 = tpu.memref_slice %arg25[%dma_start3A_116, %dma_start3A_117] : memref<10112x128xf32, #tpu.memory_space<vmem_shared>> -> memref<10112x128xf32, #tpu.memory_space<vmem_shared>>
        tpu.enqueue_indirect_dma source(%arg10 : memref<40x128xf32, #tpu.memory_space<vmem>>) target(%dma_start3A_118 : memref<10112x128xf32, #tpu.memory_space<vmem_shared>>) offsets(%arg22 : memref<40xi32, #tpu.memory_space<vmem>>) semaphore(%arg33 : memref<!tpu.dma_semaphore, #tpu.memory_space<semaphore_mem>>) {add = true}
        %dma_start3A_119 = arith.constant 0 : i32
        %dma_start3A_120 = arith.constant 0 : i32
        %dma_start3A_121 = tpu.memref_slice %arg26[%dma_start3A_119, %dma_start3A_120] : memref<10112x16xf32, #tpu.memory_space<vmem_shared>> -> memref<10112x16xf32, #tpu.memory_space<vmem_shared>>
        tpu.enqueue_indirect_dma source(%arg19 : memref<40x16xf32, #tpu.memory_space<vmem>>) target(%dma_start3A_121 : memref<10112x16xf32, #tpu.memory_space<vmem_shared>>) offsets(%arg22 : memref<40xi32, #tpu.memory_space<vmem>>) semaphore(%arg33 : memref<!tpu.dma_semaphore, #tpu.memory_space<semaphore_mem>>) {add = true}
        %ge3A = arith.constant 1 : i32
        %ge3A_122 = arith.cmpi sge, %add3A_80, %ge3A : i32
        %add3A_123 = arith.constant 2 : i32
        %add3A_124 = arith.addi %add3A_80, %add3A_123 : i32
        %lt3A_125 = arith.constant 125 : i32
        %lt3A_126 = arith.cmpi slt, %add3A_124, %lt3A_125 : i32
        %and3A = arith.andi %ge3A_122, %lt3A_126 : i1
        %convert_element_type3A_127 = arith.extui %and3A : i1 to i32
        %cond3A_128 = arith.constant 0 : i32
        %cond3A_129 = arith.cmpi ne, %convert_element_type3A_127, %cond3A_128 : i32
        scf.if %cond3A_129 {
          %dma_wait3A_137 = arith.constant 0 : i32
          %dma_wait3A_138 = arith.constant 0 : i32
          %dma_wait3A_139 = tpu.memref_slice %arg25[%dma_wait3A_137, %dma_wait3A_138] : memref<10112x128xf32, #tpu.memory_space<vmem_shared>> -> memref<10112x128xf32, #tpu.memory_space<vmem_shared>>
          tpu.wait_indirect_dma semaphore(%arg35 : memref<!tpu.dma_semaphore, #tpu.memory_space<semaphore_mem>>) src(%arg12 : memref<40x128xf32, #tpu.memory_space<vmem>>) dst(%dma_wait3A_139 : memref<10112x128xf32, #tpu.memory_space<vmem_shared>>)
          %dma_wait3A_140 = arith.constant 0 : i32
          %dma_wait3A_141 = arith.constant 0 : i32
          %dma_wait3A_142 = tpu.memref_slice %arg26[%dma_wait3A_140, %dma_wait3A_141] : memref<10112x16xf32, #tpu.memory_space<vmem_shared>> -> memref<10112x16xf32, #tpu.memory_space<vmem_shared>>
          tpu.wait_indirect_dma semaphore(%arg35 : memref<!tpu.dma_semaphore, #tpu.memory_space<semaphore_mem>>) src(%arg21 : memref<40x16xf32, #tpu.memory_space<vmem>>) dst(%dma_wait3A_142 : memref<10112x16xf32, #tpu.memory_space<vmem_shared>>)
        } else {
        }
        %add3A_130 = arith.constant 2 : i32
        %add3A_131 = arith.addi %add3A_80, %add3A_130 : i32
        %lt3A_132 = arith.constant 125 : i32
        %lt3A_133 = arith.cmpi slt, %add3A_131, %lt3A_132 : i32
        %convert_element_type3A_134 = arith.extui %lt3A_133 : i1 to i32
        %cond3A_135 = arith.constant 0 : i32
        %cond3A_136 = arith.cmpi ne, %convert_element_type3A_134, %cond3A_135 : i32
        scf.if %cond3A_136 {
          %add3A_137 = arith.constant 2 : i32
          %add3A_138 = arith.addi %add3A_80, %add3A_137 : i32
          %add3A_139 = arith.addi %add3A_6, %add3A_138 : i32
          %mul3A_140 = arith.constant 40 : i32
          %mul3A_141 = arith.muli %add3A_139, %mul3A_140 : i32
          %dma_start3A_142 = tpu.memref_slice %arg4[%mul3A_141] : memref<160000xi32, #tpu.memory_space<hbm>> -> memref<40xi32, #tpu.memory_space<hbm>>
          %dma_start3A_143 = tpu.memref_slice %arg4[%mul3A_141] : memref<160000xi32, #tpu.memory_space<hbm>> -> memref<40xi32, #tpu.memory_space<hbm>>
          tpu.enqueue_dma source(%dma_start3A_143 : memref<40xi32, #tpu.memory_space<hbm>>) target(%arg24 : memref<40xi32, #tpu.memory_space<vmem>>) target_semaphore(%arg29 : memref<!tpu.dma_semaphore, #tpu.memory_space<semaphore_mem>>)
          %dma_start3A_144 = arith.constant 0 : i32
          %dma_start3A_145 = tpu.memref_slice %arg2[%mul3A_141, %dma_start3A_144] : memref<160000x128xf32, #tpu.memory_space<hbm>> -> memref<40x128xf32, #tpu.memory_space<hbm>>
          %dma_start3A_146 = arith.constant 0 : i32
          %dma_start3A_147 = tpu.memref_slice %arg2[%mul3A_141, %dma_start3A_146] : memref<160000x128xf32, #tpu.memory_space<hbm>> -> memref<40x128xf32, #tpu.memory_space<hbm>>
          tpu.enqueue_dma source(%dma_start3A_147 : memref<40x128xf32, #tpu.memory_space<hbm>>) target(%arg12 : memref<40x128xf32, #tpu.memory_space<vmem>>) target_semaphore(%arg29 : memref<!tpu.dma_semaphore, #tpu.memory_space<semaphore_mem>>)
          %dma_start3A_148 = arith.constant 0 : i32
          %dma_start3A_149 = tpu.memref_slice %arg3[%mul3A_141, %dma_start3A_148] : memref<160000x16xf32, #tpu.memory_space<hbm>> -> memref<40x16xf32, #tpu.memory_space<hbm>>
          %dma_start3A_150 = arith.constant 0 : i32
          %dma_start3A_151 = tpu.memref_slice %arg3[%mul3A_141, %dma_start3A_150] : memref<160000x16xf32, #tpu.memory_space<hbm>> -> memref<40x16xf32, #tpu.memory_space<hbm>>
          tpu.enqueue_dma source(%dma_start3A_151 : memref<40x16xf32, #tpu.memory_space<hbm>>) target(%arg15 : memref<40x16xf32, #tpu.memory_space<vmem>>) target_semaphore(%arg29 : memref<!tpu.dma_semaphore, #tpu.memory_space<semaphore_mem>>)
        } else {
        }
      } else {
      }
      %add3A_86 = arith.constant 1 : i32
      %add3A_87 = arith.addi %mul3A_78, %add3A_86 : i32
      %lt3A_88 = arith.constant 125 : i32
      %lt3A_89 = arith.cmpi slt, %add3A_87, %lt3A_88 : i32
      %convert_element_type3A_90 = arith.extui %lt3A_89 : i1 to i32
      %cond3A_91 = arith.constant 0 : i32
      %cond3A_92 = arith.cmpi ne, %convert_element_type3A_90, %cond3A_91 : i32
      scf.if %cond3A_92 {
        %add3A_100 = arith.constant 1 : i32
        %add3A_101 = arith.addi %add3A_87, %add3A_100 : i32
        %lt3A_102 = arith.constant 125 : i32
        %lt3A_103 = arith.cmpi slt, %add3A_101, %lt3A_102 : i32
        %convert_element_type3A_104 = arith.extui %lt3A_103 : i1 to i32
        %cond3A_105 = arith.constant 0 : i32
        %cond3A_106 = arith.cmpi ne, %convert_element_type3A_104, %cond3A_105 : i32
        scf.if %cond3A_106 {
          %add3A_137 = arith.constant 1 : i32
          %add3A_138 = arith.addi %add3A_87, %add3A_137 : i32
          %add3A_139 = arith.addi %add3A_6, %add3A_138 : i32
          %mul3A_140 = arith.constant 40 : i32
          %mul3A_141 = arith.muli %add3A_139, %mul3A_140 : i32
          %dma_wait3A_142 = tpu.memref_slice %arg4[%mul3A_141] : memref<160000xi32, #tpu.memory_space<hbm>> -> memref<40xi32, #tpu.memory_space<hbm>>
          %dma_wait3A_143 = tpu.memref_slice %arg4[%mul3A_141] : memref<160000xi32, #tpu.memory_space<hbm>> -> memref<40xi32, #tpu.memory_space<hbm>>
          tpu.wait_dma2 semaphore(%arg29 : memref<!tpu.dma_semaphore, #tpu.memory_space<semaphore_mem>>) src(%dma_wait3A_143 : memref<40xi32, #tpu.memory_space<hbm>>) dst(%arg24 : memref<40xi32, #tpu.memory_space<vmem>>)
          %dma_wait3A_144 = arith.constant 0 : i32
          %dma_wait3A_145 = tpu.memref_slice %arg2[%mul3A_141, %dma_wait3A_144] : memref<160000x128xf32, #tpu.memory_space<hbm>> -> memref<40x128xf32, #tpu.memory_space<hbm>>
          %dma_wait3A_146 = arith.constant 0 : i32
          %dma_wait3A_147 = tpu.memref_slice %arg2[%mul3A_141, %dma_wait3A_146] : memref<160000x128xf32, #tpu.memory_space<hbm>> -> memref<40x128xf32, #tpu.memory_space<hbm>>
          tpu.wait_dma2 semaphore(%arg29 : memref<!tpu.dma_semaphore, #tpu.memory_space<semaphore_mem>>) src(%dma_wait3A_147 : memref<40x128xf32, #tpu.memory_space<hbm>>) dst(%arg12 : memref<40x128xf32, #tpu.memory_space<vmem>>)
          %dma_wait3A_148 = arith.constant 0 : i32
          %dma_wait3A_149 = tpu.memref_slice %arg3[%mul3A_141, %dma_wait3A_148] : memref<160000x16xf32, #tpu.memory_space<hbm>> -> memref<40x16xf32, #tpu.memory_space<hbm>>
          %dma_wait3A_150 = arith.constant 0 : i32
          %dma_wait3A_151 = tpu.memref_slice %arg3[%mul3A_141, %dma_wait3A_150] : memref<160000x16xf32, #tpu.memory_space<hbm>> -> memref<40x16xf32, #tpu.memory_space<hbm>>
          tpu.wait_dma2 semaphore(%arg29 : memref<!tpu.dma_semaphore, #tpu.memory_space<semaphore_mem>>) src(%dma_wait3A_151 : memref<40x16xf32, #tpu.memory_space<hbm>>) dst(%arg15 : memref<40x16xf32, #tpu.memory_space<vmem>>)
          %dma_start3A_152 = arith.constant 0 : i32
          %dma_start3A_153 = arith.constant 0 : i32
          %dma_start3A_154 = tpu.memref_slice %arg5[%dma_start3A_152, %dma_start3A_153] : memref<10000x16xf32, #tpu.memory_space<hbm>> -> memref<10000x16xf32, #tpu.memory_space<hbm>>
          tpu.enqueue_indirect_dma source(%dma_start3A_154 : memref<10000x16xf32, #tpu.memory_space<hbm>>) target(%arg18 : memref<40x16xf32, #tpu.memory_space<vmem>>) offsets(%arg24 : memref<40xi32, #tpu.memory_space<vmem>>) semaphore(%arg32 : memref<!tpu.dma_semaphore, #tpu.memory_space<semaphore_mem>>)
        } else {
        }
        %dma_wait3A_107 = arith.constant 0 : i32
        %dma_wait3A_108 = arith.constant 0 : i32
        %dma_wait3A_109 = tpu.memref_slice %arg5[%dma_wait3A_107, %dma_wait3A_108] : memref<10000x16xf32, #tpu.memory_space<hbm>> -> memref<10000x16xf32, #tpu.memory_space<hbm>>
        tpu.wait_indirect_dma semaphore(%arg31 : memref<!tpu.dma_semaphore, #tpu.memory_space<semaphore_mem>>) src(%dma_wait3A_109 : memref<10000x16xf32, #tpu.memory_space<hbm>>) dst(%arg17 : memref<40x16xf32, #tpu.memory_space<vmem>>)
        %scan3A_110 = arith.constant 0 : i32
        %scan3A_111 = arith.constant 0 : i32
        %scan3A_112 = arith.constant 10 : i32
        %scan3A_113 = arith.addi %scan3A_111, %scan3A_112 : i32
        %scan3A_114 = arith.constant 1 : i32
        scf.for %scan3A_137 = %scan3A_111 to %scan3A_113 step %scan3A_114  : i32 {
          %mul3A_138 = arith.constant 4 : i32
          %mul3A_139 = arith.muli %scan3A_137, %mul3A_138 : i32
          %add3A_140 = arith.constant 0 : i32
          %add3A_141 = arith.addi %mul3A_139, %add3A_140 : i32
          %get3A = arith.index_cast %add3A_141 : i32 to index
          %get3A_142 = arith.constant 0 : index
          %get3A_143 = tpu.vector_load %arg14[%get3A, %get3A_142] {strides = array<i32>} : memref<40x16xf32, #tpu.memory_space<vmem>>, vector<1x16xf32>,
          %get3A_144 = vector.shape_cast %get3A_143 : vector<1x16xf32> to vector<16xf32>
          %get3A_145 = arith.index_cast %add3A_141 : i32 to index
          %get3A_146 = arith.constant 0 : index
          %get3A_147 = tpu.vector_load %arg17[%get3A_145, %get3A_146] {strides = array<i32>} : memref<40x16xf32, #tpu.memory_space<vmem>>, vector<1x16xf32>,
          %get3A_148 = vector.shape_cast %get3A_147 : vector<1x16xf32> to vector<16xf32>
          %add3A_149 = arith.addf %get3A_144, %get3A_148 : vector<16xf32>
          %mul3A_150 = arith.constant 2.000000e-01 : f32
          %mul3A_151 = vector.broadcast %mul3A_150 : f32 to vector<16xf32>
          %mul3A_152 = arith.mulf %add3A_149, %mul3A_151 : vector<16xf32>
          %max3A = arith.maximumf %add3A_149, %mul3A_152 : vector<16xf32>
          %exp3A = math.exp %max3A : vector<16xf32>
          %swap3A = arith.index_cast %add3A_141 : i32 to index
          %swap3A_153 = arith.constant 0 : index
          %swap3A_154 = tpu.vector_load %arg20[%swap3A, %swap3A_153] {strides = array<i32>} : memref<40x16xf32, #tpu.memory_space<vmem>>, vector<1x16xf32>,
          %swap3A_155 = vector.shape_cast %swap3A_154 : vector<1x16xf32> to vector<16xf32>
          %swap3A_156 = vector.shape_cast %exp3A : vector<16xf32> to vector<1x16xf32>
          tpu.vector_store %arg20[%swap3A, %swap3A_153], %swap3A_156 {strides = array<i32>} : memref<40x16xf32, #tpu.memory_space<vmem>>, vector<1x16xf32>,
          %broadcast_in_dim3A = arith.constant 0 : i32
          %broadcast_in_dim3A_157 = vector.broadcast %broadcast_in_dim3A : i32 to vector<16xi32>
          %broadcast_in_dim3A_158 = vector.shape_cast %broadcast_in_dim3A_157 : vector<16xi32> to vector<16x1xi32>
          %gather3A = vector.shape_cast %broadcast_in_dim3A_158 : vector<16x1xi32> to vector<16xi32>
          %gather3A_159 = tpu.dynamic_gather %exp3A[%gather3A] in [0] : vector<16xf32>, vector<16xi32> -> vector<16xf32>
          %get3A_160 = arith.index_cast %add3A_141 : i32 to index
          %get3A_161 = arith.constant 0 : index
          %get3A_162 = tpu.vector_load %arg11[%get3A_160, %get3A_161] {strides = array<i32>} : memref<40x128xf32, #tpu.memory_space<vmem>>, vector<1x16xf32>,
          %get3A_163 = vector.shape_cast %get3A_162 : vector<1x16xf32> to vector<16xf32>
          %mul3A_164 = arith.mulf %get3A_163, %gather3A_159 : vector<16xf32>
          %swap3A_165 = arith.index_cast %add3A_141 : i32 to index
          %swap3A_166 = arith.constant 0 : index
          %swap3A_167 = tpu.vector_load %arg11[%swap3A_165, %swap3A_166] {strides = array<i32>} : memref<40x128xf32, #tpu.memory_space<vmem>>, vector<1x16xf32>,
          %swap3A_168 = vector.shape_cast %swap3A_167 : vector<1x16xf32> to vector<16xf32>
          %swap3A_169 = vector.shape_cast %mul3A_164 : vector<16xf32> to vector<1x16xf32>
          tpu.vector_store %arg11[%swap3A_165, %swap3A_166], %swap3A_169 {strides = array<i32>} : memref<40x128xf32, #tpu.memory_space<vmem>>, vector<1x16xf32>,
          %broadcast_in_dim3A_170 = arith.constant 1 : i32
          %broadcast_in_dim3A_171 = vector.broadcast %broadcast_in_dim3A_170 : i32 to vector<16xi32>
          %broadcast_in_dim3A_172 = vector.shape_cast %broadcast_in_dim3A_171 : vector<16xi32> to vector<16x1xi32>
          %gather3A_173 = vector.shape_cast %broadcast_in_dim3A_172 : vector<16x1xi32> to vector<16xi32>
          %gather3A_174 = tpu.dynamic_gather %exp3A[%gather3A_173] in [0] : vector<16xf32>, vector<16xi32> -> vector<16xf32>
          %get3A_175 = arith.index_cast %add3A_141 : i32 to index
          %get3A_176 = arith.constant 16 : index
          %get3A_177 = tpu.vector_load %arg11[%get3A_175, %get3A_176] {strides = array<i32>} : memref<40x128xf32, #tpu.memory_space<vmem>>, vector<1x16xf32>,
          %get3A_178 = vector.shape_cast %get3A_177 : vector<1x16xf32> to vector<16xf32>
          %mul3A_179 = arith.mulf %get3A_178, %gather3A_174 : vector<16xf32>
          %swap3A_180 = arith.index_cast %add3A_141 : i32 to index
          %swap3A_181 = arith.constant 16 : index
          %swap3A_182 = tpu.vector_load %arg11[%swap3A_180, %swap3A_181] {strides = array<i32>} : memref<40x128xf32, #tpu.memory_space<vmem>>, vector<1x16xf32>,
          %swap3A_183 = vector.shape_cast %swap3A_182 : vector<1x16xf32> to vector<16xf32>
          %swap3A_184 = vector.shape_cast %mul3A_179 : vector<16xf32> to vector<1x16xf32>
          tpu.vector_store %arg11[%swap3A_180, %swap3A_181], %swap3A_184 {strides = array<i32>} : memref<40x128xf32, #tpu.memory_space<vmem>>, vector<1x16xf32>,
          %broadcast_in_dim3A_185 = arith.constant 2 : i32
          %broadcast_in_dim3A_186 = vector.broadcast %broadcast_in_dim3A_185 : i32 to vector<16xi32>
          %broadcast_in_dim3A_187 = vector.shape_cast %broadcast_in_dim3A_186 : vector<16xi32> to vector<16x1xi32>
          %gather3A_188 = vector.shape_cast %broadcast_in_dim3A_187 : vector<16x1xi32> to vector<16xi32>
          %gather3A_189 = tpu.dynamic_gather %exp3A[%gather3A_188] in [0] : vector<16xf32>, vector<16xi32> -> vector<16xf32>
          %get3A_190 = arith.index_cast %add3A_141 : i32 to index
          %get3A_191 = arith.constant 32 : index
          %get3A_192 = tpu.vector_load %arg11[%get3A_190, %get3A_191] {strides = array<i32>} : memref<40x128xf32, #tpu.memory_space<vmem>>, vector<1x16xf32>,
          %get3A_193 = vector.shape_cast %get3A_192 : vector<1x16xf32> to vector<16xf32>
          %mul3A_194 = arith.mulf %get3A_193, %gather3A_189 : vector<16xf32>
          %swap3A_195 = arith.index_cast %add3A_141 : i32 to index
          %swap3A_196 = arith.constant 32 : index
          %swap3A_197 = tpu.vector_load %arg11[%swap3A_195, %swap3A_196] {strides = array<i32>} : memref<40x128xf32, #tpu.memory_space<vmem>>, vector<1x16xf32>,
          %swap3A_198 = vector.shape_cast %swap3A_197 : vector<1x16xf32> to vector<16xf32>
          %swap3A_199 = vector.shape_cast %mul3A_194 : vector<16xf32> to vector<1x16xf32>
          tpu.vector_store %arg11[%swap3A_195, %swap3A_196], %swap3A_199 {strides = array<i32>} : memref<40x128xf32, #tpu.memory_space<vmem>>, vector<1x16xf32>,
          %broadcast_in_dim3A_200 = arith.constant 3 : i32
          %broadcast_in_dim3A_201 = vector.broadcast %broadcast_in_dim3A_200 : i32 to vector<16xi32>
          %broadcast_in_dim3A_202 = vector.shape_cast %broadcast_in_dim3A_201 : vector<16xi32> to vector<16x1xi32>
          %gather3A_203 = vector.shape_cast %broadcast_in_dim3A_202 : vector<16x1xi32> to vector<16xi32>
          %gather3A_204 = tpu.dynamic_gather %exp3A[%gather3A_203] in [0] : vector<16xf32>, vector<16xi32> -> vector<16xf32>
          %get3A_205 = arith.index_cast %add3A_141 : i32 to index
          %get3A_206 = arith.constant 48 : index
          %get3A_207 = tpu.vector_load %arg11[%get3A_205, %get3A_206] {strides = array<i32>} : memref<40x128xf32, #tpu.memory_space<vmem>>, vector<1x16xf32>,
          %get3A_208 = vector.shape_cast %get3A_207 : vector<1x16xf32> to vector<16xf32>
          %mul3A_209 = arith.mulf %get3A_208, %gather3A_204 : vector<16xf32>
          %swap3A_210 = arith.index_cast %add3A_141 : i32 to index
          %swap3A_211 = arith.constant 48 : index
          %swap3A_212 = tpu.vector_load %arg11[%swap3A_210, %swap3A_211] {strides = array<i32>} : memref<40x128xf32, #tpu.memory_space<vmem>>, vector<1x16xf32>,
          %swap3A_213 = vector.shape_cast %swap3A_212 : vector<1x16xf32> to vector<16xf32>
          %swap3A_214 = vector.shape_cast %mul3A_209 : vector<16xf32> to vector<1x16xf32>
          tpu.vector_store %arg11[%swap3A_210, %swap3A_211], %swap3A_214 {strides = array<i32>} : memref<40x128xf32, #tpu.memory_space<vmem>>, vector<1x16xf32>,
          %broadcast_in_dim3A_215 = arith.constant 4 : i32
          %broadcast_in_dim3A_216 = vector.broadcast %broadcast_in_dim3A_215 : i32 to vector<16xi32>
          %broadcast_in_dim3A_217 = vector.shape_cast %broadcast_in_dim3A_216 : vector<16xi32> to vector<16x1xi32>
          %gather3A_218 = vector.shape_cast %broadcast_in_dim3A_217 : vector<16x1xi32> to vector<16xi32>
          %gather3A_219 = tpu.dynamic_gather %exp3A[%gather3A_218] in [0] : vector<16xf32>, vector<16xi32> -> vector<16xf32>
          %get3A_220 = arith.index_cast %add3A_141 : i32 to index
          %get3A_221 = arith.constant 64 : index
          %get3A_222 = tpu.vector_load %arg11[%get3A_220, %get3A_221] {strides = array<i32>} : memref<40x128xf32, #tpu.memory_space<vmem>>, vector<1x16xf32>,
          %get3A_223 = vector.shape_cast %get3A_222 : vector<1x16xf32> to vector<16xf32>
          %mul3A_224 = arith.mulf %get3A_223, %gather3A_219 : vector<16xf32>
          %swap3A_225 = arith.index_cast %add3A_141 : i32 to index
          %swap3A_226 = arith.constant 64 : index
          %swap3A_227 = tpu.vector_load %arg11[%swap3A_225, %swap3A_226] {strides = array<i32>} : memref<40x128xf32, #tpu.memory_space<vmem>>, vector<1x16xf32>,
          %swap3A_228 = vector.shape_cast %swap3A_227 : vector<1x16xf32> to vector<16xf32>
          %swap3A_229 = vector.shape_cast %mul3A_224 : vector<16xf32> to vector<1x16xf32>
          tpu.vector_store %arg11[%swap3A_225, %swap3A_226], %swap3A_229 {strides = array<i32>} : memref<40x128xf32, #tpu.memory_space<vmem>>, vector<1x16xf32>,
          %broadcast_in_dim3A_230 = arith.constant 5 : i32
          %broadcast_in_dim3A_231 = vector.broadcast %broadcast_in_dim3A_230 : i32 to vector<16xi32>
          %broadcast_in_dim3A_232 = vector.shape_cast %broadcast_in_dim3A_231 : vector<16xi32> to vector<16x1xi32>
          %gather3A_233 = vector.shape_cast %broadcast_in_dim3A_232 : vector<16x1xi32> to vector<16xi32>
          %gather3A_234 = tpu.dynamic_gather %exp3A[%gather3A_233] in [0] : vector<16xf32>, vector<16xi32> -> vector<16xf32>
          %get3A_235 = arith.index_cast %add3A_141 : i32 to index
          %get3A_236 = arith.constant 80 : index
          %get3A_237 = tpu.vector_load %arg11[%get3A_235, %get3A_236] {strides = array<i32>} : memref<40x128xf32, #tpu.memory_space<vmem>>, vector<1x16xf32>,
          %get3A_238 = vector.shape_cast %get3A_237 : vector<1x16xf32> to vector<16xf32>
          %mul3A_239 = arith.mulf %get3A_238, %gather3A_234 : vector<16xf32>
          %swap3A_240 = arith.index_cast %add3A_141 : i32 to index
          %swap3A_241 = arith.constant 80 : index
          %swap3A_242 = tpu.vector_load %arg11[%swap3A_240, %swap3A_241] {strides = array<i32>} : memref<40x128xf32, #tpu.memory_space<vmem>>, vector<1x16xf32>,
          %swap3A_243 = vector.shape_cast %swap3A_242 : vector<1x16xf32> to vector<16xf32>
          %swap3A_244 = vector.shape_cast %mul3A_239 : vector<16xf32> to vector<1x16xf32>
          tpu.vector_store %arg11[%swap3A_240, %swap3A_241], %swap3A_244 {strides = array<i32>} : memref<40x128xf32, #tpu.memory_space<vmem>>, vector<1x16xf32>,
          %broadcast_in_dim3A_245 = arith.constant 6 : i32
          %broadcast_in_dim3A_246 = vector.broadcast %broadcast_in_dim3A_245 : i32 to vector<16xi32>
          %broadcast_in_dim3A_247 = vector.shape_cast %broadcast_in_dim3A_246 : vector<16xi32> to vector<16x1xi32>
          %gather3A_248 = vector.shape_cast %broadcast_in_dim3A_247 : vector<16x1xi32> to vector<16xi32>
          %gather3A_249 = tpu.dynamic_gather %exp3A[%gather3A_248] in [0] : vector<16xf32>, vector<16xi32> -> vector<16xf32>
          %get3A_250 = arith.index_cast %add3A_141 : i32 to index
          %get3A_251 = arith.constant 96 : index
          %get3A_252 = tpu.vector_load %arg11[%get3A_250, %get3A_251] {strides = array<i32>} : memref<40x128xf32, #tpu.memory_space<vmem>>, vector<1x16xf32>,
          %get3A_253 = vector.shape_cast %get3A_252 : vector<1x16xf32> to vector<16xf32>
          %mul3A_254 = arith.mulf %get3A_253, %gather3A_249 : vector<16xf32>
          %swap3A_255 = arith.index_cast %add3A_141 : i32 to index
          %swap3A_256 = arith.constant 96 : index
          %swap3A_257 = tpu.vector_load %arg11[%swap3A_255, %swap3A_256] {strides = array<i32>} : memref<40x128xf32, #tpu.memory_space<vmem>>, vector<1x16xf32>,
          %swap3A_258 = vector.shape_cast %swap3A_257 : vector<1x16xf32> to vector<16xf32>
          %swap3A_259 = vector.shape_cast %mul3A_254 : vector<16xf32> to vector<1x16xf32>
          tpu.vector_store %arg11[%swap3A_255, %swap3A_256], %swap3A_259 {strides = array<i32>} : memref<40x128xf32, #tpu.memory_space<vmem>>, vector<1x16xf32>,
          %broadcast_in_dim3A_260 = arith.constant 7 : i32
          %broadcast_in_dim3A_261 = vector.broadcast %broadcast_in_dim3A_260 : i32 to vector<16xi32>
          %broadcast_in_dim3A_262 = vector.shape_cast %broadcast_in_dim3A_261 : vector<16xi32> to vector<16x1xi32>
          %gather3A_263 = vector.shape_cast %broadcast_in_dim3A_262 : vector<16x1xi32> to vector<16xi32>
          %gather3A_264 = tpu.dynamic_gather %exp3A[%gather3A_263] in [0] : vector<16xf32>, vector<16xi32> -> vector<16xf32>
          %get3A_265 = arith.index_cast %add3A_141 : i32 to index
          %get3A_266 = arith.constant 112 : index
          %get3A_267 = tpu.vector_load %arg11[%get3A_265, %get3A_266] {strides = array<i32>} : memref<40x128xf32, #tpu.memory_space<vmem>>, vector<1x16xf32>,
          %get3A_268 = vector.shape_cast %get3A_267 : vector<1x16xf32> to vector<16xf32>
          %mul3A_269 = arith.mulf %get3A_268, %gather3A_264 : vector<16xf32>
          %swap3A_270 = arith.index_cast %add3A_141 : i32 to index
          %swap3A_271 = arith.constant 112 : index
          %swap3A_272 = tpu.vector_load %arg11[%swap3A_270, %swap3A_271] {strides = array<i32>} : memref<40x128xf32, #tpu.memory_space<vmem>>, vector<1x16xf32>,
          %swap3A_273 = vector.shape_cast %swap3A_272 : vector<1x16xf32> to vector<16xf32>
          %swap3A_274 = vector.shape_cast %mul3A_269 : vector<16xf32> to vector<1x16xf32>
          tpu.vector_store %arg11[%swap3A_270, %swap3A_271], %swap3A_274 {strides = array<i32>} : memref<40x128xf32, #tpu.memory_space<vmem>>, vector<1x16xf32>,
          %mul3A_275 = arith.constant 4 : i32
          %mul3A_276 = arith.muli %scan3A_137, %mul3A_275 : i32
          %add3A_277 = arith.constant 1 : i32
          %add3A_278 = arith.addi %mul3A_276, %add3A_277 : i32
          %get3A_279 = arith.index_cast %add3A_278 : i32 to index
          %get3A_280 = arith.constant 0 : index
          %get3A_281 = tpu.vector_load %arg14[%get3A_279, %get3A_280] {strides = array<i32>} : memref<40x16xf32, #tpu.memory_space<vmem>>, vector<1x16xf32>,
          %get3A_282 = vector.shape_cast %get3A_281 : vector<1x16xf32> to vector<16xf32>
          %get3A_283 = arith.index_cast %add3A_278 : i32 to index
          %get3A_284 = arith.constant 0 : index
          %get3A_285 = tpu.vector_load %arg17[%get3A_283, %get3A_284] {strides = array<i32>} : memref<40x16xf32, #tpu.memory_space<vmem>>, vector<1x16xf32>,
          %get3A_286 = vector.shape_cast %get3A_285 : vector<1x16xf32> to vector<16xf32>
          %add3A_287 = arith.addf %get3A_282, %get3A_286 : vector<16xf32>
          %mul3A_288 = arith.constant 2.000000e-01 : f32
          %mul3A_289 = vector.broadcast %mul3A_288 : f32 to vector<16xf32>
          %mul3A_290 = arith.mulf %add3A_287, %mul3A_289 : vector<16xf32>
          %max3A_291 = arith.maximumf %add3A_287, %mul3A_290 : vector<16xf32>
          %exp3A_292 = math.exp %max3A_291 : vector<16xf32>
          %swap3A_293 = arith.index_cast %add3A_278 : i32 to index
          %swap3A_294 = arith.constant 0 : index
          %swap3A_295 = tpu.vector_load %arg20[%swap3A_293, %swap3A_294] {strides = array<i32>} : memref<40x16xf32, #tpu.memory_space<vmem>>, vector<1x16xf32>,
          %swap3A_296 = vector.shape_cast %swap3A_295 : vector<1x16xf32> to vector<16xf32>
          %swap3A_297 = vector.shape_cast %exp3A_292 : vector<16xf32> to vector<1x16xf32>
          tpu.vector_store %arg20[%swap3A_293, %swap3A_294], %swap3A_297 {strides = array<i32>} : memref<40x16xf32, #tpu.memory_space<vmem>>, vector<1x16xf32>,
          %broadcast_in_dim3A_298 = arith.constant 0 : i32
          %broadcast_in_dim3A_299 = vector.broadcast %broadcast_in_dim3A_298 : i32 to vector<16xi32>
          %broadcast_in_dim3A_300 = vector.shape_cast %broadcast_in_dim3A_299 : vector<16xi32> to vector<16x1xi32>
          %gather3A_301 = vector.shape_cast %broadcast_in_dim3A_300 : vector<16x1xi32> to vector<16xi32>
          %gather3A_302 = tpu.dynamic_gather %exp3A_292[%gather3A_301] in [0] : vector<16xf32>, vector<16xi32> -> vector<16xf32>
          %get3A_303 = arith.index_cast %add3A_278 : i32 to index
          %get3A_304 = arith.constant 0 : index
          %get3A_305 = tpu.vector_load %arg11[%get3A_303, %get3A_304] {strides = array<i32>} : memref<40x128xf32, #tpu.memory_space<vmem>>, vector<1x16xf32>,
          %get3A_306 = vector.shape_cast %get3A_305 : vector<1x16xf32> to vector<16xf32>
          %mul3A_307 = arith.mulf %get3A_306, %gather3A_302 : vector<16xf32>
          %swap3A_308 = arith.index_cast %add3A_278 : i32 to index
          %swap3A_309 = arith.constant 0 : index
          %swap3A_310 = tpu.vector_load %arg11[%swap3A_308, %swap3A_309] {strides = array<i32>} : memref<40x128xf32, #tpu.memory_space<vmem>>, vector<1x16xf32>,
          %swap3A_311 = vector.shape_cast %swap3A_310 : vector<1x16xf32> to vector<16xf32>
          %swap3A_312 = vector.shape_cast %mul3A_307 : vector<16xf32> to vector<1x16xf32>
          tpu.vector_store %arg11[%swap3A_308, %swap3A_309], %swap3A_312 {strides = array<i32>} : memref<40x128xf32, #tpu.memory_space<vmem>>, vector<1x16xf32>,
          %broadcast_in_dim3A_313 = arith.constant 1 : i32
          %broadcast_in_dim3A_314 = vector.broadcast %broadcast_in_dim3A_313 : i32 to vector<16xi32>
          %broadcast_in_dim3A_315 = vector.shape_cast %broadcast_in_dim3A_314 : vector<16xi32> to vector<16x1xi32>
          %gather3A_316 = vector.shape_cast %broadcast_in_dim3A_315 : vector<16x1xi32> to vector<16xi32>
          %gather3A_317 = tpu.dynamic_gather %exp3A_292[%gather3A_316] in [0] : vector<16xf32>, vector<16xi32> -> vector<16xf32>
          %get3A_318 = arith.index_cast %add3A_278 : i32 to index
          %get3A_319 = arith.constant 16 : index
          %get3A_320 = tpu.vector_load %arg11[%get3A_318, %get3A_319] {strides = array<i32>} : memref<40x128xf32, #tpu.memory_space<vmem>>, vector<1x16xf32>,
          %get3A_321 = vector.shape_cast %get3A_320 : vector<1x16xf32> to vector<16xf32>
          %mul3A_322 = arith.mulf %get3A_321, %gather3A_317 : vector<16xf32>
          %swap3A_323 = arith.index_cast %add3A_278 : i32 to index
          %swap3A_324 = arith.constant 16 : index
          %swap3A_325 = tpu.vector_load %arg11[%swap3A_323, %swap3A_324] {strides = array<i32>} : memref<40x128xf32, #tpu.memory_space<vmem>>, vector<1x16xf32>,
          %swap3A_326 = vector.shape_cast %swap3A_325 : vector<1x16xf32> to vector<16xf32>
          %swap3A_327 = vector.shape_cast %mul3A_322 : vector<16xf32> to vector<1x16xf32>
          tpu.vector_store %arg11[%swap3A_323, %swap3A_324], %swap3A_327 {strides = array<i32>} : memref<40x128xf32, #tpu.memory_space<vmem>>, vector<1x16xf32>,
          %broadcast_in_dim3A_328 = arith.constant 2 : i32
          %broadcast_in_dim3A_329 = vector.broadcast %broadcast_in_dim3A_328 : i32 to vector<16xi32>
          %broadcast_in_dim3A_330 = vector.shape_cast %broadcast_in_dim3A_329 : vector<16xi32> to vector<16x1xi32>
          %gather3A_331 = vector.shape_cast %broadcast_in_dim3A_330 : vector<16x1xi32> to vector<16xi32>
          %gather3A_332 = tpu.dynamic_gather %exp3A_292[%gather3A_331] in [0] : vector<16xf32>, vector<16xi32> -> vector<16xf32>
          %get3A_333 = arith.index_cast %add3A_278 : i32 to index
          %get3A_334 = arith.constant 32 : index
          %get3A_335 = tpu.vector_load %arg11[%get3A_333, %get3A_334] {strides = array<i32>} : memref<40x128xf32, #tpu.memory_space<vmem>>, vector<1x16xf32>,
          %get3A_336 = vector.shape_cast %get3A_335 : vector<1x16xf32> to vector<16xf32>
          %mul3A_337 = arith.mulf %get3A_336, %gather3A_332 : vector<16xf32>
          %swap3A_338 = arith.index_cast %add3A_278 : i32 to index
          %swap3A_339 = arith.constant 32 : index
          %swap3A_340 = tpu.vector_load %arg11[%swap3A_338, %swap3A_339] {strides = array<i32>} : memref<40x128xf32, #tpu.memory_space<vmem>>, vector<1x16xf32>,
          %swap3A_341 = vector.shape_cast %swap3A_340 : vector<1x16xf32> to vector<16xf32>
          %swap3A_342 = vector.shape_cast %mul3A_337 : vector<16xf32> to vector<1x16xf32>
          tpu.vector_store %arg11[%swap3A_338, %swap3A_339], %swap3A_342 {strides = array<i32>} : memref<40x128xf32, #tpu.memory_space<vmem>>, vector<1x16xf32>,
          %broadcast_in_dim3A_343 = arith.constant 3 : i32
          %broadcast_in_dim3A_344 = vector.broadcast %broadcast_in_dim3A_343 : i32 to vector<16xi32>
          %broadcast_in_dim3A_345 = vector.shape_cast %broadcast_in_dim3A_344 : vector<16xi32> to vector<16x1xi32>
          %gather3A_346 = vector.shape_cast %broadcast_in_dim3A_345 : vector<16x1xi32> to vector<16xi32>
          %gather3A_347 = tpu.dynamic_gather %exp3A_292[%gather3A_346] in [0] : vector<16xf32>, vector<16xi32> -> vector<16xf32>
          %get3A_348 = arith.index_cast %add3A_278 : i32 to index
          %get3A_349 = arith.constant 48 : index
          %get3A_350 = tpu.vector_load %arg11[%get3A_348, %get3A_349] {strides = array<i32>} : memref<40x128xf32, #tpu.memory_space<vmem>>, vector<1x16xf32>,
          %get3A_351 = vector.shape_cast %get3A_350 : vector<1x16xf32> to vector<16xf32>
          %mul3A_352 = arith.mulf %get3A_351, %gather3A_347 : vector<16xf32>
          %swap3A_353 = arith.index_cast %add3A_278 : i32 to index
          %swap3A_354 = arith.constant 48 : index
          %swap3A_355 = tpu.vector_load %arg11[%swap3A_353, %swap3A_354] {strides = array<i32>} : memref<40x128xf32, #tpu.memory_space<vmem>>, vector<1x16xf32>,
          %swap3A_356 = vector.shape_cast %swap3A_355 : vector<1x16xf32> to vector<16xf32>
          %swap3A_357 = vector.shape_cast %mul3A_352 : vector<16xf32> to vector<1x16xf32>
          tpu.vector_store %arg11[%swap3A_353, %swap3A_354], %swap3A_357 {strides = array<i32>} : memref<40x128xf32, #tpu.memory_space<vmem>>, vector<1x16xf32>,
          %broadcast_in_dim3A_358 = arith.constant 4 : i32
          %broadcast_in_dim3A_359 = vector.broadcast %broadcast_in_dim3A_358 : i32 to vector<16xi32>
          %broadcast_in_dim3A_360 = vector.shape_cast %broadcast_in_dim3A_359 : vector<16xi32> to vector<16x1xi32>
          %gather3A_361 = vector.shape_cast %broadcast_in_dim3A_360 : vector<16x1xi32> to vector<16xi32>
          %gather3A_362 = tpu.dynamic_gather %exp3A_292[%gather3A_361] in [0] : vector<16xf32>, vector<16xi32> -> vector<16xf32>
          %get3A_363 = arith.index_cast %add3A_278 : i32 to index
          %get3A_364 = arith.constant 64 : index
          %get3A_365 = tpu.vector_load %arg11[%get3A_363, %get3A_364] {strides = array<i32>} : memref<40x128xf32, #tpu.memory_space<vmem>>, vector<1x16xf32>,
          %get3A_366 = vector.shape_cast %get3A_365 : vector<1x16xf32> to vector<16xf32>
          %mul3A_367 = arith.mulf %get3A_366, %gather3A_362 : vector<16xf32>
          %swap3A_368 = arith.index_cast %add3A_278 : i32 to index
          %swap3A_369 = arith.constant 64 : index
          %swap3A_370 = tpu.vector_load %arg11[%swap3A_368, %swap3A_369] {strides = array<i32>} : memref<40x128xf32, #tpu.memory_space<vmem>>, vector<1x16xf32>,
          %swap3A_371 = vector.shape_cast %swap3A_370 : vector<1x16xf32> to vector<16xf32>
          %swap3A_372 = vector.shape_cast %mul3A_367 : vector<16xf32> to vector<1x16xf32>
          tpu.vector_store %arg11[%swap3A_368, %swap3A_369], %swap3A_372 {strides = array<i32>} : memref<40x128xf32, #tpu.memory_space<vmem>>, vector<1x16xf32>,
          %broadcast_in_dim3A_373 = arith.constant 5 : i32
          %broadcast_in_dim3A_374 = vector.broadcast %broadcast_in_dim3A_373 : i32 to vector<16xi32>
          %broadcast_in_dim3A_375 = vector.shape_cast %broadcast_in_dim3A_374 : vector<16xi32> to vector<16x1xi32>
          %gather3A_376 = vector.shape_cast %broadcast_in_dim3A_375 : vector<16x1xi32> to vector<16xi32>
          %gather3A_377 = tpu.dynamic_gather %exp3A_292[%gather3A_376] in [0] : vector<16xf32>, vector<16xi32> -> vector<16xf32>
          %get3A_378 = arith.index_cast %add3A_278 : i32 to index
          %get3A_379 = arith.constant 80 : index
          %get3A_380 = tpu.vector_load %arg11[%get3A_378, %get3A_379] {strides = array<i32>} : memref<40x128xf32, #tpu.memory_space<vmem>>, vector<1x16xf32>,
          %get3A_381 = vector.shape_cast %get3A_380 : vector<1x16xf32> to vector<16xf32>
          %mul3A_382 = arith.mulf %get3A_381, %gather3A_377 : vector<16xf32>
          %swap3A_383 = arith.index_cast %add3A_278 : i32 to index
          %swap3A_384 = arith.constant 80 : index
          %swap3A_385 = tpu.vector_load %arg11[%swap3A_383, %swap3A_384] {strides = array<i32>} : memref<40x128xf32, #tpu.memory_space<vmem>>, vector<1x16xf32>,
          %swap3A_386 = vector.shape_cast %swap3A_385 : vector<1x16xf32> to vector<16xf32>
          %swap3A_387 = vector.shape_cast %mul3A_382 : vector<16xf32> to vector<1x16xf32>
          tpu.vector_store %arg11[%swap3A_383, %swap3A_384], %swap3A_387 {strides = array<i32>} : memref<40x128xf32, #tpu.memory_space<vmem>>, vector<1x16xf32>,
          %broadcast_in_dim3A_388 = arith.constant 6 : i32
          %broadcast_in_dim3A_389 = vector.broadcast %broadcast_in_dim3A_388 : i32 to vector<16xi32>
          %broadcast_in_dim3A_390 = vector.shape_cast %broadcast_in_dim3A_389 : vector<16xi32> to vector<16x1xi32>
          %gather3A_391 = vector.shape_cast %broadcast_in_dim3A_390 : vector<16x1xi32> to vector<16xi32>
          %gather3A_392 = tpu.dynamic_gather %exp3A_292[%gather3A_391] in [0] : vector<16xf32>, vector<16xi32> -> vector<16xf32>
          %get3A_393 = arith.index_cast %add3A_278 : i32 to index
          %get3A_394 = arith.constant 96 : index
          %get3A_395 = tpu.vector_load %arg11[%get3A_393, %get3A_394] {strides = array<i32>} : memref<40x128xf32, #tpu.memory_space<vmem>>, vector<1x16xf32>,
          %get3A_396 = vector.shape_cast %get3A_395 : vector<1x16xf32> to vector<16xf32>
          %mul3A_397 = arith.mulf %get3A_396, %gather3A_392 : vector<16xf32>
          %swap3A_398 = arith.index_cast %add3A_278 : i32 to index
          %swap3A_399 = arith.constant 96 : index
          %swap3A_400 = tpu.vector_load %arg11[%swap3A_398, %swap3A_399] {strides = array<i32>} : memref<40x128xf32, #tpu.memory_space<vmem>>, vector<1x16xf32>,
          %swap3A_401 = vector.shape_cast %swap3A_400 : vector<1x16xf32> to vector<16xf32>
          %swap3A_402 = vector.shape_cast %mul3A_397 : vector<16xf32> to vector<1x16xf32>
          tpu.vector_store %arg11[%swap3A_398, %swap3A_399], %swap3A_402 {strides = array<i32>} : memref<40x128xf32, #tpu.memory_space<vmem>>, vector<1x16xf32>,
          %broadcast_in_dim3A_403 = arith.constant 7 : i32
          %broadcast_in_dim3A_404 = vector.broadcast %broadcast_in_dim3A_403 : i32 to vector<16xi32>
          %broadcast_in_dim3A_405 = vector.shape_cast %broadcast_in_dim3A_404 : vector<16xi32> to vector<16x1xi32>
          %gather3A_406 = vector.shape_cast %broadcast_in_dim3A_405 : vector<16x1xi32> to vector<16xi32>
          %gather3A_407 = tpu.dynamic_gather %exp3A_292[%gather3A_406] in [0] : vector<16xf32>, vector<16xi32> -> vector<16xf32>
          %get3A_408 = arith.index_cast %add3A_278 : i32 to index
          %get3A_409 = arith.constant 112 : index
          %get3A_410 = tpu.vector_load %arg11[%get3A_408, %get3A_409] {strides = array<i32>} : memref<40x128xf32, #tpu.memory_space<vmem>>, vector<1x16xf32>,
          %get3A_411 = vector.shape_cast %get3A_410 : vector<1x16xf32> to vector<16xf32>
          %mul3A_412 = arith.mulf %get3A_411, %gather3A_407 : vector<16xf32>
          %swap3A_413 = arith.index_cast %add3A_278 : i32 to index
          %swap3A_414 = arith.constant 112 : index
          %swap3A_415 = tpu.vector_load %arg11[%swap3A_413, %swap3A_414] {strides = array<i32>} : memref<40x128xf32, #tpu.memory_space<vmem>>, vector<1x16xf32>,
          %swap3A_416 = vector.shape_cast %swap3A_415 : vector<1x16xf32> to vector<16xf32>
          %swap3A_417 = vector.shape_cast %mul3A_412 : vector<16xf32> to vector<1x16xf32>
          tpu.vector_store %arg11[%swap3A_413, %swap3A_414], %swap3A_417 {strides = array<i32>} : memref<40x128xf32, #tpu.memory_space<vmem>>, vector<1x16xf32>,
          %mul3A_418 = arith.constant 4 : i32
          %mul3A_419 = arith.muli %scan3A_137, %mul3A_418 : i32
          %add3A_420 = arith.constant 2 : i32
          %add3A_421 = arith.addi %mul3A_419, %add3A_420 : i32
          %get3A_422 = arith.index_cast %add3A_421 : i32 to index
          %get3A_423 = arith.constant 0 : index
          %get3A_424 = tpu.vector_load %arg14[%get3A_422, %get3A_423] {strides = array<i32>} : memref<40x16xf32, #tpu.memory_space<vmem>>, vector<1x16xf32>,
          %get3A_425 = vector.shape_cast %get3A_424 : vector<1x16xf32> to vector<16xf32>
          %get3A_426 = arith.index_cast %add3A_421 : i32 to index
          %get3A_427 = arith.constant 0 : index
          %get3A_428 = tpu.vector_load %arg17[%get3A_426, %get3A_427] {strides = array<i32>} : memref<40x16xf32, #tpu.memory_space<vmem>>, vector<1x16xf32>,
          %get3A_429 = vector.shape_cast %get3A_428 : vector<1x16xf32> to vector<16xf32>
          %add3A_430 = arith.addf %get3A_425, %get3A_429 : vector<16xf32>
          %mul3A_431 = arith.constant 2.000000e-01 : f32
          %mul3A_432 = vector.broadcast %mul3A_431 : f32 to vector<16xf32>
          %mul3A_433 = arith.mulf %add3A_430, %mul3A_432 : vector<16xf32>
          %max3A_434 = arith.maximumf %add3A_430, %mul3A_433 : vector<16xf32>
          %exp3A_435 = math.exp %max3A_434 : vector<16xf32>
          %swap3A_436 = arith.index_cast %add3A_421 : i32 to index
          %swap3A_437 = arith.constant 0 : index
          %swap3A_438 = tpu.vector_load %arg20[%swap3A_436, %swap3A_437] {strides = array<i32>} : memref<40x16xf32, #tpu.memory_space<vmem>>, vector<1x16xf32>,
          %swap3A_439 = vector.shape_cast %swap3A_438 : vector<1x16xf32> to vector<16xf32>
          %swap3A_440 = vector.shape_cast %exp3A_435 : vector<16xf32> to vector<1x16xf32>
          tpu.vector_store %arg20[%swap3A_436, %swap3A_437], %swap3A_440 {strides = array<i32>} : memref<40x16xf32, #tpu.memory_space<vmem>>, vector<1x16xf32>,
          %broadcast_in_dim3A_441 = arith.constant 0 : i32
          %broadcast_in_dim3A_442 = vector.broadcast %broadcast_in_dim3A_441 : i32 to vector<16xi32>
          %broadcast_in_dim3A_443 = vector.shape_cast %broadcast_in_dim3A_442 : vector<16xi32> to vector<16x1xi32>
          %gather3A_444 = vector.shape_cast %broadcast_in_dim3A_443 : vector<16x1xi32> to vector<16xi32>
          %gather3A_445 = tpu.dynamic_gather %exp3A_435[%gather3A_444] in [0] : vector<16xf32>, vector<16xi32> -> vector<16xf32>
          %get3A_446 = arith.index_cast %add3A_421 : i32 to index
          %get3A_447 = arith.constant 0 : index
          %get3A_448 = tpu.vector_load %arg11[%get3A_446, %get3A_447] {strides = array<i32>} : memref<40x128xf32, #tpu.memory_space<vmem>>, vector<1x16xf32>,
          %get3A_449 = vector.shape_cast %get3A_448 : vector<1x16xf32> to vector<16xf32>
          %mul3A_450 = arith.mulf %get3A_449, %gather3A_445 : vector<16xf32>
          %swap3A_451 = arith.index_cast %add3A_421 : i32 to index
          %swap3A_452 = arith.constant 0 : index
          %swap3A_453 = tpu.vector_load %arg11[%swap3A_451, %swap3A_452] {strides = array<i32>} : memref<40x128xf32, #tpu.memory_space<vmem>>, vector<1x16xf32>,
          %swap3A_454 = vector.shape_cast %swap3A_453 : vector<1x16xf32> to vector<16xf32>
          %swap3A_455 = vector.shape_cast %mul3A_450 : vector<16xf32> to vector<1x16xf32>
          tpu.vector_store %arg11[%swap3A_451, %swap3A_452], %swap3A_455 {strides = array<i32>} : memref<40x128xf32, #tpu.memory_space<vmem>>, vector<1x16xf32>,
          %broadcast_in_dim3A_456 = arith.constant 1 : i32
          %broadcast_in_dim3A_457 = vector.broadcast %broadcast_in_dim3A_456 : i32 to vector<16xi32>
          %broadcast_in_dim3A_458 = vector.shape_cast %broadcast_in_dim3A_457 : vector<16xi32> to vector<16x1xi32>
          %gather3A_459 = vector.shape_cast %broadcast_in_dim3A_458 : vector<16x1xi32> to vector<16xi32>
          %gather3A_460 = tpu.dynamic_gather %exp3A_435[%gather3A_459] in [0] : vector<16xf32>, vector<16xi32> -> vector<16xf32>
          %get3A_461 = arith.index_cast %add3A_421 : i32 to index
          %get3A_462 = arith.constant 16 : index
          %get3A_463 = tpu.vector_load %arg11[%get3A_461, %get3A_462] {strides = array<i32>} : memref<40x128xf32, #tpu.memory_space<vmem>>, vector<1x16xf32>,
          %get3A_464 = vector.shape_cast %get3A_463 : vector<1x16xf32> to vector<16xf32>
          %mul3A_465 = arith.mulf %get3A_464, %gather3A_460 : vector<16xf32>
          %swap3A_466 = arith.index_cast %add3A_421 : i32 to index
          %swap3A_467 = arith.constant 16 : index
          %swap3A_468 = tpu.vector_load %arg11[%swap3A_466, %swap3A_467] {strides = array<i32>} : memref<40x128xf32, #tpu.memory_space<vmem>>, vector<1x16xf32>,
          %swap3A_469 = vector.shape_cast %swap3A_468 : vector<1x16xf32> to vector<16xf32>
          %swap3A_470 = vector.shape_cast %mul3A_465 : vector<16xf32> to vector<1x16xf32>
          tpu.vector_store %arg11[%swap3A_466, %swap3A_467], %swap3A_470 {strides = array<i32>} : memref<40x128xf32, #tpu.memory_space<vmem>>, vector<1x16xf32>,
          %broadcast_in_dim3A_471 = arith.constant 2 : i32
          %broadcast_in_dim3A_472 = vector.broadcast %broadcast_in_dim3A_471 : i32 to vector<16xi32>
          %broadcast_in_dim3A_473 = vector.shape_cast %broadcast_in_dim3A_472 : vector<16xi32> to vector<16x1xi32>
          %gather3A_474 = vector.shape_cast %broadcast_in_dim3A_473 : vector<16x1xi32> to vector<16xi32>
          %gather3A_475 = tpu.dynamic_gather %exp3A_435[%gather3A_474] in [0] : vector<16xf32>, vector<16xi32> -> vector<16xf32>
          %get3A_476 = arith.index_cast %add3A_421 : i32 to index
          %get3A_477 = arith.constant 32 : index
          %get3A_478 = tpu.vector_load %arg11[%get3A_476, %get3A_477] {strides = array<i32>} : memref<40x128xf32, #tpu.memory_space<vmem>>, vector<1x16xf32>,
          %get3A_479 = vector.shape_cast %get3A_478 : vector<1x16xf32> to vector<16xf32>
          %mul3A_480 = arith.mulf %get3A_479, %gather3A_475 : vector<16xf32>
          %swap3A_481 = arith.index_cast %add3A_421 : i32 to index
          %swap3A_482 = arith.constant 32 : index
          %swap3A_483 = tpu.vector_load %arg11[%swap3A_481, %swap3A_482] {strides = array<i32>} : memref<40x128xf32, #tpu.memory_space<vmem>>, vector<1x16xf32>,
          %swap3A_484 = vector.shape_cast %swap3A_483 : vector<1x16xf32> to vector<16xf32>
          %swap3A_485 = vector.shape_cast %mul3A_480 : vector<16xf32> to vector<1x16xf32>
          tpu.vector_store %arg11[%swap3A_481, %swap3A_482], %swap3A_485 {strides = array<i32>} : memref<40x128xf32, #tpu.memory_space<vmem>>, vector<1x16xf32>,
          %broadcast_in_dim3A_486 = arith.constant 3 : i32
          %broadcast_in_dim3A_487 = vector.broadcast %broadcast_in_dim3A_486 : i32 to vector<16xi32>
          %broadcast_in_dim3A_488 = vector.shape_cast %broadcast_in_dim3A_487 : vector<16xi32> to vector<16x1xi32>
          %gather3A_489 = vector.shape_cast %broadcast_in_dim3A_488 : vector<16x1xi32> to vector<16xi32>
          %gather3A_490 = tpu.dynamic_gather %exp3A_435[%gather3A_489] in [0] : vector<16xf32>, vector<16xi32> -> vector<16xf32>
          %get3A_491 = arith.index_cast %add3A_421 : i32 to index
          %get3A_492 = arith.constant 48 : index
          %get3A_493 = tpu.vector_load %arg11[%get3A_491, %get3A_492] {strides = array<i32>} : memref<40x128xf32, #tpu.memory_space<vmem>>, vector<1x16xf32>,
          %get3A_494 = vector.shape_cast %get3A_493 : vector<1x16xf32> to vector<16xf32>
          %mul3A_495 = arith.mulf %get3A_494, %gather3A_490 : vector<16xf32>
          %swap3A_496 = arith.index_cast %add3A_421 : i32 to index
          %swap3A_497 = arith.constant 48 : index
          %swap3A_498 = tpu.vector_load %arg11[%swap3A_496, %swap3A_497] {strides = array<i32>} : memref<40x128xf32, #tpu.memory_space<vmem>>, vector<1x16xf32>,
          %swap3A_499 = vector.shape_cast %swap3A_498 : vector<1x16xf32> to vector<16xf32>
          %swap3A_500 = vector.shape_cast %mul3A_495 : vector<16xf32> to vector<1x16xf32>
          tpu.vector_store %arg11[%swap3A_496, %swap3A_497], %swap3A_500 {strides = array<i32>} : memref<40x128xf32, #tpu.memory_space<vmem>>, vector<1x16xf32>,
          %broadcast_in_dim3A_501 = arith.constant 4 : i32
          %broadcast_in_dim3A_502 = vector.broadcast %broadcast_in_dim3A_501 : i32 to vector<16xi32>
          %broadcast_in_dim3A_503 = vector.shape_cast %broadcast_in_dim3A_502 : vector<16xi32> to vector<16x1xi32>
          %gather3A_504 = vector.shape_cast %broadcast_in_dim3A_503 : vector<16x1xi32> to vector<16xi32>
          %gather3A_505 = tpu.dynamic_gather %exp3A_435[%gather3A_504] in [0] : vector<16xf32>, vector<16xi32> -> vector<16xf32>
          %get3A_506 = arith.index_cast %add3A_421 : i32 to index
          %get3A_507 = arith.constant 64 : index
          %get3A_508 = tpu.vector_load %arg11[%get3A_506, %get3A_507] {strides = array<i32>} : memref<40x128xf32, #tpu.memory_space<vmem>>, vector<1x16xf32>,
          %get3A_509 = vector.shape_cast %get3A_508 : vector<1x16xf32> to vector<16xf32>
          %mul3A_510 = arith.mulf %get3A_509, %gather3A_505 : vector<16xf32>
          %swap3A_511 = arith.index_cast %add3A_421 : i32 to index
          %swap3A_512 = arith.constant 64 : index
          %swap3A_513 = tpu.vector_load %arg11[%swap3A_511, %swap3A_512] {strides = array<i32>} : memref<40x128xf32, #tpu.memory_space<vmem>>, vector<1x16xf32>,
          %swap3A_514 = vector.shape_cast %swap3A_513 : vector<1x16xf32> to vector<16xf32>
          %swap3A_515 = vector.shape_cast %mul3A_510 : vector<16xf32> to vector<1x16xf32>
          tpu.vector_store %arg11[%swap3A_511, %swap3A_512], %swap3A_515 {strides = array<i32>} : memref<40x128xf32, #tpu.memory_space<vmem>>, vector<1x16xf32>,
          %broadcast_in_dim3A_516 = arith.constant 5 : i32
          %broadcast_in_dim3A_517 = vector.broadcast %broadcast_in_dim3A_516 : i32 to vector<16xi32>
          %broadcast_in_dim3A_518 = vector.shape_cast %broadcast_in_dim3A_517 : vector<16xi32> to vector<16x1xi32>
          %gather3A_519 = vector.shape_cast %broadcast_in_dim3A_518 : vector<16x1xi32> to vector<16xi32>
          %gather3A_520 = tpu.dynamic_gather %exp3A_435[%gather3A_519] in [0] : vector<16xf32>, vector<16xi32> -> vector<16xf32>
          %get3A_521 = arith.index_cast %add3A_421 : i32 to index
          %get3A_522 = arith.constant 80 : index
          %get3A_523 = tpu.vector_load %arg11[%get3A_521, %get3A_522] {strides = array<i32>} : memref<40x128xf32, #tpu.memory_space<vmem>>, vector<1x16xf32>,
          %get3A_524 = vector.shape_cast %get3A_523 : vector<1x16xf32> to vector<16xf32>
          %mul3A_525 = arith.mulf %get3A_524, %gather3A_520 : vector<16xf32>
          %swap3A_526 = arith.index_cast %add3A_421 : i32 to index
          %swap3A_527 = arith.constant 80 : index
          %swap3A_528 = tpu.vector_load %arg11[%swap3A_526, %swap3A_527] {strides = array<i32>} : memref<40x128xf32, #tpu.memory_space<vmem>>, vector<1x16xf32>,
          %swap3A_529 = vector.shape_cast %swap3A_528 : vector<1x16xf32> to vector<16xf32>
          %swap3A_530 = vector.shape_cast %mul3A_525 : vector<16xf32> to vector<1x16xf32>
          tpu.vector_store %arg11[%swap3A_526, %swap3A_527], %swap3A_530 {strides = array<i32>} : memref<40x128xf32, #tpu.memory_space<vmem>>, vector<1x16xf32>,
          %broadcast_in_dim3A_531 = arith.constant 6 : i32
          %broadcast_in_dim3A_532 = vector.broadcast %broadcast_in_dim3A_531 : i32 to vector<16xi32>
          %broadcast_in_dim3A_533 = vector.shape_cast %broadcast_in_dim3A_532 : vector<16xi32> to vector<16x1xi32>
          %gather3A_534 = vector.shape_cast %broadcast_in_dim3A_533 : vector<16x1xi32> to vector<16xi32>
          %gather3A_535 = tpu.dynamic_gather %exp3A_435[%gather3A_534] in [0] : vector<16xf32>, vector<16xi32> -> vector<16xf32>
          %get3A_536 = arith.index_cast %add3A_421 : i32 to index
          %get3A_537 = arith.constant 96 : index
          %get3A_538 = tpu.vector_load %arg11[%get3A_536, %get3A_537] {strides = array<i32>} : memref<40x128xf32, #tpu.memory_space<vmem>>, vector<1x16xf32>,
          %get3A_539 = vector.shape_cast %get3A_538 : vector<1x16xf32> to vector<16xf32>
          %mul3A_540 = arith.mulf %get3A_539, %gather3A_535 : vector<16xf32>
          %swap3A_541 = arith.index_cast %add3A_421 : i32 to index
          %swap3A_542 = arith.constant 96 : index
          %swap3A_543 = tpu.vector_load %arg11[%swap3A_541, %swap3A_542] {strides = array<i32>} : memref<40x128xf32, #tpu.memory_space<vmem>>, vector<1x16xf32>,
          %swap3A_544 = vector.shape_cast %swap3A_543 : vector<1x16xf32> to vector<16xf32>
          %swap3A_545 = vector.shape_cast %mul3A_540 : vector<16xf32> to vector<1x16xf32>
          tpu.vector_store %arg11[%swap3A_541, %swap3A_542], %swap3A_545 {strides = array<i32>} : memref<40x128xf32, #tpu.memory_space<vmem>>, vector<1x16xf32>,
          %broadcast_in_dim3A_546 = arith.constant 7 : i32
          %broadcast_in_dim3A_547 = vector.broadcast %broadcast_in_dim3A_546 : i32 to vector<16xi32>
          %broadcast_in_dim3A_548 = vector.shape_cast %broadcast_in_dim3A_547 : vector<16xi32> to vector<16x1xi32>
          %gather3A_549 = vector.shape_cast %broadcast_in_dim3A_548 : vector<16x1xi32> to vector<16xi32>
          %gather3A_550 = tpu.dynamic_gather %exp3A_435[%gather3A_549] in [0] : vector<16xf32>, vector<16xi32> -> vector<16xf32>
          %get3A_551 = arith.index_cast %add3A_421 : i32 to index
          %get3A_552 = arith.constant 112 : index
          %get3A_553 = tpu.vector_load %arg11[%get3A_551, %get3A_552] {strides = array<i32>} : memref<40x128xf32, #tpu.memory_space<vmem>>, vector<1x16xf32>,
          %get3A_554 = vector.shape_cast %get3A_553 : vector<1x16xf32> to vector<16xf32>
          %mul3A_555 = arith.mulf %get3A_554, %gather3A_550 : vector<16xf32>
          %swap3A_556 = arith.index_cast %add3A_421 : i32 to index
          %swap3A_557 = arith.constant 112 : index
          %swap3A_558 = tpu.vector_load %arg11[%swap3A_556, %swap3A_557] {strides = array<i32>} : memref<40x128xf32, #tpu.memory_space<vmem>>, vector<1x16xf32>,
          %swap3A_559 = vector.shape_cast %swap3A_558 : vector<1x16xf32> to vector<16xf32>
          %swap3A_560 = vector.shape_cast %mul3A_555 : vector<16xf32> to vector<1x16xf32>
          tpu.vector_store %arg11[%swap3A_556, %swap3A_557], %swap3A_560 {strides = array<i32>} : memref<40x128xf32, #tpu.memory_space<vmem>>, vector<1x16xf32>,
          %mul3A_561 = arith.constant 4 : i32
          %mul3A_562 = arith.muli %scan3A_137, %mul3A_561 : i32
          %add3A_563 = arith.constant 3 : i32
          %add3A_564 = arith.addi %mul3A_562, %add3A_563 : i32
          %get3A_565 = arith.index_cast %add3A_564 : i32 to index
          %get3A_566 = arith.constant 0 : index
          %get3A_567 = tpu.vector_load %arg14[%get3A_565, %get3A_566] {strides = array<i32>} : memref<40x16xf32, #tpu.memory_space<vmem>>, vector<1x16xf32>,
          %get3A_568 = vector.shape_cast %get3A_567 : vector<1x16xf32> to vector<16xf32>
          %get3A_569 = arith.index_cast %add3A_564 : i32 to index
          %get3A_570 = arith.constant 0 : index
          %get3A_571 = tpu.vector_load %arg17[%get3A_569, %get3A_570] {strides = array<i32>} : memref<40x16xf32, #tpu.memory_space<vmem>>, vector<1x16xf32>,
          %get3A_572 = vector.shape_cast %get3A_571 : vector<1x16xf32> to vector<16xf32>
          %add3A_573 = arith.addf %get3A_568, %get3A_572 : vector<16xf32>
          %mul3A_574 = arith.constant 2.000000e-01 : f32
          %mul3A_575 = vector.broadcast %mul3A_574 : f32 to vector<16xf32>
          %mul3A_576 = arith.mulf %add3A_573, %mul3A_575 : vector<16xf32>
          %max3A_577 = arith.maximumf %add3A_573, %mul3A_576 : vector<16xf32>
          %exp3A_578 = math.exp %max3A_577 : vector<16xf32>
          %swap3A_579 = arith.index_cast %add3A_564 : i32 to index
          %swap3A_580 = arith.constant 0 : index
          %swap3A_581 = tpu.vector_load %arg20[%swap3A_579, %swap3A_580] {strides = array<i32>} : memref<40x16xf32, #tpu.memory_space<vmem>>, vector<1x16xf32>,
          %swap3A_582 = vector.shape_cast %swap3A_581 : vector<1x16xf32> to vector<16xf32>
          %swap3A_583 = vector.shape_cast %exp3A_578 : vector<16xf32> to vector<1x16xf32>
          tpu.vector_store %arg20[%swap3A_579, %swap3A_580], %swap3A_583 {strides = array<i32>} : memref<40x16xf32, #tpu.memory_space<vmem>>, vector<1x16xf32>,
          %broadcast_in_dim3A_584 = arith.constant 0 : i32
          %broadcast_in_dim3A_585 = vector.broadcast %broadcast_in_dim3A_584 : i32 to vector<16xi32>
          %broadcast_in_dim3A_586 = vector.shape_cast %broadcast_in_dim3A_585 : vector<16xi32> to vector<16x1xi32>
          %gather3A_587 = vector.shape_cast %broadcast_in_dim3A_586 : vector<16x1xi32> to vector<16xi32>
          %gather3A_588 = tpu.dynamic_gather %exp3A_578[%gather3A_587] in [0] : vector<16xf32>, vector<16xi32> -> vector<16xf32>
          %get3A_589 = arith.index_cast %add3A_564 : i32 to index
          %get3A_590 = arith.constant 0 : index
          %get3A_591 = tpu.vector_load %arg11[%get3A_589, %get3A_590] {strides = array<i32>} : memref<40x128xf32, #tpu.memory_space<vmem>>, vector<1x16xf32>,
          %get3A_592 = vector.shape_cast %get3A_591 : vector<1x16xf32> to vector<16xf32>
          %mul3A_593 = arith.mulf %get3A_592, %gather3A_588 : vector<16xf32>
          %swap3A_594 = arith.index_cast %add3A_564 : i32 to index
          %swap3A_595 = arith.constant 0 : index
          %swap3A_596 = tpu.vector_load %arg11[%swap3A_594, %swap3A_595] {strides = array<i32>} : memref<40x128xf32, #tpu.memory_space<vmem>>, vector<1x16xf32>,
          %swap3A_597 = vector.shape_cast %swap3A_596 : vector<1x16xf32> to vector<16xf32>
          %swap3A_598 = vector.shape_cast %mul3A_593 : vector<16xf32> to vector<1x16xf32>
          tpu.vector_store %arg11[%swap3A_594, %swap3A_595], %swap3A_598 {strides = array<i32>} : memref<40x128xf32, #tpu.memory_space<vmem>>, vector<1x16xf32>,
          %broadcast_in_dim3A_599 = arith.constant 1 : i32
          %broadcast_in_dim3A_600 = vector.broadcast %broadcast_in_dim3A_599 : i32 to vector<16xi32>
          %broadcast_in_dim3A_601 = vector.shape_cast %broadcast_in_dim3A_600 : vector<16xi32> to vector<16x1xi32>
          %gather3A_602 = vector.shape_cast %broadcast_in_dim3A_601 : vector<16x1xi32> to vector<16xi32>
          %gather3A_603 = tpu.dynamic_gather %exp3A_578[%gather3A_602] in [0] : vector<16xf32>, vector<16xi32> -> vector<16xf32>
          %get3A_604 = arith.index_cast %add3A_564 : i32 to index
          %get3A_605 = arith.constant 16 : index
          %get3A_606 = tpu.vector_load %arg11[%get3A_604, %get3A_605] {strides = array<i32>} : memref<40x128xf32, #tpu.memory_space<vmem>>, vector<1x16xf32>,
          %get3A_607 = vector.shape_cast %get3A_606 : vector<1x16xf32> to vector<16xf32>
          %mul3A_608 = arith.mulf %get3A_607, %gather3A_603 : vector<16xf32>
          %swap3A_609 = arith.index_cast %add3A_564 : i32 to index
          %swap3A_610 = arith.constant 16 : index
          %swap3A_611 = tpu.vector_load %arg11[%swap3A_609, %swap3A_610] {strides = array<i32>} : memref<40x128xf32, #tpu.memory_space<vmem>>, vector<1x16xf32>,
          %swap3A_612 = vector.shape_cast %swap3A_611 : vector<1x16xf32> to vector<16xf32>
          %swap3A_613 = vector.shape_cast %mul3A_608 : vector<16xf32> to vector<1x16xf32>
          tpu.vector_store %arg11[%swap3A_609, %swap3A_610], %swap3A_613 {strides = array<i32>} : memref<40x128xf32, #tpu.memory_space<vmem>>, vector<1x16xf32>,
          %broadcast_in_dim3A_614 = arith.constant 2 : i32
          %broadcast_in_dim3A_615 = vector.broadcast %broadcast_in_dim3A_614 : i32 to vector<16xi32>
          %broadcast_in_dim3A_616 = vector.shape_cast %broadcast_in_dim3A_615 : vector<16xi32> to vector<16x1xi32>
          %gather3A_617 = vector.shape_cast %broadcast_in_dim3A_616 : vector<16x1xi32> to vector<16xi32>
          %gather3A_618 = tpu.dynamic_gather %exp3A_578[%gather3A_617] in [0] : vector<16xf32>, vector<16xi32> -> vector<16xf32>
          %get3A_619 = arith.index_cast %add3A_564 : i32 to index
          %get3A_620 = arith.constant 32 : index
          %get3A_621 = tpu.vector_load %arg11[%get3A_619, %get3A_620] {strides = array<i32>} : memref<40x128xf32, #tpu.memory_space<vmem>>, vector<1x16xf32>,
          %get3A_622 = vector.shape_cast %get3A_621 : vector<1x16xf32> to vector<16xf32>
          %mul3A_623 = arith.mulf %get3A_622, %gather3A_618 : vector<16xf32>
          %swap3A_624 = arith.index_cast %add3A_564 : i32 to index
          %swap3A_625 = arith.constant 32 : index
          %swap3A_626 = tpu.vector_load %arg11[%swap3A_624, %swap3A_625] {strides = array<i32>} : memref<40x128xf32, #tpu.memory_space<vmem>>, vector<1x16xf32>,
          %swap3A_627 = vector.shape_cast %swap3A_626 : vector<1x16xf32> to vector<16xf32>
          %swap3A_628 = vector.shape_cast %mul3A_623 : vector<16xf32> to vector<1x16xf32>
          tpu.vector_store %arg11[%swap3A_624, %swap3A_625], %swap3A_628 {strides = array<i32>} : memref<40x128xf32, #tpu.memory_space<vmem>>, vector<1x16xf32>,
          %broadcast_in_dim3A_629 = arith.constant 3 : i32
          %broadcast_in_dim3A_630 = vector.broadcast %broadcast_in_dim3A_629 : i32 to vector<16xi32>
          %broadcast_in_dim3A_631 = vector.shape_cast %broadcast_in_dim3A_630 : vector<16xi32> to vector<16x1xi32>
          %gather3A_632 = vector.shape_cast %broadcast_in_dim3A_631 : vector<16x1xi32> to vector<16xi32>
          %gather3A_633 = tpu.dynamic_gather %exp3A_578[%gather3A_632] in [0] : vector<16xf32>, vector<16xi32> -> vector<16xf32>
          %get3A_634 = arith.index_cast %add3A_564 : i32 to index
          %get3A_635 = arith.constant 48 : index
          %get3A_636 = tpu.vector_load %arg11[%get3A_634, %get3A_635] {strides = array<i32>} : memref<40x128xf32, #tpu.memory_space<vmem>>, vector<1x16xf32>,
          %get3A_637 = vector.shape_cast %get3A_636 : vector<1x16xf32> to vector<16xf32>
          %mul3A_638 = arith.mulf %get3A_637, %gather3A_633 : vector<16xf32>
          %swap3A_639 = arith.index_cast %add3A_564 : i32 to index
          %swap3A_640 = arith.constant 48 : index
          %swap3A_641 = tpu.vector_load %arg11[%swap3A_639, %swap3A_640] {strides = array<i32>} : memref<40x128xf32, #tpu.memory_space<vmem>>, vector<1x16xf32>,
          %swap3A_642 = vector.shape_cast %swap3A_641 : vector<1x16xf32> to vector<16xf32>
          %swap3A_643 = vector.shape_cast %mul3A_638 : vector<16xf32> to vector<1x16xf32>
          tpu.vector_store %arg11[%swap3A_639, %swap3A_640], %swap3A_643 {strides = array<i32>} : memref<40x128xf32, #tpu.memory_space<vmem>>, vector<1x16xf32>,
          %broadcast_in_dim3A_644 = arith.constant 4 : i32
          %broadcast_in_dim3A_645 = vector.broadcast %broadcast_in_dim3A_644 : i32 to vector<16xi32>
          %broadcast_in_dim3A_646 = vector.shape_cast %broadcast_in_dim3A_645 : vector<16xi32> to vector<16x1xi32>
          %gather3A_647 = vector.shape_cast %broadcast_in_dim3A_646 : vector<16x1xi32> to vector<16xi32>
          %gather3A_648 = tpu.dynamic_gather %exp3A_578[%gather3A_647] in [0] : vector<16xf32>, vector<16xi32> -> vector<16xf32>
          %get3A_649 = arith.index_cast %add3A_564 : i32 to index
          %get3A_650 = arith.constant 64 : index
          %get3A_651 = tpu.vector_load %arg11[%get3A_649, %get3A_650] {strides = array<i32>} : memref<40x128xf32, #tpu.memory_space<vmem>>, vector<1x16xf32>,
          %get3A_652 = vector.shape_cast %get3A_651 : vector<1x16xf32> to vector<16xf32>
          %mul3A_653 = arith.mulf %get3A_652, %gather3A_648 : vector<16xf32>
          %swap3A_654 = arith.index_cast %add3A_564 : i32 to index
          %swap3A_655 = arith.constant 64 : index
          %swap3A_656 = tpu.vector_load %arg11[%swap3A_654, %swap3A_655] {strides = array<i32>} : memref<40x128xf32, #tpu.memory_space<vmem>>, vector<1x16xf32>,
          %swap3A_657 = vector.shape_cast %swap3A_656 : vector<1x16xf32> to vector<16xf32>
          %swap3A_658 = vector.shape_cast %mul3A_653 : vector<16xf32> to vector<1x16xf32>
          tpu.vector_store %arg11[%swap3A_654, %swap3A_655], %swap3A_658 {strides = array<i32>} : memref<40x128xf32, #tpu.memory_space<vmem>>, vector<1x16xf32>,
          %broadcast_in_dim3A_659 = arith.constant 5 : i32
          %broadcast_in_dim3A_660 = vector.broadcast %broadcast_in_dim3A_659 : i32 to vector<16xi32>
          %broadcast_in_dim3A_661 = vector.shape_cast %broadcast_in_dim3A_660 : vector<16xi32> to vector<16x1xi32>
          %gather3A_662 = vector.shape_cast %broadcast_in_dim3A_661 : vector<16x1xi32> to vector<16xi32>
          %gather3A_663 = tpu.dynamic_gather %exp3A_578[%gather3A_662] in [0] : vector<16xf32>, vector<16xi32> -> vector<16xf32>
          %get3A_664 = arith.index_cast %add3A_564 : i32 to index
          %get3A_665 = arith.constant 80 : index
          %get3A_666 = tpu.vector_load %arg11[%get3A_664, %get3A_665] {strides = array<i32>} : memref<40x128xf32, #tpu.memory_space<vmem>>, vector<1x16xf32>,
          %get3A_667 = vector.shape_cast %get3A_666 : vector<1x16xf32> to vector<16xf32>
          %mul3A_668 = arith.mulf %get3A_667, %gather3A_663 : vector<16xf32>
          %swap3A_669 = arith.index_cast %add3A_564 : i32 to index
          %swap3A_670 = arith.constant 80 : index
          %swap3A_671 = tpu.vector_load %arg11[%swap3A_669, %swap3A_670] {strides = array<i32>} : memref<40x128xf32, #tpu.memory_space<vmem>>, vector<1x16xf32>,
          %swap3A_672 = vector.shape_cast %swap3A_671 : vector<1x16xf32> to vector<16xf32>
          %swap3A_673 = vector.shape_cast %mul3A_668 : vector<16xf32> to vector<1x16xf32>
          tpu.vector_store %arg11[%swap3A_669, %swap3A_670], %swap3A_673 {strides = array<i32>} : memref<40x128xf32, #tpu.memory_space<vmem>>, vector<1x16xf32>,
          %broadcast_in_dim3A_674 = arith.constant 6 : i32
          %broadcast_in_dim3A_675 = vector.broadcast %broadcast_in_dim3A_674 : i32 to vector<16xi32>
          %broadcast_in_dim3A_676 = vector.shape_cast %broadcast_in_dim3A_675 : vector<16xi32> to vector<16x1xi32>
          %gather3A_677 = vector.shape_cast %broadcast_in_dim3A_676 : vector<16x1xi32> to vector<16xi32>
          %gather3A_678 = tpu.dynamic_gather %exp3A_578[%gather3A_677] in [0] : vector<16xf32>, vector<16xi32> -> vector<16xf32>
          %get3A_679 = arith.index_cast %add3A_564 : i32 to index
          %get3A_680 = arith.constant 96 : index
          %get3A_681 = tpu.vector_load %arg11[%get3A_679, %get3A_680] {strides = array<i32>} : memref<40x128xf32, #tpu.memory_space<vmem>>, vector<1x16xf32>,
          %get3A_682 = vector.shape_cast %get3A_681 : vector<1x16xf32> to vector<16xf32>
          %mul3A_683 = arith.mulf %get3A_682, %gather3A_678 : vector<16xf32>
          %swap3A_684 = arith.index_cast %add3A_564 : i32 to index
          %swap3A_685 = arith.constant 96 : index
          %swap3A_686 = tpu.vector_load %arg11[%swap3A_684, %swap3A_685] {strides = array<i32>} : memref<40x128xf32, #tpu.memory_space<vmem>>, vector<1x16xf32>,
          %swap3A_687 = vector.shape_cast %swap3A_686 : vector<1x16xf32> to vector<16xf32>
          %swap3A_688 = vector.shape_cast %mul3A_683 : vector<16xf32> to vector<1x16xf32>
          tpu.vector_store %arg11[%swap3A_684, %swap3A_685], %swap3A_688 {strides = array<i32>} : memref<40x128xf32, #tpu.memory_space<vmem>>, vector<1x16xf32>,
          %broadcast_in_dim3A_689 = arith.constant 7 : i32
          %broadcast_in_dim3A_690 = vector.broadcast %broadcast_in_dim3A_689 : i32 to vector<16xi32>
          %broadcast_in_dim3A_691 = vector.shape_cast %broadcast_in_dim3A_690 : vector<16xi32> to vector<16x1xi32>
          %gather3A_692 = vector.shape_cast %broadcast_in_dim3A_691 : vector<16x1xi32> to vector<16xi32>
          %gather3A_693 = tpu.dynamic_gather %exp3A_578[%gather3A_692] in [0] : vector<16xf32>, vector<16xi32> -> vector<16xf32>
          %get3A_694 = arith.index_cast %add3A_564 : i32 to index
          %get3A_695 = arith.constant 112 : index
          %get3A_696 = tpu.vector_load %arg11[%get3A_694, %get3A_695] {strides = array<i32>} : memref<40x128xf32, #tpu.memory_space<vmem>>, vector<1x16xf32>,
          %get3A_697 = vector.shape_cast %get3A_696 : vector<1x16xf32> to vector<16xf32>
          %mul3A_698 = arith.mulf %get3A_697, %gather3A_693 : vector<16xf32>
          %swap3A_699 = arith.index_cast %add3A_564 : i32 to index
          %swap3A_700 = arith.constant 112 : index
          %swap3A_701 = tpu.vector_load %arg11[%swap3A_699, %swap3A_700] {strides = array<i32>} : memref<40x128xf32, #tpu.memory_space<vmem>>, vector<1x16xf32>,
          %swap3A_702 = vector.shape_cast %swap3A_701 : vector<1x16xf32> to vector<16xf32>
          %swap3A_703 = vector.shape_cast %mul3A_698 : vector<16xf32> to vector<1x16xf32>
          tpu.vector_store %arg11[%swap3A_699, %swap3A_700], %swap3A_703 {strides = array<i32>} : memref<40x128xf32, #tpu.memory_space<vmem>>, vector<1x16xf32>,
        }
        %scan3A_115 = arith.constant 10 : i32
        %dma_start3A_116 = arith.constant 0 : i32
        %dma_start3A_117 = arith.constant 0 : i32
        %dma_start3A_118 = tpu.memref_slice %arg25[%dma_start3A_116, %dma_start3A_117] : memref<10112x128xf32, #tpu.memory_space<vmem_shared>> -> memref<10112x128xf32, #tpu.memory_space<vmem_shared>>
        tpu.enqueue_indirect_dma source(%arg11 : memref<40x128xf32, #tpu.memory_space<vmem>>) target(%dma_start3A_118 : memref<10112x128xf32, #tpu.memory_space<vmem_shared>>) offsets(%arg23 : memref<40xi32, #tpu.memory_space<vmem>>) semaphore(%arg34 : memref<!tpu.dma_semaphore, #tpu.memory_space<semaphore_mem>>) {add = true}
        %dma_start3A_119 = arith.constant 0 : i32
        %dma_start3A_120 = arith.constant 0 : i32
        %dma_start3A_121 = tpu.memref_slice %arg26[%dma_start3A_119, %dma_start3A_120] : memref<10112x16xf32, #tpu.memory_space<vmem_shared>> -> memref<10112x16xf32, #tpu.memory_space<vmem_shared>>
        tpu.enqueue_indirect_dma source(%arg20 : memref<40x16xf32, #tpu.memory_space<vmem>>) target(%dma_start3A_121 : memref<10112x16xf32, #tpu.memory_space<vmem_shared>>) offsets(%arg23 : memref<40xi32, #tpu.memory_space<vmem>>) semaphore(%arg34 : memref<!tpu.dma_semaphore, #tpu.memory_space<semaphore_mem>>) {add = true}
        %ge3A = arith.constant 1 : i32
        %ge3A_122 = arith.cmpi sge, %add3A_87, %ge3A : i32
        %add3A_123 = arith.constant 2 : i32
        %add3A_124 = arith.addi %add3A_87, %add3A_123 : i32
        %lt3A_125 = arith.constant 125 : i32
        %lt3A_126 = arith.cmpi slt, %add3A_124, %lt3A_125 : i32
        %and3A = arith.andi %ge3A_122, %lt3A_126 : i1
        %convert_element_type3A_127 = arith.extui %and3A : i1 to i32
        %cond3A_128 = arith.constant 0 : i32
        %cond3A_129 = arith.cmpi ne, %convert_element_type3A_127, %cond3A_128 : i32
        scf.if %cond3A_129 {
          %dma_wait3A_137 = arith.constant 0 : i32
          %dma_wait3A_138 = arith.constant 0 : i32
          %dma_wait3A_139 = tpu.memref_slice %arg25[%dma_wait3A_137, %dma_wait3A_138] : memref<10112x128xf32, #tpu.memory_space<vmem_shared>> -> memref<10112x128xf32, #tpu.memory_space<vmem_shared>>
          tpu.wait_indirect_dma semaphore(%arg33 : memref<!tpu.dma_semaphore, #tpu.memory_space<semaphore_mem>>) src(%arg10 : memref<40x128xf32, #tpu.memory_space<vmem>>) dst(%dma_wait3A_139 : memref<10112x128xf32, #tpu.memory_space<vmem_shared>>)
          %dma_wait3A_140 = arith.constant 0 : i32
          %dma_wait3A_141 = arith.constant 0 : i32
          %dma_wait3A_142 = tpu.memref_slice %arg26[%dma_wait3A_140, %dma_wait3A_141] : memref<10112x16xf32, #tpu.memory_space<vmem_shared>> -> memref<10112x16xf32, #tpu.memory_space<vmem_shared>>
          tpu.wait_indirect_dma semaphore(%arg33 : memref<!tpu.dma_semaphore, #tpu.memory_space<semaphore_mem>>) src(%arg19 : memref<40x16xf32, #tpu.memory_space<vmem>>) dst(%dma_wait3A_142 : memref<10112x16xf32, #tpu.memory_space<vmem_shared>>)
        } else {
        }
        %add3A_130 = arith.constant 2 : i32
        %add3A_131 = arith.addi %add3A_87, %add3A_130 : i32
        %lt3A_132 = arith.constant 125 : i32
        %lt3A_133 = arith.cmpi slt, %add3A_131, %lt3A_132 : i32
        %convert_element_type3A_134 = arith.extui %lt3A_133 : i1 to i32
        %cond3A_135 = arith.constant 0 : i32
        %cond3A_136 = arith.cmpi ne, %convert_element_type3A_134, %cond3A_135 : i32
        scf.if %cond3A_136 {
          %add3A_137 = arith.constant 2 : i32
          %add3A_138 = arith.addi %add3A_87, %add3A_137 : i32
          %add3A_139 = arith.addi %add3A_6, %add3A_138 : i32
          %mul3A_140 = arith.constant 40 : i32
          %mul3A_141 = arith.muli %add3A_139, %mul3A_140 : i32
          %dma_start3A_142 = tpu.memref_slice %arg4[%mul3A_141] : memref<160000xi32, #tpu.memory_space<hbm>> -> memref<40xi32, #tpu.memory_space<hbm>>
          %dma_start3A_143 = tpu.memref_slice %arg4[%mul3A_141] : memref<160000xi32, #tpu.memory_space<hbm>> -> memref<40xi32, #tpu.memory_space<hbm>>
          tpu.enqueue_dma source(%dma_start3A_143 : memref<40xi32, #tpu.memory_space<hbm>>) target(%arg22 : memref<40xi32, #tpu.memory_space<vmem>>) target_semaphore(%arg27 : memref<!tpu.dma_semaphore, #tpu.memory_space<semaphore_mem>>)
          %dma_start3A_144 = arith.constant 0 : i32
          %dma_start3A_145 = tpu.memref_slice %arg2[%mul3A_141, %dma_start3A_144] : memref<160000x128xf32, #tpu.memory_space<hbm>> -> memref<40x128xf32, #tpu.memory_space<hbm>>
          %dma_start3A_146 = arith.constant 0 : i32
          %dma_start3A_147 = tpu.memref_slice %arg2[%mul3A_141, %dma_start3A_146] : memref<160000x128xf32, #tpu.memory_space<hbm>> -> memref<40x128xf32, #tpu.memory_space<hbm>>
          tpu.enqueue_dma source(%dma_start3A_147 : memref<40x128xf32, #tpu.memory_space<hbm>>) target(%arg10 : memref<40x128xf32, #tpu.memory_space<vmem>>) target_semaphore(%arg27 : memref<!tpu.dma_semaphore, #tpu.memory_space<semaphore_mem>>)
          %dma_start3A_148 = arith.constant 0 : i32
          %dma_start3A_149 = tpu.memref_slice %arg3[%mul3A_141, %dma_start3A_148] : memref<160000x16xf32, #tpu.memory_space<hbm>> -> memref<40x16xf32, #tpu.memory_space<hbm>>
          %dma_start3A_150 = arith.constant 0 : i32
          %dma_start3A_151 = tpu.memref_slice %arg3[%mul3A_141, %dma_start3A_150] : memref<160000x16xf32, #tpu.memory_space<hbm>> -> memref<40x16xf32, #tpu.memory_space<hbm>>
          tpu.enqueue_dma source(%dma_start3A_151 : memref<40x16xf32, #tpu.memory_space<hbm>>) target(%arg13 : memref<40x16xf32, #tpu.memory_space<vmem>>) target_semaphore(%arg27 : memref<!tpu.dma_semaphore, #tpu.memory_space<semaphore_mem>>)
        } else {
        }
      } else {
      }
      %add3A_93 = arith.constant 2 : i32
      %add3A_94 = arith.addi %mul3A_78, %add3A_93 : i32
      %lt3A_95 = arith.constant 125 : i32
      %lt3A_96 = arith.cmpi slt, %add3A_94, %lt3A_95 : i32
      %convert_element_type3A_97 = arith.extui %lt3A_96 : i1 to i32
      %cond3A_98 = arith.constant 0 : i32
      %cond3A_99 = arith.cmpi ne, %convert_element_type3A_97, %cond3A_98 : i32
      scf.if %cond3A_99 {
        %add3A_100 = arith.constant 1 : i32
        %add3A_101 = arith.addi %add3A_94, %add3A_100 : i32
        %lt3A_102 = arith.constant 125 : i32
        %lt3A_103 = arith.cmpi slt, %add3A_101, %lt3A_102 : i32
        %convert_element_type3A_104 = arith.extui %lt3A_103 : i1 to i32
        %cond3A_105 = arith.constant 0 : i32
        %cond3A_106 = arith.cmpi ne, %convert_element_type3A_104, %cond3A_105 : i32
        scf.if %cond3A_106 {
          %add3A_137 = arith.constant 1 : i32
          %add3A_138 = arith.addi %add3A_94, %add3A_137 : i32
          %add3A_139 = arith.addi %add3A_6, %add3A_138 : i32
          %mul3A_140 = arith.constant 40 : i32
          %mul3A_141 = arith.muli %add3A_139, %mul3A_140 : i32
          %dma_wait3A_142 = tpu.memref_slice %arg4[%mul3A_141] : memref<160000xi32, #tpu.memory_space<hbm>> -> memref<40xi32, #tpu.memory_space<hbm>>
          %dma_wait3A_143 = tpu.memref_slice %arg4[%mul3A_141] : memref<160000xi32, #tpu.memory_space<hbm>> -> memref<40xi32, #tpu.memory_space<hbm>>
          tpu.wait_dma2 semaphore(%arg27 : memref<!tpu.dma_semaphore, #tpu.memory_space<semaphore_mem>>) src(%dma_wait3A_143 : memref<40xi32, #tpu.memory_space<hbm>>) dst(%arg22 : memref<40xi32, #tpu.memory_space<vmem>>)
          %dma_wait3A_144 = arith.constant 0 : i32
          %dma_wait3A_145 = tpu.memref_slice %arg2[%mul3A_141, %dma_wait3A_144] : memref<160000x128xf32, #tpu.memory_space<hbm>> -> memref<40x128xf32, #tpu.memory_space<hbm>>
          %dma_wait3A_146 = arith.constant 0 : i32
          %dma_wait3A_147 = tpu.memref_slice %arg2[%mul3A_141, %dma_wait3A_146] : memref<160000x128xf32, #tpu.memory_space<hbm>> -> memref<40x128xf32, #tpu.memory_space<hbm>>
          tpu.wait_dma2 semaphore(%arg27 : memref<!tpu.dma_semaphore, #tpu.memory_space<semaphore_mem>>) src(%dma_wait3A_147 : memref<40x128xf32, #tpu.memory_space<hbm>>) dst(%arg10 : memref<40x128xf32, #tpu.memory_space<vmem>>)
          %dma_wait3A_148 = arith.constant 0 : i32
          %dma_wait3A_149 = tpu.memref_slice %arg3[%mul3A_141, %dma_wait3A_148] : memref<160000x16xf32, #tpu.memory_space<hbm>> -> memref<40x16xf32, #tpu.memory_space<hbm>>
          %dma_wait3A_150 = arith.constant 0 : i32
          %dma_wait3A_151 = tpu.memref_slice %arg3[%mul3A_141, %dma_wait3A_150] : memref<160000x16xf32, #tpu.memory_space<hbm>> -> memref<40x16xf32, #tpu.memory_space<hbm>>
          tpu.wait_dma2 semaphore(%arg27 : memref<!tpu.dma_semaphore, #tpu.memory_space<semaphore_mem>>) src(%dma_wait3A_151 : memref<40x16xf32, #tpu.memory_space<hbm>>) dst(%arg13 : memref<40x16xf32, #tpu.memory_space<vmem>>)
          %dma_start3A_152 = arith.constant 0 : i32
          %dma_start3A_153 = arith.constant 0 : i32
          %dma_start3A_154 = tpu.memref_slice %arg5[%dma_start3A_152, %dma_start3A_153] : memref<10000x16xf32, #tpu.memory_space<hbm>> -> memref<10000x16xf32, #tpu.memory_space<hbm>>
          tpu.enqueue_indirect_dma source(%dma_start3A_154 : memref<10000x16xf32, #tpu.memory_space<hbm>>) target(%arg16 : memref<40x16xf32, #tpu.memory_space<vmem>>) offsets(%arg22 : memref<40xi32, #tpu.memory_space<vmem>>) semaphore(%arg30 : memref<!tpu.dma_semaphore, #tpu.memory_space<semaphore_mem>>)
        } else {
        }
        %dma_wait3A_107 = arith.constant 0 : i32
        %dma_wait3A_108 = arith.constant 0 : i32
        %dma_wait3A_109 = tpu.memref_slice %arg5[%dma_wait3A_107, %dma_wait3A_108] : memref<10000x16xf32, #tpu.memory_space<hbm>> -> memref<10000x16xf32, #tpu.memory_space<hbm>>
        tpu.wait_indirect_dma semaphore(%arg32 : memref<!tpu.dma_semaphore, #tpu.memory_space<semaphore_mem>>) src(%dma_wait3A_109 : memref<10000x16xf32, #tpu.memory_space<hbm>>) dst(%arg18 : memref<40x16xf32, #tpu.memory_space<vmem>>)
        %scan3A_110 = arith.constant 0 : i32
        %scan3A_111 = arith.constant 0 : i32
        %scan3A_112 = arith.constant 10 : i32
        %scan3A_113 = arith.addi %scan3A_111, %scan3A_112 : i32
        %scan3A_114 = arith.constant 1 : i32
        scf.for %scan3A_137 = %scan3A_111 to %scan3A_113 step %scan3A_114  : i32 {
          %mul3A_138 = arith.constant 4 : i32
          %mul3A_139 = arith.muli %scan3A_137, %mul3A_138 : i32
          %add3A_140 = arith.constant 0 : i32
          %add3A_141 = arith.addi %mul3A_139, %add3A_140 : i32
          %get3A = arith.index_cast %add3A_141 : i32 to index
          %get3A_142 = arith.constant 0 : index
          %get3A_143 = tpu.vector_load %arg15[%get3A, %get3A_142] {strides = array<i32>} : memref<40x16xf32, #tpu.memory_space<vmem>>, vector<1x16xf32>,
          %get3A_144 = vector.shape_cast %get3A_143 : vector<1x16xf32> to vector<16xf32>
          %get3A_145 = arith.index_cast %add3A_141 : i32 to index
          %get3A_146 = arith.constant 0 : index
          %get3A_147 = tpu.vector_load %arg18[%get3A_145, %get3A_146] {strides = array<i32>} : memref<40x16xf32, #tpu.memory_space<vmem>>, vector<1x16xf32>,
          %get3A_148 = vector.shape_cast %get3A_147 : vector<1x16xf32> to vector<16xf32>
          %add3A_149 = arith.addf %get3A_144, %get3A_148 : vector<16xf32>
          %mul3A_150 = arith.constant 2.000000e-01 : f32
          %mul3A_151 = vector.broadcast %mul3A_150 : f32 to vector<16xf32>
          %mul3A_152 = arith.mulf %add3A_149, %mul3A_151 : vector<16xf32>
          %max3A = arith.maximumf %add3A_149, %mul3A_152 : vector<16xf32>
          %exp3A = math.exp %max3A : vector<16xf32>
          %swap3A = arith.index_cast %add3A_141 : i32 to index
          %swap3A_153 = arith.constant 0 : index
          %swap3A_154 = tpu.vector_load %arg21[%swap3A, %swap3A_153] {strides = array<i32>} : memref<40x16xf32, #tpu.memory_space<vmem>>, vector<1x16xf32>,
          %swap3A_155 = vector.shape_cast %swap3A_154 : vector<1x16xf32> to vector<16xf32>
          %swap3A_156 = vector.shape_cast %exp3A : vector<16xf32> to vector<1x16xf32>
          tpu.vector_store %arg21[%swap3A, %swap3A_153], %swap3A_156 {strides = array<i32>} : memref<40x16xf32, #tpu.memory_space<vmem>>, vector<1x16xf32>,
          %broadcast_in_dim3A = arith.constant 0 : i32
          %broadcast_in_dim3A_157 = vector.broadcast %broadcast_in_dim3A : i32 to vector<16xi32>
          %broadcast_in_dim3A_158 = vector.shape_cast %broadcast_in_dim3A_157 : vector<16xi32> to vector<16x1xi32>
          %gather3A = vector.shape_cast %broadcast_in_dim3A_158 : vector<16x1xi32> to vector<16xi32>
          %gather3A_159 = tpu.dynamic_gather %exp3A[%gather3A] in [0] : vector<16xf32>, vector<16xi32> -> vector<16xf32>
          %get3A_160 = arith.index_cast %add3A_141 : i32 to index
          %get3A_161 = arith.constant 0 : index
          %get3A_162 = tpu.vector_load %arg12[%get3A_160, %get3A_161] {strides = array<i32>} : memref<40x128xf32, #tpu.memory_space<vmem>>, vector<1x16xf32>,
          %get3A_163 = vector.shape_cast %get3A_162 : vector<1x16xf32> to vector<16xf32>
          %mul3A_164 = arith.mulf %get3A_163, %gather3A_159 : vector<16xf32>
          %swap3A_165 = arith.index_cast %add3A_141 : i32 to index
          %swap3A_166 = arith.constant 0 : index
          %swap3A_167 = tpu.vector_load %arg12[%swap3A_165, %swap3A_166] {strides = array<i32>} : memref<40x128xf32, #tpu.memory_space<vmem>>, vector<1x16xf32>,
          %swap3A_168 = vector.shape_cast %swap3A_167 : vector<1x16xf32> to vector<16xf32>
          %swap3A_169 = vector.shape_cast %mul3A_164 : vector<16xf32> to vector<1x16xf32>
          tpu.vector_store %arg12[%swap3A_165, %swap3A_166], %swap3A_169 {strides = array<i32>} : memref<40x128xf32, #tpu.memory_space<vmem>>, vector<1x16xf32>,
          %broadcast_in_dim3A_170 = arith.constant 1 : i32
          %broadcast_in_dim3A_171 = vector.broadcast %broadcast_in_dim3A_170 : i32 to vector<16xi32>
          %broadcast_in_dim3A_172 = vector.shape_cast %broadcast_in_dim3A_171 : vector<16xi32> to vector<16x1xi32>
          %gather3A_173 = vector.shape_cast %broadcast_in_dim3A_172 : vector<16x1xi32> to vector<16xi32>
          %gather3A_174 = tpu.dynamic_gather %exp3A[%gather3A_173] in [0] : vector<16xf32>, vector<16xi32> -> vector<16xf32>
          %get3A_175 = arith.index_cast %add3A_141 : i32 to index
          %get3A_176 = arith.constant 16 : index
          %get3A_177 = tpu.vector_load %arg12[%get3A_175, %get3A_176] {strides = array<i32>} : memref<40x128xf32, #tpu.memory_space<vmem>>, vector<1x16xf32>,
          %get3A_178 = vector.shape_cast %get3A_177 : vector<1x16xf32> to vector<16xf32>
          %mul3A_179 = arith.mulf %get3A_178, %gather3A_174 : vector<16xf32>
          %swap3A_180 = arith.index_cast %add3A_141 : i32 to index
          %swap3A_181 = arith.constant 16 : index
          %swap3A_182 = tpu.vector_load %arg12[%swap3A_180, %swap3A_181] {strides = array<i32>} : memref<40x128xf32, #tpu.memory_space<vmem>>, vector<1x16xf32>,
          %swap3A_183 = vector.shape_cast %swap3A_182 : vector<1x16xf32> to vector<16xf32>
          %swap3A_184 = vector.shape_cast %mul3A_179 : vector<16xf32> to vector<1x16xf32>
          tpu.vector_store %arg12[%swap3A_180, %swap3A_181], %swap3A_184 {strides = array<i32>} : memref<40x128xf32, #tpu.memory_space<vmem>>, vector<1x16xf32>,
          %broadcast_in_dim3A_185 = arith.constant 2 : i32
          %broadcast_in_dim3A_186 = vector.broadcast %broadcast_in_dim3A_185 : i32 to vector<16xi32>
          %broadcast_in_dim3A_187 = vector.shape_cast %broadcast_in_dim3A_186 : vector<16xi32> to vector<16x1xi32>
          %gather3A_188 = vector.shape_cast %broadcast_in_dim3A_187 : vector<16x1xi32> to vector<16xi32>
          %gather3A_189 = tpu.dynamic_gather %exp3A[%gather3A_188] in [0] : vector<16xf32>, vector<16xi32> -> vector<16xf32>
          %get3A_190 = arith.index_cast %add3A_141 : i32 to index
          %get3A_191 = arith.constant 32 : index
          %get3A_192 = tpu.vector_load %arg12[%get3A_190, %get3A_191] {strides = array<i32>} : memref<40x128xf32, #tpu.memory_space<vmem>>, vector<1x16xf32>,
          %get3A_193 = vector.shape_cast %get3A_192 : vector<1x16xf32> to vector<16xf32>
          %mul3A_194 = arith.mulf %get3A_193, %gather3A_189 : vector<16xf32>
          %swap3A_195 = arith.index_cast %add3A_141 : i32 to index
          %swap3A_196 = arith.constant 32 : index
          %swap3A_197 = tpu.vector_load %arg12[%swap3A_195, %swap3A_196] {strides = array<i32>} : memref<40x128xf32, #tpu.memory_space<vmem>>, vector<1x16xf32>,
          %swap3A_198 = vector.shape_cast %swap3A_197 : vector<1x16xf32> to vector<16xf32>
          %swap3A_199 = vector.shape_cast %mul3A_194 : vector<16xf32> to vector<1x16xf32>
          tpu.vector_store %arg12[%swap3A_195, %swap3A_196], %swap3A_199 {strides = array<i32>} : memref<40x128xf32, #tpu.memory_space<vmem>>, vector<1x16xf32>,
          %broadcast_in_dim3A_200 = arith.constant 3 : i32
          %broadcast_in_dim3A_201 = vector.broadcast %broadcast_in_dim3A_200 : i32 to vector<16xi32>
          %broadcast_in_dim3A_202 = vector.shape_cast %broadcast_in_dim3A_201 : vector<16xi32> to vector<16x1xi32>
          %gather3A_203 = vector.shape_cast %broadcast_in_dim3A_202 : vector<16x1xi32> to vector<16xi32>
          %gather3A_204 = tpu.dynamic_gather %exp3A[%gather3A_203] in [0] : vector<16xf32>, vector<16xi32> -> vector<16xf32>
          %get3A_205 = arith.index_cast %add3A_141 : i32 to index
          %get3A_206 = arith.constant 48 : index
          %get3A_207 = tpu.vector_load %arg12[%get3A_205, %get3A_206] {strides = array<i32>} : memref<40x128xf32, #tpu.memory_space<vmem>>, vector<1x16xf32>,
          %get3A_208 = vector.shape_cast %get3A_207 : vector<1x16xf32> to vector<16xf32>
          %mul3A_209 = arith.mulf %get3A_208, %gather3A_204 : vector<16xf32>
          %swap3A_210 = arith.index_cast %add3A_141 : i32 to index
          %swap3A_211 = arith.constant 48 : index
          %swap3A_212 = tpu.vector_load %arg12[%swap3A_210, %swap3A_211] {strides = array<i32>} : memref<40x128xf32, #tpu.memory_space<vmem>>, vector<1x16xf32>,
          %swap3A_213 = vector.shape_cast %swap3A_212 : vector<1x16xf32> to vector<16xf32>
          %swap3A_214 = vector.shape_cast %mul3A_209 : vector<16xf32> to vector<1x16xf32>
          tpu.vector_store %arg12[%swap3A_210, %swap3A_211], %swap3A_214 {strides = array<i32>} : memref<40x128xf32, #tpu.memory_space<vmem>>, vector<1x16xf32>,
          %broadcast_in_dim3A_215 = arith.constant 4 : i32
          %broadcast_in_dim3A_216 = vector.broadcast %broadcast_in_dim3A_215 : i32 to vector<16xi32>
          %broadcast_in_dim3A_217 = vector.shape_cast %broadcast_in_dim3A_216 : vector<16xi32> to vector<16x1xi32>
          %gather3A_218 = vector.shape_cast %broadcast_in_dim3A_217 : vector<16x1xi32> to vector<16xi32>
          %gather3A_219 = tpu.dynamic_gather %exp3A[%gather3A_218] in [0] : vector<16xf32>, vector<16xi32> -> vector<16xf32>
          %get3A_220 = arith.index_cast %add3A_141 : i32 to index
          %get3A_221 = arith.constant 64 : index
          %get3A_222 = tpu.vector_load %arg12[%get3A_220, %get3A_221] {strides = array<i32>} : memref<40x128xf32, #tpu.memory_space<vmem>>, vector<1x16xf32>,
          %get3A_223 = vector.shape_cast %get3A_222 : vector<1x16xf32> to vector<16xf32>
          %mul3A_224 = arith.mulf %get3A_223, %gather3A_219 : vector<16xf32>
          %swap3A_225 = arith.index_cast %add3A_141 : i32 to index
          %swap3A_226 = arith.constant 64 : index
          %swap3A_227 = tpu.vector_load %arg12[%swap3A_225, %swap3A_226] {strides = array<i32>} : memref<40x128xf32, #tpu.memory_space<vmem>>, vector<1x16xf32>,
          %swap3A_228 = vector.shape_cast %swap3A_227 : vector<1x16xf32> to vector<16xf32>
          %swap3A_229 = vector.shape_cast %mul3A_224 : vector<16xf32> to vector<1x16xf32>
          tpu.vector_store %arg12[%swap3A_225, %swap3A_226], %swap3A_229 {strides = array<i32>} : memref<40x128xf32, #tpu.memory_space<vmem>>, vector<1x16xf32>,
          %broadcast_in_dim3A_230 = arith.constant 5 : i32
          %broadcast_in_dim3A_231 = vector.broadcast %broadcast_in_dim3A_230 : i32 to vector<16xi32>
          %broadcast_in_dim3A_232 = vector.shape_cast %broadcast_in_dim3A_231 : vector<16xi32> to vector<16x1xi32>
          %gather3A_233 = vector.shape_cast %broadcast_in_dim3A_232 : vector<16x1xi32> to vector<16xi32>
          %gather3A_234 = tpu.dynamic_gather %exp3A[%gather3A_233] in [0] : vector<16xf32>, vector<16xi32> -> vector<16xf32>
          %get3A_235 = arith.index_cast %add3A_141 : i32 to index
          %get3A_236 = arith.constant 80 : index
          %get3A_237 = tpu.vector_load %arg12[%get3A_235, %get3A_236] {strides = array<i32>} : memref<40x128xf32, #tpu.memory_space<vmem>>, vector<1x16xf32>,
          %get3A_238 = vector.shape_cast %get3A_237 : vector<1x16xf32> to vector<16xf32>
          %mul3A_239 = arith.mulf %get3A_238, %gather3A_234 : vector<16xf32>
          %swap3A_240 = arith.index_cast %add3A_141 : i32 to index
          %swap3A_241 = arith.constant 80 : index
          %swap3A_242 = tpu.vector_load %arg12[%swap3A_240, %swap3A_241] {strides = array<i32>} : memref<40x128xf32, #tpu.memory_space<vmem>>, vector<1x16xf32>,
          %swap3A_243 = vector.shape_cast %swap3A_242 : vector<1x16xf32> to vector<16xf32>
          %swap3A_244 = vector.shape_cast %mul3A_239 : vector<16xf32> to vector<1x16xf32>
          tpu.vector_store %arg12[%swap3A_240, %swap3A_241], %swap3A_244 {strides = array<i32>} : memref<40x128xf32, #tpu.memory_space<vmem>>, vector<1x16xf32>,
          %broadcast_in_dim3A_245 = arith.constant 6 : i32
          %broadcast_in_dim3A_246 = vector.broadcast %broadcast_in_dim3A_245 : i32 to vector<16xi32>
          %broadcast_in_dim3A_247 = vector.shape_cast %broadcast_in_dim3A_246 : vector<16xi32> to vector<16x1xi32>
          %gather3A_248 = vector.shape_cast %broadcast_in_dim3A_247 : vector<16x1xi32> to vector<16xi32>
          %gather3A_249 = tpu.dynamic_gather %exp3A[%gather3A_248] in [0] : vector<16xf32>, vector<16xi32> -> vector<16xf32>
          %get3A_250 = arith.index_cast %add3A_141 : i32 to index
          %get3A_251 = arith.constant 96 : index
          %get3A_252 = tpu.vector_load %arg12[%get3A_250, %get3A_251] {strides = array<i32>} : memref<40x128xf32, #tpu.memory_space<vmem>>, vector<1x16xf32>,
          %get3A_253 = vector.shape_cast %get3A_252 : vector<1x16xf32> to vector<16xf32>
          %mul3A_254 = arith.mulf %get3A_253, %gather3A_249 : vector<16xf32>
          %swap3A_255 = arith.index_cast %add3A_141 : i32 to index
          %swap3A_256 = arith.constant 96 : index
          %swap3A_257 = tpu.vector_load %arg12[%swap3A_255, %swap3A_256] {strides = array<i32>} : memref<40x128xf32, #tpu.memory_space<vmem>>, vector<1x16xf32>,
          %swap3A_258 = vector.shape_cast %swap3A_257 : vector<1x16xf32> to vector<16xf32>
          %swap3A_259 = vector.shape_cast %mul3A_254 : vector<16xf32> to vector<1x16xf32>
          tpu.vector_store %arg12[%swap3A_255, %swap3A_256], %swap3A_259 {strides = array<i32>} : memref<40x128xf32, #tpu.memory_space<vmem>>, vector<1x16xf32>,
          %broadcast_in_dim3A_260 = arith.constant 7 : i32
          %broadcast_in_dim3A_261 = vector.broadcast %broadcast_in_dim3A_260 : i32 to vector<16xi32>
          %broadcast_in_dim3A_262 = vector.shape_cast %broadcast_in_dim3A_261 : vector<16xi32> to vector<16x1xi32>
          %gather3A_263 = vector.shape_cast %broadcast_in_dim3A_262 : vector<16x1xi32> to vector<16xi32>
          %gather3A_264 = tpu.dynamic_gather %exp3A[%gather3A_263] in [0] : vector<16xf32>, vector<16xi32> -> vector<16xf32>
          %get3A_265 = arith.index_cast %add3A_141 : i32 to index
          %get3A_266 = arith.constant 112 : index
          %get3A_267 = tpu.vector_load %arg12[%get3A_265, %get3A_266] {strides = array<i32>} : memref<40x128xf32, #tpu.memory_space<vmem>>, vector<1x16xf32>,
          %get3A_268 = vector.shape_cast %get3A_267 : vector<1x16xf32> to vector<16xf32>
          %mul3A_269 = arith.mulf %get3A_268, %gather3A_264 : vector<16xf32>
          %swap3A_270 = arith.index_cast %add3A_141 : i32 to index
          %swap3A_271 = arith.constant 112 : index
          %swap3A_272 = tpu.vector_load %arg12[%swap3A_270, %swap3A_271] {strides = array<i32>} : memref<40x128xf32, #tpu.memory_space<vmem>>, vector<1x16xf32>,
          %swap3A_273 = vector.shape_cast %swap3A_272 : vector<1x16xf32> to vector<16xf32>
          %swap3A_274 = vector.shape_cast %mul3A_269 : vector<16xf32> to vector<1x16xf32>
          tpu.vector_store %arg12[%swap3A_270, %swap3A_271], %swap3A_274 {strides = array<i32>} : memref<40x128xf32, #tpu.memory_space<vmem>>, vector<1x16xf32>,
          %mul3A_275 = arith.constant 4 : i32
          %mul3A_276 = arith.muli %scan3A_137, %mul3A_275 : i32
          %add3A_277 = arith.constant 1 : i32
          %add3A_278 = arith.addi %mul3A_276, %add3A_277 : i32
          %get3A_279 = arith.index_cast %add3A_278 : i32 to index
          %get3A_280 = arith.constant 0 : index
          %get3A_281 = tpu.vector_load %arg15[%get3A_279, %get3A_280] {strides = array<i32>} : memref<40x16xf32, #tpu.memory_space<vmem>>, vector<1x16xf32>,
          %get3A_282 = vector.shape_cast %get3A_281 : vector<1x16xf32> to vector<16xf32>
          %get3A_283 = arith.index_cast %add3A_278 : i32 to index
          %get3A_284 = arith.constant 0 : index
          %get3A_285 = tpu.vector_load %arg18[%get3A_283, %get3A_284] {strides = array<i32>} : memref<40x16xf32, #tpu.memory_space<vmem>>, vector<1x16xf32>,
          %get3A_286 = vector.shape_cast %get3A_285 : vector<1x16xf32> to vector<16xf32>
          %add3A_287 = arith.addf %get3A_282, %get3A_286 : vector<16xf32>
          %mul3A_288 = arith.constant 2.000000e-01 : f32
          %mul3A_289 = vector.broadcast %mul3A_288 : f32 to vector<16xf32>
          %mul3A_290 = arith.mulf %add3A_287, %mul3A_289 : vector<16xf32>
          %max3A_291 = arith.maximumf %add3A_287, %mul3A_290 : vector<16xf32>
          %exp3A_292 = math.exp %max3A_291 : vector<16xf32>
          %swap3A_293 = arith.index_cast %add3A_278 : i32 to index
          %swap3A_294 = arith.constant 0 : index
          %swap3A_295 = tpu.vector_load %arg21[%swap3A_293, %swap3A_294] {strides = array<i32>} : memref<40x16xf32, #tpu.memory_space<vmem>>, vector<1x16xf32>,
          %swap3A_296 = vector.shape_cast %swap3A_295 : vector<1x16xf32> to vector<16xf32>
          %swap3A_297 = vector.shape_cast %exp3A_292 : vector<16xf32> to vector<1x16xf32>
          tpu.vector_store %arg21[%swap3A_293, %swap3A_294], %swap3A_297 {strides = array<i32>} : memref<40x16xf32, #tpu.memory_space<vmem>>, vector<1x16xf32>,
          %broadcast_in_dim3A_298 = arith.constant 0 : i32
          %broadcast_in_dim3A_299 = vector.broadcast %broadcast_in_dim3A_298 : i32 to vector<16xi32>
          %broadcast_in_dim3A_300 = vector.shape_cast %broadcast_in_dim3A_299 : vector<16xi32> to vector<16x1xi32>
          %gather3A_301 = vector.shape_cast %broadcast_in_dim3A_300 : vector<16x1xi32> to vector<16xi32>
          %gather3A_302 = tpu.dynamic_gather %exp3A_292[%gather3A_301] in [0] : vector<16xf32>, vector<16xi32> -> vector<16xf32>
          %get3A_303 = arith.index_cast %add3A_278 : i32 to index
          %get3A_304 = arith.constant 0 : index
          %get3A_305 = tpu.vector_load %arg12[%get3A_303, %get3A_304] {strides = array<i32>} : memref<40x128xf32, #tpu.memory_space<vmem>>, vector<1x16xf32>,
          %get3A_306 = vector.shape_cast %get3A_305 : vector<1x16xf32> to vector<16xf32>
          %mul3A_307 = arith.mulf %get3A_306, %gather3A_302 : vector<16xf32>
          %swap3A_308 = arith.index_cast %add3A_278 : i32 to index
          %swap3A_309 = arith.constant 0 : index
          %swap3A_310 = tpu.vector_load %arg12[%swap3A_308, %swap3A_309] {strides = array<i32>} : memref<40x128xf32, #tpu.memory_space<vmem>>, vector<1x16xf32>,
          %swap3A_311 = vector.shape_cast %swap3A_310 : vector<1x16xf32> to vector<16xf32>
          %swap3A_312 = vector.shape_cast %mul3A_307 : vector<16xf32> to vector<1x16xf32>
          tpu.vector_store %arg12[%swap3A_308, %swap3A_309], %swap3A_312 {strides = array<i32>} : memref<40x128xf32, #tpu.memory_space<vmem>>, vector<1x16xf32>,
          %broadcast_in_dim3A_313 = arith.constant 1 : i32
          %broadcast_in_dim3A_314 = vector.broadcast %broadcast_in_dim3A_313 : i32 to vector<16xi32>
          %broadcast_in_dim3A_315 = vector.shape_cast %broadcast_in_dim3A_314 : vector<16xi32> to vector<16x1xi32>
          %gather3A_316 = vector.shape_cast %broadcast_in_dim3A_315 : vector<16x1xi32> to vector<16xi32>
          %gather3A_317 = tpu.dynamic_gather %exp3A_292[%gather3A_316] in [0] : vector<16xf32>, vector<16xi32> -> vector<16xf32>
          %get3A_318 = arith.index_cast %add3A_278 : i32 to index
          %get3A_319 = arith.constant 16 : index
          %get3A_320 = tpu.vector_load %arg12[%get3A_318, %get3A_319] {strides = array<i32>} : memref<40x128xf32, #tpu.memory_space<vmem>>, vector<1x16xf32>,
          %get3A_321 = vector.shape_cast %get3A_320 : vector<1x16xf32> to vector<16xf32>
          %mul3A_322 = arith.mulf %get3A_321, %gather3A_317 : vector<16xf32>
          %swap3A_323 = arith.index_cast %add3A_278 : i32 to index
          %swap3A_324 = arith.constant 16 : index
          %swap3A_325 = tpu.vector_load %arg12[%swap3A_323, %swap3A_324] {strides = array<i32>} : memref<40x128xf32, #tpu.memory_space<vmem>>, vector<1x16xf32>,
          %swap3A_326 = vector.shape_cast %swap3A_325 : vector<1x16xf32> to vector<16xf32>
          %swap3A_327 = vector.shape_cast %mul3A_322 : vector<16xf32> to vector<1x16xf32>
          tpu.vector_store %arg12[%swap3A_323, %swap3A_324], %swap3A_327 {strides = array<i32>} : memref<40x128xf32, #tpu.memory_space<vmem>>, vector<1x16xf32>,
          %broadcast_in_dim3A_328 = arith.constant 2 : i32
          %broadcast_in_dim3A_329 = vector.broadcast %broadcast_in_dim3A_328 : i32 to vector<16xi32>
          %broadcast_in_dim3A_330 = vector.shape_cast %broadcast_in_dim3A_329 : vector<16xi32> to vector<16x1xi32>
          %gather3A_331 = vector.shape_cast %broadcast_in_dim3A_330 : vector<16x1xi32> to vector<16xi32>
          %gather3A_332 = tpu.dynamic_gather %exp3A_292[%gather3A_331] in [0] : vector<16xf32>, vector<16xi32> -> vector<16xf32>
          %get3A_333 = arith.index_cast %add3A_278 : i32 to index
          %get3A_334 = arith.constant 32 : index
          %get3A_335 = tpu.vector_load %arg12[%get3A_333, %get3A_334] {strides = array<i32>} : memref<40x128xf32, #tpu.memory_space<vmem>>, vector<1x16xf32>,
          %get3A_336 = vector.shape_cast %get3A_335 : vector<1x16xf32> to vector<16xf32>
          %mul3A_337 = arith.mulf %get3A_336, %gather3A_332 : vector<16xf32>
          %swap3A_338 = arith.index_cast %add3A_278 : i32 to index
          %swap3A_339 = arith.constant 32 : index
          %swap3A_340 = tpu.vector_load %arg12[%swap3A_338, %swap3A_339] {strides = array<i32>} : memref<40x128xf32, #tpu.memory_space<vmem>>, vector<1x16xf32>,
          %swap3A_341 = vector.shape_cast %swap3A_340 : vector<1x16xf32> to vector<16xf32>
          %swap3A_342 = vector.shape_cast %mul3A_337 : vector<16xf32> to vector<1x16xf32>
          tpu.vector_store %arg12[%swap3A_338, %swap3A_339], %swap3A_342 {strides = array<i32>} : memref<40x128xf32, #tpu.memory_space<vmem>>, vector<1x16xf32>,
          %broadcast_in_dim3A_343 = arith.constant 3 : i32
          %broadcast_in_dim3A_344 = vector.broadcast %broadcast_in_dim3A_343 : i32 to vector<16xi32>
          %broadcast_in_dim3A_345 = vector.shape_cast %broadcast_in_dim3A_344 : vector<16xi32> to vector<16x1xi32>
          %gather3A_346 = vector.shape_cast %broadcast_in_dim3A_345 : vector<16x1xi32> to vector<16xi32>
          %gather3A_347 = tpu.dynamic_gather %exp3A_292[%gather3A_346] in [0] : vector<16xf32>, vector<16xi32> -> vector<16xf32>
          %get3A_348 = arith.index_cast %add3A_278 : i32 to index
          %get3A_349 = arith.constant 48 : index
          %get3A_350 = tpu.vector_load %arg12[%get3A_348, %get3A_349] {strides = array<i32>} : memref<40x128xf32, #tpu.memory_space<vmem>>, vector<1x16xf32>,
          %get3A_351 = vector.shape_cast %get3A_350 : vector<1x16xf32> to vector<16xf32>
          %mul3A_352 = arith.mulf %get3A_351, %gather3A_347 : vector<16xf32>
          %swap3A_353 = arith.index_cast %add3A_278 : i32 to index
          %swap3A_354 = arith.constant 48 : index
          %swap3A_355 = tpu.vector_load %arg12[%swap3A_353, %swap3A_354] {strides = array<i32>} : memref<40x128xf32, #tpu.memory_space<vmem>>, vector<1x16xf32>,
          %swap3A_356 = vector.shape_cast %swap3A_355 : vector<1x16xf32> to vector<16xf32>
          %swap3A_357 = vector.shape_cast %mul3A_352 : vector<16xf32> to vector<1x16xf32>
          tpu.vector_store %arg12[%swap3A_353, %swap3A_354], %swap3A_357 {strides = array<i32>} : memref<40x128xf32, #tpu.memory_space<vmem>>, vector<1x16xf32>,
          %broadcast_in_dim3A_358 = arith.constant 4 : i32
          %broadcast_in_dim3A_359 = vector.broadcast %broadcast_in_dim3A_358 : i32 to vector<16xi32>
          %broadcast_in_dim3A_360 = vector.shape_cast %broadcast_in_dim3A_359 : vector<16xi32> to vector<16x1xi32>
          %gather3A_361 = vector.shape_cast %broadcast_in_dim3A_360 : vector<16x1xi32> to vector<16xi32>
          %gather3A_362 = tpu.dynamic_gather %exp3A_292[%gather3A_361] in [0] : vector<16xf32>, vector<16xi32> -> vector<16xf32>
          %get3A_363 = arith.index_cast %add3A_278 : i32 to index
          %get3A_364 = arith.constant 64 : index
          %get3A_365 = tpu.vector_load %arg12[%get3A_363, %get3A_364] {strides = array<i32>} : memref<40x128xf32, #tpu.memory_space<vmem>>, vector<1x16xf32>,
          %get3A_366 = vector.shape_cast %get3A_365 : vector<1x16xf32> to vector<16xf32>
          %mul3A_367 = arith.mulf %get3A_366, %gather3A_362 : vector<16xf32>
          %swap3A_368 = arith.index_cast %add3A_278 : i32 to index
          %swap3A_369 = arith.constant 64 : index
          %swap3A_370 = tpu.vector_load %arg12[%swap3A_368, %swap3A_369] {strides = array<i32>} : memref<40x128xf32, #tpu.memory_space<vmem>>, vector<1x16xf32>,
          %swap3A_371 = vector.shape_cast %swap3A_370 : vector<1x16xf32> to vector<16xf32>
          %swap3A_372 = vector.shape_cast %mul3A_367 : vector<16xf32> to vector<1x16xf32>
          tpu.vector_store %arg12[%swap3A_368, %swap3A_369], %swap3A_372 {strides = array<i32>} : memref<40x128xf32, #tpu.memory_space<vmem>>, vector<1x16xf32>,
          %broadcast_in_dim3A_373 = arith.constant 5 : i32
          %broadcast_in_dim3A_374 = vector.broadcast %broadcast_in_dim3A_373 : i32 to vector<16xi32>
          %broadcast_in_dim3A_375 = vector.shape_cast %broadcast_in_dim3A_374 : vector<16xi32> to vector<16x1xi32>
          %gather3A_376 = vector.shape_cast %broadcast_in_dim3A_375 : vector<16x1xi32> to vector<16xi32>
          %gather3A_377 = tpu.dynamic_gather %exp3A_292[%gather3A_376] in [0] : vector<16xf32>, vector<16xi32> -> vector<16xf32>
          %get3A_378 = arith.index_cast %add3A_278 : i32 to index
          %get3A_379 = arith.constant 80 : index
          %get3A_380 = tpu.vector_load %arg12[%get3A_378, %get3A_379] {strides = array<i32>} : memref<40x128xf32, #tpu.memory_space<vmem>>, vector<1x16xf32>,
          %get3A_381 = vector.shape_cast %get3A_380 : vector<1x16xf32> to vector<16xf32>
          %mul3A_382 = arith.mulf %get3A_381, %gather3A_377 : vector<16xf32>
          %swap3A_383 = arith.index_cast %add3A_278 : i32 to index
          %swap3A_384 = arith.constant 80 : index
          %swap3A_385 = tpu.vector_load %arg12[%swap3A_383, %swap3A_384] {strides = array<i32>} : memref<40x128xf32, #tpu.memory_space<vmem>>, vector<1x16xf32>,
          %swap3A_386 = vector.shape_cast %swap3A_385 : vector<1x16xf32> to vector<16xf32>
          %swap3A_387 = vector.shape_cast %mul3A_382 : vector<16xf32> to vector<1x16xf32>
          tpu.vector_store %arg12[%swap3A_383, %swap3A_384], %swap3A_387 {strides = array<i32>} : memref<40x128xf32, #tpu.memory_space<vmem>>, vector<1x16xf32>,
          %broadcast_in_dim3A_388 = arith.constant 6 : i32
          %broadcast_in_dim3A_389 = vector.broadcast %broadcast_in_dim3A_388 : i32 to vector<16xi32>
          %broadcast_in_dim3A_390 = vector.shape_cast %broadcast_in_dim3A_389 : vector<16xi32> to vector<16x1xi32>
          %gather3A_391 = vector.shape_cast %broadcast_in_dim3A_390 : vector<16x1xi32> to vector<16xi32>
          %gather3A_392 = tpu.dynamic_gather %exp3A_292[%gather3A_391] in [0] : vector<16xf32>, vector<16xi32> -> vector<16xf32>
          %get3A_393 = arith.index_cast %add3A_278 : i32 to index
          %get3A_394 = arith.constant 96 : index
          %get3A_395 = tpu.vector_load %arg12[%get3A_393, %get3A_394] {strides = array<i32>} : memref<40x128xf32, #tpu.memory_space<vmem>>, vector<1x16xf32>,
          %get3A_396 = vector.shape_cast %get3A_395 : vector<1x16xf32> to vector<16xf32>
          %mul3A_397 = arith.mulf %get3A_396, %gather3A_392 : vector<16xf32>
          %swap3A_398 = arith.index_cast %add3A_278 : i32 to index
          %swap3A_399 = arith.constant 96 : index
          %swap3A_400 = tpu.vector_load %arg12[%swap3A_398, %swap3A_399] {strides = array<i32>} : memref<40x128xf32, #tpu.memory_space<vmem>>, vector<1x16xf32>,
          %swap3A_401 = vector.shape_cast %swap3A_400 : vector<1x16xf32> to vector<16xf32>
          %swap3A_402 = vector.shape_cast %mul3A_397 : vector<16xf32> to vector<1x16xf32>
          tpu.vector_store %arg12[%swap3A_398, %swap3A_399], %swap3A_402 {strides = array<i32>} : memref<40x128xf32, #tpu.memory_space<vmem>>, vector<1x16xf32>,
          %broadcast_in_dim3A_403 = arith.constant 7 : i32
          %broadcast_in_dim3A_404 = vector.broadcast %broadcast_in_dim3A_403 : i32 to vector<16xi32>
          %broadcast_in_dim3A_405 = vector.shape_cast %broadcast_in_dim3A_404 : vector<16xi32> to vector<16x1xi32>
          %gather3A_406 = vector.shape_cast %broadcast_in_dim3A_405 : vector<16x1xi32> to vector<16xi32>
          %gather3A_407 = tpu.dynamic_gather %exp3A_292[%gather3A_406] in [0] : vector<16xf32>, vector<16xi32> -> vector<16xf32>
          %get3A_408 = arith.index_cast %add3A_278 : i32 to index
          %get3A_409 = arith.constant 112 : index
          %get3A_410 = tpu.vector_load %arg12[%get3A_408, %get3A_409] {strides = array<i32>} : memref<40x128xf32, #tpu.memory_space<vmem>>, vector<1x16xf32>,
          %get3A_411 = vector.shape_cast %get3A_410 : vector<1x16xf32> to vector<16xf32>
          %mul3A_412 = arith.mulf %get3A_411, %gather3A_407 : vector<16xf32>
          %swap3A_413 = arith.index_cast %add3A_278 : i32 to index
          %swap3A_414 = arith.constant 112 : index
          %swap3A_415 = tpu.vector_load %arg12[%swap3A_413, %swap3A_414] {strides = array<i32>} : memref<40x128xf32, #tpu.memory_space<vmem>>, vector<1x16xf32>,
          %swap3A_416 = vector.shape_cast %swap3A_415 : vector<1x16xf32> to vector<16xf32>
          %swap3A_417 = vector.shape_cast %mul3A_412 : vector<16xf32> to vector<1x16xf32>
          tpu.vector_store %arg12[%swap3A_413, %swap3A_414], %swap3A_417 {strides = array<i32>} : memref<40x128xf32, #tpu.memory_space<vmem>>, vector<1x16xf32>,
          %mul3A_418 = arith.constant 4 : i32
          %mul3A_419 = arith.muli %scan3A_137, %mul3A_418 : i32
          %add3A_420 = arith.constant 2 : i32
          %add3A_421 = arith.addi %mul3A_419, %add3A_420 : i32
          %get3A_422 = arith.index_cast %add3A_421 : i32 to index
          %get3A_423 = arith.constant 0 : index
          %get3A_424 = tpu.vector_load %arg15[%get3A_422, %get3A_423] {strides = array<i32>} : memref<40x16xf32, #tpu.memory_space<vmem>>, vector<1x16xf32>,
          %get3A_425 = vector.shape_cast %get3A_424 : vector<1x16xf32> to vector<16xf32>
          %get3A_426 = arith.index_cast %add3A_421 : i32 to index
          %get3A_427 = arith.constant 0 : index
          %get3A_428 = tpu.vector_load %arg18[%get3A_426, %get3A_427] {strides = array<i32>} : memref<40x16xf32, #tpu.memory_space<vmem>>, vector<1x16xf32>,
          %get3A_429 = vector.shape_cast %get3A_428 : vector<1x16xf32> to vector<16xf32>
          %add3A_430 = arith.addf %get3A_425, %get3A_429 : vector<16xf32>
          %mul3A_431 = arith.constant 2.000000e-01 : f32
          %mul3A_432 = vector.broadcast %mul3A_431 : f32 to vector<16xf32>
          %mul3A_433 = arith.mulf %add3A_430, %mul3A_432 : vector<16xf32>
          %max3A_434 = arith.maximumf %add3A_430, %mul3A_433 : vector<16xf32>
          %exp3A_435 = math.exp %max3A_434 : vector<16xf32>
          %swap3A_436 = arith.index_cast %add3A_421 : i32 to index
          %swap3A_437 = arith.constant 0 : index
          %swap3A_438 = tpu.vector_load %arg21[%swap3A_436, %swap3A_437] {strides = array<i32>} : memref<40x16xf32, #tpu.memory_space<vmem>>, vector<1x16xf32>,
          %swap3A_439 = vector.shape_cast %swap3A_438 : vector<1x16xf32> to vector<16xf32>
          %swap3A_440 = vector.shape_cast %exp3A_435 : vector<16xf32> to vector<1x16xf32>
          tpu.vector_store %arg21[%swap3A_436, %swap3A_437], %swap3A_440 {strides = array<i32>} : memref<40x16xf32, #tpu.memory_space<vmem>>, vector<1x16xf32>,
          %broadcast_in_dim3A_441 = arith.constant 0 : i32
          %broadcast_in_dim3A_442 = vector.broadcast %broadcast_in_dim3A_441 : i32 to vector<16xi32>
          %broadcast_in_dim3A_443 = vector.shape_cast %broadcast_in_dim3A_442 : vector<16xi32> to vector<16x1xi32>
          %gather3A_444 = vector.shape_cast %broadcast_in_dim3A_443 : vector<16x1xi32> to vector<16xi32>
          %gather3A_445 = tpu.dynamic_gather %exp3A_435[%gather3A_444] in [0] : vector<16xf32>, vector<16xi32> -> vector<16xf32>
          %get3A_446 = arith.index_cast %add3A_421 : i32 to index
          %get3A_447 = arith.constant 0 : index
          %get3A_448 = tpu.vector_load %arg12[%get3A_446, %get3A_447] {strides = array<i32>} : memref<40x128xf32, #tpu.memory_space<vmem>>, vector<1x16xf32>,
          %get3A_449 = vector.shape_cast %get3A_448 : vector<1x16xf32> to vector<16xf32>
          %mul3A_450 = arith.mulf %get3A_449, %gather3A_445 : vector<16xf32>
          %swap3A_451 = arith.index_cast %add3A_421 : i32 to index
          %swap3A_452 = arith.constant 0 : index
          %swap3A_453 = tpu.vector_load %arg12[%swap3A_451, %swap3A_452] {strides = array<i32>} : memref<40x128xf32, #tpu.memory_space<vmem>>, vector<1x16xf32>,
          %swap3A_454 = vector.shape_cast %swap3A_453 : vector<1x16xf32> to vector<16xf32>
          %swap3A_455 = vector.shape_cast %mul3A_450 : vector<16xf32> to vector<1x16xf32>
          tpu.vector_store %arg12[%swap3A_451, %swap3A_452], %swap3A_455 {strides = array<i32>} : memref<40x128xf32, #tpu.memory_space<vmem>>, vector<1x16xf32>,
          %broadcast_in_dim3A_456 = arith.constant 1 : i32
          %broadcast_in_dim3A_457 = vector.broadcast %broadcast_in_dim3A_456 : i32 to vector<16xi32>
          %broadcast_in_dim3A_458 = vector.shape_cast %broadcast_in_dim3A_457 : vector<16xi32> to vector<16x1xi32>
          %gather3A_459 = vector.shape_cast %broadcast_in_dim3A_458 : vector<16x1xi32> to vector<16xi32>
          %gather3A_460 = tpu.dynamic_gather %exp3A_435[%gather3A_459] in [0] : vector<16xf32>, vector<16xi32> -> vector<16xf32>
          %get3A_461 = arith.index_cast %add3A_421 : i32 to index
          %get3A_462 = arith.constant 16 : index
          %get3A_463 = tpu.vector_load %arg12[%get3A_461, %get3A_462] {strides = array<i32>} : memref<40x128xf32, #tpu.memory_space<vmem>>, vector<1x16xf32>,
          %get3A_464 = vector.shape_cast %get3A_463 : vector<1x16xf32> to vector<16xf32>
          %mul3A_465 = arith.mulf %get3A_464, %gather3A_460 : vector<16xf32>
          %swap3A_466 = arith.index_cast %add3A_421 : i32 to index
          %swap3A_467 = arith.constant 16 : index
          %swap3A_468 = tpu.vector_load %arg12[%swap3A_466, %swap3A_467] {strides = array<i32>} : memref<40x128xf32, #tpu.memory_space<vmem>>, vector<1x16xf32>,
          %swap3A_469 = vector.shape_cast %swap3A_468 : vector<1x16xf32> to vector<16xf32>
          %swap3A_470 = vector.shape_cast %mul3A_465 : vector<16xf32> to vector<1x16xf32>
          tpu.vector_store %arg12[%swap3A_466, %swap3A_467], %swap3A_470 {strides = array<i32>} : memref<40x128xf32, #tpu.memory_space<vmem>>, vector<1x16xf32>,
          %broadcast_in_dim3A_471 = arith.constant 2 : i32
          %broadcast_in_dim3A_472 = vector.broadcast %broadcast_in_dim3A_471 : i32 to vector<16xi32>
          %broadcast_in_dim3A_473 = vector.shape_cast %broadcast_in_dim3A_472 : vector<16xi32> to vector<16x1xi32>
          %gather3A_474 = vector.shape_cast %broadcast_in_dim3A_473 : vector<16x1xi32> to vector<16xi32>
          %gather3A_475 = tpu.dynamic_gather %exp3A_435[%gather3A_474] in [0] : vector<16xf32>, vector<16xi32> -> vector<16xf32>
          %get3A_476 = arith.index_cast %add3A_421 : i32 to index
          %get3A_477 = arith.constant 32 : index
          %get3A_478 = tpu.vector_load %arg12[%get3A_476, %get3A_477] {strides = array<i32>} : memref<40x128xf32, #tpu.memory_space<vmem>>, vector<1x16xf32>,
          %get3A_479 = vector.shape_cast %get3A_478 : vector<1x16xf32> to vector<16xf32>
          %mul3A_480 = arith.mulf %get3A_479, %gather3A_475 : vector<16xf32>
          %swap3A_481 = arith.index_cast %add3A_421 : i32 to index
          %swap3A_482 = arith.constant 32 : index
          %swap3A_483 = tpu.vector_load %arg12[%swap3A_481, %swap3A_482] {strides = array<i32>} : memref<40x128xf32, #tpu.memory_space<vmem>>, vector<1x16xf32>,
          %swap3A_484 = vector.shape_cast %swap3A_483 : vector<1x16xf32> to vector<16xf32>
          %swap3A_485 = vector.shape_cast %mul3A_480 : vector<16xf32> to vector<1x16xf32>
          tpu.vector_store %arg12[%swap3A_481, %swap3A_482], %swap3A_485 {strides = array<i32>} : memref<40x128xf32, #tpu.memory_space<vmem>>, vector<1x16xf32>,
          %broadcast_in_dim3A_486 = arith.constant 3 : i32
          %broadcast_in_dim3A_487 = vector.broadcast %broadcast_in_dim3A_486 : i32 to vector<16xi32>
          %broadcast_in_dim3A_488 = vector.shape_cast %broadcast_in_dim3A_487 : vector<16xi32> to vector<16x1xi32>
          %gather3A_489 = vector.shape_cast %broadcast_in_dim3A_488 : vector<16x1xi32> to vector<16xi32>
          %gather3A_490 = tpu.dynamic_gather %exp3A_435[%gather3A_489] in [0] : vector<16xf32>, vector<16xi32> -> vector<16xf32>
          %get3A_491 = arith.index_cast %add3A_421 : i32 to index
          %get3A_492 = arith.constant 48 : index
          %get3A_493 = tpu.vector_load %arg12[%get3A_491, %get3A_492] {strides = array<i32>} : memref<40x128xf32, #tpu.memory_space<vmem>>, vector<1x16xf32>,
          %get3A_494 = vector.shape_cast %get3A_493 : vector<1x16xf32> to vector<16xf32>
          %mul3A_495 = arith.mulf %get3A_494, %gather3A_490 : vector<16xf32>
          %swap3A_496 = arith.index_cast %add3A_421 : i32 to index
          %swap3A_497 = arith.constant 48 : index
          %swap3A_498 = tpu.vector_load %arg12[%swap3A_496, %swap3A_497] {strides = array<i32>} : memref<40x128xf32, #tpu.memory_space<vmem>>, vector<1x16xf32>,
          %swap3A_499 = vector.shape_cast %swap3A_498 : vector<1x16xf32> to vector<16xf32>
          %swap3A_500 = vector.shape_cast %mul3A_495 : vector<16xf32> to vector<1x16xf32>
          tpu.vector_store %arg12[%swap3A_496, %swap3A_497], %swap3A_500 {strides = array<i32>} : memref<40x128xf32, #tpu.memory_space<vmem>>, vector<1x16xf32>,
          %broadcast_in_dim3A_501 = arith.constant 4 : i32
          %broadcast_in_dim3A_502 = vector.broadcast %broadcast_in_dim3A_501 : i32 to vector<16xi32>
          %broadcast_in_dim3A_503 = vector.shape_cast %broadcast_in_dim3A_502 : vector<16xi32> to vector<16x1xi32>
          %gather3A_504 = vector.shape_cast %broadcast_in_dim3A_503 : vector<16x1xi32> to vector<16xi32>
          %gather3A_505 = tpu.dynamic_gather %exp3A_435[%gather3A_504] in [0] : vector<16xf32>, vector<16xi32> -> vector<16xf32>
          %get3A_506 = arith.index_cast %add3A_421 : i32 to index
          %get3A_507 = arith.constant 64 : index
          %get3A_508 = tpu.vector_load %arg12[%get3A_506, %get3A_507] {strides = array<i32>} : memref<40x128xf32, #tpu.memory_space<vmem>>, vector<1x16xf32>,
          %get3A_509 = vector.shape_cast %get3A_508 : vector<1x16xf32> to vector<16xf32>
          %mul3A_510 = arith.mulf %get3A_509, %gather3A_505 : vector<16xf32>
          %swap3A_511 = arith.index_cast %add3A_421 : i32 to index
          %swap3A_512 = arith.constant 64 : index
          %swap3A_513 = tpu.vector_load %arg12[%swap3A_511, %swap3A_512] {strides = array<i32>} : memref<40x128xf32, #tpu.memory_space<vmem>>, vector<1x16xf32>,
          %swap3A_514 = vector.shape_cast %swap3A_513 : vector<1x16xf32> to vector<16xf32>
          %swap3A_515 = vector.shape_cast %mul3A_510 : vector<16xf32> to vector<1x16xf32>
          tpu.vector_store %arg12[%swap3A_511, %swap3A_512], %swap3A_515 {strides = array<i32>} : memref<40x128xf32, #tpu.memory_space<vmem>>, vector<1x16xf32>,
          %broadcast_in_dim3A_516 = arith.constant 5 : i32
          %broadcast_in_dim3A_517 = vector.broadcast %broadcast_in_dim3A_516 : i32 to vector<16xi32>
          %broadcast_in_dim3A_518 = vector.shape_cast %broadcast_in_dim3A_517 : vector<16xi32> to vector<16x1xi32>
          %gather3A_519 = vector.shape_cast %broadcast_in_dim3A_518 : vector<16x1xi32> to vector<16xi32>
          %gather3A_520 = tpu.dynamic_gather %exp3A_435[%gather3A_519] in [0] : vector<16xf32>, vector<16xi32> -> vector<16xf32>
          %get3A_521 = arith.index_cast %add3A_421 : i32 to index
          %get3A_522 = arith.constant 80 : index
          %get3A_523 = tpu.vector_load %arg12[%get3A_521, %get3A_522] {strides = array<i32>} : memref<40x128xf32, #tpu.memory_space<vmem>>, vector<1x16xf32>,
          %get3A_524 = vector.shape_cast %get3A_523 : vector<1x16xf32> to vector<16xf32>
          %mul3A_525 = arith.mulf %get3A_524, %gather3A_520 : vector<16xf32>
          %swap3A_526 = arith.index_cast %add3A_421 : i32 to index
          %swap3A_527 = arith.constant 80 : index
          %swap3A_528 = tpu.vector_load %arg12[%swap3A_526, %swap3A_527] {strides = array<i32>} : memref<40x128xf32, #tpu.memory_space<vmem>>, vector<1x16xf32>,
          %swap3A_529 = vector.shape_cast %swap3A_528 : vector<1x16xf32> to vector<16xf32>
          %swap3A_530 = vector.shape_cast %mul3A_525 : vector<16xf32> to vector<1x16xf32>
          tpu.vector_store %arg12[%swap3A_526, %swap3A_527], %swap3A_530 {strides = array<i32>} : memref<40x128xf32, #tpu.memory_space<vmem>>, vector<1x16xf32>,
          %broadcast_in_dim3A_531 = arith.constant 6 : i32
          %broadcast_in_dim3A_532 = vector.broadcast %broadcast_in_dim3A_531 : i32 to vector<16xi32>
          %broadcast_in_dim3A_533 = vector.shape_cast %broadcast_in_dim3A_532 : vector<16xi32> to vector<16x1xi32>
          %gather3A_534 = vector.shape_cast %broadcast_in_dim3A_533 : vector<16x1xi32> to vector<16xi32>
          %gather3A_535 = tpu.dynamic_gather %exp3A_435[%gather3A_534] in [0] : vector<16xf32>, vector<16xi32> -> vector<16xf32>
          %get3A_536 = arith.index_cast %add3A_421 : i32 to index
          %get3A_537 = arith.constant 96 : index
          %get3A_538 = tpu.vector_load %arg12[%get3A_536, %get3A_537] {strides = array<i32>} : memref<40x128xf32, #tpu.memory_space<vmem>>, vector<1x16xf32>,
          %get3A_539 = vector.shape_cast %get3A_538 : vector<1x16xf32> to vector<16xf32>
          %mul3A_540 = arith.mulf %get3A_539, %gather3A_535 : vector<16xf32>
          %swap3A_541 = arith.index_cast %add3A_421 : i32 to index
          %swap3A_542 = arith.constant 96 : index
          %swap3A_543 = tpu.vector_load %arg12[%swap3A_541, %swap3A_542] {strides = array<i32>} : memref<40x128xf32, #tpu.memory_space<vmem>>, vector<1x16xf32>,
          %swap3A_544 = vector.shape_cast %swap3A_543 : vector<1x16xf32> to vector<16xf32>
          %swap3A_545 = vector.shape_cast %mul3A_540 : vector<16xf32> to vector<1x16xf32>
          tpu.vector_store %arg12[%swap3A_541, %swap3A_542], %swap3A_545 {strides = array<i32>} : memref<40x128xf32, #tpu.memory_space<vmem>>, vector<1x16xf32>,
          %broadcast_in_dim3A_546 = arith.constant 7 : i32
          %broadcast_in_dim3A_547 = vector.broadcast %broadcast_in_dim3A_546 : i32 to vector<16xi32>
          %broadcast_in_dim3A_548 = vector.shape_cast %broadcast_in_dim3A_547 : vector<16xi32> to vector<16x1xi32>
          %gather3A_549 = vector.shape_cast %broadcast_in_dim3A_548 : vector<16x1xi32> to vector<16xi32>
          %gather3A_550 = tpu.dynamic_gather %exp3A_435[%gather3A_549] in [0] : vector<16xf32>, vector<16xi32> -> vector<16xf32>
          %get3A_551 = arith.index_cast %add3A_421 : i32 to index
          %get3A_552 = arith.constant 112 : index
          %get3A_553 = tpu.vector_load %arg12[%get3A_551, %get3A_552] {strides = array<i32>} : memref<40x128xf32, #tpu.memory_space<vmem>>, vector<1x16xf32>,
          %get3A_554 = vector.shape_cast %get3A_553 : vector<1x16xf32> to vector<16xf32>
          %mul3A_555 = arith.mulf %get3A_554, %gather3A_550 : vector<16xf32>
          %swap3A_556 = arith.index_cast %add3A_421 : i32 to index
          %swap3A_557 = arith.constant 112 : index
          %swap3A_558 = tpu.vector_load %arg12[%swap3A_556, %swap3A_557] {strides = array<i32>} : memref<40x128xf32, #tpu.memory_space<vmem>>, vector<1x16xf32>,
          %swap3A_559 = vector.shape_cast %swap3A_558 : vector<1x16xf32> to vector<16xf32>
          %swap3A_560 = vector.shape_cast %mul3A_555 : vector<16xf32> to vector<1x16xf32>
          tpu.vector_store %arg12[%swap3A_556, %swap3A_557], %swap3A_560 {strides = array<i32>} : memref<40x128xf32, #tpu.memory_space<vmem>>, vector<1x16xf32>,
          %mul3A_561 = arith.constant 4 : i32
          %mul3A_562 = arith.muli %scan3A_137, %mul3A_561 : i32
          %add3A_563 = arith.constant 3 : i32
          %add3A_564 = arith.addi %mul3A_562, %add3A_563 : i32
          %get3A_565 = arith.index_cast %add3A_564 : i32 to index
          %get3A_566 = arith.constant 0 : index
          %get3A_567 = tpu.vector_load %arg15[%get3A_565, %get3A_566] {strides = array<i32>} : memref<40x16xf32, #tpu.memory_space<vmem>>, vector<1x16xf32>,
          %get3A_568 = vector.shape_cast %get3A_567 : vector<1x16xf32> to vector<16xf32>
          %get3A_569 = arith.index_cast %add3A_564 : i32 to index
          %get3A_570 = arith.constant 0 : index
          %get3A_571 = tpu.vector_load %arg18[%get3A_569, %get3A_570] {strides = array<i32>} : memref<40x16xf32, #tpu.memory_space<vmem>>, vector<1x16xf32>,
          %get3A_572 = vector.shape_cast %get3A_571 : vector<1x16xf32> to vector<16xf32>
          %add3A_573 = arith.addf %get3A_568, %get3A_572 : vector<16xf32>
          %mul3A_574 = arith.constant 2.000000e-01 : f32
          %mul3A_575 = vector.broadcast %mul3A_574 : f32 to vector<16xf32>
          %mul3A_576 = arith.mulf %add3A_573, %mul3A_575 : vector<16xf32>
          %max3A_577 = arith.maximumf %add3A_573, %mul3A_576 : vector<16xf32>
          %exp3A_578 = math.exp %max3A_577 : vector<16xf32>
          %swap3A_579 = arith.index_cast %add3A_564 : i32 to index
          %swap3A_580 = arith.constant 0 : index
          %swap3A_581 = tpu.vector_load %arg21[%swap3A_579, %swap3A_580] {strides = array<i32>} : memref<40x16xf32, #tpu.memory_space<vmem>>, vector<1x16xf32>,
          %swap3A_582 = vector.shape_cast %swap3A_581 : vector<1x16xf32> to vector<16xf32>
          %swap3A_583 = vector.shape_cast %exp3A_578 : vector<16xf32> to vector<1x16xf32>
          tpu.vector_store %arg21[%swap3A_579, %swap3A_580], %swap3A_583 {strides = array<i32>} : memref<40x16xf32, #tpu.memory_space<vmem>>, vector<1x16xf32>,
          %broadcast_in_dim3A_584 = arith.constant 0 : i32
          %broadcast_in_dim3A_585 = vector.broadcast %broadcast_in_dim3A_584 : i32 to vector<16xi32>
          %broadcast_in_dim3A_586 = vector.shape_cast %broadcast_in_dim3A_585 : vector<16xi32> to vector<16x1xi32>
          %gather3A_587 = vector.shape_cast %broadcast_in_dim3A_586 : vector<16x1xi32> to vector<16xi32>
          %gather3A_588 = tpu.dynamic_gather %exp3A_578[%gather3A_587] in [0] : vector<16xf32>, vector<16xi32> -> vector<16xf32>
          %get3A_589 = arith.index_cast %add3A_564 : i32 to index
          %get3A_590 = arith.constant 0 : index
          %get3A_591 = tpu.vector_load %arg12[%get3A_589, %get3A_590] {strides = array<i32>} : memref<40x128xf32, #tpu.memory_space<vmem>>, vector<1x16xf32>,
          %get3A_592 = vector.shape_cast %get3A_591 : vector<1x16xf32> to vector<16xf32>
          %mul3A_593 = arith.mulf %get3A_592, %gather3A_588 : vector<16xf32>
          %swap3A_594 = arith.index_cast %add3A_564 : i32 to index
          %swap3A_595 = arith.constant 0 : index
          %swap3A_596 = tpu.vector_load %arg12[%swap3A_594, %swap3A_595] {strides = array<i32>} : memref<40x128xf32, #tpu.memory_space<vmem>>, vector<1x16xf32>,
          %swap3A_597 = vector.shape_cast %swap3A_596 : vector<1x16xf32> to vector<16xf32>
          %swap3A_598 = vector.shape_cast %mul3A_593 : vector<16xf32> to vector<1x16xf32>
          tpu.vector_store %arg12[%swap3A_594, %swap3A_595], %swap3A_598 {strides = array<i32>} : memref<40x128xf32, #tpu.memory_space<vmem>>, vector<1x16xf32>,
          %broadcast_in_dim3A_599 = arith.constant 1 : i32
          %broadcast_in_dim3A_600 = vector.broadcast %broadcast_in_dim3A_599 : i32 to vector<16xi32>
          %broadcast_in_dim3A_601 = vector.shape_cast %broadcast_in_dim3A_600 : vector<16xi32> to vector<16x1xi32>
          %gather3A_602 = vector.shape_cast %broadcast_in_dim3A_601 : vector<16x1xi32> to vector<16xi32>
          %gather3A_603 = tpu.dynamic_gather %exp3A_578[%gather3A_602] in [0] : vector<16xf32>, vector<16xi32> -> vector<16xf32>
          %get3A_604 = arith.index_cast %add3A_564 : i32 to index
          %get3A_605 = arith.constant 16 : index
          %get3A_606 = tpu.vector_load %arg12[%get3A_604, %get3A_605] {strides = array<i32>} : memref<40x128xf32, #tpu.memory_space<vmem>>, vector<1x16xf32>,
          %get3A_607 = vector.shape_cast %get3A_606 : vector<1x16xf32> to vector<16xf32>
          %mul3A_608 = arith.mulf %get3A_607, %gather3A_603 : vector<16xf32>
          %swap3A_609 = arith.index_cast %add3A_564 : i32 to index
          %swap3A_610 = arith.constant 16 : index
          %swap3A_611 = tpu.vector_load %arg12[%swap3A_609, %swap3A_610] {strides = array<i32>} : memref<40x128xf32, #tpu.memory_space<vmem>>, vector<1x16xf32>,
          %swap3A_612 = vector.shape_cast %swap3A_611 : vector<1x16xf32> to vector<16xf32>
          %swap3A_613 = vector.shape_cast %mul3A_608 : vector<16xf32> to vector<1x16xf32>
          tpu.vector_store %arg12[%swap3A_609, %swap3A_610], %swap3A_613 {strides = array<i32>} : memref<40x128xf32, #tpu.memory_space<vmem>>, vector<1x16xf32>,
          %broadcast_in_dim3A_614 = arith.constant 2 : i32
          %broadcast_in_dim3A_615 = vector.broadcast %broadcast_in_dim3A_614 : i32 to vector<16xi32>
          %broadcast_in_dim3A_616 = vector.shape_cast %broadcast_in_dim3A_615 : vector<16xi32> to vector<16x1xi32>
          %gather3A_617 = vector.shape_cast %broadcast_in_dim3A_616 : vector<16x1xi32> to vector<16xi32>
          %gather3A_618 = tpu.dynamic_gather %exp3A_578[%gather3A_617] in [0] : vector<16xf32>, vector<16xi32> -> vector<16xf32>
          %get3A_619 = arith.index_cast %add3A_564 : i32 to index
          %get3A_620 = arith.constant 32 : index
          %get3A_621 = tpu.vector_load %arg12[%get3A_619, %get3A_620] {strides = array<i32>} : memref<40x128xf32, #tpu.memory_space<vmem>>, vector<1x16xf32>,
          %get3A_622 = vector.shape_cast %get3A_621 : vector<1x16xf32> to vector<16xf32>
          %mul3A_623 = arith.mulf %get3A_622, %gather3A_618 : vector<16xf32>
          %swap3A_624 = arith.index_cast %add3A_564 : i32 to index
          %swap3A_625 = arith.constant 32 : index
          %swap3A_626 = tpu.vector_load %arg12[%swap3A_624, %swap3A_625] {strides = array<i32>} : memref<40x128xf32, #tpu.memory_space<vmem>>, vector<1x16xf32>,
          %swap3A_627 = vector.shape_cast %swap3A_626 : vector<1x16xf32> to vector<16xf32>
          %swap3A_628 = vector.shape_cast %mul3A_623 : vector<16xf32> to vector<1x16xf32>
          tpu.vector_store %arg12[%swap3A_624, %swap3A_625], %swap3A_628 {strides = array<i32>} : memref<40x128xf32, #tpu.memory_space<vmem>>, vector<1x16xf32>,
          %broadcast_in_dim3A_629 = arith.constant 3 : i32
          %broadcast_in_dim3A_630 = vector.broadcast %broadcast_in_dim3A_629 : i32 to vector<16xi32>
          %broadcast_in_dim3A_631 = vector.shape_cast %broadcast_in_dim3A_630 : vector<16xi32> to vector<16x1xi32>
          %gather3A_632 = vector.shape_cast %broadcast_in_dim3A_631 : vector<16x1xi32> to vector<16xi32>
          %gather3A_633 = tpu.dynamic_gather %exp3A_578[%gather3A_632] in [0] : vector<16xf32>, vector<16xi32> -> vector<16xf32>
          %get3A_634 = arith.index_cast %add3A_564 : i32 to index
          %get3A_635 = arith.constant 48 : index
          %get3A_636 = tpu.vector_load %arg12[%get3A_634, %get3A_635] {strides = array<i32>} : memref<40x128xf32, #tpu.memory_space<vmem>>, vector<1x16xf32>,
          %get3A_637 = vector.shape_cast %get3A_636 : vector<1x16xf32> to vector<16xf32>
          %mul3A_638 = arith.mulf %get3A_637, %gather3A_633 : vector<16xf32>
          %swap3A_639 = arith.index_cast %add3A_564 : i32 to index
          %swap3A_640 = arith.constant 48 : index
          %swap3A_641 = tpu.vector_load %arg12[%swap3A_639, %swap3A_640] {strides = array<i32>} : memref<40x128xf32, #tpu.memory_space<vmem>>, vector<1x16xf32>,
          %swap3A_642 = vector.shape_cast %swap3A_641 : vector<1x16xf32> to vector<16xf32>
          %swap3A_643 = vector.shape_cast %mul3A_638 : vector<16xf32> to vector<1x16xf32>
          tpu.vector_store %arg12[%swap3A_639, %swap3A_640], %swap3A_643 {strides = array<i32>} : memref<40x128xf32, #tpu.memory_space<vmem>>, vector<1x16xf32>,
          %broadcast_in_dim3A_644 = arith.constant 4 : i32
          %broadcast_in_dim3A_645 = vector.broadcast %broadcast_in_dim3A_644 : i32 to vector<16xi32>
          %broadcast_in_dim3A_646 = vector.shape_cast %broadcast_in_dim3A_645 : vector<16xi32> to vector<16x1xi32>
          %gather3A_647 = vector.shape_cast %broadcast_in_dim3A_646 : vector<16x1xi32> to vector<16xi32>
          %gather3A_648 = tpu.dynamic_gather %exp3A_578[%gather3A_647] in [0] : vector<16xf32>, vector<16xi32> -> vector<16xf32>
          %get3A_649 = arith.index_cast %add3A_564 : i32 to index
          %get3A_650 = arith.constant 64 : index
          %get3A_651 = tpu.vector_load %arg12[%get3A_649, %get3A_650] {strides = array<i32>} : memref<40x128xf32, #tpu.memory_space<vmem>>, vector<1x16xf32>,
          %get3A_652 = vector.shape_cast %get3A_651 : vector<1x16xf32> to vector<16xf32>
          %mul3A_653 = arith.mulf %get3A_652, %gather3A_648 : vector<16xf32>
          %swap3A_654 = arith.index_cast %add3A_564 : i32 to index
          %swap3A_655 = arith.constant 64 : index
          %swap3A_656 = tpu.vector_load %arg12[%swap3A_654, %swap3A_655] {strides = array<i32>} : memref<40x128xf32, #tpu.memory_space<vmem>>, vector<1x16xf32>,
          %swap3A_657 = vector.shape_cast %swap3A_656 : vector<1x16xf32> to vector<16xf32>
          %swap3A_658 = vector.shape_cast %mul3A_653 : vector<16xf32> to vector<1x16xf32>
          tpu.vector_store %arg12[%swap3A_654, %swap3A_655], %swap3A_658 {strides = array<i32>} : memref<40x128xf32, #tpu.memory_space<vmem>>, vector<1x16xf32>,
          %broadcast_in_dim3A_659 = arith.constant 5 : i32
          %broadcast_in_dim3A_660 = vector.broadcast %broadcast_in_dim3A_659 : i32 to vector<16xi32>
          %broadcast_in_dim3A_661 = vector.shape_cast %broadcast_in_dim3A_660 : vector<16xi32> to vector<16x1xi32>
          %gather3A_662 = vector.shape_cast %broadcast_in_dim3A_661 : vector<16x1xi32> to vector<16xi32>
          %gather3A_663 = tpu.dynamic_gather %exp3A_578[%gather3A_662] in [0] : vector<16xf32>, vector<16xi32> -> vector<16xf32>
          %get3A_664 = arith.index_cast %add3A_564 : i32 to index
          %get3A_665 = arith.constant 80 : index
          %get3A_666 = tpu.vector_load %arg12[%get3A_664, %get3A_665] {strides = array<i32>} : memref<40x128xf32, #tpu.memory_space<vmem>>, vector<1x16xf32>,
          %get3A_667 = vector.shape_cast %get3A_666 : vector<1x16xf32> to vector<16xf32>
          %mul3A_668 = arith.mulf %get3A_667, %gather3A_663 : vector<16xf32>
          %swap3A_669 = arith.index_cast %add3A_564 : i32 to index
          %swap3A_670 = arith.constant 80 : index
          %swap3A_671 = tpu.vector_load %arg12[%swap3A_669, %swap3A_670] {strides = array<i32>} : memref<40x128xf32, #tpu.memory_space<vmem>>, vector<1x16xf32>,
          %swap3A_672 = vector.shape_cast %swap3A_671 : vector<1x16xf32> to vector<16xf32>
          %swap3A_673 = vector.shape_cast %mul3A_668 : vector<16xf32> to vector<1x16xf32>
          tpu.vector_store %arg12[%swap3A_669, %swap3A_670], %swap3A_673 {strides = array<i32>} : memref<40x128xf32, #tpu.memory_space<vmem>>, vector<1x16xf32>,
          %broadcast_in_dim3A_674 = arith.constant 6 : i32
          %broadcast_in_dim3A_675 = vector.broadcast %broadcast_in_dim3A_674 : i32 to vector<16xi32>
          %broadcast_in_dim3A_676 = vector.shape_cast %broadcast_in_dim3A_675 : vector<16xi32> to vector<16x1xi32>
          %gather3A_677 = vector.shape_cast %broadcast_in_dim3A_676 : vector<16x1xi32> to vector<16xi32>
          %gather3A_678 = tpu.dynamic_gather %exp3A_578[%gather3A_677] in [0] : vector<16xf32>, vector<16xi32> -> vector<16xf32>
          %get3A_679 = arith.index_cast %add3A_564 : i32 to index
          %get3A_680 = arith.constant 96 : index
          %get3A_681 = tpu.vector_load %arg12[%get3A_679, %get3A_680] {strides = array<i32>} : memref<40x128xf32, #tpu.memory_space<vmem>>, vector<1x16xf32>,
          %get3A_682 = vector.shape_cast %get3A_681 : vector<1x16xf32> to vector<16xf32>
          %mul3A_683 = arith.mulf %get3A_682, %gather3A_678 : vector<16xf32>
          %swap3A_684 = arith.index_cast %add3A_564 : i32 to index
          %swap3A_685 = arith.constant 96 : index
          %swap3A_686 = tpu.vector_load %arg12[%swap3A_684, %swap3A_685] {strides = array<i32>} : memref<40x128xf32, #tpu.memory_space<vmem>>, vector<1x16xf32>,
          %swap3A_687 = vector.shape_cast %swap3A_686 : vector<1x16xf32> to vector<16xf32>
          %swap3A_688 = vector.shape_cast %mul3A_683 : vector<16xf32> to vector<1x16xf32>
          tpu.vector_store %arg12[%swap3A_684, %swap3A_685], %swap3A_688 {strides = array<i32>} : memref<40x128xf32, #tpu.memory_space<vmem>>, vector<1x16xf32>,
          %broadcast_in_dim3A_689 = arith.constant 7 : i32
          %broadcast_in_dim3A_690 = vector.broadcast %broadcast_in_dim3A_689 : i32 to vector<16xi32>
          %broadcast_in_dim3A_691 = vector.shape_cast %broadcast_in_dim3A_690 : vector<16xi32> to vector<16x1xi32>
          %gather3A_692 = vector.shape_cast %broadcast_in_dim3A_691 : vector<16x1xi32> to vector<16xi32>
          %gather3A_693 = tpu.dynamic_gather %exp3A_578[%gather3A_692] in [0] : vector<16xf32>, vector<16xi32> -> vector<16xf32>
          %get3A_694 = arith.index_cast %add3A_564 : i32 to index
          %get3A_695 = arith.constant 112 : index
          %get3A_696 = tpu.vector_load %arg12[%get3A_694, %get3A_695] {strides = array<i32>} : memref<40x128xf32, #tpu.memory_space<vmem>>, vector<1x16xf32>,
          %get3A_697 = vector.shape_cast %get3A_696 : vector<1x16xf32> to vector<16xf32>
          %mul3A_698 = arith.mulf %get3A_697, %gather3A_693 : vector<16xf32>
          %swap3A_699 = arith.index_cast %add3A_564 : i32 to index
          %swap3A_700 = arith.constant 112 : index
          %swap3A_701 = tpu.vector_load %arg12[%swap3A_699, %swap3A_700] {strides = array<i32>} : memref<40x128xf32, #tpu.memory_space<vmem>>, vector<1x16xf32>,
          %swap3A_702 = vector.shape_cast %swap3A_701 : vector<1x16xf32> to vector<16xf32>
          %swap3A_703 = vector.shape_cast %mul3A_698 : vector<16xf32> to vector<1x16xf32>
          tpu.vector_store %arg12[%swap3A_699, %swap3A_700], %swap3A_703 {strides = array<i32>} : memref<40x128xf32, #tpu.memory_space<vmem>>, vector<1x16xf32>,
        }
        %scan3A_115 = arith.constant 10 : i32
        %dma_start3A_116 = arith.constant 0 : i32
        %dma_start3A_117 = arith.constant 0 : i32
        %dma_start3A_118 = tpu.memref_slice %arg25[%dma_start3A_116, %dma_start3A_117] : memref<10112x128xf32, #tpu.memory_space<vmem_shared>> -> memref<10112x128xf32, #tpu.memory_space<vmem_shared>>
        tpu.enqueue_indirect_dma source(%arg12 : memref<40x128xf32, #tpu.memory_space<vmem>>) target(%dma_start3A_118 : memref<10112x128xf32, #tpu.memory_space<vmem_shared>>) offsets(%arg24 : memref<40xi32, #tpu.memory_space<vmem>>) semaphore(%arg35 : memref<!tpu.dma_semaphore, #tpu.memory_space<semaphore_mem>>) {add = true}
        %dma_start3A_119 = arith.constant 0 : i32
        %dma_start3A_120 = arith.constant 0 : i32
        %dma_start3A_121 = tpu.memref_slice %arg26[%dma_start3A_119, %dma_start3A_120] : memref<10112x16xf32, #tpu.memory_space<vmem_shared>> -> memref<10112x16xf32, #tpu.memory_space<vmem_shared>>
        tpu.enqueue_indirect_dma source(%arg21 : memref<40x16xf32, #tpu.memory_space<vmem>>) target(%dma_start3A_121 : memref<10112x16xf32, #tpu.memory_space<vmem_shared>>) offsets(%arg24 : memref<40xi32, #tpu.memory_space<vmem>>) semaphore(%arg35 : memref<!tpu.dma_semaphore, #tpu.memory_space<semaphore_mem>>) {add = true}
        %ge3A = arith.constant 1 : i32
        %ge3A_122 = arith.cmpi sge, %add3A_94, %ge3A : i32
        %add3A_123 = arith.constant 2 : i32
        %add3A_124 = arith.addi %add3A_94, %add3A_123 : i32
        %lt3A_125 = arith.constant 125 : i32
        %lt3A_126 = arith.cmpi slt, %add3A_124, %lt3A_125 : i32
        %and3A = arith.andi %ge3A_122, %lt3A_126 : i1
        %convert_element_type3A_127 = arith.extui %and3A : i1 to i32
        %cond3A_128 = arith.constant 0 : i32
        %cond3A_129 = arith.cmpi ne, %convert_element_type3A_127, %cond3A_128 : i32
        scf.if %cond3A_129 {
          %dma_wait3A_137 = arith.constant 0 : i32
          %dma_wait3A_138 = arith.constant 0 : i32
          %dma_wait3A_139 = tpu.memref_slice %arg25[%dma_wait3A_137, %dma_wait3A_138] : memref<10112x128xf32, #tpu.memory_space<vmem_shared>> -> memref<10112x128xf32, #tpu.memory_space<vmem_shared>>
          tpu.wait_indirect_dma semaphore(%arg34 : memref<!tpu.dma_semaphore, #tpu.memory_space<semaphore_mem>>) src(%arg11 : memref<40x128xf32, #tpu.memory_space<vmem>>) dst(%dma_wait3A_139 : memref<10112x128xf32, #tpu.memory_space<vmem_shared>>)
          %dma_wait3A_140 = arith.constant 0 : i32
          %dma_wait3A_141 = arith.constant 0 : i32
          %dma_wait3A_142 = tpu.memref_slice %arg26[%dma_wait3A_140, %dma_wait3A_141] : memref<10112x16xf32, #tpu.memory_space<vmem_shared>> -> memref<10112x16xf32, #tpu.memory_space<vmem_shared>>
          tpu.wait_indirect_dma semaphore(%arg34 : memref<!tpu.dma_semaphore, #tpu.memory_space<semaphore_mem>>) src(%arg20 : memref<40x16xf32, #tpu.memory_space<vmem>>) dst(%dma_wait3A_142 : memref<10112x16xf32, #tpu.memory_space<vmem_shared>>)
        } else {
        }
        %add3A_130 = arith.constant 2 : i32
        %add3A_131 = arith.addi %add3A_94, %add3A_130 : i32
        %lt3A_132 = arith.constant 125 : i32
        %lt3A_133 = arith.cmpi slt, %add3A_131, %lt3A_132 : i32
        %convert_element_type3A_134 = arith.extui %lt3A_133 : i1 to i32
        %cond3A_135 = arith.constant 0 : i32
        %cond3A_136 = arith.cmpi ne, %convert_element_type3A_134, %cond3A_135 : i32
        scf.if %cond3A_136 {
          %add3A_137 = arith.constant 2 : i32
          %add3A_138 = arith.addi %add3A_94, %add3A_137 : i32
          %add3A_139 = arith.addi %add3A_6, %add3A_138 : i32
          %mul3A_140 = arith.constant 40 : i32
          %mul3A_141 = arith.muli %add3A_139, %mul3A_140 : i32
          %dma_start3A_142 = tpu.memref_slice %arg4[%mul3A_141] : memref<160000xi32, #tpu.memory_space<hbm>> -> memref<40xi32, #tpu.memory_space<hbm>>
          %dma_start3A_143 = tpu.memref_slice %arg4[%mul3A_141] : memref<160000xi32, #tpu.memory_space<hbm>> -> memref<40xi32, #tpu.memory_space<hbm>>
          tpu.enqueue_dma source(%dma_start3A_143 : memref<40xi32, #tpu.memory_space<hbm>>) target(%arg23 : memref<40xi32, #tpu.memory_space<vmem>>) target_semaphore(%arg28 : memref<!tpu.dma_semaphore, #tpu.memory_space<semaphore_mem>>)
          %dma_start3A_144 = arith.constant 0 : i32
          %dma_start3A_145 = tpu.memref_slice %arg2[%mul3A_141, %dma_start3A_144] : memref<160000x128xf32, #tpu.memory_space<hbm>> -> memref<40x128xf32, #tpu.memory_space<hbm>>
          %dma_start3A_146 = arith.constant 0 : i32
          %dma_start3A_147 = tpu.memref_slice %arg2[%mul3A_141, %dma_start3A_146] : memref<160000x128xf32, #tpu.memory_space<hbm>> -> memref<40x128xf32, #tpu.memory_space<hbm>>
          tpu.enqueue_dma source(%dma_start3A_147 : memref<40x128xf32, #tpu.memory_space<hbm>>) target(%arg11 : memref<40x128xf32, #tpu.memory_space<vmem>>) target_semaphore(%arg28 : memref<!tpu.dma_semaphore, #tpu.memory_space<semaphore_mem>>)
          %dma_start3A_148 = arith.constant 0 : i32
          %dma_start3A_149 = tpu.memref_slice %arg3[%mul3A_141, %dma_start3A_148] : memref<160000x16xf32, #tpu.memory_space<hbm>> -> memref<40x16xf32, #tpu.memory_space<hbm>>
          %dma_start3A_150 = arith.constant 0 : i32
          %dma_start3A_151 = tpu.memref_slice %arg3[%mul3A_141, %dma_start3A_150] : memref<160000x16xf32, #tpu.memory_space<hbm>> -> memref<40x16xf32, #tpu.memory_space<hbm>>
          tpu.enqueue_dma source(%dma_start3A_151 : memref<40x16xf32, #tpu.memory_space<hbm>>) target(%arg14 : memref<40x16xf32, #tpu.memory_space<vmem>>) target_semaphore(%arg28 : memref<!tpu.dma_semaphore, #tpu.memory_space<semaphore_mem>>)
        } else {
        }
      } else {
      }
    }
    %scan3A_54 = arith.constant 42 : i32
    %dma_wait3A_55 = arith.constant 0 : i32
    %dma_wait3A_56 = arith.constant 0 : i32
    %dma_wait3A_57 = tpu.memref_slice %arg25[%dma_wait3A_55, %dma_wait3A_56] : memref<10112x128xf32, #tpu.memory_space<vmem_shared>> -> memref<10112x128xf32, #tpu.memory_space<vmem_shared>>
    tpu.wait_indirect_dma semaphore(%arg33 : memref<!tpu.dma_semaphore, #tpu.memory_space<semaphore_mem>>) src(%arg10 : memref<40x128xf32, #tpu.memory_space<vmem>>) dst(%dma_wait3A_57 : memref<10112x128xf32, #tpu.memory_space<vmem_shared>>)
    %dma_wait3A_58 = arith.constant 0 : i32
    %dma_wait3A_59 = arith.constant 0 : i32
    %dma_wait3A_60 = tpu.memref_slice %arg26[%dma_wait3A_58, %dma_wait3A_59] : memref<10112x16xf32, #tpu.memory_space<vmem_shared>> -> memref<10112x16xf32, #tpu.memory_space<vmem_shared>>
    tpu.wait_indirect_dma semaphore(%arg33 : memref<!tpu.dma_semaphore, #tpu.memory_space<semaphore_mem>>) src(%arg19 : memref<40x16xf32, #tpu.memory_space<vmem>>) dst(%dma_wait3A_60 : memref<10112x16xf32, #tpu.memory_space<vmem_shared>>)
    %dma_wait3A_61 = arith.constant 0 : i32
    %dma_wait3A_62 = arith.constant 0 : i32
    %dma_wait3A_63 = tpu.memref_slice %arg25[%dma_wait3A_61, %dma_wait3A_62] : memref<10112x128xf32, #tpu.memory_space<vmem_shared>> -> memref<10112x128xf32, #tpu.memory_space<vmem_shared>>
    tpu.wait_indirect_dma semaphore(%arg34 : memref<!tpu.dma_semaphore, #tpu.memory_space<semaphore_mem>>) src(%arg11 : memref<40x128xf32, #tpu.memory_space<vmem>>) dst(%dma_wait3A_63 : memref<10112x128xf32, #tpu.memory_space<vmem_shared>>)
    %dma_wait3A_64 = arith.constant 0 : i32
    %dma_wait3A_65 = arith.constant 0 : i32
    %dma_wait3A_66 = tpu.memref_slice %arg26[%dma_wait3A_64, %dma_wait3A_65] : memref<10112x16xf32, #tpu.memory_space<vmem_shared>> -> memref<10112x16xf32, #tpu.memory_space<vmem_shared>>
    tpu.wait_indirect_dma semaphore(%arg34 : memref<!tpu.dma_semaphore, #tpu.memory_space<semaphore_mem>>) src(%arg20 : memref<40x16xf32, #tpu.memory_space<vmem>>) dst(%dma_wait3A_66 : memref<10112x16xf32, #tpu.memory_space<vmem_shared>>)
    %dma_wait3A_67 = arith.constant 0 : i32
    %dma_wait3A_68 = arith.constant 0 : i32
    %dma_wait3A_69 = tpu.memref_slice %arg25[%dma_wait3A_67, %dma_wait3A_68] : memref<10112x128xf32, #tpu.memory_space<vmem_shared>> -> memref<10112x128xf32, #tpu.memory_space<vmem_shared>>
    tpu.wait_indirect_dma semaphore(%arg35 : memref<!tpu.dma_semaphore, #tpu.memory_space<semaphore_mem>>) src(%arg12 : memref<40x128xf32, #tpu.memory_space<vmem>>) dst(%dma_wait3A_69 : memref<10112x128xf32, #tpu.memory_space<vmem_shared>>)
    %dma_wait3A_70 = arith.constant 0 : i32
    %dma_wait3A_71 = arith.constant 0 : i32
    %dma_wait3A_72 = tpu.memref_slice %arg26[%dma_wait3A_70, %dma_wait3A_71] : memref<10112x16xf32, #tpu.memory_space<vmem_shared>> -> memref<10112x16xf32, #tpu.memory_space<vmem_shared>>
    tpu.wait_indirect_dma semaphore(%arg35 : memref<!tpu.dma_semaphore, #tpu.memory_space<semaphore_mem>>) src(%arg21 : memref<40x16xf32, #tpu.memory_space<vmem>>) dst(%dma_wait3A_72 : memref<10112x16xf32, #tpu.memory_space<vmem_shared>>)
    %lt3A = arith.constant 0 : i32
    %lt3A_73 = arith.cmpi slt, %add3A, %lt3A : i32
    %convert_element_type3A = arith.extui %lt3A_73 : i1 to i32
    %cond3A = arith.constant 0 : i32
    %cond3A_74 = arith.cmpi ne, %convert_element_type3A, %cond3A : i32
    scf.if %cond3A_74 {
      %add3A_76 = arith.constant 125 : i32
      %add3A_77 = arith.addi %add3A_6, %add3A_76 : i32
      %mul3A_78 = arith.constant 40 : i32
      %mul3A_79 = arith.muli %add3A_77, %mul3A_78 : i32
      "tpu.region"() ({
        %run_scoped3A = tpu.sem_alloc : memref<!tpu.dma_semaphore, #tpu.memory_space<semaphore_mem>>
        %dma_start3A_92 = tpu.memref_slice %arg4[%mul3A_79] : memref<160000xi32, #tpu.memory_space<hbm>> -> memref<40xi32, #tpu.memory_space<hbm>>
        %dma_start3A_93 = tpu.memref_slice %arg4[%mul3A_79] : memref<160000xi32, #tpu.memory_space<hbm>> -> memref<40xi32, #tpu.memory_space<hbm>>
        tpu.enqueue_dma source(%dma_start3A_93 : memref<40xi32, #tpu.memory_space<hbm>>) target(%arg22 : memref<40xi32, #tpu.memory_space<vmem>>) target_semaphore(%run_scoped3A : memref<!tpu.dma_semaphore, #tpu.memory_space<semaphore_mem>>)
        %dma_wait3A_94 = tpu.memref_slice %arg4[%mul3A_79] : memref<160000xi32, #tpu.memory_space<hbm>> -> memref<40xi32, #tpu.memory_space<hbm>>
        %dma_wait3A_95 = tpu.memref_slice %arg4[%mul3A_79] : memref<160000xi32, #tpu.memory_space<hbm>> -> memref<40xi32, #tpu.memory_space<hbm>>
        tpu.wait_dma2 semaphore(%run_scoped3A : memref<!tpu.dma_semaphore, #tpu.memory_space<semaphore_mem>>) src(%dma_wait3A_95 : memref<40xi32, #tpu.memory_space<hbm>>) dst(%arg22 : memref<40xi32, #tpu.memory_space<vmem>>)
        tpu.yield
      }) : () -> ()
      "tpu.region"() ({
        %run_scoped3A = tpu.sem_alloc : memref<!tpu.dma_semaphore, #tpu.memory_space<semaphore_mem>>
        %dma_start3A_92 = arith.constant 0 : i32
        %dma_start3A_93 = tpu.memref_slice %arg2[%mul3A_79, %dma_start3A_92] : memref<160000x128xf32, #tpu.memory_space<hbm>> -> memref<40x128xf32, #tpu.memory_space<hbm>>
        %dma_start3A_94 = arith.constant 0 : i32
        %dma_start3A_95 = tpu.memref_slice %arg2[%mul3A_79, %dma_start3A_94] : memref<160000x128xf32, #tpu.memory_space<hbm>> -> memref<40x128xf32, #tpu.memory_space<hbm>>
        tpu.enqueue_dma source(%dma_start3A_95 : memref<40x128xf32, #tpu.memory_space<hbm>>) target(%arg10 : memref<40x128xf32, #tpu.memory_space<vmem>>) target_semaphore(%run_scoped3A : memref<!tpu.dma_semaphore, #tpu.memory_space<semaphore_mem>>)
        %dma_wait3A_96 = arith.constant 0 : i32
        %dma_wait3A_97 = tpu.memref_slice %arg2[%mul3A_79, %dma_wait3A_96] : memref<160000x128xf32, #tpu.memory_space<hbm>> -> memref<40x128xf32, #tpu.memory_space<hbm>>
        %dma_wait3A_98 = arith.constant 0 : i32
        %dma_wait3A_99 = tpu.memref_slice %arg2[%mul3A_79, %dma_wait3A_98] : memref<160000x128xf32, #tpu.memory_space<hbm>> -> memref<40x128xf32, #tpu.memory_space<hbm>>
        tpu.wait_dma2 semaphore(%run_scoped3A : memref<!tpu.dma_semaphore, #tpu.memory_space<semaphore_mem>>) src(%dma_wait3A_99 : memref<40x128xf32, #tpu.memory_space<hbm>>) dst(%arg10 : memref<40x128xf32, #tpu.memory_space<vmem>>)
        tpu.yield
      }) : () -> ()
      "tpu.region"() ({
        %run_scoped3A = tpu.sem_alloc : memref<!tpu.dma_semaphore, #tpu.memory_space<semaphore_mem>>
        %dma_start3A_92 = arith.constant 0 : i32
        %dma_start3A_93 = tpu.memref_slice %arg3[%mul3A_79, %dma_start3A_92] : memref<160000x16xf32, #tpu.memory_space<hbm>> -> memref<40x16xf32, #tpu.memory_space<hbm>>
        %dma_start3A_94 = arith.constant 0 : i32
        %dma_start3A_95 = tpu.memref_slice %arg3[%mul3A_79, %dma_start3A_94] : memref<160000x16xf32, #tpu.memory_space<hbm>> -> memref<40x16xf32, #tpu.memory_space<hbm>>
        tpu.enqueue_dma source(%dma_start3A_95 : memref<40x16xf32, #tpu.memory_space<hbm>>) target(%arg13 : memref<40x16xf32, #tpu.memory_space<vmem>>) target_semaphore(%run_scoped3A : memref<!tpu.dma_semaphore, #tpu.memory_space<semaphore_mem>>)
        %dma_wait3A_96 = arith.constant 0 : i32
        %dma_wait3A_97 = tpu.memref_slice %arg3[%mul3A_79, %dma_wait3A_96] : memref<160000x16xf32, #tpu.memory_space<hbm>> -> memref<40x16xf32, #tpu.memory_space<hbm>>
        %dma_wait3A_98 = arith.constant 0 : i32
        %dma_wait3A_99 = tpu.memref_slice %arg3[%mul3A_79, %dma_wait3A_98] : memref<160000x16xf32, #tpu.memory_space<hbm>> -> memref<40x16xf32, #tpu.memory_space<hbm>>
        tpu.wait_dma2 semaphore(%run_scoped3A : memref<!tpu.dma_semaphore, #tpu.memory_space<semaphore_mem>>) src(%dma_wait3A_99 : memref<40x16xf32, #tpu.memory_space<hbm>>) dst(%arg13 : memref<40x16xf32, #tpu.memory_space<vmem>>)
        tpu.yield
      }) : () -> ()
      %dma_start3A_80 = arith.constant 0 : i32
      %dma_start3A_81 = arith.constant 0 : i32
      %dma_start3A_82 = tpu.memref_slice %arg5[%dma_start3A_80, %dma_start3A_81] : memref<10000x16xf32, #tpu.memory_space<hbm>> -> memref<10000x16xf32, #tpu.memory_space<hbm>>
      tpu.enqueue_indirect_dma source(%dma_start3A_82 : memref<10000x16xf32, #tpu.memory_space<hbm>>) target(%arg16 : memref<40x16xf32, #tpu.memory_space<vmem>>) offsets(%arg22 : memref<40xi32, #tpu.memory_space<vmem>>) semaphore(%arg30 : memref<!tpu.dma_semaphore, #tpu.memory_space<semaphore_mem>>)
      %dma_wait3A_83 = arith.constant 0 : i32
      %dma_wait3A_84 = arith.constant 0 : i32
      %dma_wait3A_85 = tpu.memref_slice %arg5[%dma_wait3A_83, %dma_wait3A_84] : memref<10000x16xf32, #tpu.memory_space<hbm>> -> memref<10000x16xf32, #tpu.memory_space<hbm>>
      tpu.wait_indirect_dma semaphore(%arg30 : memref<!tpu.dma_semaphore, #tpu.memory_space<semaphore_mem>>) src(%dma_wait3A_85 : memref<10000x16xf32, #tpu.memory_space<hbm>>) dst(%arg16 : memref<40x16xf32, #tpu.memory_space<vmem>>)
      %scan3A_86 = arith.constant 0 : i32
      %scan3A_87 = arith.constant 0 : i32
      %scan3A_88 = arith.constant 10 : i32
      %scan3A_89 = arith.addi %scan3A_87, %scan3A_88 : i32
      %scan3A_90 = arith.constant 1 : i32
      scf.for %scan3A_92 = %scan3A_87 to %scan3A_89 step %scan3A_90  : i32 {
        %mul3A_93 = arith.constant 4 : i32
        %mul3A_94 = arith.muli %scan3A_92, %mul3A_93 : i32
        %add3A_95 = arith.constant 0 : i32
        %add3A_96 = arith.addi %mul3A_94, %add3A_95 : i32
        %get3A = arith.index_cast %add3A_96 : i32 to index
        %get3A_97 = arith.constant 0 : index
        %get3A_98 = tpu.vector_load %arg13[%get3A, %get3A_97] {strides = array<i32>} : memref<40x16xf32, #tpu.memory_space<vmem>>, vector<1x16xf32>,
        %get3A_99 = vector.shape_cast %get3A_98 : vector<1x16xf32> to vector<16xf32>
        %get3A_100 = arith.index_cast %add3A_96 : i32 to index
        %get3A_101 = arith.constant 0 : index
        %get3A_102 = tpu.vector_load %arg16[%get3A_100, %get3A_101] {strides = array<i32>} : memref<40x16xf32, #tpu.memory_space<vmem>>, vector<1x16xf32>,
        %get3A_103 = vector.shape_cast %get3A_102 : vector<1x16xf32> to vector<16xf32>
        %add3A_104 = arith.addf %get3A_99, %get3A_103 : vector<16xf32>
        %mul3A_105 = arith.constant 2.000000e-01 : f32
        %mul3A_106 = vector.broadcast %mul3A_105 : f32 to vector<16xf32>
        %mul3A_107 = arith.mulf %add3A_104, %mul3A_106 : vector<16xf32>
        %max3A = arith.maximumf %add3A_104, %mul3A_107 : vector<16xf32>
        %exp3A = math.exp %max3A : vector<16xf32>
        %swap3A = arith.index_cast %add3A_96 : i32 to index
        %swap3A_108 = arith.constant 0 : index
        %swap3A_109 = tpu.vector_load %arg19[%swap3A, %swap3A_108] {strides = array<i32>} : memref<40x16xf32, #tpu.memory_space<vmem>>, vector<1x16xf32>,
        %swap3A_110 = vector.shape_cast %swap3A_109 : vector<1x16xf32> to vector<16xf32>
        %swap3A_111 = vector.shape_cast %exp3A : vector<16xf32> to vector<1x16xf32>
        tpu.vector_store %arg19[%swap3A, %swap3A_108], %swap3A_111 {strides = array<i32>} : memref<40x16xf32, #tpu.memory_space<vmem>>, vector<1x16xf32>,
        %broadcast_in_dim3A = arith.constant 0 : i32
        %broadcast_in_dim3A_112 = vector.broadcast %broadcast_in_dim3A : i32 to vector<16xi32>
        %broadcast_in_dim3A_113 = vector.shape_cast %broadcast_in_dim3A_112 : vector<16xi32> to vector<16x1xi32>
        %gather3A = vector.shape_cast %broadcast_in_dim3A_113 : vector<16x1xi32> to vector<16xi32>
        %gather3A_114 = tpu.dynamic_gather %exp3A[%gather3A] in [0] : vector<16xf32>, vector<16xi32> -> vector<16xf32>
        %get3A_115 = arith.index_cast %add3A_96 : i32 to index
        %get3A_116 = arith.constant 0 : index
        %get3A_117 = tpu.vector_load %arg10[%get3A_115, %get3A_116] {strides = array<i32>} : memref<40x128xf32, #tpu.memory_space<vmem>>, vector<1x16xf32>,
        %get3A_118 = vector.shape_cast %get3A_117 : vector<1x16xf32> to vector<16xf32>
        %mul3A_119 = arith.mulf %get3A_118, %gather3A_114 : vector<16xf32>
        %swap3A_120 = arith.index_cast %add3A_96 : i32 to index
        %swap3A_121 = arith.constant 0 : index
        %swap3A_122 = tpu.vector_load %arg10[%swap3A_120, %swap3A_121] {strides = array<i32>} : memref<40x128xf32, #tpu.memory_space<vmem>>, vector<1x16xf32>,
        %swap3A_123 = vector.shape_cast %swap3A_122 : vector<1x16xf32> to vector<16xf32>
        %swap3A_124 = vector.shape_cast %mul3A_119 : vector<16xf32> to vector<1x16xf32>
        tpu.vector_store %arg10[%swap3A_120, %swap3A_121], %swap3A_124 {strides = array<i32>} : memref<40x128xf32, #tpu.memory_space<vmem>>, vector<1x16xf32>,
        %broadcast_in_dim3A_125 = arith.constant 1 : i32
        %broadcast_in_dim3A_126 = vector.broadcast %broadcast_in_dim3A_125 : i32 to vector<16xi32>
        %broadcast_in_dim3A_127 = vector.shape_cast %broadcast_in_dim3A_126 : vector<16xi32> to vector<16x1xi32>
        %gather3A_128 = vector.shape_cast %broadcast_in_dim3A_127 : vector<16x1xi32> to vector<16xi32>
        %gather3A_129 = tpu.dynamic_gather %exp3A[%gather3A_128] in [0] : vector<16xf32>, vector<16xi32> -> vector<16xf32>
        %get3A_130 = arith.index_cast %add3A_96 : i32 to index
        %get3A_131 = arith.constant 16 : index
        %get3A_132 = tpu.vector_load %arg10[%get3A_130, %get3A_131] {strides = array<i32>} : memref<40x128xf32, #tpu.memory_space<vmem>>, vector<1x16xf32>,
        %get3A_133 = vector.shape_cast %get3A_132 : vector<1x16xf32> to vector<16xf32>
        %mul3A_134 = arith.mulf %get3A_133, %gather3A_129 : vector<16xf32>
        %swap3A_135 = arith.index_cast %add3A_96 : i32 to index
        %swap3A_136 = arith.constant 16 : index
        %swap3A_137 = tpu.vector_load %arg10[%swap3A_135, %swap3A_136] {strides = array<i32>} : memref<40x128xf32, #tpu.memory_space<vmem>>, vector<1x16xf32>,
        %swap3A_138 = vector.shape_cast %swap3A_137 : vector<1x16xf32> to vector<16xf32>
        %swap3A_139 = vector.shape_cast %mul3A_134 : vector<16xf32> to vector<1x16xf32>
        tpu.vector_store %arg10[%swap3A_135, %swap3A_136], %swap3A_139 {strides = array<i32>} : memref<40x128xf32, #tpu.memory_space<vmem>>, vector<1x16xf32>,
        %broadcast_in_dim3A_140 = arith.constant 2 : i32
        %broadcast_in_dim3A_141 = vector.broadcast %broadcast_in_dim3A_140 : i32 to vector<16xi32>
        %broadcast_in_dim3A_142 = vector.shape_cast %broadcast_in_dim3A_141 : vector<16xi32> to vector<16x1xi32>
        %gather3A_143 = vector.shape_cast %broadcast_in_dim3A_142 : vector<16x1xi32> to vector<16xi32>
        %gather3A_144 = tpu.dynamic_gather %exp3A[%gather3A_143] in [0] : vector<16xf32>, vector<16xi32> -> vector<16xf32>
        %get3A_145 = arith.index_cast %add3A_96 : i32 to index
        %get3A_146 = arith.constant 32 : index
        %get3A_147 = tpu.vector_load %arg10[%get3A_145, %get3A_146] {strides = array<i32>} : memref<40x128xf32, #tpu.memory_space<vmem>>, vector<1x16xf32>,
        %get3A_148 = vector.shape_cast %get3A_147 : vector<1x16xf32> to vector<16xf32>
        %mul3A_149 = arith.mulf %get3A_148, %gather3A_144 : vector<16xf32>
        %swap3A_150 = arith.index_cast %add3A_96 : i32 to index
        %swap3A_151 = arith.constant 32 : index
        %swap3A_152 = tpu.vector_load %arg10[%swap3A_150, %swap3A_151] {strides = array<i32>} : memref<40x128xf32, #tpu.memory_space<vmem>>, vector<1x16xf32>,
        %swap3A_153 = vector.shape_cast %swap3A_152 : vector<1x16xf32> to vector<16xf32>
        %swap3A_154 = vector.shape_cast %mul3A_149 : vector<16xf32> to vector<1x16xf32>
        tpu.vector_store %arg10[%swap3A_150, %swap3A_151], %swap3A_154 {strides = array<i32>} : memref<40x128xf32, #tpu.memory_space<vmem>>, vector<1x16xf32>,
        %broadcast_in_dim3A_155 = arith.constant 3 : i32
        %broadcast_in_dim3A_156 = vector.broadcast %broadcast_in_dim3A_155 : i32 to vector<16xi32>
        %broadcast_in_dim3A_157 = vector.shape_cast %broadcast_in_dim3A_156 : vector<16xi32> to vector<16x1xi32>
        %gather3A_158 = vector.shape_cast %broadcast_in_dim3A_157 : vector<16x1xi32> to vector<16xi32>
        %gather3A_159 = tpu.dynamic_gather %exp3A[%gather3A_158] in [0] : vector<16xf32>, vector<16xi32> -> vector<16xf32>
        %get3A_160 = arith.index_cast %add3A_96 : i32 to index
        %get3A_161 = arith.constant 48 : index
        %get3A_162 = tpu.vector_load %arg10[%get3A_160, %get3A_161] {strides = array<i32>} : memref<40x128xf32, #tpu.memory_space<vmem>>, vector<1x16xf32>,
        %get3A_163 = vector.shape_cast %get3A_162 : vector<1x16xf32> to vector<16xf32>
        %mul3A_164 = arith.mulf %get3A_163, %gather3A_159 : vector<16xf32>
        %swap3A_165 = arith.index_cast %add3A_96 : i32 to index
        %swap3A_166 = arith.constant 48 : index
        %swap3A_167 = tpu.vector_load %arg10[%swap3A_165, %swap3A_166] {strides = array<i32>} : memref<40x128xf32, #tpu.memory_space<vmem>>, vector<1x16xf32>,
        %swap3A_168 = vector.shape_cast %swap3A_167 : vector<1x16xf32> to vector<16xf32>
        %swap3A_169 = vector.shape_cast %mul3A_164 : vector<16xf32> to vector<1x16xf32>
        tpu.vector_store %arg10[%swap3A_165, %swap3A_166], %swap3A_169 {strides = array<i32>} : memref<40x128xf32, #tpu.memory_space<vmem>>, vector<1x16xf32>,
        %broadcast_in_dim3A_170 = arith.constant 4 : i32
        %broadcast_in_dim3A_171 = vector.broadcast %broadcast_in_dim3A_170 : i32 to vector<16xi32>
        %broadcast_in_dim3A_172 = vector.shape_cast %broadcast_in_dim3A_171 : vector<16xi32> to vector<16x1xi32>
        %gather3A_173 = vector.shape_cast %broadcast_in_dim3A_172 : vector<16x1xi32> to vector<16xi32>
        %gather3A_174 = tpu.dynamic_gather %exp3A[%gather3A_173] in [0] : vector<16xf32>, vector<16xi32> -> vector<16xf32>
        %get3A_175 = arith.index_cast %add3A_96 : i32 to index
        %get3A_176 = arith.constant 64 : index
        %get3A_177 = tpu.vector_load %arg10[%get3A_175, %get3A_176] {strides = array<i32>} : memref<40x128xf32, #tpu.memory_space<vmem>>, vector<1x16xf32>,
        %get3A_178 = vector.shape_cast %get3A_177 : vector<1x16xf32> to vector<16xf32>
        %mul3A_179 = arith.mulf %get3A_178, %gather3A_174 : vector<16xf32>
        %swap3A_180 = arith.index_cast %add3A_96 : i32 to index
        %swap3A_181 = arith.constant 64 : index
        %swap3A_182 = tpu.vector_load %arg10[%swap3A_180, %swap3A_181] {strides = array<i32>} : memref<40x128xf32, #tpu.memory_space<vmem>>, vector<1x16xf32>,
        %swap3A_183 = vector.shape_cast %swap3A_182 : vector<1x16xf32> to vector<16xf32>
        %swap3A_184 = vector.shape_cast %mul3A_179 : vector<16xf32> to vector<1x16xf32>
        tpu.vector_store %arg10[%swap3A_180, %swap3A_181], %swap3A_184 {strides = array<i32>} : memref<40x128xf32, #tpu.memory_space<vmem>>, vector<1x16xf32>,
        %broadcast_in_dim3A_185 = arith.constant 5 : i32
        %broadcast_in_dim3A_186 = vector.broadcast %broadcast_in_dim3A_185 : i32 to vector<16xi32>
        %broadcast_in_dim3A_187 = vector.shape_cast %broadcast_in_dim3A_186 : vector<16xi32> to vector<16x1xi32>
        %gather3A_188 = vector.shape_cast %broadcast_in_dim3A_187 : vector<16x1xi32> to vector<16xi32>
        %gather3A_189 = tpu.dynamic_gather %exp3A[%gather3A_188] in [0] : vector<16xf32>, vector<16xi32> -> vector<16xf32>
        %get3A_190 = arith.index_cast %add3A_96 : i32 to index
        %get3A_191 = arith.constant 80 : index
        %get3A_192 = tpu.vector_load %arg10[%get3A_190, %get3A_191] {strides = array<i32>} : memref<40x128xf32, #tpu.memory_space<vmem>>, vector<1x16xf32>,
        %get3A_193 = vector.shape_cast %get3A_192 : vector<1x16xf32> to vector<16xf32>
        %mul3A_194 = arith.mulf %get3A_193, %gather3A_189 : vector<16xf32>
        %swap3A_195 = arith.index_cast %add3A_96 : i32 to index
        %swap3A_196 = arith.constant 80 : index
        %swap3A_197 = tpu.vector_load %arg10[%swap3A_195, %swap3A_196] {strides = array<i32>} : memref<40x128xf32, #tpu.memory_space<vmem>>, vector<1x16xf32>,
        %swap3A_198 = vector.shape_cast %swap3A_197 : vector<1x16xf32> to vector<16xf32>
        %swap3A_199 = vector.shape_cast %mul3A_194 : vector<16xf32> to vector<1x16xf32>
        tpu.vector_store %arg10[%swap3A_195, %swap3A_196], %swap3A_199 {strides = array<i32>} : memref<40x128xf32, #tpu.memory_space<vmem>>, vector<1x16xf32>,
        %broadcast_in_dim3A_200 = arith.constant 6 : i32
        %broadcast_in_dim3A_201 = vector.broadcast %broadcast_in_dim3A_200 : i32 to vector<16xi32>
        %broadcast_in_dim3A_202 = vector.shape_cast %broadcast_in_dim3A_201 : vector<16xi32> to vector<16x1xi32>
        %gather3A_203 = vector.shape_cast %broadcast_in_dim3A_202 : vector<16x1xi32> to vector<16xi32>
        %gather3A_204 = tpu.dynamic_gather %exp3A[%gather3A_203] in [0] : vector<16xf32>, vector<16xi32> -> vector<16xf32>
        %get3A_205 = arith.index_cast %add3A_96 : i32 to index
        %get3A_206 = arith.constant 96 : index
        %get3A_207 = tpu.vector_load %arg10[%get3A_205, %get3A_206] {strides = array<i32>} : memref<40x128xf32, #tpu.memory_space<vmem>>, vector<1x16xf32>,
        %get3A_208 = vector.shape_cast %get3A_207 : vector<1x16xf32> to vector<16xf32>
        %mul3A_209 = arith.mulf %get3A_208, %gather3A_204 : vector<16xf32>
        %swap3A_210 = arith.index_cast %add3A_96 : i32 to index
        %swap3A_211 = arith.constant 96 : index
        %swap3A_212 = tpu.vector_load %arg10[%swap3A_210, %swap3A_211] {strides = array<i32>} : memref<40x128xf32, #tpu.memory_space<vmem>>, vector<1x16xf32>,
        %swap3A_213 = vector.shape_cast %swap3A_212 : vector<1x16xf32> to vector<16xf32>
        %swap3A_214 = vector.shape_cast %mul3A_209 : vector<16xf32> to vector<1x16xf32>
        tpu.vector_store %arg10[%swap3A_210, %swap3A_211], %swap3A_214 {strides = array<i32>} : memref<40x128xf32, #tpu.memory_space<vmem>>, vector<1x16xf32>,
        %broadcast_in_dim3A_215 = arith.constant 7 : i32
        %broadcast_in_dim3A_216 = vector.broadcast %broadcast_in_dim3A_215 : i32 to vector<16xi32>
        %broadcast_in_dim3A_217 = vector.shape_cast %broadcast_in_dim3A_216 : vector<16xi32> to vector<16x1xi32>
        %gather3A_218 = vector.shape_cast %broadcast_in_dim3A_217 : vector<16x1xi32> to vector<16xi32>
        %gather3A_219 = tpu.dynamic_gather %exp3A[%gather3A_218] in [0] : vector<16xf32>, vector<16xi32> -> vector<16xf32>
        %get3A_220 = arith.index_cast %add3A_96 : i32 to index
        %get3A_221 = arith.constant 112 : index
        %get3A_222 = tpu.vector_load %arg10[%get3A_220, %get3A_221] {strides = array<i32>} : memref<40x128xf32, #tpu.memory_space<vmem>>, vector<1x16xf32>,
        %get3A_223 = vector.shape_cast %get3A_222 : vector<1x16xf32> to vector<16xf32>
        %mul3A_224 = arith.mulf %get3A_223, %gather3A_219 : vector<16xf32>
        %swap3A_225 = arith.index_cast %add3A_96 : i32 to index
        %swap3A_226 = arith.constant 112 : index
        %swap3A_227 = tpu.vector_load %arg10[%swap3A_225, %swap3A_226] {strides = array<i32>} : memref<40x128xf32, #tpu.memory_space<vmem>>, vector<1x16xf32>,
        %swap3A_228 = vector.shape_cast %swap3A_227 : vector<1x16xf32> to vector<16xf32>
        %swap3A_229 = vector.shape_cast %mul3A_224 : vector<16xf32> to vector<1x16xf32>
        tpu.vector_store %arg10[%swap3A_225, %swap3A_226], %swap3A_229 {strides = array<i32>} : memref<40x128xf32, #tpu.memory_space<vmem>>, vector<1x16xf32>,
        %mul3A_230 = arith.constant 4 : i32
        %mul3A_231 = arith.muli %scan3A_92, %mul3A_230 : i32
        %add3A_232 = arith.constant 1 : i32
        %add3A_233 = arith.addi %mul3A_231, %add3A_232 : i32
        %get3A_234 = arith.index_cast %add3A_233 : i32 to index
        %get3A_235 = arith.constant 0 : index
        %get3A_236 = tpu.vector_load %arg13[%get3A_234, %get3A_235] {strides = array<i32>} : memref<40x16xf32, #tpu.memory_space<vmem>>, vector<1x16xf32>,
        %get3A_237 = vector.shape_cast %get3A_236 : vector<1x16xf32> to vector<16xf32>
        %get3A_238 = arith.index_cast %add3A_233 : i32 to index
        %get3A_239 = arith.constant 0 : index
        %get3A_240 = tpu.vector_load %arg16[%get3A_238, %get3A_239] {strides = array<i32>} : memref<40x16xf32, #tpu.memory_space<vmem>>, vector<1x16xf32>,
        %get3A_241 = vector.shape_cast %get3A_240 : vector<1x16xf32> to vector<16xf32>
        %add3A_242 = arith.addf %get3A_237, %get3A_241 : vector<16xf32>
        %mul3A_243 = arith.constant 2.000000e-01 : f32
        %mul3A_244 = vector.broadcast %mul3A_243 : f32 to vector<16xf32>
        %mul3A_245 = arith.mulf %add3A_242, %mul3A_244 : vector<16xf32>
        %max3A_246 = arith.maximumf %add3A_242, %mul3A_245 : vector<16xf32>
        %exp3A_247 = math.exp %max3A_246 : vector<16xf32>
        %swap3A_248 = arith.index_cast %add3A_233 : i32 to index
        %swap3A_249 = arith.constant 0 : index
        %swap3A_250 = tpu.vector_load %arg19[%swap3A_248, %swap3A_249] {strides = array<i32>} : memref<40x16xf32, #tpu.memory_space<vmem>>, vector<1x16xf32>,
        %swap3A_251 = vector.shape_cast %swap3A_250 : vector<1x16xf32> to vector<16xf32>
        %swap3A_252 = vector.shape_cast %exp3A_247 : vector<16xf32> to vector<1x16xf32>
        tpu.vector_store %arg19[%swap3A_248, %swap3A_249], %swap3A_252 {strides = array<i32>} : memref<40x16xf32, #tpu.memory_space<vmem>>, vector<1x16xf32>,
        %broadcast_in_dim3A_253 = arith.constant 0 : i32
        %broadcast_in_dim3A_254 = vector.broadcast %broadcast_in_dim3A_253 : i32 to vector<16xi32>
        %broadcast_in_dim3A_255 = vector.shape_cast %broadcast_in_dim3A_254 : vector<16xi32> to vector<16x1xi32>
        %gather3A_256 = vector.shape_cast %broadcast_in_dim3A_255 : vector<16x1xi32> to vector<16xi32>
        %gather3A_257 = tpu.dynamic_gather %exp3A_247[%gather3A_256] in [0] : vector<16xf32>, vector<16xi32> -> vector<16xf32>
        %get3A_258 = arith.index_cast %add3A_233 : i32 to index
        %get3A_259 = arith.constant 0 : index
        %get3A_260 = tpu.vector_load %arg10[%get3A_258, %get3A_259] {strides = array<i32>} : memref<40x128xf32, #tpu.memory_space<vmem>>, vector<1x16xf32>,
        %get3A_261 = vector.shape_cast %get3A_260 : vector<1x16xf32> to vector<16xf32>
        %mul3A_262 = arith.mulf %get3A_261, %gather3A_257 : vector<16xf32>
        %swap3A_263 = arith.index_cast %add3A_233 : i32 to index
        %swap3A_264 = arith.constant 0 : index
        %swap3A_265 = tpu.vector_load %arg10[%swap3A_263, %swap3A_264] {strides = array<i32>} : memref<40x128xf32, #tpu.memory_space<vmem>>, vector<1x16xf32>,
        %swap3A_266 = vector.shape_cast %swap3A_265 : vector<1x16xf32> to vector<16xf32>
        %swap3A_267 = vector.shape_cast %mul3A_262 : vector<16xf32> to vector<1x16xf32>
        tpu.vector_store %arg10[%swap3A_263, %swap3A_264], %swap3A_267 {strides = array<i32>} : memref<40x128xf32, #tpu.memory_space<vmem>>, vector<1x16xf32>,
        %broadcast_in_dim3A_268 = arith.constant 1 : i32
        %broadcast_in_dim3A_269 = vector.broadcast %broadcast_in_dim3A_268 : i32 to vector<16xi32>
        %broadcast_in_dim3A_270 = vector.shape_cast %broadcast_in_dim3A_269 : vector<16xi32> to vector<16x1xi32>
        %gather3A_271 = vector.shape_cast %broadcast_in_dim3A_270 : vector<16x1xi32> to vector<16xi32>
        %gather3A_272 = tpu.dynamic_gather %exp3A_247[%gather3A_271] in [0] : vector<16xf32>, vector<16xi32> -> vector<16xf32>
        %get3A_273 = arith.index_cast %add3A_233 : i32 to index
        %get3A_274 = arith.constant 16 : index
        %get3A_275 = tpu.vector_load %arg10[%get3A_273, %get3A_274] {strides = array<i32>} : memref<40x128xf32, #tpu.memory_space<vmem>>, vector<1x16xf32>,
        %get3A_276 = vector.shape_cast %get3A_275 : vector<1x16xf32> to vector<16xf32>
        %mul3A_277 = arith.mulf %get3A_276, %gather3A_272 : vector<16xf32>
        %swap3A_278 = arith.index_cast %add3A_233 : i32 to index
        %swap3A_279 = arith.constant 16 : index
        %swap3A_280 = tpu.vector_load %arg10[%swap3A_278, %swap3A_279] {strides = array<i32>} : memref<40x128xf32, #tpu.memory_space<vmem>>, vector<1x16xf32>,
        %swap3A_281 = vector.shape_cast %swap3A_280 : vector<1x16xf32> to vector<16xf32>
        %swap3A_282 = vector.shape_cast %mul3A_277 : vector<16xf32> to vector<1x16xf32>
        tpu.vector_store %arg10[%swap3A_278, %swap3A_279], %swap3A_282 {strides = array<i32>} : memref<40x128xf32, #tpu.memory_space<vmem>>, vector<1x16xf32>,
        %broadcast_in_dim3A_283 = arith.constant 2 : i32
        %broadcast_in_dim3A_284 = vector.broadcast %broadcast_in_dim3A_283 : i32 to vector<16xi32>
        %broadcast_in_dim3A_285 = vector.shape_cast %broadcast_in_dim3A_284 : vector<16xi32> to vector<16x1xi32>
        %gather3A_286 = vector.shape_cast %broadcast_in_dim3A_285 : vector<16x1xi32> to vector<16xi32>
        %gather3A_287 = tpu.dynamic_gather %exp3A_247[%gather3A_286] in [0] : vector<16xf32>, vector<16xi32> -> vector<16xf32>
        %get3A_288 = arith.index_cast %add3A_233 : i32 to index
        %get3A_289 = arith.constant 32 : index
        %get3A_290 = tpu.vector_load %arg10[%get3A_288, %get3A_289] {strides = array<i32>} : memref<40x128xf32, #tpu.memory_space<vmem>>, vector<1x16xf32>,
        %get3A_291 = vector.shape_cast %get3A_290 : vector<1x16xf32> to vector<16xf32>
        %mul3A_292 = arith.mulf %get3A_291, %gather3A_287 : vector<16xf32>
        %swap3A_293 = arith.index_cast %add3A_233 : i32 to index
        %swap3A_294 = arith.constant 32 : index
        %swap3A_295 = tpu.vector_load %arg10[%swap3A_293, %swap3A_294] {strides = array<i32>} : memref<40x128xf32, #tpu.memory_space<vmem>>, vector<1x16xf32>,
        %swap3A_296 = vector.shape_cast %swap3A_295 : vector<1x16xf32> to vector<16xf32>
        %swap3A_297 = vector.shape_cast %mul3A_292 : vector<16xf32> to vector<1x16xf32>
        tpu.vector_store %arg10[%swap3A_293, %swap3A_294], %swap3A_297 {strides = array<i32>} : memref<40x128xf32, #tpu.memory_space<vmem>>, vector<1x16xf32>,
        %broadcast_in_dim3A_298 = arith.constant 3 : i32
        %broadcast_in_dim3A_299 = vector.broadcast %broadcast_in_dim3A_298 : i32 to vector<16xi32>
        %broadcast_in_dim3A_300 = vector.shape_cast %broadcast_in_dim3A_299 : vector<16xi32> to vector<16x1xi32>
        %gather3A_301 = vector.shape_cast %broadcast_in_dim3A_300 : vector<16x1xi32> to vector<16xi32>
        %gather3A_302 = tpu.dynamic_gather %exp3A_247[%gather3A_301] in [0] : vector<16xf32>, vector<16xi32> -> vector<16xf32>
        %get3A_303 = arith.index_cast %add3A_233 : i32 to index
        %get3A_304 = arith.constant 48 : index
        %get3A_305 = tpu.vector_load %arg10[%get3A_303, %get3A_304] {strides = array<i32>} : memref<40x128xf32, #tpu.memory_space<vmem>>, vector<1x16xf32>,
        %get3A_306 = vector.shape_cast %get3A_305 : vector<1x16xf32> to vector<16xf32>
        %mul3A_307 = arith.mulf %get3A_306, %gather3A_302 : vector<16xf32>
        %swap3A_308 = arith.index_cast %add3A_233 : i32 to index
        %swap3A_309 = arith.constant 48 : index
        %swap3A_310 = tpu.vector_load %arg10[%swap3A_308, %swap3A_309] {strides = array<i32>} : memref<40x128xf32, #tpu.memory_space<vmem>>, vector<1x16xf32>,
        %swap3A_311 = vector.shape_cast %swap3A_310 : vector<1x16xf32> to vector<16xf32>
        %swap3A_312 = vector.shape_cast %mul3A_307 : vector<16xf32> to vector<1x16xf32>
        tpu.vector_store %arg10[%swap3A_308, %swap3A_309], %swap3A_312 {strides = array<i32>} : memref<40x128xf32, #tpu.memory_space<vmem>>, vector<1x16xf32>,
        %broadcast_in_dim3A_313 = arith.constant 4 : i32
        %broadcast_in_dim3A_314 = vector.broadcast %broadcast_in_dim3A_313 : i32 to vector<16xi32>
        %broadcast_in_dim3A_315 = vector.shape_cast %broadcast_in_dim3A_314 : vector<16xi32> to vector<16x1xi32>
        %gather3A_316 = vector.shape_cast %broadcast_in_dim3A_315 : vector<16x1xi32> to vector<16xi32>
        %gather3A_317 = tpu.dynamic_gather %exp3A_247[%gather3A_316] in [0] : vector<16xf32>, vector<16xi32> -> vector<16xf32>
        %get3A_318 = arith.index_cast %add3A_233 : i32 to index
        %get3A_319 = arith.constant 64 : index
        %get3A_320 = tpu.vector_load %arg10[%get3A_318, %get3A_319] {strides = array<i32>} : memref<40x128xf32, #tpu.memory_space<vmem>>, vector<1x16xf32>,
        %get3A_321 = vector.shape_cast %get3A_320 : vector<1x16xf32> to vector<16xf32>
        %mul3A_322 = arith.mulf %get3A_321, %gather3A_317 : vector<16xf32>
        %swap3A_323 = arith.index_cast %add3A_233 : i32 to index
        %swap3A_324 = arith.constant 64 : index
        %swap3A_325 = tpu.vector_load %arg10[%swap3A_323, %swap3A_324] {strides = array<i32>} : memref<40x128xf32, #tpu.memory_space<vmem>>, vector<1x16xf32>,
        %swap3A_326 = vector.shape_cast %swap3A_325 : vector<1x16xf32> to vector<16xf32>
        %swap3A_327 = vector.shape_cast %mul3A_322 : vector<16xf32> to vector<1x16xf32>
        tpu.vector_store %arg10[%swap3A_323, %swap3A_324], %swap3A_327 {strides = array<i32>} : memref<40x128xf32, #tpu.memory_space<vmem>>, vector<1x16xf32>,
        %broadcast_in_dim3A_328 = arith.constant 5 : i32
        %broadcast_in_dim3A_329 = vector.broadcast %broadcast_in_dim3A_328 : i32 to vector<16xi32>
        %broadcast_in_dim3A_330 = vector.shape_cast %broadcast_in_dim3A_329 : vector<16xi32> to vector<16x1xi32>
        %gather3A_331 = vector.shape_cast %broadcast_in_dim3A_330 : vector<16x1xi32> to vector<16xi32>
        %gather3A_332 = tpu.dynamic_gather %exp3A_247[%gather3A_331] in [0] : vector<16xf32>, vector<16xi32> -> vector<16xf32>
        %get3A_333 = arith.index_cast %add3A_233 : i32 to index
        %get3A_334 = arith.constant 80 : index
        %get3A_335 = tpu.vector_load %arg10[%get3A_333, %get3A_334] {strides = array<i32>} : memref<40x128xf32, #tpu.memory_space<vmem>>, vector<1x16xf32>,
        %get3A_336 = vector.shape_cast %get3A_335 : vector<1x16xf32> to vector<16xf32>
        %mul3A_337 = arith.mulf %get3A_336, %gather3A_332 : vector<16xf32>
        %swap3A_338 = arith.index_cast %add3A_233 : i32 to index
        %swap3A_339 = arith.constant 80 : index
        %swap3A_340 = tpu.vector_load %arg10[%swap3A_338, %swap3A_339] {strides = array<i32>} : memref<40x128xf32, #tpu.memory_space<vmem>>, vector<1x16xf32>,
        %swap3A_341 = vector.shape_cast %swap3A_340 : vector<1x16xf32> to vector<16xf32>
        %swap3A_342 = vector.shape_cast %mul3A_337 : vector<16xf32> to vector<1x16xf32>
        tpu.vector_store %arg10[%swap3A_338, %swap3A_339], %swap3A_342 {strides = array<i32>} : memref<40x128xf32, #tpu.memory_space<vmem>>, vector<1x16xf32>,
        %broadcast_in_dim3A_343 = arith.constant 6 : i32
        %broadcast_in_dim3A_344 = vector.broadcast %broadcast_in_dim3A_343 : i32 to vector<16xi32>
        %broadcast_in_dim3A_345 = vector.shape_cast %broadcast_in_dim3A_344 : vector<16xi32> to vector<16x1xi32>
        %gather3A_346 = vector.shape_cast %broadcast_in_dim3A_345 : vector<16x1xi32> to vector<16xi32>
        %gather3A_347 = tpu.dynamic_gather %exp3A_247[%gather3A_346] in [0] : vector<16xf32>, vector<16xi32> -> vector<16xf32>
        %get3A_348 = arith.index_cast %add3A_233 : i32 to index
        %get3A_349 = arith.constant 96 : index
        %get3A_350 = tpu.vector_load %arg10[%get3A_348, %get3A_349] {strides = array<i32>} : memref<40x128xf32, #tpu.memory_space<vmem>>, vector<1x16xf32>,
        %get3A_351 = vector.shape_cast %get3A_350 : vector<1x16xf32> to vector<16xf32>
        %mul3A_352 = arith.mulf %get3A_351, %gather3A_347 : vector<16xf32>
        %swap3A_353 = arith.index_cast %add3A_233 : i32 to index
        %swap3A_354 = arith.constant 96 : index
        %swap3A_355 = tpu.vector_load %arg10[%swap3A_353, %swap3A_354] {strides = array<i32>} : memref<40x128xf32, #tpu.memory_space<vmem>>, vector<1x16xf32>,
        %swap3A_356 = vector.shape_cast %swap3A_355 : vector<1x16xf32> to vector<16xf32>
        %swap3A_357 = vector.shape_cast %mul3A_352 : vector<16xf32> to vector<1x16xf32>
        tpu.vector_store %arg10[%swap3A_353, %swap3A_354], %swap3A_357 {strides = array<i32>} : memref<40x128xf32, #tpu.memory_space<vmem>>, vector<1x16xf32>,
        %broadcast_in_dim3A_358 = arith.constant 7 : i32
        %broadcast_in_dim3A_359 = vector.broadcast %broadcast_in_dim3A_358 : i32 to vector<16xi32>
        %broadcast_in_dim3A_360 = vector.shape_cast %broadcast_in_dim3A_359 : vector<16xi32> to vector<16x1xi32>
        %gather3A_361 = vector.shape_cast %broadcast_in_dim3A_360 : vector<16x1xi32> to vector<16xi32>
        %gather3A_362 = tpu.dynamic_gather %exp3A_247[%gather3A_361] in [0] : vector<16xf32>, vector<16xi32> -> vector<16xf32>
        %get3A_363 = arith.index_cast %add3A_233 : i32 to index
        %get3A_364 = arith.constant 112 : index
        %get3A_365 = tpu.vector_load %arg10[%get3A_363, %get3A_364] {strides = array<i32>} : memref<40x128xf32, #tpu.memory_space<vmem>>, vector<1x16xf32>,
        %get3A_366 = vector.shape_cast %get3A_365 : vector<1x16xf32> to vector<16xf32>
        %mul3A_367 = arith.mulf %get3A_366, %gather3A_362 : vector<16xf32>
        %swap3A_368 = arith.index_cast %add3A_233 : i32 to index
        %swap3A_369 = arith.constant 112 : index
        %swap3A_370 = tpu.vector_load %arg10[%swap3A_368, %swap3A_369] {strides = array<i32>} : memref<40x128xf32, #tpu.memory_space<vmem>>, vector<1x16xf32>,
        %swap3A_371 = vector.shape_cast %swap3A_370 : vector<1x16xf32> to vector<16xf32>
        %swap3A_372 = vector.shape_cast %mul3A_367 : vector<16xf32> to vector<1x16xf32>
        tpu.vector_store %arg10[%swap3A_368, %swap3A_369], %swap3A_372 {strides = array<i32>} : memref<40x128xf32, #tpu.memory_space<vmem>>, vector<1x16xf32>,
        %mul3A_373 = arith.constant 4 : i32
        %mul3A_374 = arith.muli %scan3A_92, %mul3A_373 : i32
        %add3A_375 = arith.constant 2 : i32
        %add3A_376 = arith.addi %mul3A_374, %add3A_375 : i32
        %get3A_377 = arith.index_cast %add3A_376 : i32 to index
        %get3A_378 = arith.constant 0 : index
        %get3A_379 = tpu.vector_load %arg13[%get3A_377, %get3A_378] {strides = array<i32>} : memref<40x16xf32, #tpu.memory_space<vmem>>, vector<1x16xf32>,
        %get3A_380 = vector.shape_cast %get3A_379 : vector<1x16xf32> to vector<16xf32>
        %get3A_381 = arith.index_cast %add3A_376 : i32 to index
        %get3A_382 = arith.constant 0 : index
        %get3A_383 = tpu.vector_load %arg16[%get3A_381, %get3A_382] {strides = array<i32>} : memref<40x16xf32, #tpu.memory_space<vmem>>, vector<1x16xf32>,
        %get3A_384 = vector.shape_cast %get3A_383 : vector<1x16xf32> to vector<16xf32>
        %add3A_385 = arith.addf %get3A_380, %get3A_384 : vector<16xf32>
        %mul3A_386 = arith.constant 2.000000e-01 : f32
        %mul3A_387 = vector.broadcast %mul3A_386 : f32 to vector<16xf32>
        %mul3A_388 = arith.mulf %add3A_385, %mul3A_387 : vector<16xf32>
        %max3A_389 = arith.maximumf %add3A_385, %mul3A_388 : vector<16xf32>
        %exp3A_390 = math.exp %max3A_389 : vector<16xf32>
        %swap3A_391 = arith.index_cast %add3A_376 : i32 to index
        %swap3A_392 = arith.constant 0 : index
        %swap3A_393 = tpu.vector_load %arg19[%swap3A_391, %swap3A_392] {strides = array<i32>} : memref<40x16xf32, #tpu.memory_space<vmem>>, vector<1x16xf32>,
        %swap3A_394 = vector.shape_cast %swap3A_393 : vector<1x16xf32> to vector<16xf32>
        %swap3A_395 = vector.shape_cast %exp3A_390 : vector<16xf32> to vector<1x16xf32>
        tpu.vector_store %arg19[%swap3A_391, %swap3A_392], %swap3A_395 {strides = array<i32>} : memref<40x16xf32, #tpu.memory_space<vmem>>, vector<1x16xf32>,
        %broadcast_in_dim3A_396 = arith.constant 0 : i32
        %broadcast_in_dim3A_397 = vector.broadcast %broadcast_in_dim3A_396 : i32 to vector<16xi32>
        %broadcast_in_dim3A_398 = vector.shape_cast %broadcast_in_dim3A_397 : vector<16xi32> to vector<16x1xi32>
        %gather3A_399 = vector.shape_cast %broadcast_in_dim3A_398 : vector<16x1xi32> to vector<16xi32>
        %gather3A_400 = tpu.dynamic_gather %exp3A_390[%gather3A_399] in [0] : vector<16xf32>, vector<16xi32> -> vector<16xf32>
        %get3A_401 = arith.index_cast %add3A_376 : i32 to index
        %get3A_402 = arith.constant 0 : index
        %get3A_403 = tpu.vector_load %arg10[%get3A_401, %get3A_402] {strides = array<i32>} : memref<40x128xf32, #tpu.memory_space<vmem>>, vector<1x16xf32>,
        %get3A_404 = vector.shape_cast %get3A_403 : vector<1x16xf32> to vector<16xf32>
        %mul3A_405 = arith.mulf %get3A_404, %gather3A_400 : vector<16xf32>
        %swap3A_406 = arith.index_cast %add3A_376 : i32 to index
        %swap3A_407 = arith.constant 0 : index
        %swap3A_408 = tpu.vector_load %arg10[%swap3A_406, %swap3A_407] {strides = array<i32>} : memref<40x128xf32, #tpu.memory_space<vmem>>, vector<1x16xf32>,
        %swap3A_409 = vector.shape_cast %swap3A_408 : vector<1x16xf32> to vector<16xf32>
        %swap3A_410 = vector.shape_cast %mul3A_405 : vector<16xf32> to vector<1x16xf32>
        tpu.vector_store %arg10[%swap3A_406, %swap3A_407], %swap3A_410 {strides = array<i32>} : memref<40x128xf32, #tpu.memory_space<vmem>>, vector<1x16xf32>,
        %broadcast_in_dim3A_411 = arith.constant 1 : i32
        %broadcast_in_dim3A_412 = vector.broadcast %broadcast_in_dim3A_411 : i32 to vector<16xi32>
        %broadcast_in_dim3A_413 = vector.shape_cast %broadcast_in_dim3A_412 : vector<16xi32> to vector<16x1xi32>
        %gather3A_414 = vector.shape_cast %broadcast_in_dim3A_413 : vector<16x1xi32> to vector<16xi32>
        %gather3A_415 = tpu.dynamic_gather %exp3A_390[%gather3A_414] in [0] : vector<16xf32>, vector<16xi32> -> vector<16xf32>
        %get3A_416 = arith.index_cast %add3A_376 : i32 to index
        %get3A_417 = arith.constant 16 : index
        %get3A_418 = tpu.vector_load %arg10[%get3A_416, %get3A_417] {strides = array<i32>} : memref<40x128xf32, #tpu.memory_space<vmem>>, vector<1x16xf32>,
        %get3A_419 = vector.shape_cast %get3A_418 : vector<1x16xf32> to vector<16xf32>
        %mul3A_420 = arith.mulf %get3A_419, %gather3A_415 : vector<16xf32>
        %swap3A_421 = arith.index_cast %add3A_376 : i32 to index
        %swap3A_422 = arith.constant 16 : index
        %swap3A_423 = tpu.vector_load %arg10[%swap3A_421, %swap3A_422] {strides = array<i32>} : memref<40x128xf32, #tpu.memory_space<vmem>>, vector<1x16xf32>,
        %swap3A_424 = vector.shape_cast %swap3A_423 : vector<1x16xf32> to vector<16xf32>
        %swap3A_425 = vector.shape_cast %mul3A_420 : vector<16xf32> to vector<1x16xf32>
        tpu.vector_store %arg10[%swap3A_421, %swap3A_422], %swap3A_425 {strides = array<i32>} : memref<40x128xf32, #tpu.memory_space<vmem>>, vector<1x16xf32>,
        %broadcast_in_dim3A_426 = arith.constant 2 : i32
        %broadcast_in_dim3A_427 = vector.broadcast %broadcast_in_dim3A_426 : i32 to vector<16xi32>
        %broadcast_in_dim3A_428 = vector.shape_cast %broadcast_in_dim3A_427 : vector<16xi32> to vector<16x1xi32>
        %gather3A_429 = vector.shape_cast %broadcast_in_dim3A_428 : vector<16x1xi32> to vector<16xi32>
        %gather3A_430 = tpu.dynamic_gather %exp3A_390[%gather3A_429] in [0] : vector<16xf32>, vector<16xi32> -> vector<16xf32>
        %get3A_431 = arith.index_cast %add3A_376 : i32 to index
        %get3A_432 = arith.constant 32 : index
        %get3A_433 = tpu.vector_load %arg10[%get3A_431, %get3A_432] {strides = array<i32>} : memref<40x128xf32, #tpu.memory_space<vmem>>, vector<1x16xf32>,
        %get3A_434 = vector.shape_cast %get3A_433 : vector<1x16xf32> to vector<16xf32>
        %mul3A_435 = arith.mulf %get3A_434, %gather3A_430 : vector<16xf32>
        %swap3A_436 = arith.index_cast %add3A_376 : i32 to index
        %swap3A_437 = arith.constant 32 : index
        %swap3A_438 = tpu.vector_load %arg10[%swap3A_436, %swap3A_437] {strides = array<i32>} : memref<40x128xf32, #tpu.memory_space<vmem>>, vector<1x16xf32>,
        %swap3A_439 = vector.shape_cast %swap3A_438 : vector<1x16xf32> to vector<16xf32>
        %swap3A_440 = vector.shape_cast %mul3A_435 : vector<16xf32> to vector<1x16xf32>
        tpu.vector_store %arg10[%swap3A_436, %swap3A_437], %swap3A_440 {strides = array<i32>} : memref<40x128xf32, #tpu.memory_space<vmem>>, vector<1x16xf32>,
        %broadcast_in_dim3A_441 = arith.constant 3 : i32
        %broadcast_in_dim3A_442 = vector.broadcast %broadcast_in_dim3A_441 : i32 to vector<16xi32>
        %broadcast_in_dim3A_443 = vector.shape_cast %broadcast_in_dim3A_442 : vector<16xi32> to vector<16x1xi32>
        %gather3A_444 = vector.shape_cast %broadcast_in_dim3A_443 : vector<16x1xi32> to vector<16xi32>
        %gather3A_445 = tpu.dynamic_gather %exp3A_390[%gather3A_444] in [0] : vector<16xf32>, vector<16xi32> -> vector<16xf32>
        %get3A_446 = arith.index_cast %add3A_376 : i32 to index
        %get3A_447 = arith.constant 48 : index
        %get3A_448 = tpu.vector_load %arg10[%get3A_446, %get3A_447] {strides = array<i32>} : memref<40x128xf32, #tpu.memory_space<vmem>>, vector<1x16xf32>,
        %get3A_449 = vector.shape_cast %get3A_448 : vector<1x16xf32> to vector<16xf32>
        %mul3A_450 = arith.mulf %get3A_449, %gather3A_445 : vector<16xf32>
        %swap3A_451 = arith.index_cast %add3A_376 : i32 to index
        %swap3A_452 = arith.constant 48 : index
        %swap3A_453 = tpu.vector_load %arg10[%swap3A_451, %swap3A_452] {strides = array<i32>} : memref<40x128xf32, #tpu.memory_space<vmem>>, vector<1x16xf32>,
        %swap3A_454 = vector.shape_cast %swap3A_453 : vector<1x16xf32> to vector<16xf32>
        %swap3A_455 = vector.shape_cast %mul3A_450 : vector<16xf32> to vector<1x16xf32>
        tpu.vector_store %arg10[%swap3A_451, %swap3A_452], %swap3A_455 {strides = array<i32>} : memref<40x128xf32, #tpu.memory_space<vmem>>, vector<1x16xf32>,
        %broadcast_in_dim3A_456 = arith.constant 4 : i32
        %broadcast_in_dim3A_457 = vector.broadcast %broadcast_in_dim3A_456 : i32 to vector<16xi32>
        %broadcast_in_dim3A_458 = vector.shape_cast %broadcast_in_dim3A_457 : vector<16xi32> to vector<16x1xi32>
        %gather3A_459 = vector.shape_cast %broadcast_in_dim3A_458 : vector<16x1xi32> to vector<16xi32>
        %gather3A_460 = tpu.dynamic_gather %exp3A_390[%gather3A_459] in [0] : vector<16xf32>, vector<16xi32> -> vector<16xf32>
        %get3A_461 = arith.index_cast %add3A_376 : i32 to index
        %get3A_462 = arith.constant 64 : index
        %get3A_463 = tpu.vector_load %arg10[%get3A_461, %get3A_462] {strides = array<i32>} : memref<40x128xf32, #tpu.memory_space<vmem>>, vector<1x16xf32>,
        %get3A_464 = vector.shape_cast %get3A_463 : vector<1x16xf32> to vector<16xf32>
        %mul3A_465 = arith.mulf %get3A_464, %gather3A_460 : vector<16xf32>
        %swap3A_466 = arith.index_cast %add3A_376 : i32 to index
        %swap3A_467 = arith.constant 64 : index
        %swap3A_468 = tpu.vector_load %arg10[%swap3A_466, %swap3A_467] {strides = array<i32>} : memref<40x128xf32, #tpu.memory_space<vmem>>, vector<1x16xf32>,
        %swap3A_469 = vector.shape_cast %swap3A_468 : vector<1x16xf32> to vector<16xf32>
        %swap3A_470 = vector.shape_cast %mul3A_465 : vector<16xf32> to vector<1x16xf32>
        tpu.vector_store %arg10[%swap3A_466, %swap3A_467], %swap3A_470 {strides = array<i32>} : memref<40x128xf32, #tpu.memory_space<vmem>>, vector<1x16xf32>,
        %broadcast_in_dim3A_471 = arith.constant 5 : i32
        %broadcast_in_dim3A_472 = vector.broadcast %broadcast_in_dim3A_471 : i32 to vector<16xi32>
        %broadcast_in_dim3A_473 = vector.shape_cast %broadcast_in_dim3A_472 : vector<16xi32> to vector<16x1xi32>
        %gather3A_474 = vector.shape_cast %broadcast_in_dim3A_473 : vector<16x1xi32> to vector<16xi32>
        %gather3A_475 = tpu.dynamic_gather %exp3A_390[%gather3A_474] in [0] : vector<16xf32>, vector<16xi32> -> vector<16xf32>
        %get3A_476 = arith.index_cast %add3A_376 : i32 to index
        %get3A_477 = arith.constant 80 : index
        %get3A_478 = tpu.vector_load %arg10[%get3A_476, %get3A_477] {strides = array<i32>} : memref<40x128xf32, #tpu.memory_space<vmem>>, vector<1x16xf32>,
        %get3A_479 = vector.shape_cast %get3A_478 : vector<1x16xf32> to vector<16xf32>
        %mul3A_480 = arith.mulf %get3A_479, %gather3A_475 : vector<16xf32>
        %swap3A_481 = arith.index_cast %add3A_376 : i32 to index
        %swap3A_482 = arith.constant 80 : index
        %swap3A_483 = tpu.vector_load %arg10[%swap3A_481, %swap3A_482] {strides = array<i32>} : memref<40x128xf32, #tpu.memory_space<vmem>>, vector<1x16xf32>,
        %swap3A_484 = vector.shape_cast %swap3A_483 : vector<1x16xf32> to vector<16xf32>
        %swap3A_485 = vector.shape_cast %mul3A_480 : vector<16xf32> to vector<1x16xf32>
        tpu.vector_store %arg10[%swap3A_481, %swap3A_482], %swap3A_485 {strides = array<i32>} : memref<40x128xf32, #tpu.memory_space<vmem>>, vector<1x16xf32>,
        %broadcast_in_dim3A_486 = arith.constant 6 : i32
        %broadcast_in_dim3A_487 = vector.broadcast %broadcast_in_dim3A_486 : i32 to vector<16xi32>
        %broadcast_in_dim3A_488 = vector.shape_cast %broadcast_in_dim3A_487 : vector<16xi32> to vector<16x1xi32>
        %gather3A_489 = vector.shape_cast %broadcast_in_dim3A_488 : vector<16x1xi32> to vector<16xi32>
        %gather3A_490 = tpu.dynamic_gather %exp3A_390[%gather3A_489] in [0] : vector<16xf32>, vector<16xi32> -> vector<16xf32>
        %get3A_491 = arith.index_cast %add3A_376 : i32 to index
        %get3A_492 = arith.constant 96 : index
        %get3A_493 = tpu.vector_load %arg10[%get3A_491, %get3A_492] {strides = array<i32>} : memref<40x128xf32, #tpu.memory_space<vmem>>, vector<1x16xf32>,
        %get3A_494 = vector.shape_cast %get3A_493 : vector<1x16xf32> to vector<16xf32>
        %mul3A_495 = arith.mulf %get3A_494, %gather3A_490 : vector<16xf32>
        %swap3A_496 = arith.index_cast %add3A_376 : i32 to index
        %swap3A_497 = arith.constant 96 : index
        %swap3A_498 = tpu.vector_load %arg10[%swap3A_496, %swap3A_497] {strides = array<i32>} : memref<40x128xf32, #tpu.memory_space<vmem>>, vector<1x16xf32>,
        %swap3A_499 = vector.shape_cast %swap3A_498 : vector<1x16xf32> to vector<16xf32>
        %swap3A_500 = vector.shape_cast %mul3A_495 : vector<16xf32> to vector<1x16xf32>
        tpu.vector_store %arg10[%swap3A_496, %swap3A_497], %swap3A_500 {strides = array<i32>} : memref<40x128xf32, #tpu.memory_space<vmem>>, vector<1x16xf32>,
        %broadcast_in_dim3A_501 = arith.constant 7 : i32
        %broadcast_in_dim3A_502 = vector.broadcast %broadcast_in_dim3A_501 : i32 to vector<16xi32>
        %broadcast_in_dim3A_503 = vector.shape_cast %broadcast_in_dim3A_502 : vector<16xi32> to vector<16x1xi32>
        %gather3A_504 = vector.shape_cast %broadcast_in_dim3A_503 : vector<16x1xi32> to vector<16xi32>
        %gather3A_505 = tpu.dynamic_gather %exp3A_390[%gather3A_504] in [0] : vector<16xf32>, vector<16xi32> -> vector<16xf32>
        %get3A_506 = arith.index_cast %add3A_376 : i32 to index
        %get3A_507 = arith.constant 112 : index
        %get3A_508 = tpu.vector_load %arg10[%get3A_506, %get3A_507] {strides = array<i32>} : memref<40x128xf32, #tpu.memory_space<vmem>>, vector<1x16xf32>,
        %get3A_509 = vector.shape_cast %get3A_508 : vector<1x16xf32> to vector<16xf32>
        %mul3A_510 = arith.mulf %get3A_509, %gather3A_505 : vector<16xf32>
        %swap3A_511 = arith.index_cast %add3A_376 : i32 to index
        %swap3A_512 = arith.constant 112 : index
        %swap3A_513 = tpu.vector_load %arg10[%swap3A_511, %swap3A_512] {strides = array<i32>} : memref<40x128xf32, #tpu.memory_space<vmem>>, vector<1x16xf32>,
        %swap3A_514 = vector.shape_cast %swap3A_513 : vector<1x16xf32> to vector<16xf32>
        %swap3A_515 = vector.shape_cast %mul3A_510 : vector<16xf32> to vector<1x16xf32>
        tpu.vector_store %arg10[%swap3A_511, %swap3A_512], %swap3A_515 {strides = array<i32>} : memref<40x128xf32, #tpu.memory_space<vmem>>, vector<1x16xf32>,
        %mul3A_516 = arith.constant 4 : i32
        %mul3A_517 = arith.muli %scan3A_92, %mul3A_516 : i32
        %add3A_518 = arith.constant 3 : i32
        %add3A_519 = arith.addi %mul3A_517, %add3A_518 : i32
        %get3A_520 = arith.index_cast %add3A_519 : i32 to index
        %get3A_521 = arith.constant 0 : index
        %get3A_522 = tpu.vector_load %arg13[%get3A_520, %get3A_521] {strides = array<i32>} : memref<40x16xf32, #tpu.memory_space<vmem>>, vector<1x16xf32>,
        %get3A_523 = vector.shape_cast %get3A_522 : vector<1x16xf32> to vector<16xf32>
        %get3A_524 = arith.index_cast %add3A_519 : i32 to index
        %get3A_525 = arith.constant 0 : index
        %get3A_526 = tpu.vector_load %arg16[%get3A_524, %get3A_525] {strides = array<i32>} : memref<40x16xf32, #tpu.memory_space<vmem>>, vector<1x16xf32>,
        %get3A_527 = vector.shape_cast %get3A_526 : vector<1x16xf32> to vector<16xf32>
        %add3A_528 = arith.addf %get3A_523, %get3A_527 : vector<16xf32>
        %mul3A_529 = arith.constant 2.000000e-01 : f32
        %mul3A_530 = vector.broadcast %mul3A_529 : f32 to vector<16xf32>
        %mul3A_531 = arith.mulf %add3A_528, %mul3A_530 : vector<16xf32>
        %max3A_532 = arith.maximumf %add3A_528, %mul3A_531 : vector<16xf32>
        %exp3A_533 = math.exp %max3A_532 : vector<16xf32>
        %swap3A_534 = arith.index_cast %add3A_519 : i32 to index
        %swap3A_535 = arith.constant 0 : index
        %swap3A_536 = tpu.vector_load %arg19[%swap3A_534, %swap3A_535] {strides = array<i32>} : memref<40x16xf32, #tpu.memory_space<vmem>>, vector<1x16xf32>,
        %swap3A_537 = vector.shape_cast %swap3A_536 : vector<1x16xf32> to vector<16xf32>
        %swap3A_538 = vector.shape_cast %exp3A_533 : vector<16xf32> to vector<1x16xf32>
        tpu.vector_store %arg19[%swap3A_534, %swap3A_535], %swap3A_538 {strides = array<i32>} : memref<40x16xf32, #tpu.memory_space<vmem>>, vector<1x16xf32>,
        %broadcast_in_dim3A_539 = arith.constant 0 : i32
        %broadcast_in_dim3A_540 = vector.broadcast %broadcast_in_dim3A_539 : i32 to vector<16xi32>
        %broadcast_in_dim3A_541 = vector.shape_cast %broadcast_in_dim3A_540 : vector<16xi32> to vector<16x1xi32>
        %gather3A_542 = vector.shape_cast %broadcast_in_dim3A_541 : vector<16x1xi32> to vector<16xi32>
        %gather3A_543 = tpu.dynamic_gather %exp3A_533[%gather3A_542] in [0] : vector<16xf32>, vector<16xi32> -> vector<16xf32>
        %get3A_544 = arith.index_cast %add3A_519 : i32 to index
        %get3A_545 = arith.constant 0 : index
        %get3A_546 = tpu.vector_load %arg10[%get3A_544, %get3A_545] {strides = array<i32>} : memref<40x128xf32, #tpu.memory_space<vmem>>, vector<1x16xf32>,
        %get3A_547 = vector.shape_cast %get3A_546 : vector<1x16xf32> to vector<16xf32>
        %mul3A_548 = arith.mulf %get3A_547, %gather3A_543 : vector<16xf32>
        %swap3A_549 = arith.index_cast %add3A_519 : i32 to index
        %swap3A_550 = arith.constant 0 : index
        %swap3A_551 = tpu.vector_load %arg10[%swap3A_549, %swap3A_550] {strides = array<i32>} : memref<40x128xf32, #tpu.memory_space<vmem>>, vector<1x16xf32>,
        %swap3A_552 = vector.shape_cast %swap3A_551 : vector<1x16xf32> to vector<16xf32>
        %swap3A_553 = vector.shape_cast %mul3A_548 : vector<16xf32> to vector<1x16xf32>
        tpu.vector_store %arg10[%swap3A_549, %swap3A_550], %swap3A_553 {strides = array<i32>} : memref<40x128xf32, #tpu.memory_space<vmem>>, vector<1x16xf32>,
        %broadcast_in_dim3A_554 = arith.constant 1 : i32
        %broadcast_in_dim3A_555 = vector.broadcast %broadcast_in_dim3A_554 : i32 to vector<16xi32>
        %broadcast_in_dim3A_556 = vector.shape_cast %broadcast_in_dim3A_555 : vector<16xi32> to vector<16x1xi32>
        %gather3A_557 = vector.shape_cast %broadcast_in_dim3A_556 : vector<16x1xi32> to vector<16xi32>
        %gather3A_558 = tpu.dynamic_gather %exp3A_533[%gather3A_557] in [0] : vector<16xf32>, vector<16xi32> -> vector<16xf32>
        %get3A_559 = arith.index_cast %add3A_519 : i32 to index
        %get3A_560 = arith.constant 16 : index
        %get3A_561 = tpu.vector_load %arg10[%get3A_559, %get3A_560] {strides = array<i32>} : memref<40x128xf32, #tpu.memory_space<vmem>>, vector<1x16xf32>,
        %get3A_562 = vector.shape_cast %get3A_561 : vector<1x16xf32> to vector<16xf32>
        %mul3A_563 = arith.mulf %get3A_562, %gather3A_558 : vector<16xf32>
        %swap3A_564 = arith.index_cast %add3A_519 : i32 to index
        %swap3A_565 = arith.constant 16 : index
        %swap3A_566 = tpu.vector_load %arg10[%swap3A_564, %swap3A_565] {strides = array<i32>} : memref<40x128xf32, #tpu.memory_space<vmem>>, vector<1x16xf32>,
        %swap3A_567 = vector.shape_cast %swap3A_566 : vector<1x16xf32> to vector<16xf32>
        %swap3A_568 = vector.shape_cast %mul3A_563 : vector<16xf32> to vector<1x16xf32>
        tpu.vector_store %arg10[%swap3A_564, %swap3A_565], %swap3A_568 {strides = array<i32>} : memref<40x128xf32, #tpu.memory_space<vmem>>, vector<1x16xf32>,
        %broadcast_in_dim3A_569 = arith.constant 2 : i32
        %broadcast_in_dim3A_570 = vector.broadcast %broadcast_in_dim3A_569 : i32 to vector<16xi32>
        %broadcast_in_dim3A_571 = vector.shape_cast %broadcast_in_dim3A_570 : vector<16xi32> to vector<16x1xi32>
        %gather3A_572 = vector.shape_cast %broadcast_in_dim3A_571 : vector<16x1xi32> to vector<16xi32>
        %gather3A_573 = tpu.dynamic_gather %exp3A_533[%gather3A_572] in [0] : vector<16xf32>, vector<16xi32> -> vector<16xf32>
        %get3A_574 = arith.index_cast %add3A_519 : i32 to index
        %get3A_575 = arith.constant 32 : index
        %get3A_576 = tpu.vector_load %arg10[%get3A_574, %get3A_575] {strides = array<i32>} : memref<40x128xf32, #tpu.memory_space<vmem>>, vector<1x16xf32>,
        %get3A_577 = vector.shape_cast %get3A_576 : vector<1x16xf32> to vector<16xf32>
        %mul3A_578 = arith.mulf %get3A_577, %gather3A_573 : vector<16xf32>
        %swap3A_579 = arith.index_cast %add3A_519 : i32 to index
        %swap3A_580 = arith.constant 32 : index
        %swap3A_581 = tpu.vector_load %arg10[%swap3A_579, %swap3A_580] {strides = array<i32>} : memref<40x128xf32, #tpu.memory_space<vmem>>, vector<1x16xf32>,
        %swap3A_582 = vector.shape_cast %swap3A_581 : vector<1x16xf32> to vector<16xf32>
        %swap3A_583 = vector.shape_cast %mul3A_578 : vector<16xf32> to vector<1x16xf32>
        tpu.vector_store %arg10[%swap3A_579, %swap3A_580], %swap3A_583 {strides = array<i32>} : memref<40x128xf32, #tpu.memory_space<vmem>>, vector<1x16xf32>,
        %broadcast_in_dim3A_584 = arith.constant 3 : i32
        %broadcast_in_dim3A_585 = vector.broadcast %broadcast_in_dim3A_584 : i32 to vector<16xi32>
        %broadcast_in_dim3A_586 = vector.shape_cast %broadcast_in_dim3A_585 : vector<16xi32> to vector<16x1xi32>
        %gather3A_587 = vector.shape_cast %broadcast_in_dim3A_586 : vector<16x1xi32> to vector<16xi32>
        %gather3A_588 = tpu.dynamic_gather %exp3A_533[%gather3A_587] in [0] : vector<16xf32>, vector<16xi32> -> vector<16xf32>
        %get3A_589 = arith.index_cast %add3A_519 : i32 to index
        %get3A_590 = arith.constant 48 : index
        %get3A_591 = tpu.vector_load %arg10[%get3A_589, %get3A_590] {strides = array<i32>} : memref<40x128xf32, #tpu.memory_space<vmem>>, vector<1x16xf32>,
        %get3A_592 = vector.shape_cast %get3A_591 : vector<1x16xf32> to vector<16xf32>
        %mul3A_593 = arith.mulf %get3A_592, %gather3A_588 : vector<16xf32>
        %swap3A_594 = arith.index_cast %add3A_519 : i32 to index
        %swap3A_595 = arith.constant 48 : index
        %swap3A_596 = tpu.vector_load %arg10[%swap3A_594, %swap3A_595] {strides = array<i32>} : memref<40x128xf32, #tpu.memory_space<vmem>>, vector<1x16xf32>,
        %swap3A_597 = vector.shape_cast %swap3A_596 : vector<1x16xf32> to vector<16xf32>
        %swap3A_598 = vector.shape_cast %mul3A_593 : vector<16xf32> to vector<1x16xf32>
        tpu.vector_store %arg10[%swap3A_594, %swap3A_595], %swap3A_598 {strides = array<i32>} : memref<40x128xf32, #tpu.memory_space<vmem>>, vector<1x16xf32>,
        %broadcast_in_dim3A_599 = arith.constant 4 : i32
        %broadcast_in_dim3A_600 = vector.broadcast %broadcast_in_dim3A_599 : i32 to vector<16xi32>
        %broadcast_in_dim3A_601 = vector.shape_cast %broadcast_in_dim3A_600 : vector<16xi32> to vector<16x1xi32>
        %gather3A_602 = vector.shape_cast %broadcast_in_dim3A_601 : vector<16x1xi32> to vector<16xi32>
        %gather3A_603 = tpu.dynamic_gather %exp3A_533[%gather3A_602] in [0] : vector<16xf32>, vector<16xi32> -> vector<16xf32>
        %get3A_604 = arith.index_cast %add3A_519 : i32 to index
        %get3A_605 = arith.constant 64 : index
        %get3A_606 = tpu.vector_load %arg10[%get3A_604, %get3A_605] {strides = array<i32>} : memref<40x128xf32, #tpu.memory_space<vmem>>, vector<1x16xf32>,
        %get3A_607 = vector.shape_cast %get3A_606 : vector<1x16xf32> to vector<16xf32>
        %mul3A_608 = arith.mulf %get3A_607, %gather3A_603 : vector<16xf32>
        %swap3A_609 = arith.index_cast %add3A_519 : i32 to index
        %swap3A_610 = arith.constant 64 : index
        %swap3A_611 = tpu.vector_load %arg10[%swap3A_609, %swap3A_610] {strides = array<i32>} : memref<40x128xf32, #tpu.memory_space<vmem>>, vector<1x16xf32>,
        %swap3A_612 = vector.shape_cast %swap3A_611 : vector<1x16xf32> to vector<16xf32>
        %swap3A_613 = vector.shape_cast %mul3A_608 : vector<16xf32> to vector<1x16xf32>
        tpu.vector_store %arg10[%swap3A_609, %swap3A_610], %swap3A_613 {strides = array<i32>} : memref<40x128xf32, #tpu.memory_space<vmem>>, vector<1x16xf32>,
        %broadcast_in_dim3A_614 = arith.constant 5 : i32
        %broadcast_in_dim3A_615 = vector.broadcast %broadcast_in_dim3A_614 : i32 to vector<16xi32>
        %broadcast_in_dim3A_616 = vector.shape_cast %broadcast_in_dim3A_615 : vector<16xi32> to vector<16x1xi32>
        %gather3A_617 = vector.shape_cast %broadcast_in_dim3A_616 : vector<16x1xi32> to vector<16xi32>
        %gather3A_618 = tpu.dynamic_gather %exp3A_533[%gather3A_617] in [0] : vector<16xf32>, vector<16xi32> -> vector<16xf32>
        %get3A_619 = arith.index_cast %add3A_519 : i32 to index
        %get3A_620 = arith.constant 80 : index
        %get3A_621 = tpu.vector_load %arg10[%get3A_619, %get3A_620] {strides = array<i32>} : memref<40x128xf32, #tpu.memory_space<vmem>>, vector<1x16xf32>,
        %get3A_622 = vector.shape_cast %get3A_621 : vector<1x16xf32> to vector<16xf32>
        %mul3A_623 = arith.mulf %get3A_622, %gather3A_618 : vector<16xf32>
        %swap3A_624 = arith.index_cast %add3A_519 : i32 to index
        %swap3A_625 = arith.constant 80 : index
        %swap3A_626 = tpu.vector_load %arg10[%swap3A_624, %swap3A_625] {strides = array<i32>} : memref<40x128xf32, #tpu.memory_space<vmem>>, vector<1x16xf32>,
        %swap3A_627 = vector.shape_cast %swap3A_626 : vector<1x16xf32> to vector<16xf32>
        %swap3A_628 = vector.shape_cast %mul3A_623 : vector<16xf32> to vector<1x16xf32>
        tpu.vector_store %arg10[%swap3A_624, %swap3A_625], %swap3A_628 {strides = array<i32>} : memref<40x128xf32, #tpu.memory_space<vmem>>, vector<1x16xf32>,
        %broadcast_in_dim3A_629 = arith.constant 6 : i32
        %broadcast_in_dim3A_630 = vector.broadcast %broadcast_in_dim3A_629 : i32 to vector<16xi32>
        %broadcast_in_dim3A_631 = vector.shape_cast %broadcast_in_dim3A_630 : vector<16xi32> to vector<16x1xi32>
        %gather3A_632 = vector.shape_cast %broadcast_in_dim3A_631 : vector<16x1xi32> to vector<16xi32>
        %gather3A_633 = tpu.dynamic_gather %exp3A_533[%gather3A_632] in [0] : vector<16xf32>, vector<16xi32> -> vector<16xf32>
        %get3A_634 = arith.index_cast %add3A_519 : i32 to index
        %get3A_635 = arith.constant 96 : index
        %get3A_636 = tpu.vector_load %arg10[%get3A_634, %get3A_635] {strides = array<i32>} : memref<40x128xf32, #tpu.memory_space<vmem>>, vector<1x16xf32>,
        %get3A_637 = vector.shape_cast %get3A_636 : vector<1x16xf32> to vector<16xf32>
        %mul3A_638 = arith.mulf %get3A_637, %gather3A_633 : vector<16xf32>
        %swap3A_639 = arith.index_cast %add3A_519 : i32 to index
        %swap3A_640 = arith.constant 96 : index
        %swap3A_641 = tpu.vector_load %arg10[%swap3A_639, %swap3A_640] {strides = array<i32>} : memref<40x128xf32, #tpu.memory_space<vmem>>, vector<1x16xf32>,
        %swap3A_642 = vector.shape_cast %swap3A_641 : vector<1x16xf32> to vector<16xf32>
        %swap3A_643 = vector.shape_cast %mul3A_638 : vector<16xf32> to vector<1x16xf32>
        tpu.vector_store %arg10[%swap3A_639, %swap3A_640], %swap3A_643 {strides = array<i32>} : memref<40x128xf32, #tpu.memory_space<vmem>>, vector<1x16xf32>,
        %broadcast_in_dim3A_644 = arith.constant 7 : i32
        %broadcast_in_dim3A_645 = vector.broadcast %broadcast_in_dim3A_644 : i32 to vector<16xi32>
        %broadcast_in_dim3A_646 = vector.shape_cast %broadcast_in_dim3A_645 : vector<16xi32> to vector<16x1xi32>
        %gather3A_647 = vector.shape_cast %broadcast_in_dim3A_646 : vector<16x1xi32> to vector<16xi32>
        %gather3A_648 = tpu.dynamic_gather %exp3A_533[%gather3A_647] in [0] : vector<16xf32>, vector<16xi32> -> vector<16xf32>
        %get3A_649 = arith.index_cast %add3A_519 : i32 to index
        %get3A_650 = arith.constant 112 : index
        %get3A_651 = tpu.vector_load %arg10[%get3A_649, %get3A_650] {strides = array<i32>} : memref<40x128xf32, #tpu.memory_space<vmem>>, vector<1x16xf32>,
        %get3A_652 = vector.shape_cast %get3A_651 : vector<1x16xf32> to vector<16xf32>
        %mul3A_653 = arith.mulf %get3A_652, %gather3A_648 : vector<16xf32>
        %swap3A_654 = arith.index_cast %add3A_519 : i32 to index
        %swap3A_655 = arith.constant 112 : index
        %swap3A_656 = tpu.vector_load %arg10[%swap3A_654, %swap3A_655] {strides = array<i32>} : memref<40x128xf32, #tpu.memory_space<vmem>>, vector<1x16xf32>,
        %swap3A_657 = vector.shape_cast %swap3A_656 : vector<1x16xf32> to vector<16xf32>
        %swap3A_658 = vector.shape_cast %mul3A_653 : vector<16xf32> to vector<1x16xf32>
        tpu.vector_store %arg10[%swap3A_654, %swap3A_655], %swap3A_658 {strides = array<i32>} : memref<40x128xf32, #tpu.memory_space<vmem>>, vector<1x16xf32>,
      }
      %scan3A_91 = arith.constant 10 : i32
      "tpu.region"() ({
        %run_scoped3A = tpu.sem_alloc : memref<!tpu.dma_semaphore, #tpu.memory_space<semaphore_mem>>
        %dma_start3A_92 = arith.constant 0 : i32
        %dma_start3A_93 = arith.constant 0 : i32
        %dma_start3A_94 = tpu.memref_slice %arg25[%dma_start3A_92, %dma_start3A_93] : memref<10112x128xf32, #tpu.memory_space<vmem_shared>> -> memref<10112x128xf32, #tpu.memory_space<vmem_shared>>
        tpu.enqueue_indirect_dma source(%arg10 : memref<40x128xf32, #tpu.memory_space<vmem>>) target(%dma_start3A_94 : memref<10112x128xf32, #tpu.memory_space<vmem_shared>>) offsets(%arg22 : memref<40xi32, #tpu.memory_space<vmem>>) semaphore(%run_scoped3A : memref<!tpu.dma_semaphore, #tpu.memory_space<semaphore_mem>>) {add = true}
        %dma_wait3A_95 = arith.constant 0 : i32
        %dma_wait3A_96 = arith.constant 0 : i32
        %dma_wait3A_97 = tpu.memref_slice %arg25[%dma_wait3A_95, %dma_wait3A_96] : memref<10112x128xf32, #tpu.memory_space<vmem_shared>> -> memref<10112x128xf32, #tpu.memory_space<vmem_shared>>
        tpu.wait_indirect_dma semaphore(%run_scoped3A : memref<!tpu.dma_semaphore, #tpu.memory_space<semaphore_mem>>) src(%arg10 : memref<40x128xf32, #tpu.memory_space<vmem>>) dst(%dma_wait3A_97 : memref<10112x128xf32, #tpu.memory_space<vmem_shared>>)
        tpu.yield
      }) : () -> ()
      "tpu.region"() ({
        %run_scoped3A = tpu.sem_alloc : memref<!tpu.dma_semaphore, #tpu.memory_space<semaphore_mem>>
        %dma_start3A_92 = arith.constant 0 : i32
        %dma_start3A_93 = arith.constant 0 : i32
        %dma_start3A_94 = tpu.memref_slice %arg26[%dma_start3A_92, %dma_start3A_93] : memref<10112x16xf32, #tpu.memory_space<vmem_shared>> -> memref<10112x16xf32, #tpu.memory_space<vmem_shared>>
        tpu.enqueue_indirect_dma source(%arg19 : memref<40x16xf32, #tpu.memory_space<vmem>>) target(%dma_start3A_94 : memref<10112x16xf32, #tpu.memory_space<vmem_shared>>) offsets(%arg22 : memref<40xi32, #tpu.memory_space<vmem>>) semaphore(%run_scoped3A : memref<!tpu.dma_semaphore, #tpu.memory_space<semaphore_mem>>) {add = true}
        %dma_wait3A_95 = arith.constant 0 : i32
        %dma_wait3A_96 = arith.constant 0 : i32
        %dma_wait3A_97 = tpu.memref_slice %arg26[%dma_wait3A_95, %dma_wait3A_96] : memref<10112x16xf32, #tpu.memory_space<vmem_shared>> -> memref<10112x16xf32, #tpu.memory_space<vmem_shared>>
        tpu.wait_indirect_dma semaphore(%run_scoped3A : memref<!tpu.dma_semaphore, #tpu.memory_space<semaphore_mem>>) src(%arg19 : memref<40x16xf32, #tpu.memory_space<vmem>>) dst(%dma_wait3A_97 : memref<10112x16xf32, #tpu.memory_space<vmem_shared>>)
        tpu.yield
      }) : () -> ()
    } else {
    }
    %barrier3A_75 = arith.constant 0 : index
    tpu.barrier barrier_id(%barrier3A_75)
    "tpu.region"() ({
      %run_scoped3A = tpu.sem_alloc : memref<!tpu.dma_semaphore, #tpu.memory_space<semaphore_mem>>
      %dma_start3A_76 = arith.constant 0 : i32
      %dma_start3A_77 = tpu.memref_slice %arg8[%arg0, %mul3A_2, %dma_start3A_76] : memref<2x10112x128xf32, #tpu.memory_space<hbm>> -> memref<1x632x128xf32, #tpu.memory_space<hbm>>
      %dma_start3A_78 = tpu.memref_squeeze %dma_start3A_77 : memref<1x632x128xf32, #tpu.memory_space<hbm>> -> memref<632x128xf32, #tpu.memory_space<hbm>>
      %dma_start3A_79 = arith.constant 0 : i32
      %dma_start3A_80 = tpu.memref_slice %arg25[%mul3A_2, %dma_start3A_79] : memref<10112x128xf32, #tpu.memory_space<vmem_shared>> -> memref<632x128xf32, #tpu.memory_space<vmem_shared>>
      tpu.enqueue_dma source(%dma_start3A_80 : memref<632x128xf32, #tpu.memory_space<vmem_shared>>) target(%dma_start3A_78 : memref<632x128xf32, #tpu.memory_space<hbm>>) target_semaphore(%run_scoped3A : memref<!tpu.dma_semaphore, #tpu.memory_space<semaphore_mem>>)
      %dma_wait3A_81 = arith.constant 0 : i32
      %dma_wait3A_82 = tpu.memref_slice %arg8[%arg0, %mul3A_2, %dma_wait3A_81] : memref<2x10112x128xf32, #tpu.memory_space<hbm>> -> memref<1x632x128xf32, #tpu.memory_space<hbm>>
      %dma_wait3A_83 = tpu.memref_squeeze %dma_wait3A_82 : memref<1x632x128xf32, #tpu.memory_space<hbm>> -> memref<632x128xf32, #tpu.memory_space<hbm>>
      %dma_wait3A_84 = arith.constant 0 : i32
      %dma_wait3A_85 = tpu.memref_slice %arg25[%mul3A_2, %dma_wait3A_84] : memref<10112x128xf32, #tpu.memory_space<vmem_shared>> -> memref<632x128xf32, #tpu.memory_space<vmem_shared>>
      tpu.wait_dma2 semaphore(%run_scoped3A : memref<!tpu.dma_semaphore, #tpu.memory_space<semaphore_mem>>) src(%dma_wait3A_85 : memref<632x128xf32, #tpu.memory_space<vmem_shared>>) dst(%dma_wait3A_83 : memref<632x128xf32, #tpu.memory_space<hbm>>)
      tpu.yield
    }) : () -> ()
    "tpu.region"() ({
      %run_scoped3A = tpu.sem_alloc : memref<!tpu.dma_semaphore, #tpu.memory_space<semaphore_mem>>
      %dma_start3A_76 = arith.constant 0 : i32
      %dma_start3A_77 = tpu.memref_slice %arg9[%arg0, %mul3A_2, %dma_start3A_76] : memref<2x10112x16xf32, #tpu.memory_space<hbm>> -> memref<1x632x16xf32, #tpu.memory_space<hbm>>
      %dma_start3A_78 = tpu.memref_squeeze %dma_start3A_77 : memref<1x632x16xf32, #tpu.memory_space<hbm>> -> memref<632x16xf32, #tpu.memory_space<hbm>>
      %dma_start3A_79 = arith.constant 0 : i32
      %dma_start3A_80 = tpu.memref_slice %arg26[%mul3A_2, %dma_start3A_79] : memref<10112x16xf32, #tpu.memory_space<vmem_shared>> -> memref<632x16xf32, #tpu.memory_space<vmem_shared>>
      tpu.enqueue_dma source(%dma_start3A_80 : memref<632x16xf32, #tpu.memory_space<vmem_shared>>) target(%dma_start3A_78 : memref<632x16xf32, #tpu.memory_space<hbm>>) target_semaphore(%run_scoped3A : memref<!tpu.dma_semaphore, #tpu.memory_space<semaphore_mem>>)
      %dma_wait3A_81 = arith.constant 0 : i32
      %dma_wait3A_82 = tpu.memref_slice %arg9[%arg0, %mul3A_2, %dma_wait3A_81] : memref<2x10112x16xf32, #tpu.memory_space<hbm>> -> memref<1x632x16xf32, #tpu.memory_space<hbm>>
      %dma_wait3A_83 = tpu.memref_squeeze %dma_wait3A_82 : memref<1x632x16xf32, #tpu.memory_space<hbm>> -> memref<632x16xf32, #tpu.memory_space<hbm>>
      %dma_wait3A_84 = arith.constant 0 : i32
      %dma_wait3A_85 = tpu.memref_slice %arg26[%mul3A_2, %dma_wait3A_84] : memref<10112x16xf32, #tpu.memory_space<vmem_shared>> -> memref<632x16xf32, #tpu.memory_space<vmem_shared>>
      tpu.wait_dma2 semaphore(%run_scoped3A : memref<!tpu.dma_semaphore, #tpu.memory_space<semaphore_mem>>) src(%dma_wait3A_85 : memref<632x16xf32, #tpu.memory_space<vmem_shared>>) dst(%dma_wait3A_83 : memref<632x16xf32, #tpu.memory_space<hbm>>)
      tpu.yield
    }) : () -> ()
    return
  }
}

module attributes {stable_mosaic.version = 14 : i64} {
  func.func @_enc_body(%arg0: i32, %arg1: memref<3x3200x128xf32, #tpu.memory_space<vmem>>, %arg2: memref<128x128xf32, #tpu.memory_space<vmem>>, %arg3: memref<128x16xf32, #tpu.memory_space<vmem>>, %arg4: memref<3200x128xf32, #tpu.memory_space<vmem>>, %arg5: memref<3200x16xf32, #tpu.memory_space<vmem>>) attributes {dimension_semantics = [#tpu.dimension_semantics<arbitrary>], iteration_bounds = array<i64: 50>, scalar_prefetch = 0 : i64, scratch_operands = 0 : i64, tpu.core_type = #tpu.core_type<tc>, window_params = [{transform_indices = @transform_0, window_bounds = array<i64: 3, 3200, 128>}, {pipeline_mode = #tpu.pipeline_mode<synchronous>, transform_indices = @transform_1, window_bounds = array<i64: 128, 128>}, {pipeline_mode = #tpu.pipeline_mode<synchronous>, transform_indices = @transform_2, window_bounds = array<i64: 128, 16>}, {transform_indices = @transform_3, window_bounds = array<i64: 3200, 128>}, {transform_indices = @transform_4, window_bounds = array<i64: 3200, 16>}]} {
    %get3A = arith.constant 0 : index
    %get3A_0 = arith.constant 0 : index
    %get3A_1 = arith.constant 0 : index
    %get3A_2 = vector.load %arg1[%get3A, %get3A_0, %get3A_1] : memref<3x3200x128xf32, #tpu.memory_space<vmem>>, vector<1x3200x128xf32>
    %get3A_3 = vector.shape_cast %get3A_2 : vector<1x3200x128xf32> to vector<3200x128xf32>
    %get3A_4 = arith.constant 1 : index
    %get3A_5 = arith.constant 0 : index
    %get3A_6 = arith.constant 0 : index
    %get3A_7 = vector.load %arg1[%get3A_4, %get3A_5, %get3A_6] : memref<3x3200x128xf32, #tpu.memory_space<vmem>>, vector<1x3200x128xf32>
    %get3A_8 = vector.shape_cast %get3A_7 : vector<1x3200x128xf32> to vector<3200x128xf32>
    %add3A = arith.addf %get3A_3, %get3A_8 : vector<3200x128xf32>
    %get3A_9 = arith.constant 2 : index
    %get3A_10 = arith.constant 0 : index
    %get3A_11 = arith.constant 0 : index
    %get3A_12 = vector.load %arg1[%get3A_9, %get3A_10, %get3A_11] : memref<3x3200x128xf32, #tpu.memory_space<vmem>>, vector<1x3200x128xf32>
    %get3A_13 = vector.shape_cast %get3A_12 : vector<1x3200x128xf32> to vector<3200x128xf32>
    %add3A_14 = arith.addf %add3A, %get3A_13 : vector<3200x128xf32>
    %mul3A = arith.constant 0.333333343 : f32
    %mul3A_15 = vector.broadcast %mul3A : f32 to vector<3200x128xf32>
    %mul3A_16 = arith.mulf %add3A_14, %mul3A_15 : vector<3200x128xf32>
    %get3A_17 = arith.constant 0 : index
    %get3A_18 = arith.constant 0 : index
    %get3A_19 = vector.load %arg2[%get3A_17, %get3A_18] : memref<128x128xf32, #tpu.memory_space<vmem>>, vector<128x128xf32>
    %dot_general3A = arith.constant dense<0.000000e+00> : vector<3200x128xf32>
    %dot_general3A_20 = tpu.matmul %mul3A_16, %get3A_19, %dot_general3A {dimension_numbers = #tpu.dot_dimension_numbers<[1], [0], [0], [1], [0, 0, 1, 1], [], []>, transpose_lhs_hint = false} : vector<3200x128xf32>, vector<128x128xf32>, vector<3200x128xf32> -> vector<3200x128xf32>
    %swap3A = arith.constant 0 : index
    %swap3A_21 = arith.constant 0 : index
    %swap3A_22 = vector.load %arg4[%swap3A, %swap3A_21] : memref<3200x128xf32, #tpu.memory_space<vmem>>, vector<3200x128xf32>
    tpu.vector_store %arg4[%swap3A, %swap3A_21], %dot_general3A_20 {strides = array<i32>} : memref<3200x128xf32, #tpu.memory_space<vmem>>, vector<3200x128xf32>,
    %get3A_23 = arith.constant 0 : index
    %get3A_24 = arith.constant 0 : index
    %get3A_25 = vector.load %arg3[%get3A_23, %get3A_24] : memref<128x16xf32, #tpu.memory_space<vmem>>, vector<128x16xf32>
    %dot_general3A_26 = arith.constant dense<0.000000e+00> : vector<3200x16xf32>
    %dot_general3A_27 = tpu.matmul %dot_general3A_20, %get3A_25, %dot_general3A_26 {dimension_numbers = #tpu.dot_dimension_numbers<[1], [0], [0], [1], [0, 0, 1, 1], [], []>, transpose_lhs_hint = false} : vector<3200x128xf32>, vector<128x16xf32>, vector<3200x16xf32> -> vector<3200x16xf32>
    %swap3A_28 = arith.constant 0 : index
    %swap3A_29 = arith.constant 0 : index
    %swap3A_30 = vector.load %arg5[%swap3A_28, %swap3A_29] : memref<3200x16xf32, #tpu.memory_space<vmem>>, vector<3200x16xf32>
    tpu.vector_store %arg5[%swap3A_28, %swap3A_29], %dot_general3A_27 {strides = array<i32>} : memref<3200x16xf32, #tpu.memory_space<vmem>>, vector<3200x16xf32>,
    return
  }
  func.func @transform_0(%arg0: i32) -> (i32, i32, i32) {
    %c0_i32 = arith.constant 0 : i32
    %c0_i32_0 = arith.constant 0 : i32
    %c0_i32_1 = arith.constant 0 : i32
    return %c0_i32, %arg0, %c0_i32_0 : i32, i32, i32
  }
  func.func @transform_1(%arg0: i32) -> (i32, i32) {
    %c0_i32 = arith.constant 0 : i32
    %c0_i32_0 = arith.constant 0 : i32
    %c0_i32_1 = arith.constant 0 : i32
    return %c0_i32, %c0_i32_0 : i32, i32
  }
  func.func @transform_2(%arg0: i32) -> (i32, i32) {
    %c0_i32 = arith.constant 0 : i32
    %c0_i32_0 = arith.constant 0 : i32
    %c0_i32_1 = arith.constant 0 : i32
    return %c0_i32, %c0_i32_0 : i32, i32
  }
  func.func @transform_3(%arg0: i32) -> (i32, i32) {
    %c0_i32 = arith.constant 0 : i32
    %c0_i32_0 = arith.constant 0 : i32
    return %arg0, %c0_i32 : i32, i32
  }
  func.func @transform_4(%arg0: i32) -> (i32, i32) {
    %c0_i32 = arith.constant 0 : i32
    %c0_i32_0 = arith.constant 0 : i32
    return %arg0, %c0_i32 : i32, i32
  }
}

module attributes {stable_mosaic.version = 14 : i64} {
  func.func @_er_body(%arg0: i32, %arg1: memref<2000x128xf32, #tpu.memory_space<vmem>>, %arg2: memref<128x16xf32, #tpu.memory_space<vmem>>, %arg3: memref<2000x16xf32, #tpu.memory_space<vmem>>) attributes {dimension_semantics = [#tpu.dimension_semantics<arbitrary>], iteration_bounds = array<i64: 5>, scalar_prefetch = 0 : i64, scratch_operands = 0 : i64, tpu.core_type = #tpu.core_type<tc>, window_params = [{transform_indices = @transform_0, window_bounds = array<i64: 2000, 128>}, {pipeline_mode = #tpu.pipeline_mode<synchronous>, transform_indices = @transform_1, window_bounds = array<i64: 128, 16>}, {transform_indices = @transform_2, window_bounds = array<i64: 2000, 16>}]} {
    %get3A = arith.constant 0 : index
    %get3A_0 = arith.constant 0 : index
    %get3A_1 = vector.load %arg1[%get3A, %get3A_0] : memref<2000x128xf32, #tpu.memory_space<vmem>>, vector<2000x128xf32>
    %get3A_2 = arith.constant 0 : index
    %get3A_3 = arith.constant 0 : index
    %get3A_4 = vector.load %arg2[%get3A_2, %get3A_3] : memref<128x16xf32, #tpu.memory_space<vmem>>, vector<128x16xf32>
    %dot_general3A = arith.constant dense<0.000000e+00> : vector<2000x16xf32>
    %dot_general3A_5 = tpu.matmul %get3A_1, %get3A_4, %dot_general3A {dimension_numbers = #tpu.dot_dimension_numbers<[1], [0], [0], [1], [0, 0, 1, 1], [], []>, transpose_lhs_hint = false} : vector<2000x128xf32>, vector<128x16xf32>, vector<2000x16xf32> -> vector<2000x16xf32>
    %swap3A = arith.constant 0 : index
    %swap3A_6 = arith.constant 0 : index
    %swap3A_7 = vector.load %arg3[%swap3A, %swap3A_6] : memref<2000x16xf32, #tpu.memory_space<vmem>>, vector<2000x16xf32>
    tpu.vector_store %arg3[%swap3A, %swap3A_6], %dot_general3A_5 {strides = array<i32>} : memref<2000x16xf32, #tpu.memory_space<vmem>>, vector<2000x16xf32>,
    return
  }
  func.func @transform_0(%arg0: i32) -> (i32, i32) {
    %c0_i32 = arith.constant 0 : i32
    %c0_i32_0 = arith.constant 0 : i32
    return %arg0, %c0_i32 : i32, i32
  }
  func.func @transform_1(%arg0: i32) -> (i32, i32) {
    %c0_i32 = arith.constant 0 : i32
    %c0_i32_0 = arith.constant 0 : i32
    %c0_i32_1 = arith.constant 0 : i32
    return %c0_i32, %c0_i32_0 : i32, i32
  }
  func.func @transform_2(%arg0: i32) -> (i32, i32) {
    %c0_i32 = arith.constant 0 : i32
    %c0_i32_0 = arith.constant 0 : i32
    return %arg0, %c0_i32 : i32, i32
  }
}

module attributes {stable_mosaic.version = 14 : i64} {
  func.func @_merge_body(%arg0: i32, %arg1: memref<2x2000x128xf32, #tpu.memory_space<vmem>>, %arg2: memref<2x2000x16xf32, #tpu.memory_space<vmem>>, %arg3: memref<16x128xf32, #tpu.memory_space<vmem>>, %arg4: memref<2000x128xf32, #tpu.memory_space<vmem>>) attributes {dimension_semantics = [#tpu.dimension_semantics<arbitrary>], iteration_bounds = array<i64: 5>, scalar_prefetch = 0 : i64, scratch_operands = 0 : i64, tpu.core_type = #tpu.core_type<tc>, window_params = [{transform_indices = @transform_0, window_bounds = array<i64: 2, 2000, 128>}, {transform_indices = @transform_1, window_bounds = array<i64: 2, 2000, 16>}, {pipeline_mode = #tpu.pipeline_mode<synchronous>, transform_indices = @transform_2, window_bounds = array<i64: 16, 128>}, {transform_indices = @transform_3, window_bounds = array<i64: 2000, 128>}]} {
    %get3A = arith.constant 0 : index
    %get3A_0 = arith.constant 0 : index
    %get3A_1 = arith.constant 0 : index
    %get3A_2 = vector.load %arg1[%get3A, %get3A_0, %get3A_1] : memref<2x2000x128xf32, #tpu.memory_space<vmem>>, vector<1x2000x128xf32>
    %get3A_3 = vector.shape_cast %get3A_2 : vector<1x2000x128xf32> to vector<2000x128xf32>
    %get3A_4 = arith.constant 1 : index
    %get3A_5 = arith.constant 0 : index
    %get3A_6 = arith.constant 0 : index
    %get3A_7 = vector.load %arg1[%get3A_4, %get3A_5, %get3A_6] : memref<2x2000x128xf32, #tpu.memory_space<vmem>>, vector<1x2000x128xf32>
    %get3A_8 = vector.shape_cast %get3A_7 : vector<1x2000x128xf32> to vector<2000x128xf32>
    %add3A = arith.addf %get3A_3, %get3A_8 : vector<2000x128xf32>
    %get3A_9 = arith.constant 0 : index
    %get3A_10 = arith.constant 0 : index
    %get3A_11 = arith.constant 0 : index
    %get3A_12 = vector.load %arg2[%get3A_9, %get3A_10, %get3A_11] : memref<2x2000x16xf32, #tpu.memory_space<vmem>>, vector<1x2000x16xf32>
    %get3A_13 = vector.shape_cast %get3A_12 : vector<1x2000x16xf32> to vector<2000x16xf32>
    %get3A_14 = arith.constant 1 : index
    %get3A_15 = arith.constant 0 : index
    %get3A_16 = arith.constant 0 : index
    %get3A_17 = vector.load %arg2[%get3A_14, %get3A_15, %get3A_16] : memref<2x2000x16xf32, #tpu.memory_space<vmem>>, vector<1x2000x16xf32>
    %get3A_18 = vector.shape_cast %get3A_17 : vector<1x2000x16xf32> to vector<2000x16xf32>
    %add3A_19 = arith.addf %get3A_13, %get3A_18 : vector<2000x16xf32>
    %get3A_20 = arith.constant 0 : index
    %get3A_21 = arith.constant 0 : index
    %get3A_22 = vector.load %arg3[%get3A_20, %get3A_21] : memref<16x128xf32, #tpu.memory_space<vmem>>, vector<16x128xf32>
    %dot_general3A = arith.constant dense<0.000000e+00> : vector<2000x128xf32>
    %dot_general3A_23 = tpu.matmul %add3A_19, %get3A_22, %dot_general3A {dimension_numbers = #tpu.dot_dimension_numbers<[1], [0], [0], [1], [0, 0, 1, 1], [], []>, transpose_lhs_hint = false} : vector<2000x16xf32>, vector<16x128xf32>, vector<2000x128xf32> -> vector<2000x128xf32>
    %add3A_24 = arith.constant 9.99999971E-10 : f32
    %add3A_25 = vector.broadcast %add3A_24 : f32 to vector<2000x128xf32>
    %add3A_26 = arith.addf %dot_general3A_23, %add3A_25 : vector<2000x128xf32>
    %div3A = arith.divf %add3A, %add3A_26 : vector<2000x128xf32>
    %swap3A = arith.constant 0 : index
    %swap3A_27 = arith.constant 0 : index
    %swap3A_28 = vector.load %arg4[%swap3A, %swap3A_27] : memref<2000x128xf32, #tpu.memory_space<vmem>>, vector<2000x128xf32>
    tpu.vector_store %arg4[%swap3A, %swap3A_27], %div3A {strides = array<i32>} : memref<2000x128xf32, #tpu.memory_space<vmem>>, vector<2000x128xf32>,
    return
  }
  func.func @transform_0(%arg0: i32) -> (i32, i32, i32) {
    %c0_i32 = arith.constant 0 : i32
    %c0_i32_0 = arith.constant 0 : i32
    %c0_i32_1 = arith.constant 0 : i32
    return %c0_i32, %arg0, %c0_i32_0 : i32, i32, i32
  }
  func.func @transform_1(%arg0: i32) -> (i32, i32, i32) {
    %c0_i32 = arith.constant 0 : i32
    %c0_i32_0 = arith.constant 0 : i32
    %c0_i32_1 = arith.constant 0 : i32
    return %c0_i32, %arg0, %c0_i32_0 : i32, i32, i32
  }
  func.func @transform_2(%arg0: i32) -> (i32, i32) {
    %c0_i32 = arith.constant 0 : i32
    %c0_i32_0 = arith.constant 0 : i32
    %c0_i32_1 = arith.constant 0 : i32
    return %c0_i32, %c0_i32_0 : i32, i32
  }
  func.func @transform_3(%arg0: i32) -> (i32, i32) {
    %c0_i32 = arith.constant 0 : i32
    %c0_i32_0 = arith.constant 0 : i32
    return %arg0, %c0_i32 : i32, i32
  }
}

</mosaic_0001>

<sc_bundles>
// kernel: kernel.6.cloned.1.call-start
scs
__scs_entry_jumppad:
0x0: {  	(pc) =	sbr.rel $0x88, $3  }
0x1: {  	(tag) =	ssettag $0x0;
	lr =	simm.s32 $0x1  }
0x2: {  	[smem:$0x3F9B] =	sst lr;
	_ =	strace $0xD0000000  }
0x3: {  	_ = 	snop  }
0x4: {  	_ = 	snop  }
0x5: {  	_ = 	snop  }
0x6: {  	_ = 	snop  }
0x7: {  	_ = 	snop  }
__scs_overlays_trampoline_lowered:
0x8: {  	[smem:$0x3FAA] =	sst s0  }
0x9: {  	[smem:$0x3FAB] =	sst s1  }
0xa: {  	[smem:$0x3FAC] =	sst s2  }
0xb: {  	[smem:$0x3FAD] =	sst s3  }
0xc: {  	[smem:$0x3FAE] =	sst s4  }
0xd: {  	[smem:$0x3FAF] =	sst s5  }
0xe: {  	[smem:$0x3FB0] =	sst s6  }
0xf: {  	[smem:$0x3FB1] =	sst s7  }
0x10: {  	[smem:$0x3FB2] =	sst s8  }
0x11: {  	[smem:$0x3FB3] =	sst s9;
	s0 =	simm.s32 @!p0 $0x0  }
0x12: {  	s1 =	sld [smem:$0x3F99];
	s0 =	simm.s32 @p0 $0x1  }
0x13: {  	[smem:$0x3FB4] =	sst s0;
	s0 =	simm.s32 @!p1 $0x0  }
0x14: {  	s2 =	sld [smem:$0x3F98];
	s0 =	simm.s32 @p1 $0x1  }
0x15: {  	[smem:$0x3FB5] =	sst s0;
	s0 =	simm.s32 @!p2 $0x0  }
0x16: {  	s3 =	sld [smem:$0x3FDB];
	s0 =	simm.s32 @p2 $0x1  }
0x17: {  	s4 =	simm.s32 $0x1BF5;
	[smem:$0x3FB7] =	sst s0  }
0x18: {  	s0 =	sld [smem:$0x3F9A];
	_ =	swait.ge [sflag:s4], $0x0  }
0x19: {  	s7 =	sld [smem:$0x3F9B]  }
0x1a: {  	s8 =	sadd.s32 $0xFFFFE003, lr  }
0x1b: {  	s9 =	sadd.s32 $0xFFFFFEF7, lr;
	s5 =	simm.s32 $0xFFFFFFFF;
	p2 =	slt.u32 s8, $0xFFFFF086  }
0x1c: {  	p1 =	slt.u32 s9, $0xF7A;
	s5 =	simm.s32 @!p2 $0x0  }
0x1d: {  	s5 =	simm.s32 @p1 $0x1;
	p0 =	seq.s32 s7, s2  }
0x1e: {  	s7 =	smul.u32 @!p0 $0xF7A, s2;
	p2 =	seq.s32 @!p0 s5, $0x0  }
0x1f: {  	s9 =	smul.u32 $0xF7A, s1;
	s8 =	simm.s32 @!p0 $0x1BF5;
	p2 =	por !p2, p0  }
0x20: {  	[sflag:s8] =	ssyncset.s32 @!p0 $0xFFFFF086;
	s6 =	sadd.s32 @!p0 s3, s7;
	s7 =	simm.s32 @!p0 $0x108  }
0x21: {  	s3 =	sadd.s32 s3, s9;
	s6 =	sadd.s32 @!p0 $0x88, s6;
	s7 =	simm.s32 @p2 $0x1082  }
0x22: {  	[simem:s7], [sflag:s8] =	dma.local @!p0 [hbm:s6], $0xF7A  }
0x23: {  	s9 =	sor.u32 $0xD0000000, s2;
	s6 =	simm.s32 $0x108;
	_ =	swait.ge @!p0 [sflag:s8], $0x0  }
0x24: {  	s3 =	sadd.s32 $0x88, s3;
	s6 =	simm.s32 @!p1 $0x1082;
	[sflag:s4] =	ssyncset.s32 $0xFFFFF086  }
0x25: {  	[simem:s6], [sflag:s4] =	dma.local [hbm:s3], $0xF7A  }
0x26: {  	[smem:$0x3F9B] =	sst s1;
	(tag) =	ssettag s2;
	_ =	strace s9  }
0x27: {  	s1 =	sld [smem:$0x3FAB]  }
0x28: {  	s2 =	sld [smem:$0x3FAC]  }
0x29: {  	s4 =	sld [smem:$0x3FAE]  }
0x2a: {  	p0 =	seq.s32 s5, $0x0;
	s5 =	sld [smem:$0x3FAF]  }
0x2b: {  	s6 =	sld [smem:$0x3FB0]  }
0x2c: {  	s7 =	sld [smem:$0x3FB1]  }
0x2d: {  	s3 =	simm.s32 $0x108;
	s8 =	sld [smem:$0x3FB2]  }
0x2e: {  	s3 =	simm.s32 @!p0 $0x1082;
	s9 =	sld [smem:$0x3FB3]  }
0x2f: {  	lr =	sadd.s32 s0, s3;
	s0 =	sld [smem:$0x3FAA]  }
0x30: {  	s3 =	sld [smem:$0x3FAD]  }
0x31: {  	[smem:$0x3FB6] =	sst s10  }
0x32: {  	s10 =	sld [smem:$0x3FB4];
	_ =	sdelay $0x3  }
0x33: {  	p0 =	seq.s32 s10, $0x1;
	s10 =	sld [smem:$0x3FB6];
	_ =	sdelay $0x3  }
0x34: {  	[smem:$0x3FB6] =	sst s10  }
0x35: {  	s10 =	sld [smem:$0x3FB5];
	_ =	sdelay $0x3  }
0x36: {  	p1 =	seq.s32 s10, $0x1;
	s10 =	sld [smem:$0x3FB6];
	_ =	sdelay $0x3  }
0x37: {  	[smem:$0x3FB6] =	sst s10  }
0x38: {  	s10 =	sld [smem:$0x3FB7]  }
0x39: {  	_ = 	snop;
	(pc) =	sbr.ind lr, $3  }
0x3a: {  	_ = 	snop  }
0x3b: {  	_ = 	snop  }
0x3c: {  	p2 =	seq.s32 s10, $0x1;
	s10 =	sld [smem:$0x3FB6]  }
0x3d: {  	_ =	shalt  }
0x3e: {  	_ =	shalt  }
0x3f: {  	_ =	shalt  }
0x40: {  	_ =	shalt  }
0x41: {  	_ =	shalt  }
0x42: {  	_ =	shalt  }
0x43: {  	_ =	shalt  }
0x44: {  	_ =	shalt  }
0x45: {  	_ =	shalt  }
0x46: {  	_ =	shalt  }
0x47: {  	_ =	shalt  }
0x48: {  	_ =	shalt  }
0x49: {  	_ =	shalt  }
0x4a: {  	_ =	shalt  }
0x4b: {  	_ =	shalt  }
0x4c: {  	_ =	shalt  }
0x4d: {  	_ =	shalt  }
0x4e: {  	_ =	shalt  }
0x4f: {  	_ =	shalt  }
0x50: {  	_ =	shalt  }
0x51: {  	_ =	shalt  }
0x52: {  	_ =	shalt  }
0x53: {  	_ =	shalt  }
0x54: {  	_ =	shalt  }
0x55: {  	_ =	shalt  }
0x56: {  	_ =	shalt  }
0x57: {  	_ =	shalt  }
0x58: {  	_ =	shalt  }
0x59: {  	_ =	shalt  }
0x5a: {  	_ =	shalt  }
0x5b: {  	_ =	shalt  }
0x5c: {  	_ =	shalt  }
0x5d: {  	_ =	shalt  }
0x5e: {  	_ =	shalt  }
0x5f: {  	_ =	shalt  }
0x60: {  	_ =	shalt  }
0x61: {  	_ =	shalt  }
0x62: {  	_ =	shalt  }
0x63: {  	_ =	shalt  }
0x64: {  	_ =	shalt  }
0x65: {  	_ =	shalt  }
0x66: {  	_ =	shalt  }
0x67: {  	_ =	shalt  }
0x68: {  	_ =	shalt  }
0x69: {  	_ =	shalt  }
0x6a: {  	_ =	shalt  }
0x6b: {  	_ =	shalt  }
0x6c: {  	_ =	shalt  }
0x6d: {  	_ =	shalt  }
0x6e: {  	_ =	shalt  }
0x6f: {  	_ =	shalt  }
0x70: {  	_ =	shalt  }
0x71: {  	_ =	shalt  }
0x72: {  	_ =	shalt  }
0x73: {  	_ =	shalt  }
0x74: {  	_ =	shalt  }
0x75: {  	_ =	shalt  }
0x76: {  	_ =	shalt  }
0x77: {  	_ =	shalt  }
0x78: {  	_ =	shalt  }
0x79: {  	_ =	shalt  }
0x7a: {  	_ =	shalt  }
0x7b: {  	_ =	shalt  }
0x7c: {  	_ =	shalt  }
0x7d: {  	_ =	shalt  }
0x7e: {  	_ =	shalt  }
0x7f: {  	_ =	shalt  }
0x80: {  	_ =	shalt  }
0x81: {  	_ =	shalt  }
0x82: {  	_ =	shalt  }
0x83: {  	_ =	shalt  }
0x84: {  	_ =	shalt  }
0x85: {  	_ =	shalt  }
0x86: {  	_ =	shalt  }
0x87: {  	_ =	shalt  }
.Lfunc_end0:
.L_simem_size_0:
called_computation_lowered:
.L_overlay_start_0:
0x88: {  	s2 =	sld [smem:$0x3FD9]  }
0x89: {  	s3 =	sld [smem:$0x3FFE];
	_ =	sdelay $0x1  }
0x8a: {  	s1 =	srdreg.scid  }
0x8b: {  	s0 =	sand.u32 $0x1, s1  }
0x8c: {  	s17 =	sshll.u32 s0, $0xA;
	s2 =	sadd.s32 s3, s2  }
0x8d: {  	s2 =	sadd.s32 s2, s17  }
0x8e: {  	[smem:$0x3FC2] =	sst s2  }
0x8f: {  	_ = 	snop  }
0x90: {  	s2 =	sld [smem:$0x3FD0];
	(tm) =	ssettm $0x1  }
0x91: {  	s18 =	sld [smem:$0x3FFB];
	_ =	sdelay $0x3  }
0x92: {  	_ =	strace s18  }
0x93: {  	s3 =	sld [smem:$0x3FFC];
	_ =	sdelay $0x3  }
0x94: {  	_ =	strace s3  }
0x95: {  	s3 =	sld [smem:$0x3FFD];
	_ =	sdelay $0x3  }
0x96: {  	_ =	strace s3  }
0x97: {  	_ =	strace $0x8FFFFFFF  }
0x98: {  	s19 =	sld [smem:$0x3FDB];
	_ =	sdelay $0x1  }
0x99: {  	s4 =	simm.s32 $_scs_section_size  }
0x9a: {  	s5 =	simm.s32 $_size__tile_overlayer_lowered;
	s6 =	simm.s32 $_tile_overlayer_lowered  }
0x9b: {  	s22 =	simm.s32 $0x1BFF;
	s21 =	sshll.u32 s6, $0x1;
	s3 =	sadd.s32 s4, s19  }
0x9c: {  	s7 =	simm.s32 $0x0;
	s20 =	sshll.u32 s5, $0x1;
	s5 =	sadd.s32 s21, s3  }
0x9d: {  	[timem:s7], [sflag:s22] =	dma.local [hbm:s5], s20  }
0x9e: {  	_ =	swait.ge [sflag:s22], s20  }
0x9f: {  	s4 =	ssub.s32 $0x0, s20;
	[sflag:s22] =	ssyncset.done $0x0  }
0xa0: {  	[sflag:s22] =	ssyncadd.s32 s4;
	_ =	sdelay $0x1  }
0xa1: {  	s23 =	simm.s32 $0x1B8B  }
0xa2: {  	_ =	swait.ge [sflag:s23], $0x1  }
0xa3: {  	[sflag:s23] =	ssyncset.done $0x0  }
0xa4: {  	s25 =	simm.s32 $0x1B8E;
	s24 =	sld [smem:$0x3FFE];
	[sflag:s23] =	ssyncadd.s32 $0xFFFFFFFF  }
0xa5: {  	s26 =	simm.s32 $execute0_lowered;
	[smem:$0x3FD2] =	sst s25  }
0xa6: {  	s5 =	sshll.u32 s26, $0x1;
	_ =	strace $0x80000046;
	[dreg:$0x1] =	wrdreg $0xFFFFFFFF  }
0xa7: {  	s28 =	simm.s32 $_size_execute0_lowered;
	s3 =	sadd.s32 s3, s5;
	[dreg:$0x0] =	wrdreg $0x0  }
0xa8: {  	s5 =	sshll.u32 s28, $0x1;
	[dreg:$0x2] =	wrdreg s3  }
0xa9: {  	[dreg:$0x3] =	wrdreg s5  }
0xaa: {  	[dreg:$0x4] =	wrdreg $0xC0  }
0xab: {  	_ =	task [dreg:s7], $0x5FFFF  }
0xac: {  	[dreg:$0x1] =	wrdreg $0xFFFFFFFF  }
0xad: {  	[dreg:$0x0] =	wrdreg $0x60  }
0xae: {  	[dreg:$0x2] =	wrdreg s24  }
0xaf: {  	[dreg:$0x3] =	wrdreg s2  }
0xb0: {  	[dreg:$0x4] =	wrdreg $0x52F80  }
0xb1: {  	[dreg:$0x5] =	wrdreg $0x18EF80  }
0xb2: {  	[dreg:$0x6] =	wrdreg $0x9  }
0xb3: {  	_ =	task.clear_ibuf [dreg:s7], $0x7FFFF;
	_ =	strace $0x90000046  }
0xb4: {  	s29 =	simm.s32 $0x9;
	_ =	strace $0x80000048  }
0xb5: {  	_ =	swait.ge [sflag:s29], $0x1  }
0xb6: {  	[sflag:s29] =	ssyncadd.s32 $0xFFFFFFFF  }
0xb7: {  	_ =	strace $0x90000048  }
0xb8: {  	_ =	sfence  }
0xb9: {  	s30 =	sld [smem:$0x0];
	_ =	sdelay $0x2  }
0xba: {  	s31 =	sshll.u32 s1, $0xD;
	s1 =	sshrl.u32 s1, $0x2  }
0xbb: {  	s3 =	sand.u32 $0x4000, s31;
	s1 =	sadd.s32 s1, s30  }
0xbc: {  	s0 =	sor.u32 s3, s0;
	s1 =	sshll.u32 s1, $0x11  }
0xbd: {  	s0 =	sor.u32 s1, s0  }
0xbe: {  	s0 =	sadd.s32 $0x8F2B, s0  }
0xbf: {  	[sflag:s0] =	ssyncadd.remote.s32 $0x1  }
0xc0: {  	_ =	sfence.sel $0xFFFF  }
0xc1: {  	[dreg:$0x0] =	wrdreg $0xFFFFFFFF;
	(pc) =	sbr.abs _section_cstart, $3  }
0xc2: {  	[dreg:$0x1] =	wrdreg $0xFFFFFFFF  }
0xc3: {  	_ =	task.clear_ibuf [dreg:s7], $0x2FFFF;
	_ =	strace $0x9FFFFFFF  }
0xc4: {  	(tm) =	ssettm $0x7FFFFFFF  }
0xc5: {  	_ =	shalt  }
tec
execute0_lowered:
.L_overlay_start_1:
0x0: {  	(tag) =	ssettag $0x1  }
0x1: {  	s0 =	rddreg [dreg:$0x0]  }
0x2: {  	s2 =	rddreg [dreg:$0x1]  }
0x3: {  	s1 =	rddreg [dreg:$0x2]  }
0x4: {  	s3 =	rddreg [dreg:$0x3];
	s4 =	simm.s32 $0x0  }
0x5: {  	s17 =	stileid.u32;
	s5 =	srdreg.scid;
	s28 =	simm.s32 $0x5280  }
0x6: {  	s30 =	simm.s32 $0x52A8;
	s31 =	simm.s32 $0x1400;
	s9 =	smul.u32 $0x2780, s17  }
0x7: {  	[smem:$0x7FF] =	sst s4;
	s10 =	sand.u32 $0x1, s5;
	s11 =	smul.u32 $0x13C00, s17  }
0x8: {  	s5 =	sadd.s32 $0x272600, s0;
	s15 =	sshll.u32 s17, $0x1;
	s8 =	smul.u32 $0x13C000, s10  }
0x9: {  	s14 =	smul.u32 $0x27800, s10;
	s16 =	ssub.s32 $0x2, s10;
	s10 =	sor.u32 s10, s15  }
0xa: {  	s6 =	sadd.s32 $0x4E3600, s0;
	s7 =	sadd.s32 $0x1600, s0;
	s15 =	smul.u32 $0x7D, s10  }
0xb: {  	s17 =	sshll.u32 s17, $0x6;
	_ =	strace $0x80000047;
	s29 =	smul.u32 $0x271, s10  }
0xc: {  	s20 =	sor.u32 $0x1C0A, s17;
	s12 =	sshrl.u32 s9, $0x3;
	s18 =	smul.u32 $0x13880, s10  }
0xd: {  	s25 =	sshrl.u32 s16, $0x1;
	s26 =	sadd.s32 s11, s1;
	s17 =	smul.u32 $0x2710, s10  }
0xe: {  	[dreg:$0x7] =	wrdreg s20;
	s13 =	sadd.s32 s11, s8;
	s8 =	sadd.s32 $0x6600, s0  }
0xf: {  	s12 =	sadd.s32 s12, s0;
	s14 =	sadd.s32 s9, s14;
	[dreg:$0x5] =	wrdreg s26  }
0x10: {  	s11 =	sshrl.u32 s11, $0x3;
	s9 =	sadd.s32 s9, s3;
	s13 =	sshrl.u32 s13, $0x3  }
0x11: {  	s14 =	sshrl.u32 s14, $0x3;
	s2 =	sadd.s32 s2, s11;
	s11 =	smul.u32 $0x1388, s10  }
0x12: {  	[dreg:$0x8] =	wrdreg s9;
	s12 =	sadd.s32 $0xB600, s12;
	s19 =	sadd.s32 s7, s29  }
0x13: {  	s21 =	sadd.s32 s5, s18;
	s9 =	sadd.s32 s6, s17;
	[dreg:$0x6] =	wrdreg s2  }
0x14: {  	s10 =	simm.s32 $0xA;
	s17 =	simm.s32 $0x2800;
	[dreg:$0x9] =	wrdreg s12  }
0x15: {  	s18 =	simm.s32 $0x9;
	s13 =	sadd.s32 s13, s0;
	[dreg:$0xa] =	wrdreg s19  }
0x16: {  	s0 =	sadd.s32 s14, s0;
	s14 =	ssub.s32 s16, s25;
	[dreg:$0xb] =	wrdreg s21  }
0x17: {  	[dreg:$0xc] =	wrdreg s9;
	s25 =	sadd.s32 $0x2, s15;
	s21 =	sadd.s32 $0x3, s15  }
0x18: {  	s12 =	simm.s32 $0x2;
	s16 =	simm.s32 $0x52D0;
	s19 =	simm.s32 $0x3  }
0x19: {  	s2 =	sadd.s32 $0x28, s11;
	[dreg:$0x10] =	wrdreg s25;
	s26 =	sadd.s32 $0x1A400, s13  }
0x1a: {  	s0 =	sadd.s32 $0x10600, s0;
	s29 =	smax.u32 s14, $0x1;
	s14 =	simm.s32 $0x4  }
0x1b: {  	s11 =	simm.s32 $0x7;
	s13 =	simm.s32 $0x0;
	[dreg:$0x11] =	wrdreg s26  }
0x1c: {  	s22 =	sshrl.u32 s2, $0x3;
	s23 =	sshll.u32 s2, $0x4;
	[dreg:$0x12] =	wrdreg s0  }
.Ltmp0:
0x1d: {  	[dreg:$0x13] =	wrdreg s29;
	s9 =	sadd.s32 s7, s22;
	(pc) =	sbr.rel .LBB2_1-.Ltmp0, $4  }
0x1e: {  	s2 =	sshll.u32 s2, $0x1;
	s24 =	sadd.s32 s5, s23;
	[dreg:$0xd] =	wrdreg s9  }
0x1f: {  	v0 =	vimm.s32 $0x0;
	v1 =	vimm.s32 $0x1;
	s26 =	simm.s32 $0x8;
	s2 =	sadd.s32 s6, s2;
	[dreg:$0xe] =	wrdreg s24  }
0x20: {  	v2 =	vimm.s32 $0x2;
	v3 =	vimm.s32 $0x3;
	v4 =	vimm.s32 $0x4;
	s22 =	sadd.s32 $0x4, s15;
	s23 =	simm.s32 $0x6;
	[dreg:$0xf] =	wrdreg s2  }
0x21: {  	v5 =	vimm.s32 $0x5;
	v6 =	vimm.s32 $0x6;
	v7 =	vimm.s32 $0x7;
	s2 =	simm.s32 $0x1;
	s9 =	simm.s32 $0x28;
	s24 =	simm.s32 $0x5  }
.LBB2_14:
0x22: {  	_ =	swait.ge [sflag:s26], $0x1400  }
0x23: {  	[sflag:s26] =	ssyncset.done $0x0  }
0x24: {  	[sflag:s26] =	ssyncadd.s32 $0xFFFFEC00  }
0x25: {  	_ =	swait.ge [sflag:s26], $0x280  }
0x26: {  	[sflag:s26] =	ssyncset.done $0x0  }
0x27: {  	[sflag:s26] =	ssyncadd.s32 $0xFFFFFD80  }
0x28: {  	_ =	swait.ge [sflag:s18], $0x1400  }
0x29: {  	[sflag:s18] =	ssyncset.done $0x0  }
0x2a: {  	[sflag:s18] =	ssyncadd.s32 $0xFFFFEC00  }
0x2b: {  	_ =	swait.ge [sflag:s18], $0x280  }
0x2c: {  	[sflag:s18] =	ssyncset.done $0x0  }
0x2d: {  	[sflag:s18] =	ssyncadd.s32 $0xFFFFFD80  }
0x2e: {  	[bflag:$0x0] =	sbarrier.arrive $0xFFFF  }
0x2f: {  	s20 =	rddreg [dreg:$0x7]  }
0x30: {  	s0 =	rddreg [dreg:$0x11]  }
0x31: {  	s10 =	rddreg [dreg:$0x15]  }
0x32: {  	[hbm:s0], [sflag:s20] =	dma.local [spmem:s10], $0x2780  }
0x33: {  	s10 =	simm.s32 $0xA  }
0x34: {  	_ =	swait.ge [sflag:s10], $0x2780  }
0x35: {  	[sflag:s10] =	ssyncset.done $0x0;
	s15 =	rddreg [dreg:$0x12]  }
0x36: {  	s13 =	rddreg [dreg:$0x16];
	[sflag:s10] =	ssyncadd.s32 $0xFFFFD880  }
0x37: {  	[hbm:s15], [sflag:s20] =	dma.local [spmem:s13], $0x4F0  }
0x38: {  	_ =	swait.ge [sflag:s10], $0x4F0  }
0x39: {  	s25 =	rddreg [dreg:$0x14]  }
0x3a: {  	s29 =	rddreg [dreg:$0x13];
	s13 =	sadd.s32 $0x1, s25  }
0x3b: {  	p0 =	sne.s32 s13, s29  }
.Ltmp1:
0x3c: {  	_ = 	snop;
	(pc) =	sbr.rel @!p0 .LBB2_15-.Ltmp1, $3  }
0x3d: {  	_ =	sdelay $0x1  }
0x3e: {  	[sflag:s10] =	ssyncset.done $0x0  }
0x3f: {  	[sflag:s10] =	ssyncadd.s32 $0xFFFFFB10  }
.LBB2_1:
0x40: {  	[dreg:$0x14] =	wrdreg s13  }
0x41: {  	s0 =	rddreg [dreg:$0x5]  }
0x42: {  	s25 =	rddreg [dreg:$0x6];
	s15 =	sshrl.u32 s0, $0x3  }
0x43: {  	[dreg:$0x15] =	wrdreg s15  }
0x44: {  	[spmem:s15], [sflag:s20] =	dma.local [hbm:s25], $0x2780  }
0x45: {  	_ =	swait.ge [sflag:s10], $0x2780  }
0x46: {  	s13 =	rddreg [dreg:$0x8]  }
0x47: {  	[sflag:s10] =	ssyncset.done $0x0;
	s25 =	rddreg [dreg:$0x9];
	s15 =	sshrl.u32 s13, $0x3  }
0x48: {  	[sflag:s10] =	ssyncadd.s32 $0xFFFFD880;
	[dreg:$0x16] =	wrdreg s15  }
0x49: {  	[spmem:s15], [sflag:s20] =	dma.local [hbm:s25], $0x4F0  }
0x4a: {  	_ =	swait.ge [sflag:s10], $0x4F0  }
0x4b: {  	[sflag:s10] =	ssyncset.done $0x0  }
0x4c: {  	[sflag:s10] =	ssyncadd.s32 $0xFFFFFB10  }
0x4d: {  	[bflag:$0x0] =	sbarrier.arrive $0xFFFF  }
0x4e: {  	s13 =	rddreg [dreg:$0xa]  }
0x4f: {  	[tilespmem:s28], [sflag:$0x1] =	stream.linear.gather [hbm4b:s13+s4], $0x28, $0x38;
	[tilespmem:$0x1B678] =	vst v63  }
0x50: {  	s15 =	rddreg [dreg:$0xb]  }
0x51: {  	[tilespmem:s4], [sflag:$0x1] =	stream.linear.gather [hbm4b:s15+s4], $0x1400, $0x38;
	[tilespmem:$0x1B678] =	vst v63  }
0x52: {  	s25 =	simm.s32 $0x3C00;
	s20 =	rddreg [dreg:$0xc]  }
0x53: {  	[tilespmem:s25], [sflag:$0x1] =	stream.linear.gather [hbm4b:s20+s4], $0x280, $0x38;
	[tilespmem:$0x1B678] =	vst v63  }
0x54: {  	s10 =	rddreg [dreg:$0xd]  }
0x55: {  	[tilespmem:s30], [sflag:$0x2] =	stream.linear.gather [hbm4b:s10+s4], $0x28, $0x38;
	[tilespmem:$0x1B678] =	vst v63  }
0x56: {  	s13 =	rddreg [dreg:$0xe]  }
0x57: {  	[tilespmem:s31], [sflag:$0x2] =	stream.linear.gather [hbm4b:s13+s4], $0x1400, $0x38;
	[tilespmem:$0x1B678] =	vst v63  }
0x58: {  	s15 =	rddreg [dreg:$0xf];
	s20 =	simm.s32 $0x3E80  }
0x59: {  	[tilespmem:s20], [sflag:$0x2] =	stream.linear.gather [hbm4b:s15+s4], $0x280, $0x38;
	[tilespmem:$0x1B678] =	vst v63  }
0x5a: {  	_ =	swait.ge [sflag:s2], $0x28  }
0x5b: {  	[sflag:s2] =	ssyncset.done $0x0  }
0x5c: {  	[sflag:s2] =	ssyncadd.s32 $0xFFFFFFD8  }
0x5d: {  	_ =	swait.ge [sflag:s2], $0x1400  }
0x5e: {  	[sflag:s2] =	ssyncset.done $0x0  }
0x5f: {  	[sflag:s2] =	ssyncadd.s32 $0xFFFFEC00  }
0x60: {  	_ =	swait.ge [sflag:s2], $0x280  }
0x61: {  	[sflag:s2] =	ssyncset.done $0x0  }
0x62: {  	s29 =	simm.s32 $0x0;
	s25 =	simm.s32 $0x4380;
	[sflag:s2] =	ssyncadd.s32 $0xFFFFFD80  }
0x63: {  	[tilespmem:s25], [sflag:$0x4] =	stream.indirect.gather [hbm4b:s8+s9], $0x10, s28, s9, $0xb8;
	[tilespmem:$0x1B678] =	vst v63  }
.LBB2_2:
0x64: {  	_ =	swait.ge [sflag:s12], $0x28  }
0x65: {  	[sflag:s12] =	ssyncset.done $0x0  }
0x66: {  	[sflag:s12] =	ssyncadd.s32 $0xFFFFFFD8  }
0x67: {  	_ =	swait.ge [sflag:s12], $0x1400  }
0x68: {  	[sflag:s12] =	ssyncset.done $0x0  }
0x69: {  	[sflag:s12] =	ssyncadd.s32 $0xFFFFEC00  }
0x6a: {  	_ =	swait.ge [sflag:s12], $0x280  }
0x6b: {  	[sflag:s12] =	ssyncset.done $0x0  }
0x6c: {  	s0 =	simm.s32 $0x4600;
	[sflag:s12] =	ssyncadd.s32 $0xFFFFFD80  }
0x6d: {  	[tilespmem:s0], [sflag:$0x5] =	stream.indirect.gather [hbm4b:s8+s9], $0x10, s30, s9, $0xb8;
	[tilespmem:$0x1B678] =	vst v63  }
0x6e: {  	_ =	swait.ge [sflag:s14], $0x280  }
0x6f: {  	[sflag:s14] =	ssyncset.done $0x0  }
0x70: {  	s10 =	simm.s32 $0x30;
	[sflag:s14] =	ssyncadd.s32 $0xFFFFFD80  }
0x71: {  	v8 =	vld [tilespmem:s10+$0x3BD0]  }
0x72: {  	v9 =	vld [tilespmem:s10+$0x4350];
	_ =	sdelay $0x4  }
0x73: {  	v8 =	vadd.f32 v9, v8;
	_ =	sdelay $0x1  }
0x74: {  	v9 =	vmul.f32 $2.000000030e-01, v8;
	_ =	sdelay $0x1  }
0x75: {  	v8 =	vmax.f32 v8, v9  }
0x76: {  	v8 =	vmul.f32 $1.442695020e+00, v8;
	_ =	sdelay $0x1  }
0x77: {  	(erf) = vpow2.f32 v8;
	_ =	sdelay $0x8  }
0x78: {  	v8 =	vpop (erf)  }
0x79: {  	s0 =	simm.s32 $0x100;
	[tilespmem:s10+$0x4AD0] =	vst v8  }
0x7a: {  	v9 =	vld [tilespmem:s0+$0xFFFFFF00]  }
0x7b: {  	v10 =	vld [tilespmem:s0+$0xFFFFFF10]  }
0x7c: {  	v11 =	vld [tilespmem:s0+$0xFFFFFF20]  }
0x7d: {  	v12 =	vperm.xlane v8, v0;
	v13 =	vld [tilespmem:s0+$0xFFFFFF30]  }
0x7e: {  	v14 =	vperm.xlane v8, v1;
	v15 =	vld [tilespmem:s0+$0xFFFFFF40]  }
0x7f: {  	v41 =	vperm.xlane v8, v2;
	v16 =	vld [tilespmem:s0+$0xFFFFFF70];
	v9 =	vmul.f32 v9, v12  }
0x80: {  	v42 =	vperm.xlane v8, v3;
	v17 =	vld [tilespmem:s0+$0xFFFFFF50];
	v10 =	vmul.f32 v10, v14  }
0x81: {  	v43 =	vld [tilespmem:s0+$0xFFFFFF60];
	[tilespmem:s0+$0xFFFFFF00] =	vst v9;
	v9 =	vmul.f32 v11, v41;
	v11 =	vperm.xlane v8, v4  }
0x82: {  	v44 =	vperm.xlane v8, v7;
	[tilespmem:s0+$0xFFFFFF10] =	vst v10;
	v10 =	vmul.f32 v13, v42  }
0x83: {  	[tilespmem:s0+$0xFFFFFF20] =	vst v9;
	v9 =	vmul.f32 v15, v11;
	v11 =	vperm.xlane v8, v5  }
0x84: {  	[tilespmem:s0+$0xFFFFFF30] =	vst v10;
	v8 =	vperm.xlane v8, v6;
	v10 =	vmul.f32 v16, v44  }
0x85: {  	[tilespmem:s0+$0xFFFFFF40] =	vst v9;
	v9 =	vmul.f32 v17, v11  }
0x86: {  	v8 =	vmul.f32 v43, v8;
	[tilespmem:s0+$0xFFFFFF70] =	vst v10  }
0x87: {  	[tilespmem:s0+$0xFFFFFF50] =	vst v9  }
0x88: {  	[tilespmem:s0+$0xFFFFFF60] =	vst v8  }
0x89: {  	v8 =	vld [tilespmem:s10+$0x3BE0]  }
0x8a: {  	v9 =	vld [tilespmem:s10+$0x4360];
	_ =	sdelay $0x4  }
0x8b: {  	v8 =	vadd.f32 v9, v8;
	_ =	sdelay $0x1  }
0x8c: {  	v9 =	vmul.f32 $2.000000030e-01, v8;
	_ =	sdelay $0x1  }
0x8d: {  	v8 =	vmax.f32 v8, v9  }
0x8e: {  	v8 =	vmul.f32 $1.442695020e+00, v8;
	_ =	sdelay $0x1  }
0x8f: {  	(erf) = vpow2.f32 v8;
	_ =	sdelay $0x8  }
0x90: {  	v8 =	vpop (erf)  }
0x91: {  	[tilespmem:s10+$0x4AE0] =	vst v8  }
0x92: {  	v9 =	vld [tilespmem:s0+$0xFFFFFF80]  }
0x93: {  	v10 =	vld [tilespmem:s0+$0xFFFFFF90]  }
0x94: {  	v11 =	vld [tilespmem:s0+$0xFFFFFFA0]  }
0x95: {  	v45 =	vperm.xlane v8, v0;
	v46 =	vld [tilespmem:s0+$0xFFFFFFB0]  }
0x96: {  	v47 =	vperm.xlane v8, v1;
	v48 =	vld [tilespmem:s0+$0xFFFFFFD0]  }
0x97: {  	v49 =	vperm.xlane v8, v2;
	v50 =	vld [tilespmem:s0+$0xFFFFFFC0];
	v9 =	vmul.f32 v9, v45  }
0x98: {  	v51 =	vperm.xlane v8, v3;
	v52 =	vld [tilespmem:s0+$0xFFFFFFF0];
	v10 =	vmul.f32 v10, v47  }
0x99: {  	v18 =	vperm.xlane v8, v5;
	[tilespmem:s0+$0xFFFFFF80] =	vst v9;
	v9 =	vmul.f32 v11, v49;
	v11 =	vld [tilespmem:s0+$0xFFFFFFE0]  }
0x9a: {  	v53 =	vperm.xlane v8, v4;
	[tilespmem:s0+$0xFFFFFF90] =	vst v10;
	v10 =	vmul.f32 v46, v51  }
0x9b: {  	v54 =	vperm.xlane v8, v7;
	[tilespmem:s0+$0xFFFFFFA0] =	vst v9;
	v9 =	vmul.f32 v48, v18  }
0x9c: {  	v8 =	vperm.xlane v8, v6;
	[tilespmem:s0+$0xFFFFFFB0] =	vst v10;
	v10 =	vmul.f32 v50, v53  }
0x9d: {  	[tilespmem:s0+$0xFFFFFFD0] =	vst v9;
	v9 =	vmul.f32 v52, v54  }
0x9e: {  	[tilespmem:s0+$0xFFFFFFC0] =	vst v10;
	v8 =	vmul.f32 v11, v8  }
0x9f: {  	[tilespmem:s0+$0xFFFFFFF0] =	vst v9  }
0xa0: {  	[tilespmem:s0+$0xFFFFFFE0] =	vst v8  }
0xa1: {  	v8 =	vld [tilespmem:s10+$0x3BF0]  }
0xa2: {  	v9 =	vld [tilespmem:s10+$0x4370];
	_ =	sdelay $0x4  }
0xa3: {  	v8 =	vadd.f32 v9, v8;
	_ =	sdelay $0x1  }
0xa4: {  	v9 =	vmul.f32 $2.000000030e-01, v8;
	_ =	sdelay $0x1  }
0xa5: {  	v8 =	vmax.f32 v8, v9  }
0xa6: {  	v8 =	vmul.f32 $1.442695020e+00, v8;
	_ =	sdelay $0x1  }
0xa7: {  	(erf) = vpow2.f32 v8;
	_ =	sdelay $0x8  }
0xa8: {  	v8 =	vpop (erf)  }
0xa9: {  	[tilespmem:s10+$0x4AF0] =	vst v8  }
0xaa: {  	v9 =	vld [tilespmem:s0+$0x0]  }
0xab: {  	v10 =	vld [tilespmem:s0+$0x10]  }
0xac: {  	v11 =	vld [tilespmem:s0+$0x20]  }
0xad: {  	v55 =	vperm.xlane v8, v0  }
0xae: {  	v56 =	vperm.xlane v8, v1;
	v57 =	vld [tilespmem:s0+$0x40]  }
0xaf: {  	v58 =	vperm.xlane v8, v2;
	v59 =	vld [tilespmem:s0+$0x50];
	v9 =	vmul.f32 v9, v55  }
0xb0: {  	v60 =	vld [tilespmem:s0+$0x60];
	v10 =	vmul.f32 v10, v56  }
0xb1: {  	v61 =	vld [tilespmem:s0+$0x70];
	[tilespmem:s0+$0x0] =	vst v9;
	v9 =	vmul.f32 v11, v58;
	v11 =	vperm.xlane v8, v4  }
0xb2: {  	[tilespmem:s0+$0x10] =	vst v10;
	v10 =	vperm.xlane v8, v5  }
0xb3: {  	v62 =	vld [tilespmem:s0+$0x30];
	[tilespmem:s0+$0x20] =	vst v9;
	v9 =	vmul.f32 v57, v11;
	v11 =	vperm.xlane v8, v6  }
0xb4: {  	v63 =	vperm.xlane v8, v7;
	v10 =	vmul.f32 v59, v10  }
0xb5: {  	[tilespmem:s0+$0x40] =	vst v9;
	v9 =	vmul.f32 v60, v11  }
0xb6: {  	v8 =	vperm.xlane v8, v3;
	[tilespmem:s0+$0x50] =	vst v10;
	v10 =	vmul.f32 v61, v63  }
0xb7: {  	[tilespmem:s0+$0x60] =	vst v9  }
0xb8: {  	s15 =	simm.s32 $0x1C0;
	s13 =	simm.s32 $0x100;
	v8 =	vmul.f32 v62, v8;
	[tilespmem:s0+$0x70] =	vst v10  }
.LBB2_3:
0xb9: {  	p0 =	sne.s32 s15, $0x9C0  }
0xba: {  	s0 =	sadd.s32 $0x200, s0;
	s25 =	smov.u32 s15;
	s15 =	sadd.s32 $0x100, s15  }
0xbb: {  	[tilespmem:s13+$0x30] =	vst v8  }
0xbc: {  	v8 =	vld [tilespmem:s10+$0x3C00]  }
0xbd: {  	v9 =	vld [tilespmem:s10+$0x4380];
	_ =	sdelay $0x4  }
0xbe: {  	v8 =	vadd.f32 v9, v8;
	_ =	sdelay $0x1  }
0xbf: {  	v9 =	vmul.f32 $2.000000030e-01, v8;
	_ =	sdelay $0x1  }
0xc0: {  	v8 =	vmax.f32 v8, v9  }
0xc1: {  	v8 =	vmul.f32 $1.442695020e+00, v8;
	_ =	sdelay $0x1  }
0xc2: {  	(erf) = vpow2.f32 v8;
	_ =	sdelay $0x8  }
0xc3: {  	v8 =	vpop (erf)  }
0xc4: {  	[tilespmem:s10+$0x4B00] =	vst v8  }
0xc5: {  	v9 =	vld [tilespmem:s13+$0x80]  }
0xc6: {  	v10 =	vld [tilespmem:s13+$0x90]  }
0xc7: {  	v11 =	vld [tilespmem:s13+$0xA0]  }
0xc8: {  	v12 =	vperm.xlane v8, v0;
	v13 =	vld [tilespmem:s13+$0xB0]  }
0xc9: {  	v14 =	vperm.xlane v8, v1;
	v15 =	vld [tilespmem:s13+$0xC0]  }
0xca: {  	v9 =	vmul.f32 v9, v12;
	v12 =	vperm.xlane v8, v2;
	v16 =	vld [tilespmem:s13+$0xD0]  }
0xcb: {  	v10 =	vmul.f32 v10, v14;
	v14 =	vperm.xlane v8, v3;
	v17 =	vld [tilespmem:s13+$0xE0]  }
0xcc: {  	[tilespmem:s13+$0x80] =	vst v9;
	v9 =	vmul.f32 v11, v12;
	v11 =	vperm.xlane v8, v4;
	v12 =	vld [tilespmem:s13+$0xF0]  }
0xcd: {  	[tilespmem:s13+$0x90] =	vst v10;
	v10 =	vmul.f32 v13, v14;
	v13 =	vperm.xlane v8, v5  }
0xce: {  	[tilespmem:s13+$0xA0] =	vst v9;
	v9 =	vmul.f32 v15, v11;
	v11 =	vperm.xlane v8, v6  }
0xcf: {  	v8 =	vperm.xlane v8, v7;
	[tilespmem:s13+$0xB0] =	vst v10;
	v10 =	vmul.f32 v16, v13  }
0xd0: {  	s10 =	sshra.s32 s25, $0x2;
	[tilespmem:s13+$0xC0] =	vst v9;
	v9 =	vmul.f32 v17, v11  }
0xd1: {  	[tilespmem:s13+$0xD0] =	vst v10;
	v8 =	vmul.f32 v12, v8  }
0xd2: {  	[tilespmem:s13+$0xE0] =	vst v9  }
0xd3: {  	[tilespmem:s13+$0xF0] =	vst v8;
	s13 =	smov.u32 s0;
	_ =	sdelay $0x1  }
0xd4: {  	v8 =	vld [tilespmem:s10+$0x3BD0]  }
0xd5: {  	v9 =	vld [tilespmem:s10+$0x4350];
	_ =	sdelay $0x4  }
0xd6: {  	v8 =	vadd.f32 v9, v8;
	_ =	sdelay $0x1  }
0xd7: {  	v9 =	vmul.f32 $2.000000030e-01, v8;
	_ =	sdelay $0x1  }
0xd8: {  	v8 =	vmax.f32 v8, v9  }
0xd9: {  	v8 =	vmul.f32 $1.442695020e+00, v8;
	_ =	sdelay $0x1  }
0xda: {  	(erf) = vpow2.f32 v8;
	_ =	sdelay $0x8  }
0xdb: {  	v8 =	vpop (erf)  }
0xdc: {  	[tilespmem:s10+$0x4AD0] =	vst v8  }
0xdd: {  	v9 =	vld [tilespmem:s0+$0xFFFFFF00]  }
0xde: {  	v10 =	vld [tilespmem:s0+$0xFFFFFF10]  }
0xdf: {  	v11 =	vld [tilespmem:s0+$0xFFFFFF20]  }
0xe0: {  	v12 =	vperm.xlane v8, v0;
	v13 =	vld [tilespmem:s0+$0xFFFFFF30]  }
0xe1: {  	v14 =	vperm.xlane v8, v1;
	v15 =	vld [tilespmem:s0+$0xFFFFFF40]  }
0xe2: {  	v9 =	vmul.f32 v9, v12;
	v12 =	vperm.xlane v8, v2;
	v16 =	vld [tilespmem:s0+$0xFFFFFF70]  }
0xe3: {  	v10 =	vmul.f32 v10, v14;
	v14 =	vperm.xlane v8, v3;
	v17 =	vld [tilespmem:s0+$0xFFFFFF50]  }
0xe4: {  	[tilespmem:s0+$0xFFFFFF00] =	vst v9;
	v9 =	vmul.f32 v11, v12;
	v11 =	vperm.xlane v8, v4;
	v12 =	vld [tilespmem:s0+$0xFFFFFF60]  }
0xe5: {  	[tilespmem:s0+$0xFFFFFF10] =	vst v10;
	v10 =	vmul.f32 v13, v14;
	v13 =	vperm.xlane v8, v7  }
0xe6: {  	[tilespmem:s0+$0xFFFFFF20] =	vst v9;
	v9 =	vmul.f32 v15, v11;
	v11 =	vperm.xlane v8, v5  }
0xe7: {  	v8 =	vperm.xlane v8, v6;
	[tilespmem:s0+$0xFFFFFF30] =	vst v10;
	v10 =	vmul.f32 v16, v13  }
0xe8: {  	[tilespmem:s0+$0xFFFFFF40] =	vst v9;
	v9 =	vmul.f32 v17, v11  }
0xe9: {  	v8 =	vmul.f32 v12, v8;
	[tilespmem:s0+$0xFFFFFF70] =	vst v10  }
0xea: {  	[tilespmem:s0+$0xFFFFFF50] =	vst v9  }
0xeb: {  	[tilespmem:s0+$0xFFFFFF60] =	vst v8  }
0xec: {  	v8 =	vld [tilespmem:s10+$0x3BE0]  }
0xed: {  	v9 =	vld [tilespmem:s10+$0x4360];
	_ =	sdelay $0x4  }
0xee: {  	v8 =	vadd.f32 v9, v8;
	_ =	sdelay $0x1  }
0xef: {  	v9 =	vmul.f32 $2.000000030e-01, v8;
	_ =	sdelay $0x1  }
0xf0: {  	v8 =	vmax.f32 v8, v9  }
0xf1: {  	v8 =	vmul.f32 $1.442695020e+00, v8;
	_ =	sdelay $0x1  }
0xf2: {  	(erf) = vpow2.f32 v8;
	_ =	sdelay $0x8  }
0xf3: {  	v8 =	vpop (erf)  }
0xf4: {  	[tilespmem:s10+$0x4AE0] =	vst v8;
	v9 =	vperm.xlane v8, v5  }
0xf5: {  	v10 =	vld [tilespmem:s0+$0xFFFFFF80]  }
0xf6: {  	v11 =	vld [tilespmem:s0+$0xFFFFFF90]  }
0xf7: {  	v12 =	vld [tilespmem:s0+$0xFFFFFFA0]  }
0xf8: {  	v13 =	vperm.xlane v8, v0;
	v14 =	vld [tilespmem:s0+$0xFFFFFFB0]  }
0xf9: {  	v15 =	vperm.xlane v8, v1;
	v16 =	vld [tilespmem:s0+$0xFFFFFFD0]  }
0xfa: {  	v10 =	vmul.f32 v10, v13;
	v13 =	vperm.xlane v8, v2;
	v17 =	vld [tilespmem:s0+$0xFFFFFFC0]  }
0xfb: {  	v11 =	vmul.f32 v11, v15;
	v15 =	vperm.xlane v8, v3;
	v18 =	vld [tilespmem:s0+$0xFFFFFFF0]  }
0xfc: {  	[tilespmem:s0+$0xFFFFFF80] =	vst v10;
	v10 =	vmul.f32 v12, v13  }
0xfd: {  	v12 =	vperm.xlane v8, v4;
	[tilespmem:s0+$0xFFFFFF90] =	vst v11;
	v11 =	vmul.f32 v14, v15;
	v13 =	vld [tilespmem:s0+$0xFFFFFFE0]  }
0xfe: {  	[tilespmem:s0+$0xFFFFFFA0] =	vst v10;
	v9 =	vmul.f32 v16, v9;
	v10 =	vperm.xlane v8, v7  }
0xff: {  	[tilespmem:s0+$0xFFFFFFB0] =	vst v11;
	v11 =	vmul.f32 v17, v12  }
0x100: {  	v8 =	vperm.xlane v8, v6;
	[tilespmem:s0+$0xFFFFFFD0] =	vst v9;
	v9 =	vmul.f32 v18, v10  }
0x101: {  	[tilespmem:s0+$0xFFFFFFC0] =	vst v11  }
0x102: {  	v8 =	vmul.f32 v13, v8;
	[tilespmem:s0+$0xFFFFFFF0] =	vst v9;
	_ =	sdelay $0x1  }
0x103: {  	[tilespmem:s0+$0xFFFFFFE0] =	vst v8  }
0x104: {  	v8 =	vld [tilespmem:s10+$0x3BF0]  }
0x105: {  	v9 =	vld [tilespmem:s10+$0x4370];
	_ =	sdelay $0x4  }
0x106: {  	v8 =	vadd.f32 v9, v8;
	_ =	sdelay $0x1  }
0x107: {  	v9 =	vmul.f32 $2.000000030e-01, v8;
	_ =	sdelay $0x1  }
0x108: {  	v8 =	vmax.f32 v8, v9  }
0x109: {  	v8 =	vmul.f32 $1.442695020e+00, v8;
	_ =	sdelay $0x1  }
0x10a: {  	(erf) = vpow2.f32 v8;
	_ =	sdelay $0x8  }
0x10b: {  	v8 =	vpop (erf)  }
0x10c: {  	[tilespmem:s10+$0x4AF0] =	vst v8  }
0x10d: {  	v9 =	vld [tilespmem:s0+$0x0]  }
0x10e: {  	v10 =	vld [tilespmem:s0+$0x10]  }
0x10f: {  	v11 =	vld [tilespmem:s0+$0x20]  }
0x110: {  	v12 =	vperm.xlane v8, v0;
	v13 =	vld [tilespmem:s0+$0x40]  }
0x111: {  	v14 =	vperm.xlane v8, v1;
	v15 =	vld [tilespmem:s0+$0x50]  }
0x112: {  	v9 =	vmul.f32 v9, v12;
	v12 =	vperm.xlane v8, v2;
	v16 =	vld [tilespmem:s0+$0x60]  }
0x113: {  	v10 =	vmul.f32 v10, v14;
	v14 =	vperm.xlane v8, v4;
	v17 =	vld [tilespmem:s0+$0x70]  }
0x114: {  	[tilespmem:s0+$0x0] =	vst v9;
	v9 =	vmul.f32 v11, v12;
	v11 =	vperm.xlane v8, v5  }
0x115: {  	v12 =	vperm.xlane v8, v6;
	[tilespmem:s0+$0x10] =	vst v10;
	v10 =	vmul.f32 v13, v14  }
0x116: {  	[tilespmem:s0+$0x20] =	vst v9;
	v9 =	vmul.f32 v15, v11;
	v11 =	vperm.xlane v8, v7  }
0x117: {  	v13 =	vld [tilespmem:s0+$0x30];
	[tilespmem:s0+$0x40] =	vst v10;
	v10 =	vmul.f32 v16, v12  }
.Ltmp2:
0x118: {  	[tilespmem:s0+$0x50] =	vst v9;
	v9 =	vmul.f32 v17, v11;
	(pc) =	sbr.rel @p0 .LBB2_3-.Ltmp2, $3  }
0x119: {  	[tilespmem:s0+$0x60] =	vst v10  }
0x11a: {  	v8 =	vperm.xlane v8, v3;
	[tilespmem:s0+$0x70] =	vst v9;
	_ =	sdelay $0x1  }
0x11b: {  	v8 =	vmul.f32 v13, v8  }
0x11c: {  	_ = 	snop  }
0x11d: {  	[tilespmem:s13+$0x30] =	vst v8  }
0x11e: {  	v8 =	vld [tilespmem:s10+$0x3C00]  }
0x11f: {  	v9 =	vld [tilespmem:s10+$0x4380];
	_ =	sdelay $0x4  }
0x120: {  	v8 =	vadd.f32 v9, v8;
	_ =	sdelay $0x1  }
0x121: {  	v9 =	vmul.f32 $2.000000030e-01, v8;
	_ =	sdelay $0x1  }
0x122: {  	v8 =	vmax.f32 v8, v9  }
0x123: {  	v8 =	vmul.f32 $1.442695020e+00, v8;
	_ =	sdelay $0x1  }
0x124: {  	(erf) = vpow2.f32 v8;
	_ =	sdelay $0x8  }
0x125: {  	v8 =	vpop (erf)  }
0x126: {  	[tilespmem:s10+$0x4B00] =	vst v8  }
0x127: {  	v52 =	vld [tilespmem:s13+$0x80]  }
0x128: {  	v10 =	vld [tilespmem:s13+$0x90]  }
0x129: {  	v11 =	vld [tilespmem:s13+$0xA0]  }
0x12a: {  	v12 =	vperm.xlane v8, v0;
	v13 =	vld [tilespmem:s13+$0xB0]  }
0x12b: {  	v14 =	vperm.xlane v8, v1;
	v15 =	vld [tilespmem:s13+$0xC0]  }
0x12c: {  	v53 =	vperm.xlane v8, v2;
	v16 =	vld [tilespmem:s13+$0xD0];
	v9 =	vmul.f32 v52, v12  }
0x12d: {  	v54 =	vperm.xlane v8, v3;
	v17 =	vld [tilespmem:s13+$0xE0];
	v10 =	vmul.f32 v10, v14  }
0x12e: {  	v56 =	vperm.xlane v8, v4;
	v57 =	vld [tilespmem:s13+$0xF0];
	v55 =	vmul.f32 v11, v53;
	[tilespmem:s13+$0x80] =	vst v9  }
0x12f: {  	v59 =	vperm.xlane v8, v5;
	v58 =	vmul.f32 v13, v54;
	[tilespmem:s13+$0x90] =	vst v10  }
0x130: {  	v61 =	vperm.xlane v8, v6;
	v60 =	vmul.f32 v15, v56;
	[tilespmem:s13+$0xA0] =	vst v55  }
0x131: {  	v8 =	vperm.xlane v8, v7;
	v62 =	vmul.f32 v16, v59;
	[tilespmem:s13+$0xB0] =	vst v58  }
0x132: {  	v63 =	vmul.f32 v17, v61;
	[tilespmem:s13+$0xC0] =	vst v60  }
0x133: {  	v8 =	vmul.f32 v57, v8;
	[tilespmem:s13+$0xD0] =	vst v62  }
0x134: {  	p0 =	seq.s32 s29, $0x0;
	[tilespmem:s13+$0xE0] =	vst v63  }
.Ltmp3:
0x135: {  	[tilespmem:s13+$0xF0] =	vst v8;
	(pc) =	sbr.rel @p0 .LBB2_7-.Ltmp3, $4  }
0x136: {  	[spmem:s1] =	stream.indirect.scatter.add.f32 [tilespmem:s4], [sflag:$0x7], $0x80, s28, s9, $0xb8;
	[tilespmem:$0x1B678] =	vst v63  }
0x137: {  	s0 =	simm.s32 $0x4B00  }
0x138: {  	[spmem:s3] =	stream.indirect.scatter.add.f32 [tilespmem:s0], [sflag:$0x7], $0x10, s28, s9, $0xb8;
	[tilespmem:$0x1B678] =	vst v63  }
0x139: {  	s0 =	smul.u32 $0x3, s29  }
0x13a: {  	p0 =	seq.s32 s29, $0x29  }
.Ltmp4:
0x13b: {  	_ = 	snop;
	(pc) =	sbr.rel @p0 .LBB2_8-.Ltmp4, $1  }
0x13c: {  	_ =	sdelay $0x3  }
0x13d: {  	_ =	swait.ge [sflag:s18], $0x1400  }
0x13e: {  	[sflag:s18] =	ssyncset.done $0x0  }
0x13f: {  	[sflag:s18] =	ssyncadd.s32 $0xFFFFEC00  }
0x140: {  	_ =	swait.ge [sflag:s18], $0x280  }
0x141: {  	[sflag:s18] =	ssyncset.done $0x0  }
0x142: {  	[sflag:s18] =	ssyncadd.s32 $0xFFFFFD80  }
.LBB2_7:
0x143: {  	s10 =	rddreg [dreg:$0x10]  }
0x144: {  	s10 =	sadd.s32 s0, s10  }
0x145: {  	s13 =	smul.u32 $0x5, s10;
	_ =	sdelay $0x1  }
0x146: {  	s15 =	smul.u32 $0x280, s10;
	s13 =	sadd.s32 s7, s13  }
0x147: {  	[tilespmem:s16], [sflag:$0x3] =	stream.linear.gather [hbm4b:s13+s4], $0x28, $0x38;
	[tilespmem:$0x1B678] =	vst v63  }
0x148: {  	s10 =	smul.u32 $0x50, s10;
	s15 =	sadd.s32 s5, s15  }
0x149: {  	[tilespmem:s17], [sflag:$0x3] =	stream.linear.gather [hbm4b:s15+s4], $0x1400, $0x38;
	[tilespmem:$0x1B678] =	vst v63  }
0x14a: {  	s20 =	simm.s32 $0x4100;
	s10 =	sadd.s32 s6, s10  }
0x14b: {  	[tilespmem:s20], [sflag:$0x3] =	stream.linear.gather [hbm4b:s10+s4], $0x280, $0x38;
	[tilespmem:$0x1B678] =	vst v63  }
0x14c: {  	_ =	swait.ge [sflag:s19], $0x28  }
0x14d: {  	[sflag:s19] =	ssyncset.done $0x0  }
0x14e: {  	[sflag:s19] =	ssyncadd.s32 $0xFFFFFFD8  }
0x14f: {  	_ =	swait.ge [sflag:s19], $0x1400  }
0x150: {  	[sflag:s19] =	ssyncset.done $0x0  }
0x151: {  	[sflag:s19] =	ssyncadd.s32 $0xFFFFEC00  }
0x152: {  	_ =	swait.ge [sflag:s19], $0x280  }
0x153: {  	[sflag:s19] =	ssyncset.done $0x0  }
0x154: {  	s25 =	simm.s32 $0x4880;
	[sflag:s19] =	ssyncadd.s32 $0xFFFFFD80  }
0x155: {  	[tilespmem:s25], [sflag:$0x6] =	stream.indirect.gather [hbm4b:s8+s9], $0x10, s16, s9, $0xb8;
	[tilespmem:$0x1B678] =	vst v63  }
.LBB2_8:
0x156: {  	_ =	swait.ge [sflag:s24], $0x280  }
0x157: {  	[sflag:s24] =	ssyncset.done $0x0  }
0x158: {  	s13 =	simm.s32 $0x30;
	[sflag:s24] =	ssyncadd.s32 $0xFFFFFD80  }
0x159: {  	v8 =	vld [tilespmem:s13+$0x3E50]  }
0x15a: {  	v9 =	vld [tilespmem:s13+$0x45D0];
	_ =	sdelay $0x4  }
0x15b: {  	v8 =	vadd.f32 v9, v8;
	_ =	sdelay $0x1  }
0x15c: {  	v9 =	vmul.f32 $2.000000030e-01, v8;
	_ =	sdelay $0x1  }
0x15d: {  	v8 =	vmax.f32 v8, v9  }
0x15e: {  	v8 =	vmul.f32 $1.442695020e+00, v8;
	_ =	sdelay $0x1  }
0x15f: {  	(erf) = vpow2.f32 v8;
	_ =	sdelay $0x8  }
0x160: {  	v8 =	vpop (erf)  }
0x161: {  	s10 =	simm.s32 $0x1500;
	[tilespmem:s13+$0x4D50] =	vst v8  }
0x162: {  	v9 =	vld [tilespmem:s10+$0xFFFFFF00]  }
0x163: {  	v10 =	vld [tilespmem:s10+$0xFFFFFF10]  }
0x164: {  	v11 =	vld [tilespmem:s10+$0xFFFFFF20]  }
0x165: {  	v12 =	vperm.xlane v8, v0;
	v13 =	vld [tilespmem:s10+$0xFFFFFF30]  }
0x166: {  	v14 =	vperm.xlane v8, v1;
	v15 =	vld [tilespmem:s10+$0xFFFFFF40]  }
0x167: {  	v41 =	vperm.xlane v8, v2;
	v16 =	vld [tilespmem:s10+$0xFFFFFF70];
	v9 =	vmul.f32 v9, v12  }
0x168: {  	v42 =	vperm.xlane v8, v3;
	v17 =	vld [tilespmem:s10+$0xFFFFFF50];
	v10 =	vmul.f32 v10, v14  }
0x169: {  	v43 =	vld [tilespmem:s10+$0xFFFFFF60];
	[tilespmem:s10+$0xFFFFFF00] =	vst v9;
	v9 =	vmul.f32 v11, v41;
	v11 =	vperm.xlane v8, v4  }
0x16a: {  	v44 =	vperm.xlane v8, v7;
	[tilespmem:s10+$0xFFFFFF10] =	vst v10;
	v10 =	vmul.f32 v13, v42  }
0x16b: {  	[tilespmem:s10+$0xFFFFFF20] =	vst v9;
	v9 =	vmul.f32 v15, v11;
	v11 =	vperm.xlane v8, v5  }
0x16c: {  	[tilespmem:s10+$0xFFFFFF30] =	vst v10;
	v8 =	vperm.xlane v8, v6;
	v10 =	vmul.f32 v16, v44  }
0x16d: {  	[tilespmem:s10+$0xFFFFFF40] =	vst v9;
	v9 =	vmul.f32 v17, v11  }
0x16e: {  	v8 =	vmul.f32 v43, v8;
	[tilespmem:s10+$0xFFFFFF70] =	vst v10  }
0x16f: {  	[tilespmem:s10+$0xFFFFFF50] =	vst v9  }
0x170: {  	[tilespmem:s10+$0xFFFFFF60] =	vst v8  }
0x171: {  	v8 =	vld [tilespmem:s13+$0x3E60]  }
0x172: {  	v9 =	vld [tilespmem:s13+$0x45E0];
	_ =	sdelay $0x4  }
0x173: {  	v8 =	vadd.f32 v9, v8;
	_ =	sdelay $0x1  }
0x174: {  	v9 =	vmul.f32 $2.000000030e-01, v8;
	_ =	sdelay $0x1  }
0x175: {  	v8 =	vmax.f32 v8, v9  }
0x176: {  	v8 =	vmul.f32 $1.442695020e+00, v8;
	_ =	sdelay $0x1  }
0x177: {  	(erf) = vpow2.f32 v8;
	_ =	sdelay $0x8  }
0x178: {  	v8 =	vpop (erf)  }
0x179: {  	[tilespmem:s13+$0x4D60] =	vst v8  }
0x17a: {  	v9 =	vld [tilespmem:s10+$0xFFFFFF80]  }
0x17b: {  	v10 =	vld [tilespmem:s10+$0xFFFFFF90]  }
0x17c: {  	v11 =	vld [tilespmem:s10+$0xFFFFFFA0]  }
0x17d: {  	v45 =	vperm.xlane v8, v0;
	v46 =	vld [tilespmem:s10+$0xFFFFFFB0]  }
0x17e: {  	v47 =	vperm.xlane v8, v1;
	v48 =	vld [tilespmem:s10+$0xFFFFFFD0]  }
0x17f: {  	v49 =	vperm.xlane v8, v2;
	v50 =	vld [tilespmem:s10+$0xFFFFFFC0];
	v9 =	vmul.f32 v9, v45  }
0x180: {  	v51 =	vperm.xlane v8, v3;
	v52 =	vld [tilespmem:s10+$0xFFFFFFF0];
	v10 =	vmul.f32 v10, v47  }
0x181: {  	v18 =	vperm.xlane v8, v5;
	[tilespmem:s10+$0xFFFFFF80] =	vst v9;
	v9 =	vmul.f32 v11, v49;
	v11 =	vld [tilespmem:s10+$0xFFFFFFE0]  }
0x182: {  	v53 =	vperm.xlane v8, v4;
	[tilespmem:s10+$0xFFFFFF90] =	vst v10;
	v10 =	vmul.f32 v46, v51  }
0x183: {  	v54 =	vperm.xlane v8, v7;
	[tilespmem:s10+$0xFFFFFFA0] =	vst v9;
	v9 =	vmul.f32 v48, v18  }
0x184: {  	v8 =	vperm.xlane v8, v6;
	[tilespmem:s10+$0xFFFFFFB0] =	vst v10;
	v10 =	vmul.f32 v50, v53  }
0x185: {  	[tilespmem:s10+$0xFFFFFFD0] =	vst v9;
	v9 =	vmul.f32 v52, v54  }
0x186: {  	[tilespmem:s10+$0xFFFFFFC0] =	vst v10;
	v8 =	vmul.f32 v11, v8  }
0x187: {  	[tilespmem:s10+$0xFFFFFFF0] =	vst v9  }
0x188: {  	[tilespmem:s10+$0xFFFFFFE0] =	vst v8  }
0x189: {  	v8 =	vld [tilespmem:s13+$0x3E70]  }
0x18a: {  	v9 =	vld [tilespmem:s13+$0x45F0];
	_ =	sdelay $0x4  }
0x18b: {  	v8 =	vadd.f32 v9, v8;
	_ =	sdelay $0x1  }
0x18c: {  	v9 =	vmul.f32 $2.000000030e-01, v8;
	_ =	sdelay $0x1  }
0x18d: {  	v8 =	vmax.f32 v8, v9  }
0x18e: {  	v8 =	vmul.f32 $1.442695020e+00, v8;
	_ =	sdelay $0x1  }
0x18f: {  	(erf) = vpow2.f32 v8;
	_ =	sdelay $0x8  }
0x190: {  	v8 =	vpop (erf)  }
0x191: {  	[tilespmem:s13+$0x4D70] =	vst v8  }
0x192: {  	v9 =	vld [tilespmem:s10+$0x0]  }
0x193: {  	v10 =	vld [tilespmem:s10+$0x10]  }
0x194: {  	v11 =	vld [tilespmem:s10+$0x20]  }
0x195: {  	v55 =	vperm.xlane v8, v0  }
0x196: {  	v56 =	vperm.xlane v8, v1;
	v57 =	vld [tilespmem:s10+$0x40]  }
0x197: {  	v58 =	vperm.xlane v8, v2;
	v59 =	vld [tilespmem:s10+$0x50];
	v9 =	vmul.f32 v9, v55  }
0x198: {  	v60 =	vld [tilespmem:s10+$0x60];
	v10 =	vmul.f32 v10, v56  }
0x199: {  	v61 =	vld [tilespmem:s10+$0x70];
	[tilespmem:s10+$0x0] =	vst v9;
	v9 =	vmul.f32 v11, v58;
	v11 =	vperm.xlane v8, v4  }
0x19a: {  	[tilespmem:s10+$0x10] =	vst v10;
	v10 =	vperm.xlane v8, v5  }
0x19b: {  	v62 =	vld [tilespmem:s10+$0x30];
	[tilespmem:s10+$0x20] =	vst v9;
	v9 =	vmul.f32 v57, v11;
	v11 =	vperm.xlane v8, v6  }
0x19c: {  	v63 =	vperm.xlane v8, v7;
	v10 =	vmul.f32 v59, v10  }
0x19d: {  	[tilespmem:s10+$0x40] =	vst v9;
	v9 =	vmul.f32 v60, v11  }
0x19e: {  	v8 =	vperm.xlane v8, v3;
	[tilespmem:s10+$0x50] =	vst v10;
	v10 =	vmul.f32 v61, v63  }
0x19f: {  	[tilespmem:s10+$0x60] =	vst v9  }
0x1a0: {  	s25 =	simm.s32 $0x1C0;
	s15 =	simm.s32 $0x1500;
	v8 =	vmul.f32 v62, v8;
	[tilespmem:s10+$0x70] =	vst v10  }
.LBB2_9:
0x1a1: {  	p0 =	sne.s32 s25, $0x9C0  }
0x1a2: {  	s10 =	sadd.s32 $0x200, s10;
	s20 =	smov.u32 s25;
	s25 =	sadd.s32 $0x100, s25  }
0x1a3: {  	[tilespmem:s15+$0x30] =	vst v8  }
0x1a4: {  	v8 =	vld [tilespmem:s13+$0x3E80]  }
0x1a5: {  	v9 =	vld [tilespmem:s13+$0x4600];
	_ =	sdelay $0x4  }
0x1a6: {  	v8 =	vadd.f32 v9, v8;
	_ =	sdelay $0x1  }
0x1a7: {  	v9 =	vmul.f32 $2.000000030e-01, v8;
	_ =	sdelay $0x1  }
0x1a8: {  	v8 =	vmax.f32 v8, v9  }
0x1a9: {  	v8 =	vmul.f32 $1.442695020e+00, v8;
	_ =	sdelay $0x1  }
0x1aa: {  	(erf) = vpow2.f32 v8;
	_ =	sdelay $0x8  }
0x1ab: {  	v8 =	vpop (erf)  }
0x1ac: {  	[tilespmem:s13+$0x4D80] =	vst v8  }
0x1ad: {  	v9 =	vld [tilespmem:s15+$0x80]  }
0x1ae: {  	v10 =	vld [tilespmem:s15+$0x90]  }
0x1af: {  	v11 =	vld [tilespmem:s15+$0xA0]  }
0x1b0: {  	v12 =	vperm.xlane v8, v0;
	v13 =	vld [tilespmem:s15+$0xB0]  }
0x1b1: {  	v14 =	vperm.xlane v8, v1;
	v15 =	vld [tilespmem:s15+$0xC0]  }
0x1b2: {  	v9 =	vmul.f32 v9, v12;
	v12 =	vperm.xlane v8, v2;
	v16 =	vld [tilespmem:s15+$0xD0]  }
0x1b3: {  	v10 =	vmul.f32 v10, v14;
	v14 =	vperm.xlane v8, v3;
	v17 =	vld [tilespmem:s15+$0xE0]  }
0x1b4: {  	[tilespmem:s15+$0x80] =	vst v9;
	v9 =	vmul.f32 v11, v12;
	v11 =	vperm.xlane v8, v4;
	v12 =	vld [tilespmem:s15+$0xF0]  }
0x1b5: {  	[tilespmem:s15+$0x90] =	vst v10;
	v10 =	vmul.f32 v13, v14;
	v13 =	vperm.xlane v8, v5  }
0x1b6: {  	[tilespmem:s15+$0xA0] =	vst v9;
	v9 =	vmul.f32 v15, v11;
	v11 =	vperm.xlane v8, v6  }
0x1b7: {  	v8 =	vperm.xlane v8, v7;
	[tilespmem:s15+$0xB0] =	vst v10;
	v10 =	vmul.f32 v16, v13  }
0x1b8: {  	s13 =	sshra.s32 s20, $0x2;
	[tilespmem:s15+$0xC0] =	vst v9;
	v9 =	vmul.f32 v17, v11  }
0x1b9: {  	[tilespmem:s15+$0xD0] =	vst v10;
	v8 =	vmul.f32 v12, v8  }
0x1ba: {  	[tilespmem:s15+$0xE0] =	vst v9  }
0x1bb: {  	[tilespmem:s15+$0xF0] =	vst v8;
	s15 =	smov.u32 s10;
	_ =	sdelay $0x1  }
0x1bc: {  	v8 =	vld [tilespmem:s13+$0x3E50]  }
0x1bd: {  	v9 =	vld [tilespmem:s13+$0x45D0];
	_ =	sdelay $0x4  }
0x1be: {  	v8 =	vadd.f32 v9, v8;
	_ =	sdelay $0x1  }
0x1bf: {  	v9 =	vmul.f32 $2.000000030e-01, v8;
	_ =	sdelay $0x1  }
0x1c0: {  	v8 =	vmax.f32 v8, v9  }
0x1c1: {  	v8 =	vmul.f32 $1.442695020e+00, v8;
	_ =	sdelay $0x1  }
0x1c2: {  	(erf) = vpow2.f32 v8;
	_ =	sdelay $0x8  }
0x1c3: {  	v8 =	vpop (erf)  }
0x1c4: {  	[tilespmem:s13+$0x4D50] =	vst v8  }
0x1c5: {  	v9 =	vld [tilespmem:s10+$0xFFFFFF00]  }
0x1c6: {  	v10 =	vld [tilespmem:s10+$0xFFFFFF10]  }
0x1c7: {  	v11 =	vld [tilespmem:s10+$0xFFFFFF20]  }
0x1c8: {  	v12 =	vperm.xlane v8, v0;
	v13 =	vld [tilespmem:s10+$0xFFFFFF30]  }
0x1c9: {  	v14 =	vperm.xlane v8, v1;
	v15 =	vld [tilespmem:s10+$0xFFFFFF40]  }
0x1ca: {  	v9 =	vmul.f32 v9, v12;
	v12 =	vperm.xlane v8, v2;
	v16 =	vld [tilespmem:s10+$0xFFFFFF70]  }
0x1cb: {  	v10 =	vmul.f32 v10, v14;
	v14 =	vperm.xlane v8, v3;
	v17 =	vld [tilespmem:s10+$0xFFFFFF50]  }
0x1cc: {  	[tilespmem:s10+$0xFFFFFF00] =	vst v9;
	v9 =	vmul.f32 v11, v12;
	v11 =	vperm.xlane v8, v4;
	v12 =	vld [tilespmem:s10+$0xFFFFFF60]  }
0x1cd: {  	[tilespmem:s10+$0xFFFFFF10] =	vst v10;
	v10 =	vmul.f32 v13, v14;
	v13 =	vperm.xlane v8, v7  }
0x1ce: {  	[tilespmem:s10+$0xFFFFFF20] =	vst v9;
	v9 =	vmul.f32 v15, v11;
	v11 =	vperm.xlane v8, v5  }
0x1cf: {  	v8 =	vperm.xlane v8, v6;
	[tilespmem:s10+$0xFFFFFF30] =	vst v10;
	v10 =	vmul.f32 v16, v13  }
0x1d0: {  	[tilespmem:s10+$0xFFFFFF40] =	vst v9;
	v9 =	vmul.f32 v17, v11  }
0x1d1: {  	v8 =	vmul.f32 v12, v8;
	[tilespmem:s10+$0xFFFFFF70] =	vst v10  }
0x1d2: {  	[tilespmem:s10+$0xFFFFFF50] =	vst v9  }
0x1d3: {  	[tilespmem:s10+$0xFFFFFF60] =	vst v8  }
0x1d4: {  	v8 =	vld [tilespmem:s13+$0x3E60]  }
0x1d5: {  	v9 =	vld [tilespmem:s13+$0x45E0];
	_ =	sdelay $0x4  }
0x1d6: {  	v8 =	vadd.f32 v9, v8;
	_ =	sdelay $0x1  }
0x1d7: {  	v9 =	vmul.f32 $2.000000030e-01, v8;
	_ =	sdelay $0x1  }
0x1d8: {  	v8 =	vmax.f32 v8, v9  }
0x1d9: {  	v8 =	vmul.f32 $1.442695020e+00, v8;
	_ =	sdelay $0x1  }
0x1da: {  	(erf) = vpow2.f32 v8;
	_ =	sdelay $0x8  }
0x1db: {  	v8 =	vpop (erf)  }
0x1dc: {  	[tilespmem:s13+$0x4D60] =	vst v8;
	v9 =	vperm.xlane v8, v5  }
0x1dd: {  	v10 =	vld [tilespmem:s10+$0xFFFFFF80]  }
0x1de: {  	v11 =	vld [tilespmem:s10+$0xFFFFFF90]  }
0x1df: {  	v12 =	vld [tilespmem:s10+$0xFFFFFFA0]  }
0x1e0: {  	v13 =	vperm.xlane v8, v0;
	v14 =	vld [tilespmem:s10+$0xFFFFFFB0]  }
0x1e1: {  	v15 =	vperm.xlane v8, v1;
	v16 =	vld [tilespmem:s10+$0xFFFFFFD0]  }
0x1e2: {  	v10 =	vmul.f32 v10, v13;
	v13 =	vperm.xlane v8, v2;
	v17 =	vld [tilespmem:s10+$0xFFFFFFC0]  }
0x1e3: {  	v11 =	vmul.f32 v11, v15;
	v15 =	vperm.xlane v8, v3;
	v18 =	vld [tilespmem:s10+$0xFFFFFFF0]  }
0x1e4: {  	[tilespmem:s10+$0xFFFFFF80] =	vst v10;
	v10 =	vmul.f32 v12, v13  }
0x1e5: {  	v12 =	vperm.xlane v8, v4;
	[tilespmem:s10+$0xFFFFFF90] =	vst v11;
	v11 =	vmul.f32 v14, v15;
	v13 =	vld [tilespmem:s10+$0xFFFFFFE0]  }
0x1e6: {  	[tilespmem:s10+$0xFFFFFFA0] =	vst v10;
	v9 =	vmul.f32 v16, v9;
	v10 =	vperm.xlane v8, v7  }
0x1e7: {  	[tilespmem:s10+$0xFFFFFFB0] =	vst v11;
	v11 =	vmul.f32 v17, v12  }
0x1e8: {  	v8 =	vperm.xlane v8, v6;
	[tilespmem:s10+$0xFFFFFFD0] =	vst v9;
	v9 =	vmul.f32 v18, v10  }
0x1e9: {  	[tilespmem:s10+$0xFFFFFFC0] =	vst v11  }
0x1ea: {  	v8 =	vmul.f32 v13, v8;
	[tilespmem:s10+$0xFFFFFFF0] =	vst v9;
	_ =	sdelay $0x1  }
0x1eb: {  	[tilespmem:s10+$0xFFFFFFE0] =	vst v8  }
0x1ec: {  	v8 =	vld [tilespmem:s13+$0x3E70]  }
0x1ed: {  	v9 =	vld [tilespmem:s13+$0x45F0];
	_ =	sdelay $0x4  }
0x1ee: {  	v8 =	vadd.f32 v9, v8;
	_ =	sdelay $0x1  }
0x1ef: {  	v9 =	vmul.f32 $2.000000030e-01, v8;
	_ =	sdelay $0x1  }
0x1f0: {  	v8 =	vmax.f32 v8, v9  }
0x1f1: {  	v8 =	vmul.f32 $1.442695020e+00, v8;
	_ =	sdelay $0x1  }
0x1f2: {  	(erf) = vpow2.f32 v8;
	_ =	sdelay $0x8  }
0x1f3: {  	v8 =	vpop (erf)  }
0x1f4: {  	[tilespmem:s13+$0x4D70] =	vst v8  }
0x1f5: {  	v9 =	vld [tilespmem:s10+$0x0]  }
0x1f6: {  	v10 =	vld [tilespmem:s10+$0x10]  }
0x1f7: {  	v11 =	vld [tilespmem:s10+$0x20]  }
0x1f8: {  	v12 =	vperm.xlane v8, v0;
	v13 =	vld [tilespmem:s10+$0x40]  }
0x1f9: {  	v14 =	vperm.xlane v8, v1;
	v15 =	vld [tilespmem:s10+$0x50]  }
0x1fa: {  	v9 =	vmul.f32 v9, v12;
	v12 =	vperm.xlane v8, v2;
	v16 =	vld [tilespmem:s10+$0x60]  }
0x1fb: {  	v10 =	vmul.f32 v10, v14;
	v14 =	vperm.xlane v8, v4;
	v17 =	vld [tilespmem:s10+$0x70]  }
0x1fc: {  	[tilespmem:s10+$0x0] =	vst v9;
	v9 =	vmul.f32 v11, v12;
	v11 =	vperm.xlane v8, v5  }
0x1fd: {  	v12 =	vperm.xlane v8, v6;
	[tilespmem:s10+$0x10] =	vst v10;
	v10 =	vmul.f32 v13, v14  }
0x1fe: {  	[tilespmem:s10+$0x20] =	vst v9;
	v9 =	vmul.f32 v15, v11;
	v11 =	vperm.xlane v8, v7  }
0x1ff: {  	v13 =	vld [tilespmem:s10+$0x30];
	[tilespmem:s10+$0x40] =	vst v10;
	v10 =	vmul.f32 v16, v12  }
.Ltmp5:
0x200: {  	[tilespmem:s10+$0x50] =	vst v9;
	v9 =	vmul.f32 v17, v11;
	(pc) =	sbr.rel @p0 .LBB2_9-.Ltmp5, $3  }
0x201: {  	[tilespmem:s10+$0x60] =	vst v10  }
0x202: {  	v8 =	vperm.xlane v8, v3;
	[tilespmem:s10+$0x70] =	vst v9;
	_ =	sdelay $0x1  }
0x203: {  	v8 =	vmul.f32 v13, v8  }
0x204: {  	_ = 	snop  }
0x205: {  	[tilespmem:s15+$0x30] =	vst v8  }
0x206: {  	v8 =	vld [tilespmem:s13+$0x3E80]  }
0x207: {  	v9 =	vld [tilespmem:s13+$0x4600];
	_ =	sdelay $0x4  }
0x208: {  	v8 =	vadd.f32 v9, v8;
	_ =	sdelay $0x1  }
0x209: {  	v9 =	vmul.f32 $2.000000030e-01, v8;
	_ =	sdelay $0x1  }
0x20a: {  	v8 =	vmax.f32 v8, v9  }
0x20b: {  	v8 =	vmul.f32 $1.442695020e+00, v8;
	_ =	sdelay $0x1  }
0x20c: {  	(erf) = vpow2.f32 v8;
	_ =	sdelay $0x8  }
0x20d: {  	v8 =	vpop (erf)  }
0x20e: {  	[tilespmem:s13+$0x4D80] =	vst v8  }
0x20f: {  	v52 =	vld [tilespmem:s15+$0x80]  }
0x210: {  	v10 =	vld [tilespmem:s15+$0x90]  }
0x211: {  	v11 =	vld [tilespmem:s15+$0xA0]  }
0x212: {  	v12 =	vperm.xlane v8, v0;
	v13 =	vld [tilespmem:s15+$0xB0]  }
0x213: {  	v14 =	vperm.xlane v8, v1;
	v15 =	vld [tilespmem:s15+$0xC0]  }
0x214: {  	v53 =	vperm.xlane v8, v2;
	v16 =	vld [tilespmem:s15+$0xD0];
	v9 =	vmul.f32 v52, v12  }
0x215: {  	v54 =	vperm.xlane v8, v3;
	v17 =	vld [tilespmem:s15+$0xE0];
	v10 =	vmul.f32 v10, v14  }
0x216: {  	v56 =	vperm.xlane v8, v4;
	v57 =	vld [tilespmem:s15+$0xF0];
	v55 =	vmul.f32 v11, v53;
	[tilespmem:s15+$0x80] =	vst v9  }
0x217: {  	v59 =	vperm.xlane v8, v5;
	v58 =	vmul.f32 v13, v54;
	[tilespmem:s15+$0x90] =	vst v10  }
0x218: {  	v61 =	vperm.xlane v8, v6;
	v60 =	vmul.f32 v15, v56;
	[tilespmem:s15+$0xA0] =	vst v55  }
0x219: {  	v8 =	vperm.xlane v8, v7;
	v62 =	vmul.f32 v16, v59;
	[tilespmem:s15+$0xB0] =	vst v58  }
0x21a: {  	v63 =	vmul.f32 v17, v61;
	[tilespmem:s15+$0xC0] =	vst v60  }
0x21b: {  	v8 =	vmul.f32 v57, v8;
	[tilespmem:s15+$0xD0] =	vst v62  }
0x21c: {  	[tilespmem:s15+$0xE0] =	vst v63  }
0x21d: {  	[tilespmem:s15+$0xF0] =	vst v8  }
0x21e: {  	[spmem:s1] =	stream.indirect.scatter.add.f32 [tilespmem:s31], [sflag:$0x8], $0x80, s30, s9, $0xb8;
	[tilespmem:$0x1B678] =	vst v63  }
0x21f: {  	s10 =	simm.s32 $0x4D80  }
0x220: {  	[spmem:s3] =	stream.indirect.scatter.add.f32 [tilespmem:s10], [sflag:$0x8], $0x10, s30, s9, $0xb8;
	[tilespmem:$0x1B678] =	vst v63  }
0x221: {  	p0 =	seq.s32 s29, $0x29;
	_ =	swait.ge [sflag:s11], $0x1400  }
.Ltmp6:
0x222: {  	[sflag:s11] =	ssyncset.done $0x0;
	(pc) =	sbr.rel @p0 .LBB2_14-.Ltmp6, $4  }
0x223: {  	[sflag:s11] =	ssyncadd.s32 $0xFFFFEC00  }
0x224: {  	_ =	swait.ge [sflag:s11], $0x280  }
0x225: {  	[sflag:s11] =	ssyncset.done $0x0  }
0x226: {  	[sflag:s11] =	ssyncadd.s32 $0xFFFFFD80  }
0x227: {  	s10 =	sadd.s32 s0, s21  }
0x228: {  	s13 =	smul.u32 $0x5, s10;
	_ =	sdelay $0x1  }
0x229: {  	s15 =	smul.u32 $0x280, s10;
	s13 =	sadd.s32 s7, s13  }
0x22a: {  	[tilespmem:s28], [sflag:$0x1] =	stream.linear.gather [hbm4b:s13+s4], $0x28, $0x38;
	[tilespmem:$0x1B678] =	vst v63  }
0x22b: {  	s10 =	smul.u32 $0x50, s10;
	s15 =	sadd.s32 s5, s15  }
0x22c: {  	[tilespmem:s4], [sflag:$0x1] =	stream.linear.gather [hbm4b:s15+s4], $0x1400, $0x38;
	[tilespmem:$0x1B678] =	vst v63  }
0x22d: {  	s20 =	simm.s32 $0x3C00;
	s10 =	sadd.s32 s6, s10  }
0x22e: {  	[tilespmem:s20], [sflag:$0x1] =	stream.linear.gather [hbm4b:s10+s4], $0x280, $0x38;
	[tilespmem:$0x1B678] =	vst v63  }
0x22f: {  	_ =	swait.ge [sflag:s2], $0x28  }
0x230: {  	[sflag:s2] =	ssyncset.done $0x0  }
0x231: {  	[sflag:s2] =	ssyncadd.s32 $0xFFFFFFD8  }
0x232: {  	_ =	swait.ge [sflag:s2], $0x1400  }
0x233: {  	[sflag:s2] =	ssyncset.done $0x0  }
0x234: {  	[sflag:s2] =	ssyncadd.s32 $0xFFFFEC00  }
0x235: {  	_ =	swait.ge [sflag:s2], $0x280  }
0x236: {  	[sflag:s2] =	ssyncset.done $0x0  }
0x237: {  	s25 =	simm.s32 $0x4380;
	[sflag:s2] =	ssyncadd.s32 $0xFFFFFD80  }
0x238: {  	[tilespmem:s25], [sflag:$0x4] =	stream.indirect.gather [hbm4b:s8+s9], $0x10, s28, s9, $0xb8;
	[tilespmem:$0x1B678] =	vst v63  }
0x239: {  	_ =	swait.ge [sflag:s23], $0x280  }
0x23a: {  	[sflag:s23] =	ssyncset.done $0x0  }
0x23b: {  	s13 =	simm.s32 $0x30;
	[sflag:s23] =	ssyncadd.s32 $0xFFFFFD80  }
0x23c: {  	v8 =	vld [tilespmem:s13+$0x40D0]  }
0x23d: {  	v9 =	vld [tilespmem:s13+$0x4850];
	_ =	sdelay $0x4  }
0x23e: {  	v8 =	vadd.f32 v9, v8;
	_ =	sdelay $0x1  }
0x23f: {  	v9 =	vmul.f32 $2.000000030e-01, v8;
	_ =	sdelay $0x1  }
0x240: {  	v8 =	vmax.f32 v8, v9  }
0x241: {  	v8 =	vmul.f32 $1.442695020e+00, v8;
	_ =	sdelay $0x1  }
0x242: {  	(erf) = vpow2.f32 v8;
	_ =	sdelay $0x8  }
0x243: {  	v8 =	vpop (erf)  }
0x244: {  	s10 =	simm.s32 $0x2900;
	[tilespmem:s13+$0x4FD0] =	vst v8  }
0x245: {  	v9 =	vld [tilespmem:s10+$0xFFFFFF00]  }
0x246: {  	v10 =	vld [tilespmem:s10+$0xFFFFFF10]  }
0x247: {  	v11 =	vld [tilespmem:s10+$0xFFFFFF20]  }
0x248: {  	v12 =	vperm.xlane v8, v0;
	v13 =	vld [tilespmem:s10+$0xFFFFFF30]  }
0x249: {  	v14 =	vperm.xlane v8, v1;
	v15 =	vld [tilespmem:s10+$0xFFFFFF40]  }
0x24a: {  	v41 =	vperm.xlane v8, v2;
	v16 =	vld [tilespmem:s10+$0xFFFFFF70];
	v9 =	vmul.f32 v9, v12  }
0x24b: {  	v42 =	vperm.xlane v8, v3;
	v17 =	vld [tilespmem:s10+$0xFFFFFF50];
	v10 =	vmul.f32 v10, v14  }
0x24c: {  	v43 =	vld [tilespmem:s10+$0xFFFFFF60];
	[tilespmem:s10+$0xFFFFFF00] =	vst v9;
	v9 =	vmul.f32 v11, v41;
	v11 =	vperm.xlane v8, v4  }
0x24d: {  	v44 =	vperm.xlane v8, v7;
	[tilespmem:s10+$0xFFFFFF10] =	vst v10;
	v10 =	vmul.f32 v13, v42  }
0x24e: {  	[tilespmem:s10+$0xFFFFFF20] =	vst v9;
	v9 =	vmul.f32 v15, v11;
	v11 =	vperm.xlane v8, v5  }
0x24f: {  	[tilespmem:s10+$0xFFFFFF30] =	vst v10;
	v8 =	vperm.xlane v8, v6;
	v10 =	vmul.f32 v16, v44  }
0x250: {  	[tilespmem:s10+$0xFFFFFF40] =	vst v9;
	v9 =	vmul.f32 v17, v11  }
0x251: {  	v8 =	vmul.f32 v43, v8;
	[tilespmem:s10+$0xFFFFFF70] =	vst v10  }
0x252: {  	[tilespmem:s10+$0xFFFFFF50] =	vst v9  }
0x253: {  	[tilespmem:s10+$0xFFFFFF60] =	vst v8  }
0x254: {  	v8 =	vld [tilespmem:s13+$0x40E0]  }
0x255: {  	v9 =	vld [tilespmem:s13+$0x4860];
	_ =	sdelay $0x4  }
0x256: {  	v8 =	vadd.f32 v9, v8;
	_ =	sdelay $0x1  }
0x257: {  	v9 =	vmul.f32 $2.000000030e-01, v8;
	_ =	sdelay $0x1  }
0x258: {  	v8 =	vmax.f32 v8, v9  }
0x259: {  	v8 =	vmul.f32 $1.442695020e+00, v8;
	_ =	sdelay $0x1  }
0x25a: {  	(erf) = vpow2.f32 v8;
	_ =	sdelay $0x8  }
0x25b: {  	v8 =	vpop (erf)  }
0x25c: {  	[tilespmem:s13+$0x4FE0] =	vst v8  }
0x25d: {  	v9 =	vld [tilespmem:s10+$0xFFFFFF80]  }
0x25e: {  	v10 =	vld [tilespmem:s10+$0xFFFFFF90]  }
0x25f: {  	v11 =	vld [tilespmem:s10+$0xFFFFFFA0]  }
0x260: {  	v45 =	vperm.xlane v8, v0;
	v46 =	vld [tilespmem:s10+$0xFFFFFFB0]  }
0x261: {  	v47 =	vperm.xlane v8, v1;
	v48 =	vld [tilespmem:s10+$0xFFFFFFD0]  }
0x262: {  	v49 =	vperm.xlane v8, v2;
	v50 =	vld [tilespmem:s10+$0xFFFFFFC0];
	v9 =	vmul.f32 v9, v45  }
0x263: {  	v51 =	vperm.xlane v8, v3;
	v52 =	vld [tilespmem:s10+$0xFFFFFFF0];
	v10 =	vmul.f32 v10, v47  }
0x264: {  	v18 =	vperm.xlane v8, v5;
	[tilespmem:s10+$0xFFFFFF80] =	vst v9;
	v9 =	vmul.f32 v11, v49;
	v11 =	vld [tilespmem:s10+$0xFFFFFFE0]  }
0x265: {  	v53 =	vperm.xlane v8, v4;
	[tilespmem:s10+$0xFFFFFF90] =	vst v10;
	v10 =	vmul.f32 v46, v51  }
0x266: {  	v54 =	vperm.xlane v8, v7;
	[tilespmem:s10+$0xFFFFFFA0] =	vst v9;
	v9 =	vmul.f32 v48, v18  }
0x267: {  	v8 =	vperm.xlane v8, v6;
	[tilespmem:s10+$0xFFFFFFB0] =	vst v10;
	v10 =	vmul.f32 v50, v53  }
0x268: {  	[tilespmem:s10+$0xFFFFFFD0] =	vst v9;
	v9 =	vmul.f32 v52, v54  }
0x269: {  	[tilespmem:s10+$0xFFFFFFC0] =	vst v10;
	v8 =	vmul.f32 v11, v8  }
0x26a: {  	[tilespmem:s10+$0xFFFFFFF0] =	vst v9  }
0x26b: {  	[tilespmem:s10+$0xFFFFFFE0] =	vst v8  }
0x26c: {  	v8 =	vld [tilespmem:s13+$0x40F0]  }
0x26d: {  	v9 =	vld [tilespmem:s13+$0x4870];
	_ =	sdelay $0x4  }
0x26e: {  	v8 =	vadd.f32 v9, v8;
	_ =	sdelay $0x1  }
0x26f: {  	v9 =	vmul.f32 $2.000000030e-01, v8;
	_ =	sdelay $0x1  }
0x270: {  	v8 =	vmax.f32 v8, v9  }
0x271: {  	v8 =	vmul.f32 $1.442695020e+00, v8;
	_ =	sdelay $0x1  }
0x272: {  	(erf) = vpow2.f32 v8;
	_ =	sdelay $0x8  }
0x273: {  	v8 =	vpop (erf)  }
0x274: {  	[tilespmem:s13+$0x4FF0] =	vst v8  }
0x275: {  	v9 =	vld [tilespmem:s10+$0x0]  }
0x276: {  	v10 =	vld [tilespmem:s10+$0x10]  }
0x277: {  	v11 =	vld [tilespmem:s10+$0x20]  }
0x278: {  	v55 =	vperm.xlane v8, v0  }
0x279: {  	v56 =	vperm.xlane v8, v1;
	v57 =	vld [tilespmem:s10+$0x40]  }
0x27a: {  	v58 =	vperm.xlane v8, v2;
	v59 =	vld [tilespmem:s10+$0x50];
	v9 =	vmul.f32 v9, v55  }
0x27b: {  	v60 =	vld [tilespmem:s10+$0x60];
	v10 =	vmul.f32 v10, v56  }
0x27c: {  	v61 =	vld [tilespmem:s10+$0x70];
	[tilespmem:s10+$0x0] =	vst v9;
	v9 =	vmul.f32 v11, v58;
	v11 =	vperm.xlane v8, v4  }
0x27d: {  	[tilespmem:s10+$0x10] =	vst v10;
	v10 =	vperm.xlane v8, v5  }
0x27e: {  	v62 =	vld [tilespmem:s10+$0x30];
	[tilespmem:s10+$0x20] =	vst v9;
	v9 =	vmul.f32 v57, v11;
	v11 =	vperm.xlane v8, v6  }
0x27f: {  	v63 =	vperm.xlane v8, v7;
	v10 =	vmul.f32 v59, v10  }
0x280: {  	[tilespmem:s10+$0x40] =	vst v9;
	v9 =	vmul.f32 v60, v11  }
0x281: {  	v8 =	vperm.xlane v8, v3;
	[tilespmem:s10+$0x50] =	vst v10;
	v10 =	vmul.f32 v61, v63  }
0x282: {  	[tilespmem:s10+$0x60] =	vst v9  }
0x283: {  	s15 =	simm.s32 $0x2900;
	s25 =	simm.s32 $0x1C0;
	v8 =	vmul.f32 v62, v8;
	[tilespmem:s10+$0x70] =	vst v10  }
.LBB2_12:
0x284: {  	p0 =	sne.s32 s25, $0x9C0  }
0x285: {  	s10 =	sadd.s32 $0x200, s10;
	s20 =	smov.u32 s25;
	s25 =	sadd.s32 $0x100, s25  }
0x286: {  	[tilespmem:s15+$0x30] =	vst v8  }
0x287: {  	v8 =	vld [tilespmem:s13+$0x4100]  }
0x288: {  	v9 =	vld [tilespmem:s13+$0x4880];
	_ =	sdelay $0x4  }
0x289: {  	v8 =	vadd.f32 v9, v8;
	_ =	sdelay $0x1  }
0x28a: {  	v9 =	vmul.f32 $2.000000030e-01, v8;
	_ =	sdelay $0x1  }
0x28b: {  	v8 =	vmax.f32 v8, v9  }
0x28c: {  	v8 =	vmul.f32 $1.442695020e+00, v8;
	_ =	sdelay $0x1  }
0x28d: {  	(erf) = vpow2.f32 v8;
	_ =	sdelay $0x8  }
0x28e: {  	v8 =	vpop (erf)  }
0x28f: {  	[tilespmem:s13+$0x5000] =	vst v8  }
0x290: {  	v9 =	vld [tilespmem:s15+$0x80]  }
0x291: {  	v10 =	vld [tilespmem:s15+$0x90]  }
0x292: {  	v11 =	vld [tilespmem:s15+$0xA0]  }
0x293: {  	v12 =	vperm.xlane v8, v0;
	v13 =	vld [tilespmem:s15+$0xB0]  }
0x294: {  	v14 =	vperm.xlane v8, v1;
	v15 =	vld [tilespmem:s15+$0xC0]  }
0x295: {  	v9 =	vmul.f32 v9, v12;
	v12 =	vperm.xlane v8, v2;
	v16 =	vld [tilespmem:s15+$0xD0]  }
0x296: {  	v10 =	vmul.f32 v10, v14;
	v14 =	vperm.xlane v8, v3;
	v17 =	vld [tilespmem:s15+$0xE0]  }
0x297: {  	[tilespmem:s15+$0x80] =	vst v9;
	v9 =	vmul.f32 v11, v12;
	v11 =	vperm.xlane v8, v4;
	v12 =	vld [tilespmem:s15+$0xF0]  }
0x298: {  	[tilespmem:s15+$0x90] =	vst v10;
	v10 =	vmul.f32 v13, v14;
	v13 =	vperm.xlane v8, v5  }
0x299: {  	[tilespmem:s15+$0xA0] =	vst v9;
	v9 =	vmul.f32 v15, v11;
	v11 =	vperm.xlane v8, v6  }
0x29a: {  	v8 =	vperm.xlane v8, v7;
	[tilespmem:s15+$0xB0] =	vst v10;
	v10 =	vmul.f32 v16, v13  }
0x29b: {  	s13 =	sshra.s32 s20, $0x2;
	[tilespmem:s15+$0xC0] =	vst v9;
	v9 =	vmul.f32 v17, v11  }
0x29c: {  	[tilespmem:s15+$0xD0] =	vst v10;
	v8 =	vmul.f32 v12, v8  }
0x29d: {  	[tilespmem:s15+$0xE0] =	vst v9  }
0x29e: {  	[tilespmem:s15+$0xF0] =	vst v8;
	s15 =	smov.u32 s10;
	_ =	sdelay $0x1  }
0x29f: {  	v8 =	vld [tilespmem:s13+$0x40D0]  }
0x2a0: {  	v9 =	vld [tilespmem:s13+$0x4850];
	_ =	sdelay $0x4  }
0x2a1: {  	v8 =	vadd.f32 v9, v8;
	_ =	sdelay $0x1  }
0x2a2: {  	v9 =	vmul.f32 $2.000000030e-01, v8;
	_ =	sdelay $0x1  }
0x2a3: {  	v8 =	vmax.f32 v8, v9  }
0x2a4: {  	v8 =	vmul.f32 $1.442695020e+00, v8;
	_ =	sdelay $0x1  }
0x2a5: {  	(erf) = vpow2.f32 v8;
	_ =	sdelay $0x8  }
0x2a6: {  	v8 =	vpop (erf)  }
0x2a7: {  	[tilespmem:s13+$0x4FD0] =	vst v8  }
0x2a8: {  	v9 =	vld [tilespmem:s10+$0xFFFFFF00]  }
0x2a9: {  	v10 =	vld [tilespmem:s10+$0xFFFFFF10]  }
0x2aa: {  	v11 =	vld [tilespmem:s10+$0xFFFFFF20]  }
0x2ab: {  	v12 =	vperm.xlane v8, v0;
	v13 =	vld [tilespmem:s10+$0xFFFFFF30]  }
0x2ac: {  	v14 =	vperm.xlane v8, v1;
	v15 =	vld [tilespmem:s10+$0xFFFFFF40]  }
0x2ad: {  	v9 =	vmul.f32 v9, v12;
	v12 =	vperm.xlane v8, v2;
	v16 =	vld [tilespmem:s10+$0xFFFFFF70]  }
0x2ae: {  	v10 =	vmul.f32 v10, v14;
	v14 =	vperm.xlane v8, v3;
	v17 =	vld [tilespmem:s10+$0xFFFFFF50]  }
0x2af: {  	[tilespmem:s10+$0xFFFFFF00] =	vst v9;
	v9 =	vmul.f32 v11, v12;
	v11 =	vperm.xlane v8, v4;
	v12 =	vld [tilespmem:s10+$0xFFFFFF60]  }
0x2b0: {  	[tilespmem:s10+$0xFFFFFF10] =	vst v10;
	v10 =	vmul.f32 v13, v14;
	v13 =	vperm.xlane v8, v7  }
0x2b1: {  	[tilespmem:s10+$0xFFFFFF20] =	vst v9;
	v9 =	vmul.f32 v15, v11;
	v11 =	vperm.xlane v8, v5  }
0x2b2: {  	v8 =	vperm.xlane v8, v6;
	[tilespmem:s10+$0xFFFFFF30] =	vst v10;
	v10 =	vmul.f32 v16, v13  }
0x2b3: {  	[tilespmem:s10+$0xFFFFFF40] =	vst v9;
	v9 =	vmul.f32 v17, v11  }
0x2b4: {  	v8 =	vmul.f32 v12, v8;
	[tilespmem:s10+$0xFFFFFF70] =	vst v10  }
0x2b5: {  	[tilespmem:s10+$0xFFFFFF50] =	vst v9  }
0x2b6: {  	[tilespmem:s10+$0xFFFFFF60] =	vst v8  }
0x2b7: {  	v8 =	vld [tilespmem:s13+$0x40E0]  }
0x2b8: {  	v9 =	vld [tilespmem:s13+$0x4860];
	_ =	sdelay $0x4  }
0x2b9: {  	v8 =	vadd.f32 v9, v8;
	_ =	sdelay $0x1  }
0x2ba: {  	v9 =	vmul.f32 $2.000000030e-01, v8;
	_ =	sdelay $0x1  }
0x2bb: {  	v8 =	vmax.f32 v8, v9  }
0x2bc: {  	v8 =	vmul.f32 $1.442695020e+00, v8;
	_ =	sdelay $0x1  }
0x2bd: {  	(erf) = vpow2.f32 v8;
	_ =	sdelay $0x8  }
0x2be: {  	v8 =	vpop (erf)  }
0x2bf: {  	[tilespmem:s13+$0x4FE0] =	vst v8;
	v9 =	vperm.xlane v8, v5  }
0x2c0: {  	v10 =	vld [tilespmem:s10+$0xFFFFFF80]  }
0x2c1: {  	v11 =	vld [tilespmem:s10+$0xFFFFFF90]  }
0x2c2: {  	v12 =	vld [tilespmem:s10+$0xFFFFFFA0]  }
0x2c3: {  	v13 =	vperm.xlane v8, v0;
	v14 =	vld [tilespmem:s10+$0xFFFFFFB0]  }
0x2c4: {  	v15 =	vperm.xlane v8, v1;
	v16 =	vld [tilespmem:s10+$0xFFFFFFD0]  }
0x2c5: {  	v10 =	vmul.f32 v10, v13;
	v13 =	vperm.xlane v8, v2;
	v17 =	vld [tilespmem:s10+$0xFFFFFFC0]  }
0x2c6: {  	v11 =	vmul.f32 v11, v15;
	v15 =	vperm.xlane v8, v3;
	v18 =	vld [tilespmem:s10+$0xFFFFFFF0]  }
0x2c7: {  	[tilespmem:s10+$0xFFFFFF80] =	vst v10;
	v10 =	vmul.f32 v12, v13  }
0x2c8: {  	v12 =	vperm.xlane v8, v4;
	[tilespmem:s10+$0xFFFFFF90] =	vst v11;
	v11 =	vmul.f32 v14, v15;
	v13 =	vld [tilespmem:s10+$0xFFFFFFE0]  }
0x2c9: {  	[tilespmem:s10+$0xFFFFFFA0] =	vst v10;
	v9 =	vmul.f32 v16, v9;
	v10 =	vperm.xlane v8, v7  }
0x2ca: {  	[tilespmem:s10+$0xFFFFFFB0] =	vst v11;
	v11 =	vmul.f32 v17, v12  }
0x2cb: {  	v8 =	vperm.xlane v8, v6;
	[tilespmem:s10+$0xFFFFFFD0] =	vst v9;
	v9 =	vmul.f32 v18, v10  }
0x2cc: {  	[tilespmem:s10+$0xFFFFFFC0] =	vst v11  }
0x2cd: {  	v8 =	vmul.f32 v13, v8;
	[tilespmem:s10+$0xFFFFFFF0] =	vst v9;
	_ =	sdelay $0x1  }
0x2ce: {  	[tilespmem:s10+$0xFFFFFFE0] =	vst v8  }
0x2cf: {  	v8 =	vld [tilespmem:s13+$0x40F0]  }
0x2d0: {  	v9 =	vld [tilespmem:s13+$0x4870];
	_ =	sdelay $0x4  }
0x2d1: {  	v8 =	vadd.f32 v9, v8;
	_ =	sdelay $0x1  }
0x2d2: {  	v9 =	vmul.f32 $2.000000030e-01, v8;
	_ =	sdelay $0x1  }
0x2d3: {  	v8 =	vmax.f32 v8, v9  }
0x2d4: {  	v8 =	vmul.f32 $1.442695020e+00, v8;
	_ =	sdelay $0x1  }
0x2d5: {  	(erf) = vpow2.f32 v8;
	_ =	sdelay $0x8  }
0x2d6: {  	v8 =	vpop (erf)  }
0x2d7: {  	[tilespmem:s13+$0x4FF0] =	vst v8  }
0x2d8: {  	v9 =	vld [tilespmem:s10+$0x0]  }
0x2d9: {  	v10 =	vld [tilespmem:s10+$0x10]  }
0x2da: {  	v11 =	vld [tilespmem:s10+$0x20]  }
0x2db: {  	v12 =	vperm.xlane v8, v0;
	v13 =	vld [tilespmem:s10+$0x40]  }
0x2dc: {  	v14 =	vperm.xlane v8, v1;
	v15 =	vld [tilespmem:s10+$0x50]  }
0x2dd: {  	v9 =	vmul.f32 v9, v12;
	v12 =	vperm.xlane v8, v2;
	v16 =	vld [tilespmem:s10+$0x60]  }
0x2de: {  	v10 =	vmul.f32 v10, v14;
	v14 =	vperm.xlane v8, v4;
	v17 =	vld [tilespmem:s10+$0x70]  }
0x2df: {  	[tilespmem:s10+$0x0] =	vst v9;
	v9 =	vmul.f32 v11, v12;
	v11 =	vperm.xlane v8, v5  }
0x2e0: {  	v12 =	vperm.xlane v8, v6;
	[tilespmem:s10+$0x10] =	vst v10;
	v10 =	vmul.f32 v13, v14  }
0x2e1: {  	[tilespmem:s10+$0x20] =	vst v9;
	v9 =	vmul.f32 v15, v11;
	v11 =	vperm.xlane v8, v7  }
0x2e2: {  	v13 =	vld [tilespmem:s10+$0x30];
	[tilespmem:s10+$0x40] =	vst v10;
	v10 =	vmul.f32 v16, v12  }
.Ltmp7:
0x2e3: {  	[tilespmem:s10+$0x50] =	vst v9;
	v9 =	vmul.f32 v17, v11;
	(pc) =	sbr.rel @p0 .LBB2_12-.Ltmp7, $3  }
0x2e4: {  	[tilespmem:s10+$0x60] =	vst v10  }
0x2e5: {  	v8 =	vperm.xlane v8, v3;
	[tilespmem:s10+$0x70] =	vst v9;
	_ =	sdelay $0x1  }
0x2e6: {  	v8 =	vmul.f32 v13, v8  }
0x2e7: {  	_ = 	snop  }
0x2e8: {  	[tilespmem:s15+$0x30] =	vst v8  }
0x2e9: {  	v8 =	vld [tilespmem:s13+$0x4100]  }
0x2ea: {  	v9 =	vld [tilespmem:s13+$0x4880];
	_ =	sdelay $0x4  }
0x2eb: {  	v8 =	vadd.f32 v9, v8;
	_ =	sdelay $0x1  }
0x2ec: {  	v9 =	vmul.f32 $2.000000030e-01, v8;
	_ =	sdelay $0x1  }
0x2ed: {  	v8 =	vmax.f32 v8, v9  }
0x2ee: {  	v8 =	vmul.f32 $1.442695020e+00, v8;
	_ =	sdelay $0x1  }
0x2ef: {  	(erf) = vpow2.f32 v8;
	_ =	sdelay $0x8  }
0x2f0: {  	v8 =	vpop (erf)  }
0x2f1: {  	[tilespmem:s13+$0x5000] =	vst v8  }
0x2f2: {  	v52 =	vld [tilespmem:s15+$0x80]  }
0x2f3: {  	v10 =	vld [tilespmem:s15+$0x90]  }
0x2f4: {  	v11 =	vld [tilespmem:s15+$0xA0]  }
0x2f5: {  	v12 =	vperm.xlane v8, v0;
	v13 =	vld [tilespmem:s15+$0xB0]  }
0x2f6: {  	v14 =	vperm.xlane v8, v1;
	v15 =	vld [tilespmem:s15+$0xC0]  }
0x2f7: {  	v53 =	vperm.xlane v8, v2;
	v16 =	vld [tilespmem:s15+$0xD0];
	v9 =	vmul.f32 v52, v12  }
0x2f8: {  	v54 =	vperm.xlane v8, v3;
	v17 =	vld [tilespmem:s15+$0xE0];
	v10 =	vmul.f32 v10, v14  }
0x2f9: {  	v56 =	vperm.xlane v8, v4;
	v57 =	vld [tilespmem:s15+$0xF0];
	v55 =	vmul.f32 v11, v53;
	[tilespmem:s15+$0x80] =	vst v9  }
0x2fa: {  	v59 =	vperm.xlane v8, v5;
	v58 =	vmul.f32 v13, v54;
	[tilespmem:s15+$0x90] =	vst v10  }
0x2fb: {  	v61 =	vperm.xlane v8, v6;
	v60 =	vmul.f32 v15, v56;
	[tilespmem:s15+$0xA0] =	vst v55  }
0x2fc: {  	v8 =	vperm.xlane v8, v7;
	v62 =	vmul.f32 v16, v59;
	[tilespmem:s15+$0xB0] =	vst v58  }
0x2fd: {  	v63 =	vmul.f32 v17, v61;
	[tilespmem:s15+$0xC0] =	vst v60  }
0x2fe: {  	v8 =	vmul.f32 v57, v8;
	[tilespmem:s15+$0xD0] =	vst v62  }
0x2ff: {  	[tilespmem:s15+$0xE0] =	vst v63  }
0x300: {  	[tilespmem:s15+$0xF0] =	vst v8  }
0x301: {  	[spmem:s1] =	stream.indirect.scatter.add.f32 [tilespmem:s17], [sflag:$0x9], $0x80, s16, s9, $0xb8;
	[tilespmem:$0x1B678] =	vst v63  }
0x302: {  	s10 =	simm.s32 $0x5000  }
0x303: {  	[spmem:s3] =	stream.indirect.scatter.add.f32 [tilespmem:s10], [sflag:$0x9], $0x10, s16, s9, $0xb8;
	[tilespmem:$0x1B678] =	vst v63  }
0x304: {  	_ =	swait.ge [sflag:s26], $0x1400  }
0x305: {  	[sflag:s26] =	ssyncset.done $0x0  }
0x306: {  	s0 =	sadd.s32 s0, s22;
	[sflag:s26] =	ssyncadd.s32 $0xFFFFEC00  }
0x307: {  	s13 =	smul.u32 $0x5, s0;
	_ =	swait.ge [sflag:s26], $0x280  }
0x308: {  	[sflag:s26] =	ssyncset.done $0x0  }
0x309: {  	s15 =	smul.u32 $0x280, s0;
	s10 =	sadd.s32 s7, s13;
	[sflag:s26] =	ssyncadd.s32 $0xFFFFFD80  }
0x30a: {  	[tilespmem:s30], [sflag:$0x2] =	stream.linear.gather [hbm4b:s10+s4], $0x28, $0x38;
	[tilespmem:$0x1B678] =	vst v63  }
.Ltmp8:
0x30b: {  	_ = 	snop;
	(pc) =	sbr.rel .LBB2_2-.Ltmp8, $4  }
0x30c: {  	s0 =	smul.u32 $0x50, s0;
	s20 =	sadd.s32 s5, s15  }
0x30d: {  	[tilespmem:s31], [sflag:$0x2] =	stream.linear.gather [hbm4b:s20+s4], $0x1400, $0x38;
	[tilespmem:$0x1B678] =	vst v63  }
0x30e: {  	s25 =	simm.s32 $0x3E80;
	s29 =	sadd.s32 $0x1, s29;
	s0 =	sadd.s32 s6, s0  }
0x30f: {  	[tilespmem:s25], [sflag:$0x2] =	stream.linear.gather [hbm4b:s0+s4], $0x280, $0x38;
	[tilespmem:$0x1B678] =	vst v63  }
.LBB2_15:
0x310: {  	_ =	sfence.sel $0x180000  }
0x311: {  	[bflag:$0x0] =	sbarrier.arrive $0xFFFF  }
0x312: {  	_ =	strace $0x90000047  }
0x313: {  	s0 =	stileid.u32;
	[bflag:$0x2] =	sbarrier.arrive $0xFFFF  }
0x314: {  	p0 =	sne.s32 s0, $0x0;
	s0 =	rddreg [dreg:$0x4]  }
0x315: {  	s0 =	sadd.s32 @!p0 $0x100000, s0  }
0x316: {  	[sflag:s0] =	ssyncadd.tile.s32 @!p0 $0x1;
	_ =	shalt  }
.Lfunc_end2:
_tile_overlayer_lowered:
.L_overlay_start_2:
0x317: {  	(tag) =	ssettag $0x2  }
0x318: {  	s0 =	rddreg [dreg:$0x0];
	s2 =	stileid.u32  }
0x319: {  	s1 =	rddreg [dreg:$0x1];
	p0 =	sne.s32 s2, $0x0  }
0x31a: {  	s3 =	rddreg [dreg:$0x2];
	[bflag:$0x3] =	sbarrier.arrive $0xFFFF;
	s2 =	simm.s32 @!p0 $0x1C0A  }
0x31b: {  	[timem:s3], [sflag:s2] =	dma.local @!p0 [hbm:s0], s1  }
0x31c: {  	s0 =	simm.s32 @!p0 $0xA  }
0x31d: {  	_ =	swait.ge @!p0 [sflag:s0], s1  }
0x31e: {  	s1 =	ssub.s32 @!p0 $0x0, s1;
	[sflag:s0] =	ssyncset.done @!p0 $0x0  }
0x31f: {  	[sflag:s0] =	ssyncadd.s32 @!p0 s1  }
0x320: {  	[bflag:$0x3] =	sbarrier.arrive $0xFFFF  }
0x321: {  	_ =	shalt  }

</sc_bundles>
